<compile_context>
chip_gen: v7x
topology: tpu7x:2x2x1
jax: 0.10.2.dev20260603
libtpu: 0.0.44.dev20260713+nightly
codegen_flags: <defaults>
</compile_context>

<pallas_src>
import functools
import jax
import jax.numpy as jnp
from jax import lax
from jax.experimental import pallas as pl
from jax.experimental.pallas import tpu as pltpu, tpu_sc as plsc

B, N, NP, K, CIN, COUT, P = 8, 8192, 2048, 32, 64, 64, 5
RADIUS = 1.5
EPS = 1e-5

NC, NS = 2, 16
NW = NC * NS
NCENT = B * NP
CPW = NCENT // NW
CHUNK_C = 64
NCHUNK = CPW // CHUNK_C
ROWS_PER_CHUNK = CHUNK_C * K
BLK = 128
NBLK = ROWS_PER_CHUNK // BLK
GRP = 2
NGRP = NBLK // GRP
NQ = 3
ACC_ROWS = CHUNK_C * 2 * NQ
PLANE_ROWS = CHUNK_C * 2
NREG = 2
ZROWS = 64
NXPW = NCENT // NW
NXBLK = NXPW // BLK



def _idx_kernel(xcol, ycol, neigh, didx, src_out, dst_out, nx_out):
    j = pl.program_id(0)
    rows = xcol.shape[0]
    base = j * rows * 128
    ii = (base
          + lax.broadcasted_iota(jnp.int32, (rows, 128), 0) * 128
          + lax.broadcasted_iota(jnp.int32, (rows, 128), 1))
    dist = jnp.sqrt(xcol[...] * xcol[...] + ycol[...] * ycol[...])
    dist = jnp.minimum(dist / RADIUS, 0.99)
    bins = jnp.floor(dist * P).astype(jnp.int32)
    b = ii >> 16
    src_out[...] = b * N + neigh[...]
    c = ii >> 5
    s = c >> 10
    reg = (c >> 6) & 1
    cl = c & (CHUNK_C - 1)
    dst_out[...] = ((s * NREG + reg) * ACC_ROWS + (bins >> 1) * PLANE_ROWS
                    + cl * 2 + (bins & 1))
    nrows = didx.shape[0]
    i2 = (j * nrows * 128
          + lax.broadcasted_iota(jnp.int32, (nrows, 128), 0) * 128
          + lax.broadcasted_iota(jnp.int32, (nrows, 128), 1))
    b2 = i2 >> 11
    nx_out[...] = b2 * N + didx[...]


def _make_indices(lc, neighbor_lists, data_idx):
    lcf = lc.reshape(NCENT * K, 3)
    xcol = lcf[:, 0].reshape(NCENT * K // 128, 128)
    ycol = lcf[:, 1].reshape(NCENT * K // 128, 128)
    neigh = neighbor_lists.reshape(NCENT * K // 128, 128).astype(jnp.int32)
    didx = data_idx.reshape(NCENT // 128, 128).astype(jnp.int32)
    G = 4
    rb = NCENT * K // 128 // G
    nb = NCENT // 128 // G
    src, dst, nx = pl.pallas_call(
        _idx_kernel,
        grid=(G,),
        in_specs=[
            pl.BlockSpec((rb, 128), lambda j: (j, 0)),
            pl.BlockSpec((rb, 128), lambda j: (j, 0)),
            pl.BlockSpec((rb, 128), lambda j: (j, 0)),
            pl.BlockSpec((nb, 128), lambda j: (j, 0)),
        ],
        out_specs=[
            pl.BlockSpec((rb, 128), lambda j: (j, 0)),
            pl.BlockSpec((rb, 128), lambda j: (j, 0)),
            pl.BlockSpec((nb, 128), lambda j: (j, 0)),
        ],
        out_shape=[
            jax.ShapeDtypeStruct((NCENT * K // 128, 128), jnp.int32),
            jax.ShapeDtypeStruct((NCENT * K // 128, 128), jnp.int32),
            jax.ShapeDtypeStruct((NCENT // 128, 128), jnp.int32),
        ],
    )(xcol, ycol, neigh, didx)
    return src, dst, nx



def _sc_body(pts_hbm, src_hbm, dst_hbm, nx_hbm, xyzp_hbm,
             f0_hbm, f1_hbm, f2_hbm, nxr_hbm,
             src_v, dst_v, bufA, bufB, zbuf_v, nxi_v, nxo_v, nxg_v, acc_sh,
             semA, semB, semW0, semW1):
    s = lax.axis_index("s")
    c = lax.axis_index("c")
    w = s * NC + c
    dummy_grp = pts_hbm.at[pl.ds(0, GRP * BLK)]

    def zrow(i, _):
        for jj in range(4):
            zbuf_v[i, pl.ds(jj * 16, 16)] = jnp.zeros((16,), jnp.float32)
        return 0
    lax.fori_loop(0, ZROWS, zrow, 0)

    def zero_region(reg):
        def zacc(m, _):
            pltpu.sync_copy(
                zbuf_v,
                acc_sh.at[pl.ds((s * NREG + reg) * ACC_ROWS + m * ZROWS,
                                ZROWS)])
            return 0
        lax.fori_loop(0, ACC_ROWS // ZROWS, zacc, 0)

    zero_region(0)
    zero_region(1)
    semW = (semW0, semW1)

    def fire_group(g, buf, sem, cbase):
        for k in range(GRP):
            pltpu.async_copy(pts_hbm.at[src_v.at[cbase + g * GRP + k]],
                             buf.at[pl.ds(k * BLK, BLK)], sem)

    for chunk in range(NCHUNK):
        reg = chunk % NREG
        accbase = (s * NREG + reg) * ACC_ROWS
        cbase = 0
        pltpu.sync_copy(src_hbm.at[pl.ds((w * NCHUNK + chunk) * NBLK, NBLK)],
                        src_v)
        pltpu.sync_copy(dst_hbm.at[pl.ds((w * NCHUNK + chunk) * NBLK, NBLK)],
                        dst_v)
        orow = (w * NCHUNK + chunk) * PLANE_ROWS
        wb = [(acc_sh.at[pl.ds(accbase + q * PLANE_ROWS, PLANE_ROWS)],
               fq.at[pl.ds(orow, PLANE_ROWS)])
              for q, fq in enumerate((f0_hbm, f1_hbm, f2_hbm))]
        if chunk >= NREG:
            for a, d in wb:
                pltpu.make_async_copy(a, d, semW[reg]).wait()
            zero_region(reg)

        fire_group(0, bufA, semA, cbase)

        def pair_body(i, _):
            gA = 2 * i
            pltpu.make_async_copy(dummy_grp, bufA, semA).wait()
            fire_group(gA + 1, bufB, semB, cbase)
            for k in range(GRP):
                pltpu.sync_copy(bufA.at[pl.ds(k * BLK, BLK)],
                                acc_sh.at[dst_v.at[cbase + gA * GRP + k]],
                                add=True)
            pltpu.make_async_copy(dummy_grp, bufB, semB).wait()
            fire_group(lax.rem(gA + 2, NGRP), bufA, semA, cbase)
            for k in range(GRP):
                pltpu.sync_copy(bufB.at[pl.ds(k * BLK, BLK)],
                                acc_sh.at[dst_v.at[cbase + (gA + 1) * GRP + k]],
                                add=True)
            return 0
        lax.fori_loop(0, NGRP // 2, pair_body, 0)
        pltpu.make_async_copy(dummy_grp, bufA, semA).wait()

        for a, d in wb:
            pltpu.async_copy(a, d, semW[reg])

    for chunk in range(NCHUNK - NREG, NCHUNK):
        reg = chunk % NREG
        accbase = (s * NREG + reg) * ACC_ROWS
        orow = (w * NCHUNK + chunk) * PLANE_ROWS
        for q, fq in enumerate((f0_hbm, f1_hbm, f2_hbm)):
            pltpu.make_async_copy(
                acc_sh.at[pl.ds(accbase + q * PLANE_ROWS, PLANE_ROWS)],
                fq.at[pl.ds(orow, PLANE_ROWS)], semW[reg]).wait()

    pltpu.sync_copy(nx_hbm.at[pl.ds(w * NXBLK, NXBLK)], nxi_v)
    for d in range(3):
        off = d * (B * N)

        def addoff(m, _):
            for jj in range(8):
                sl = pl.ds(jj * 16, 16)
                nxo_v[m, sl] = nxi_v[m, sl] + off
            return 0
        lax.fori_loop(0, NXBLK, addoff, 0)

        def nx_body(m, _):
            pltpu.async_copy(xyzp_hbm.at[nxo_v.at[m]],
                             nxg_v.at[m], semA).wait()
            return 0
        lax.fori_loop(0, NXBLK, nx_body, 0)
        pltpu.sync_copy(nxg_v, nxr_hbm.at[d, pl.ds(w * NXBLK, NXBLK)])


def _sc_gather_scatter(pts_flat, src_idx, dst_idx, nx_idx, xyz_planar):
    mesh = plsc.VectorSubcoreMesh(core_axis_name="c", subcore_axis_name="s")
    fn = pl.kernel(
        _sc_body,
        out_type=[
            jax.ShapeDtypeStruct((NCENT * 2, CIN), jnp.float32),
            jax.ShapeDtypeStruct((NCENT * 2, CIN), jnp.float32),
            jax.ShapeDtypeStruct((NCENT * 2, CIN), jnp.float32),
            jax.ShapeDtypeStruct((3, NCENT // BLK, BLK), jnp.float32),
        ],
        mesh=mesh,
        scratch_types=[
            pltpu.VMEM((NBLK, BLK), jnp.int32),
            pltpu.VMEM((NBLK, BLK), jnp.int32),
            pltpu.VMEM((GRP * BLK, CIN), jnp.float32),
            pltpu.VMEM((GRP * BLK, CIN), jnp.float32),
            pltpu.VMEM((ZROWS, CIN), jnp.float32),
            pltpu.VMEM((NXBLK, BLK), jnp.int32),
            pltpu.VMEM((NXBLK, BLK), jnp.int32),
            pltpu.VMEM((NXBLK, BLK), jnp.float32),
            pltpu.VMEM_SHARED((NS * NREG * ACC_ROWS, CIN), jnp.float32),
            pltpu.SemaphoreType.DMA,
            pltpu.SemaphoreType.DMA,
            pltpu.SemaphoreType.DMA,
            pltpu.SemaphoreType.DMA,
        ],
        compiler_params=pltpu.CompilerParams(use_tc_tiling_on_sc=False),
    )
    return fn(pts_flat, src_idx, dst_idx, nx_idx, xyz_planar)



def _head_kernel(a0, a1, a2, w0, w1, w2, bc, g1, be1, wl, bl, g2, be2, out):
    n = jnp.float32(NCENT)
    x = (lax.dot_general(a0[...], w0[...], (((1,), (1,)), ((), ())),
                         preferred_element_type=jnp.float32)
         + lax.dot_general(a1[...], w1[...], (((1,), (1,)), ((), ())),
                           preferred_element_type=jnp.float32)
         + lax.dot_general(a2[...], w2[...], (((1,), (1,)), ((), ())),
                           preferred_element_type=jnp.float32)
         + bc[...])
    mu = jnp.sum(x, axis=0, keepdims=True) / n
    var = jnp.sum(x * x, axis=0, keepdims=True) / n - mu * mu
    x = (x - mu) / jnp.sqrt(var + EPS) * g1[...] + be1[...]
    x = jnp.maximum(x, 0.0)
    x = lax.dot_general(x, wl[...], (((1,), (1,)), ((), ())),
                        preferred_element_type=jnp.float32) + bl[...]
    mu2 = jnp.sum(x, axis=0, keepdims=True) / n
    var2 = jnp.sum(x * x, axis=0, keepdims=True) / n - mu2 * mu2
    x = (x - mu2) / jnp.sqrt(var2 + EPS) * g2[...] + be2[...]
    out[...] = jnp.maximum(x, 0.0)


def _head(planes, W_conv, b_conv, gamma1, beta1, W_lin, b_lin, gamma2, beta2):
    wpad = jnp.pad(W_conv, ((0, 0), (0, NQ * 128 - P * CIN)))
    ws = [wpad[:, q * 128:(q + 1) * 128] for q in range(NQ)]
    return pl.pallas_call(
        _head_kernel,
        out_shape=jax.ShapeDtypeStruct((NCENT, COUT), jnp.float32),
    )(planes[0], planes[1], planes[2], ws[0], ws[1], ws[2],
      b_conv.reshape(1, COUT), gamma1.reshape(1, COUT),
      beta1.reshape(1, COUT), W_lin, b_lin.reshape(1, COUT),
      gamma2.reshape(1, COUT), beta2.reshape(1, COUT))



@jax.jit
def _run(xyz, points, local_coordinates, neighbor_lists, data_idx,
         W_conv, b_conv, gamma1, beta1, W_lin, b_lin, gamma2, beta2):
    pts_flat = jnp.concatenate([points, xyz], axis=2).reshape(B * N, CIN)
    src_idx, dst_idx, nx_idx = _make_indices(
        local_coordinates, neighbor_lists, data_idx)
    xyz_planar = jnp.moveaxis(xyz, 2, 0).reshape(3 * B * N)
    f0, f1, f2, nx_pl = _sc_gather_scatter(pts_flat, src_idx, dst_idx,
                                           nx_idx, xyz_planar)
    planes = [f.reshape(NCENT, 2 * CIN) for f in (f0, f1, f2)]
    out = _head(planes, W_conv, b_conv, gamma1, beta1, W_lin, b_lin,
                gamma2, beta2)
    new_xyz = jnp.moveaxis(nx_pl.reshape(3, B, NP), 0, 2)
    new_points = out.reshape(B, NP, COUT)
    return new_xyz, new_points


def kernel(xyz, points, local_coordinates, neighbor_lists, parameter_list,
           data_idx, W_conv, b_conv, gamma1, beta1, W_lin, b_lin,
           gamma2, beta2):
    return _run(xyz, points, local_coordinates, neighbor_lists, data_idx,
                W_conv, b_conv, gamma1, beta1, W_lin, b_lin, gamma2, beta2)

# --- scband reference (transcript-rebuilt; emitter-appended) ---
"""Pipeline reference for scband-surface-circle-conv-16088947491408 (READ-ONLY COPY).

The authoritative reference and input builder live on the scoring server;
editing this copy changes nothing except your own understanding.
"""

import jax, jax.numpy as jnp
import numpy as np

B, N, NP, K, CIN, COUT, P = 8, 8192, 2048, 32, 64, 64, 5
RADIUS = 1.5
EPS = 1e-5


def setup_inputs(seed: int = 0):
    key = jax.random.key(seed)
    ks = jax.random.split(key, 8)
    xyz = jax.random.normal(ks[0], (B, N, 3), dtype=jnp.float32)
    points = jax.random.normal(ks[1], (B, N, CIN - 3), dtype=jnp.float32)
    local_coordinates = jax.random.uniform(ks[2], (B, NP, K, 3), dtype=jnp.float32)
    neighbor_lists = jax.random.randint(ks[3], (B, NP, K), 0, N)
    parameter_list = jnp.zeros((1,), dtype=jnp.float32)
    data_idx = jax.random.randint(ks[4], (B, NP), 0, N)
    W_conv = jax.random.normal(ks[5], (COUT, CIN * P), dtype=jnp.float32) * 0.02
    b_conv = jnp.zeros((COUT,), dtype=jnp.float32)
    gamma1 = jnp.ones((COUT,), dtype=jnp.float32)
    beta1 = jnp.zeros((COUT,), dtype=jnp.float32)
    W_lin = jax.random.normal(ks[6], (COUT, COUT), dtype=jnp.float32) * 0.05
    b_lin = jnp.zeros((COUT,), dtype=jnp.float32)
    gamma2 = jnp.ones((COUT,), dtype=jnp.float32)
    beta2 = jnp.zeros((COUT,), dtype=jnp.float32)
    return {"xyz": xyz, "points": points, "local_coordinates": local_coordinates,
            "neighbor_lists": neighbor_lists, "parameter_list": parameter_list,
            "data_idx": data_idx, "W_conv": W_conv, "b_conv": b_conv,
            "gamma1": gamma1, "beta1": beta1, "W_lin": W_lin, "b_lin": b_lin,
            "gamma2": gamma2, "beta2": beta2}


def reference(xyz, points, local_coordinates, neighbor_lists, parameter_list,
              data_idx, W_conv, b_conv, gamma1, beta1, W_lin, b_lin, gamma2, beta2):
    Bs = xyz.shape[0]
    # new_xyz = index_points(xyz, data_idx)
    new_xyz = jnp.take_along_axis(xyz, data_idx[:, :, None], axis=1)
    # points = cat(points, xyz)
    pts = jnp.concatenate([points, xyz], axis=2)  # [B, N, CIN]
    # grouped_points = index_points(points, neighbor_lists) -> [B, NP, K, CIN]
    idx = neighbor_lists.reshape(Bs, -1)
    feature = jnp.take_along_axis(pts, idx[:, :, None], axis=1).reshape(Bs, NP, K, CIN)
    # circle_conv: radial histogram binning + scatter_add
    lc = local_coordinates.reshape(Bs, NP, -1, 3)
    dist = jnp.linalg.norm(lc[:, :, :, 0:2], axis=3)
    dist = jnp.minimum(dist / RADIUS, 0.99)  # cut(x, 0.99)
    bins = jnp.floor(dist * P).astype(jnp.int32)  # [B, NP, K]
    b_i = jnp.arange(Bs)[:, None, None]
    n_i = jnp.arange(NP)[None, :, None]
    result = jnp.zeros((Bs, NP, P, CIN), dtype=feature.dtype).at[b_i, n_i, bins].add(feature)
    feat = result.reshape(Bs * NP, P * CIN)
    # conv_linear + BatchNorm1d (training-mode batch stats) + relu
    x = feat @ W_conv.T + b_conv
    mu = x.mean(axis=0)
    var = x.var(axis=0)
    x = (x - mu) / jnp.sqrt(var + EPS) * gamma1 + beta1
    x = jax.nn.relu(x).reshape(Bs, NP, COUT)
    # linear + BatchNorm1d over (B, L) per channel + relu
    x = x @ W_lin.T + b_lin
    mu2 = x.mean(axis=(0, 1))
    var2 = x.var(axis=(0, 1))
    x = (x - mu2) / jnp.sqrt(var2 + EPS) * gamma2 + beta2
    new_points = jax.nn.relu(x)
    return (new_xyz, new_points)

if __name__ == "__main__":
    import jax
    _d = setup_inputs()
    print(jax.jit(kernel)(*tuple(_d.values())))

</pallas_src>

<mosaic_0001>
#map = affine_map<(d0, d1) -> (0, 0)>
#map1 = affine_map<(d0, d1) -> (0)>
#map2 = affine_map<(d0, d1) -> (0, 0, 0)>
module attributes {stable_mosaic.version = 14 : i64} {
  func.func @_sc_body(%arg0: i32, %arg1: i32, %arg2: memref<65536x64xf32, #tpu.memory_space<hbm>>, %arg3: memref<4096x128xi32, #tpu.memory_space<hbm>>, %arg4: memref<4096x128xi32, #tpu.memory_space<hbm>>, %arg5: memref<128x128xi32, #tpu.memory_space<hbm>>, %arg6: memref<196608xf32, #tpu.memory_space<hbm>>, %arg7: memref<32768x64xf32, #tpu.memory_space<hbm>>, %arg8: memref<32768x64xf32, #tpu.memory_space<hbm>>, %arg9: memref<32768x64xf32, #tpu.memory_space<hbm>>, %arg10: memref<3x128x128xf32, #tpu.memory_space<hbm>>, %arg11: memref<16x128xi32, #tpu.memory_space<vmem>>, %arg12: memref<16x128xi32, #tpu.memory_space<vmem>>, %arg13: memref<256x64xf32, #tpu.memory_space<vmem>>, %arg14: memref<256x64xf32, #tpu.memory_space<vmem>>, %arg15: memref<64x64xf32, #tpu.memory_space<vmem>>, %arg16: memref<4x128xi32, #tpu.memory_space<vmem>>, %arg17: memref<4x128xi32, #tpu.memory_space<vmem>>, %arg18: memref<4x128xf32, #tpu.memory_space<vmem>>, %arg19: memref<12288x64xf32, #tpu.memory_space<vmem_shared>>, %arg20: memref<!tpu.dma_semaphore, #tpu.memory_space<semaphore_mem>>, %arg21: memref<!tpu.dma_semaphore, #tpu.memory_space<semaphore_mem>>, %arg22: memref<!tpu.dma_semaphore, #tpu.memory_space<semaphore_mem>>, %arg23: memref<!tpu.dma_semaphore, #tpu.memory_space<semaphore_mem>>) attributes {dimension_semantics = [#tpu.dimension_semantics<core_parallel>, #tpu.dimension_semantics<subcore_parallel>], iteration_bounds = array<i64: 2, 16>, scalar_prefetch = 0 : i64, scratch_operands = 13 : i64, tpu.core_type = #tpu.core_type<sc_vector_subcore>, window_params = [{transform_indices = #map}, {transform_indices = #map}, {transform_indices = #map}, {transform_indices = #map}, {transform_indices = #map1}, {transform_indices = #map}, {transform_indices = #map}, {transform_indices = #map}, {transform_indices = #map2}]} {
    %mul3A = arith.constant 2 : i32
    %mul3A_0 = arith.muli %arg1, %mul3A : i32
    %add3A = arith.addi %mul3A_0, %arg0 : i32
    %scan3A = arith.constant 0 : i32
    %scan3A_1 = arith.constant 0 : i32
    %scan3A_2 = arith.constant 64 : i32
    %scan3A_3 = arith.addi %scan3A_1, %scan3A_2 : i32
    %scan3A_4 = arith.constant 1 : i32
    %scan3A_5 = scf.for %scan3A_845 = %scan3A_1 to %scan3A_3 step %scan3A_4 iter_args(%scan3A_846 = %scan3A) -> (i32)  : i32 {
      %broadcast_in_dim3A = arith.constant 0.000000e+00 : f32
      %broadcast_in_dim3A_847 = vector.broadcast %broadcast_in_dim3A : f32 to vector<16xf32>
      %swap3A = arith.index_cast %scan3A_845 : i32 to index
      %swap3A_848 = arith.constant 0 : index
      %swap3A_849 = tpu.vector_load %arg15[%swap3A, %swap3A_848] {strides = array<i32>} : memref<64x64xf32, #tpu.memory_space<vmem>>, vector<1x16xf32>,
      %swap3A_850 = vector.shape_cast %swap3A_849 : vector<1x16xf32> to vector<16xf32>
      %swap3A_851 = vector.shape_cast %broadcast_in_dim3A_847 : vector<16xf32> to vector<1x16xf32>
      tpu.vector_store %arg15[%swap3A, %swap3A_848], %swap3A_851 {strides = array<i32>} : memref<64x64xf32, #tpu.memory_space<vmem>>, vector<1x16xf32>,
      %broadcast_in_dim3A_852 = arith.constant 0.000000e+00 : f32
      %broadcast_in_dim3A_853 = vector.broadcast %broadcast_in_dim3A_852 : f32 to vector<16xf32>
      %swap3A_854 = arith.index_cast %scan3A_845 : i32 to index
      %swap3A_855 = arith.constant 16 : index
      %swap3A_856 = tpu.vector_load %arg15[%swap3A_854, %swap3A_855] {strides = array<i32>} : memref<64x64xf32, #tpu.memory_space<vmem>>, vector<1x16xf32>,
      %swap3A_857 = vector.shape_cast %swap3A_856 : vector<1x16xf32> to vector<16xf32>
      %swap3A_858 = vector.shape_cast %broadcast_in_dim3A_853 : vector<16xf32> to vector<1x16xf32>
      tpu.vector_store %arg15[%swap3A_854, %swap3A_855], %swap3A_858 {strides = array<i32>} : memref<64x64xf32, #tpu.memory_space<vmem>>, vector<1x16xf32>,
      %broadcast_in_dim3A_859 = arith.constant 0.000000e+00 : f32
      %broadcast_in_dim3A_860 = vector.broadcast %broadcast_in_dim3A_859 : f32 to vector<16xf32>
      %swap3A_861 = arith.index_cast %scan3A_845 : i32 to index
      %swap3A_862 = arith.constant 32 : index
      %swap3A_863 = tpu.vector_load %arg15[%swap3A_861, %swap3A_862] {strides = array<i32>} : memref<64x64xf32, #tpu.memory_space<vmem>>, vector<1x16xf32>,
      %swap3A_864 = vector.shape_cast %swap3A_863 : vector<1x16xf32> to vector<16xf32>
      %swap3A_865 = vector.shape_cast %broadcast_in_dim3A_860 : vector<16xf32> to vector<1x16xf32>
      tpu.vector_store %arg15[%swap3A_861, %swap3A_862], %swap3A_865 {strides = array<i32>} : memref<64x64xf32, #tpu.memory_space<vmem>>, vector<1x16xf32>,
      %broadcast_in_dim3A_866 = arith.constant 0.000000e+00 : f32
      %broadcast_in_dim3A_867 = vector.broadcast %broadcast_in_dim3A_866 : f32 to vector<16xf32>
      %swap3A_868 = arith.index_cast %scan3A_845 : i32 to index
      %swap3A_869 = arith.constant 48 : index
      %swap3A_870 = tpu.vector_load %arg15[%swap3A_868, %swap3A_869] {strides = array<i32>} : memref<64x64xf32, #tpu.memory_space<vmem>>, vector<1x16xf32>,
      %swap3A_871 = vector.shape_cast %swap3A_870 : vector<1x16xf32> to vector<16xf32>
      %swap3A_872 = vector.shape_cast %broadcast_in_dim3A_867 : vector<16xf32> to vector<1x16xf32>
      tpu.vector_store %arg15[%swap3A_868, %swap3A_869], %swap3A_872 {strides = array<i32>} : memref<64x64xf32, #tpu.memory_space<vmem>>, vector<1x16xf32>,
      %scan3A_873 = arith.constant 0 : i32
      scf.yield %scan3A_873 : i32
    }
    %scan3A_6 = arith.constant 64 : i32
    %scan3A_7 = arith.constant 0 : i32
    %scan3A_8 = arith.constant 0 : i32
    %scan3A_9 = arith.constant 6 : i32
    %scan3A_10 = arith.addi %scan3A_8, %scan3A_9 : i32
    %scan3A_11 = arith.constant 1 : i32
    %scan3A_12 = scf.for %scan3A_845 = %scan3A_8 to %scan3A_10 step %scan3A_11 iter_args(%scan3A_846 = %scan3A_7) -> (i32)  : i32 {
      %mul3A_847 = arith.constant 2 : i32
      %mul3A_848 = arith.muli %arg1, %mul3A_847 : i32
      %add3A_849 = arith.constant 0 : i32
      %add3A_850 = arith.addi %mul3A_848, %add3A_849 : i32
      %mul3A_851 = arith.constant 384 : i32
      %mul3A_852 = arith.muli %add3A_850, %mul3A_851 : i32
      %mul3A_853 = arith.constant 64 : i32
      %mul3A_854 = arith.muli %scan3A_845, %mul3A_853 : i32
      %add3A_855 = arith.addi %mul3A_852, %mul3A_854 : i32
      "tpu.region"() ({
        %run_scoped3A_857 = tpu.sem_alloc : memref<!tpu.dma_semaphore, #tpu.memory_space<semaphore_mem>>
        %dma_start3A_858 = arith.constant 0 : i32
        %dma_start3A_859 = tpu.memref_slice %arg19[%add3A_855, %dma_start3A_858] : memref<12288x64xf32, #tpu.memory_space<vmem_shared>> -> memref<64x64xf32, #tpu.memory_space<vmem_shared>>
        %dma_start3A_860 = arith.constant 0 : i32
        %dma_start3A_861 = tpu.memref_slice %arg19[%add3A_855, %dma_start3A_860] : memref<12288x64xf32, #tpu.memory_space<vmem_shared>> -> memref<64x64xf32, #tpu.memory_space<vmem_shared>>
        tpu.enqueue_dma source(%arg15 : memref<64x64xf32, #tpu.memory_space<vmem>>) target(%dma_start3A_861 : memref<64x64xf32, #tpu.memory_space<vmem_shared>>) target_semaphore(%run_scoped3A_857 : memref<!tpu.dma_semaphore, #tpu.memory_space<semaphore_mem>>)
        %dma_wait3A_862 = arith.constant 0 : i32
        %dma_wait3A_863 = tpu.memref_slice %arg19[%add3A_855, %dma_wait3A_862] : memref<12288x64xf32, #tpu.memory_space<vmem_shared>> -> memref<64x64xf32, #tpu.memory_space<vmem_shared>>
        %dma_wait3A_864 = arith.constant 0 : i32
        %dma_wait3A_865 = tpu.memref_slice %arg19[%add3A_855, %dma_wait3A_864] : memref<12288x64xf32, #tpu.memory_space<vmem_shared>> -> memref<64x64xf32, #tpu.memory_space<vmem_shared>>
        tpu.wait_dma2 semaphore(%run_scoped3A_857 : memref<!tpu.dma_semaphore, #tpu.memory_space<semaphore_mem>>) src(%arg15 : memref<64x64xf32, #tpu.memory_space<vmem>>) dst(%dma_wait3A_865 : memref<64x64xf32, #tpu.memory_space<vmem_shared>>)
        tpu.yield
      }) : () -> ()
      %scan3A_856 = arith.constant 0 : i32
      scf.yield %scan3A_856 : i32
    }
    %scan3A_13 = arith.constant 6 : i32
    %scan3A_14 = arith.constant 0 : i32
    %scan3A_15 = arith.constant 0 : i32
    %scan3A_16 = arith.constant 6 : i32
    %scan3A_17 = arith.addi %scan3A_15, %scan3A_16 : i32
    %scan3A_18 = arith.constant 1 : i32
    %scan3A_19 = scf.for %scan3A_845 = %scan3A_15 to %scan3A_17 step %scan3A_18 iter_args(%scan3A_846 = %scan3A_14) -> (i32)  : i32 {
      %mul3A_847 = arith.constant 2 : i32
      %mul3A_848 = arith.muli %arg1, %mul3A_847 : i32
      %add3A_849 = arith.constant 1 : i32
      %add3A_850 = arith.addi %mul3A_848, %add3A_849 : i32
      %mul3A_851 = arith.constant 384 : i32
      %mul3A_852 = arith.muli %add3A_850, %mul3A_851 : i32
      %mul3A_853 = arith.constant 64 : i32
      %mul3A_854 = arith.muli %scan3A_845, %mul3A_853 : i32
      %add3A_855 = arith.addi %mul3A_852, %mul3A_854 : i32
      "tpu.region"() ({
        %run_scoped3A_857 = tpu.sem_alloc : memref<!tpu.dma_semaphore, #tpu.memory_space<semaphore_mem>>
        %dma_start3A_858 = arith.constant 0 : i32
        %dma_start3A_859 = tpu.memref_slice %arg19[%add3A_855, %dma_start3A_858] : memref<12288x64xf32, #tpu.memory_space<vmem_shared>> -> memref<64x64xf32, #tpu.memory_space<vmem_shared>>
        %dma_start3A_860 = arith.constant 0 : i32
        %dma_start3A_861 = tpu.memref_slice %arg19[%add3A_855, %dma_start3A_860] : memref<12288x64xf32, #tpu.memory_space<vmem_shared>> -> memref<64x64xf32, #tpu.memory_space<vmem_shared>>
        tpu.enqueue_dma source(%arg15 : memref<64x64xf32, #tpu.memory_space<vmem>>) target(%dma_start3A_861 : memref<64x64xf32, #tpu.memory_space<vmem_shared>>) target_semaphore(%run_scoped3A_857 : memref<!tpu.dma_semaphore, #tpu.memory_space<semaphore_mem>>)
        %dma_wait3A_862 = arith.constant 0 : i32
        %dma_wait3A_863 = tpu.memref_slice %arg19[%add3A_855, %dma_wait3A_862] : memref<12288x64xf32, #tpu.memory_space<vmem_shared>> -> memref<64x64xf32, #tpu.memory_space<vmem_shared>>
        %dma_wait3A_864 = arith.constant 0 : i32
        %dma_wait3A_865 = tpu.memref_slice %arg19[%add3A_855, %dma_wait3A_864] : memref<12288x64xf32, #tpu.memory_space<vmem_shared>> -> memref<64x64xf32, #tpu.memory_space<vmem_shared>>
        tpu.wait_dma2 semaphore(%run_scoped3A_857 : memref<!tpu.dma_semaphore, #tpu.memory_space<semaphore_mem>>) src(%arg15 : memref<64x64xf32, #tpu.memory_space<vmem>>) dst(%dma_wait3A_865 : memref<64x64xf32, #tpu.memory_space<vmem_shared>>)
        tpu.yield
      }) : () -> ()
      %scan3A_856 = arith.constant 0 : i32
      scf.yield %scan3A_856 : i32
    }
    %scan3A_20 = arith.constant 6 : i32
    %mul3A_21 = arith.constant 2 : i32
    %mul3A_22 = arith.muli %arg1, %mul3A_21 : i32
    %add3A_23 = arith.constant 0 : i32
    %add3A_24 = arith.addi %mul3A_22, %add3A_23 : i32
    %mul3A_25 = arith.constant 384 : i32
    %mul3A_26 = arith.muli %add3A_24, %mul3A_25 : i32
    %mul3A_27 = arith.constant 8 : i32
    %mul3A_28 = arith.muli %add3A, %mul3A_27 : i32
    %add3A_29 = arith.constant 0 : i32
    %add3A_30 = arith.addi %mul3A_28, %add3A_29 : i32
    %mul3A_31 = arith.constant 16 : i32
    %mul3A_32 = arith.muli %add3A_30, %mul3A_31 : i32
    "tpu.region"() ({
      %run_scoped3A_845 = tpu.sem_alloc : memref<!tpu.dma_semaphore, #tpu.memory_space<semaphore_mem>>
      %dma_start3A_846 = arith.constant 0 : i32
      %dma_start3A_847 = tpu.memref_slice %arg3[%mul3A_32, %dma_start3A_846] : memref<4096x128xi32, #tpu.memory_space<hbm>> -> memref<16x128xi32, #tpu.memory_space<hbm>>
      %dma_start3A_848 = arith.constant 0 : i32
      %dma_start3A_849 = tpu.memref_slice %arg3[%mul3A_32, %dma_start3A_848] : memref<4096x128xi32, #tpu.memory_space<hbm>> -> memref<16x128xi32, #tpu.memory_space<hbm>>
      tpu.enqueue_dma source(%dma_start3A_849 : memref<16x128xi32, #tpu.memory_space<hbm>>) target(%arg11 : memref<16x128xi32, #tpu.memory_space<vmem>>) target_semaphore(%run_scoped3A_845 : memref<!tpu.dma_semaphore, #tpu.memory_space<semaphore_mem>>)
      %dma_wait3A_850 = arith.constant 0 : i32
      %dma_wait3A_851 = tpu.memref_slice %arg3[%mul3A_32, %dma_wait3A_850] : memref<4096x128xi32, #tpu.memory_space<hbm>> -> memref<16x128xi32, #tpu.memory_space<hbm>>
      %dma_wait3A_852 = arith.constant 0 : i32
      %dma_wait3A_853 = tpu.memref_slice %arg3[%mul3A_32, %dma_wait3A_852] : memref<4096x128xi32, #tpu.memory_space<hbm>> -> memref<16x128xi32, #tpu.memory_space<hbm>>
      tpu.wait_dma2 semaphore(%run_scoped3A_845 : memref<!tpu.dma_semaphore, #tpu.memory_space<semaphore_mem>>) src(%dma_wait3A_853 : memref<16x128xi32, #tpu.memory_space<hbm>>) dst(%arg11 : memref<16x128xi32, #tpu.memory_space<vmem>>)
      tpu.yield
    }) : () -> ()
    %mul3A_33 = arith.constant 8 : i32
    %mul3A_34 = arith.muli %add3A, %mul3A_33 : i32
    %add3A_35 = arith.constant 0 : i32
    %add3A_36 = arith.addi %mul3A_34, %add3A_35 : i32
    %mul3A_37 = arith.constant 16 : i32
    %mul3A_38 = arith.muli %add3A_36, %mul3A_37 : i32
    "tpu.region"() ({
      %run_scoped3A_845 = tpu.sem_alloc : memref<!tpu.dma_semaphore, #tpu.memory_space<semaphore_mem>>
      %dma_start3A_846 = arith.constant 0 : i32
      %dma_start3A_847 = tpu.memref_slice %arg4[%mul3A_38, %dma_start3A_846] : memref<4096x128xi32, #tpu.memory_space<hbm>> -> memref<16x128xi32, #tpu.memory_space<hbm>>
      %dma_start3A_848 = arith.constant 0 : i32
      %dma_start3A_849 = tpu.memref_slice %arg4[%mul3A_38, %dma_start3A_848] : memref<4096x128xi32, #tpu.memory_space<hbm>> -> memref<16x128xi32, #tpu.memory_space<hbm>>
      tpu.enqueue_dma source(%dma_start3A_849 : memref<16x128xi32, #tpu.memory_space<hbm>>) target(%arg12 : memref<16x128xi32, #tpu.memory_space<vmem>>) target_semaphore(%run_scoped3A_845 : memref<!tpu.dma_semaphore, #tpu.memory_space<semaphore_mem>>)
      %dma_wait3A_850 = arith.constant 0 : i32
      %dma_wait3A_851 = tpu.memref_slice %arg4[%mul3A_38, %dma_wait3A_850] : memref<4096x128xi32, #tpu.memory_space<hbm>> -> memref<16x128xi32, #tpu.memory_space<hbm>>
      %dma_wait3A_852 = arith.constant 0 : i32
      %dma_wait3A_853 = tpu.memref_slice %arg4[%mul3A_38, %dma_wait3A_852] : memref<4096x128xi32, #tpu.memory_space<hbm>> -> memref<16x128xi32, #tpu.memory_space<hbm>>
      tpu.wait_dma2 semaphore(%run_scoped3A_845 : memref<!tpu.dma_semaphore, #tpu.memory_space<semaphore_mem>>) src(%dma_wait3A_853 : memref<16x128xi32, #tpu.memory_space<hbm>>) dst(%arg12 : memref<16x128xi32, #tpu.memory_space<vmem>>)
      tpu.yield
    }) : () -> ()
    %mul3A_39 = arith.constant 8 : i32
    %mul3A_40 = arith.muli %add3A, %mul3A_39 : i32
    %add3A_41 = arith.constant 0 : i32
    %add3A_42 = arith.addi %mul3A_40, %add3A_41 : i32
    %mul3A_43 = arith.constant 128 : i32
    %mul3A_44 = arith.muli %add3A_42, %mul3A_43 : i32
    %add3A_45 = arith.constant 0 : i32
    %add3A_46 = arith.addi %mul3A_26, %add3A_45 : i32
    %add3A_47 = arith.constant 128 : i32
    %add3A_48 = arith.addi %mul3A_26, %add3A_47 : i32
    %add3A_49 = arith.constant 256 : i32
    %add3A_50 = arith.addi %mul3A_26, %add3A_49 : i32
    %dma_start3A = arith.constant 0 : i32
    %dma_start3A_51 = arith.constant 0 : i32
    %dma_start3A_52 = arith.constant 0 : i32
    %dma_start3A_53 = tpu.memref_slice %arg13[%dma_start3A_51, %dma_start3A_52] : memref<256x64xf32, #tpu.memory_space<vmem>> -> memref<128x64xf32, #tpu.memory_space<vmem>>
    %dma_start3A_54 = arith.constant 0 : i32
    %dma_start3A_55 = tpu.memref_slice %arg11[%dma_start3A, %dma_start3A_54] : memref<16x128xi32, #tpu.memory_space<vmem>> -> memref<1x128xi32, #tpu.memory_space<vmem>>
    %dma_start3A_56 = tpu.memref_squeeze %dma_start3A_55 : memref<1x128xi32, #tpu.memory_space<vmem>> -> memref<128xi32, #tpu.memory_space<vmem>>
    %dma_start3A_57 = arith.constant 0 : i32
    %dma_start3A_58 = arith.constant 0 : i32
    %dma_start3A_59 = tpu.memref_slice %arg2[%dma_start3A_57, %dma_start3A_58] : memref<65536x64xf32, #tpu.memory_space<hbm>> -> memref<65536x64xf32, #tpu.memory_space<hbm>>
    tpu.enqueue_indirect_dma source(%dma_start3A_59 : memref<65536x64xf32, #tpu.memory_space<hbm>>) target(%dma_start3A_53 : memref<128x64xf32, #tpu.memory_space<vmem>>) offsets(%dma_start3A_56 : memref<128xi32, #tpu.memory_space<vmem>>) semaphore(%arg20 : memref<!tpu.dma_semaphore, #tpu.memory_space<semaphore_mem>>)
    %dma_start3A_60 = arith.constant 1 : i32
    %dma_start3A_61 = arith.constant 128 : i32
    %dma_start3A_62 = arith.constant 0 : i32
    %dma_start3A_63 = tpu.memref_slice %arg13[%dma_start3A_61, %dma_start3A_62] : memref<256x64xf32, #tpu.memory_space<vmem>> -> memref<128x64xf32, #tpu.memory_space<vmem>>
    %dma_start3A_64 = arith.constant 0 : i32
    %dma_start3A_65 = tpu.memref_slice %arg11[%dma_start3A_60, %dma_start3A_64] : memref<16x128xi32, #tpu.memory_space<vmem>> -> memref<1x128xi32, #tpu.memory_space<vmem>>
    %dma_start3A_66 = tpu.memref_squeeze %dma_start3A_65 : memref<1x128xi32, #tpu.memory_space<vmem>> -> memref<128xi32, #tpu.memory_space<vmem>>
    %dma_start3A_67 = arith.constant 0 : i32
    %dma_start3A_68 = arith.constant 0 : i32
    %dma_start3A_69 = tpu.memref_slice %arg2[%dma_start3A_67, %dma_start3A_68] : memref<65536x64xf32, #tpu.memory_space<hbm>> -> memref<65536x64xf32, #tpu.memory_space<hbm>>
    tpu.enqueue_indirect_dma source(%dma_start3A_69 : memref<65536x64xf32, #tpu.memory_space<hbm>>) target(%dma_start3A_63 : memref<128x64xf32, #tpu.memory_space<vmem>>) offsets(%dma_start3A_66 : memref<128xi32, #tpu.memory_space<vmem>>) semaphore(%arg20 : memref<!tpu.dma_semaphore, #tpu.memory_space<semaphore_mem>>)
    %scan3A_70 = arith.constant 0 : i32
    %scan3A_71 = arith.constant 0 : i32
    %scan3A_72 = arith.constant 4 : i32
    %scan3A_73 = arith.addi %scan3A_71, %scan3A_72 : i32
    %scan3A_74 = arith.constant 1 : i32
    %scan3A_75 = scf.for %scan3A_845 = %scan3A_71 to %scan3A_73 step %scan3A_74 iter_args(%scan3A_846 = %scan3A_70) -> (i32)  : i32 {
      %mul3A_847 = arith.constant 2 : i32
      %mul3A_848 = arith.muli %mul3A_847, %scan3A_845 : i32
      %dma_wait3A_849 = arith.constant 0 : i32
      %dma_wait3A_850 = arith.constant 0 : i32
      %dma_wait3A_851 = tpu.memref_slice %arg2[%dma_wait3A_849, %dma_wait3A_850] : memref<65536x64xf32, #tpu.memory_space<hbm>> -> memref<256x64xf32, #tpu.memory_space<hbm>>
      %dma_wait3A_852 = arith.constant 0 : i32
      %dma_wait3A_853 = arith.constant 0 : i32
      %dma_wait3A_854 = tpu.memref_slice %arg2[%dma_wait3A_852, %dma_wait3A_853] : memref<65536x64xf32, #tpu.memory_space<hbm>> -> memref<256x64xf32, #tpu.memory_space<hbm>>
      tpu.wait_dma2 semaphore(%arg20 : memref<!tpu.dma_semaphore, #tpu.memory_space<semaphore_mem>>) src(%dma_wait3A_854 : memref<256x64xf32, #tpu.memory_space<hbm>>) dst(%arg13 : memref<256x64xf32, #tpu.memory_space<vmem>>)
      %add3A_855 = arith.constant 1 : i32
      %add3A_856 = arith.addi %mul3A_848, %add3A_855 : i32
      %mul3A_857 = arith.constant 2 : i32
      %mul3A_858 = arith.muli %add3A_856, %mul3A_857 : i32
      %add3A_859 = arith.constant 0 : i32
      %add3A_860 = arith.addi %add3A_859, %mul3A_858 : i32
      %add3A_861 = arith.constant 0 : i32
      %add3A_862 = arith.addi %add3A_860, %add3A_861 : i32
      %dma_start3A_863 = arith.constant 0 : i32
      %dma_start3A_864 = arith.constant 0 : i32
      %dma_start3A_865 = tpu.memref_slice %arg14[%dma_start3A_863, %dma_start3A_864] : memref<256x64xf32, #tpu.memory_space<vmem>> -> memref<128x64xf32, #tpu.memory_space<vmem>>
      %dma_start3A_866 = arith.constant 0 : i32
      %dma_start3A_867 = tpu.memref_slice %arg11[%add3A_862, %dma_start3A_866] : memref<16x128xi32, #tpu.memory_space<vmem>> -> memref<1x128xi32, #tpu.memory_space<vmem>>
      %dma_start3A_868 = tpu.memref_squeeze %dma_start3A_867 : memref<1x128xi32, #tpu.memory_space<vmem>> -> memref<128xi32, #tpu.memory_space<vmem>>
      %dma_start3A_869 = arith.constant 0 : i32
      %dma_start3A_870 = arith.constant 0 : i32
      %dma_start3A_871 = tpu.memref_slice %arg2[%dma_start3A_869, %dma_start3A_870] : memref<65536x64xf32, #tpu.memory_space<hbm>> -> memref<65536x64xf32, #tpu.memory_space<hbm>>
      tpu.enqueue_indirect_dma source(%dma_start3A_871 : memref<65536x64xf32, #tpu.memory_space<hbm>>) target(%dma_start3A_865 : memref<128x64xf32, #tpu.memory_space<vmem>>) offsets(%dma_start3A_868 : memref<128xi32, #tpu.memory_space<vmem>>) semaphore(%arg21 : memref<!tpu.dma_semaphore, #tpu.memory_space<semaphore_mem>>)
      %mul3A_872 = arith.constant 2 : i32
      %mul3A_873 = arith.muli %add3A_856, %mul3A_872 : i32
      %add3A_874 = arith.constant 0 : i32
      %add3A_875 = arith.addi %add3A_874, %mul3A_873 : i32
      %add3A_876 = arith.constant 1 : i32
      %add3A_877 = arith.addi %add3A_875, %add3A_876 : i32
      %dma_start3A_878 = arith.constant 128 : i32
      %dma_start3A_879 = arith.constant 0 : i32
      %dma_start3A_880 = tpu.memref_slice %arg14[%dma_start3A_878, %dma_start3A_879] : memref<256x64xf32, #tpu.memory_space<vmem>> -> memref<128x64xf32, #tpu.memory_space<vmem>>
      %dma_start3A_881 = arith.constant 0 : i32
      %dma_start3A_882 = tpu.memref_slice %arg11[%add3A_877, %dma_start3A_881] : memref<16x128xi32, #tpu.memory_space<vmem>> -> memref<1x128xi32, #tpu.memory_space<vmem>>
      %dma_start3A_883 = tpu.memref_squeeze %dma_start3A_882 : memref<1x128xi32, #tpu.memory_space<vmem>> -> memref<128xi32, #tpu.memory_space<vmem>>
      %dma_start3A_884 = arith.constant 0 : i32
      %dma_start3A_885 = arith.constant 0 : i32
      %dma_start3A_886 = tpu.memref_slice %arg2[%dma_start3A_884, %dma_start3A_885] : memref<65536x64xf32, #tpu.memory_space<hbm>> -> memref<65536x64xf32, #tpu.memory_space<hbm>>
      tpu.enqueue_indirect_dma source(%dma_start3A_886 : memref<65536x64xf32, #tpu.memory_space<hbm>>) target(%dma_start3A_880 : memref<128x64xf32, #tpu.memory_space<vmem>>) offsets(%dma_start3A_883 : memref<128xi32, #tpu.memory_space<vmem>>) semaphore(%arg21 : memref<!tpu.dma_semaphore, #tpu.memory_space<semaphore_mem>>)
      %mul3A_887 = arith.constant 2 : i32
      %mul3A_888 = arith.muli %mul3A_848, %mul3A_887 : i32
      %add3A_889 = arith.constant 0 : i32
      %add3A_890 = arith.addi %add3A_889, %mul3A_888 : i32
      %add3A_891 = arith.constant 0 : i32
      %add3A_892 = arith.addi %add3A_890, %add3A_891 : i32
      "tpu.region"() ({
        %run_scoped3A_955 = tpu.sem_alloc : memref<!tpu.dma_semaphore, #tpu.memory_space<semaphore_mem>>
        %dma_start3A_956 = arith.constant 0 : i32
        %dma_start3A_957 = arith.constant 0 : i32
        %dma_start3A_958 = tpu.memref_slice %arg13[%dma_start3A_956, %dma_start3A_957] : memref<256x64xf32, #tpu.memory_space<vmem>> -> memref<128x64xf32, #tpu.memory_space<vmem>>
        %dma_start3A_959 = arith.constant 0 : i32
        %dma_start3A_960 = tpu.memref_slice %arg12[%add3A_892, %dma_start3A_959] : memref<16x128xi32, #tpu.memory_space<vmem>> -> memref<1x128xi32, #tpu.memory_space<vmem>>
        %dma_start3A_961 = tpu.memref_squeeze %dma_start3A_960 : memref<1x128xi32, #tpu.memory_space<vmem>> -> memref<128xi32, #tpu.memory_space<vmem>>
        %dma_start3A_962 = arith.constant 0 : i32
        %dma_start3A_963 = arith.constant 0 : i32
        %dma_start3A_964 = tpu.memref_slice %arg19[%dma_start3A_962, %dma_start3A_963] : memref<12288x64xf32, #tpu.memory_space<vmem_shared>> -> memref<12288x64xf32, #tpu.memory_space<vmem_shared>>
        tpu.enqueue_indirect_dma source(%dma_start3A_958 : memref<128x64xf32, #tpu.memory_space<vmem>>) target(%dma_start3A_964 : memref<12288x64xf32, #tpu.memory_space<vmem_shared>>) offsets(%dma_start3A_961 : memref<128xi32, #tpu.memory_space<vmem>>) semaphore(%run_scoped3A_955 : memref<!tpu.dma_semaphore, #tpu.memory_space<semaphore_mem>>) {add = true}
        %dma_wait3A_965 = arith.constant 0 : i32
        %dma_wait3A_966 = arith.constant 0 : i32
        %dma_wait3A_967 = tpu.memref_slice %arg13[%dma_wait3A_965, %dma_wait3A_966] : memref<256x64xf32, #tpu.memory_space<vmem>> -> memref<128x64xf32, #tpu.memory_space<vmem>>
        %dma_wait3A_968 = arith.constant 0 : i32
        %dma_wait3A_969 = tpu.memref_slice %arg12[%add3A_892, %dma_wait3A_968] : memref<16x128xi32, #tpu.memory_space<vmem>> -> memref<1x128xi32, #tpu.memory_space<vmem>>
        %dma_wait3A_970 = tpu.memref_squeeze %dma_wait3A_969 : memref<1x128xi32, #tpu.memory_space<vmem>> -> memref<128xi32, #tpu.memory_space<vmem>>
        %dma_wait3A_971 = arith.constant 0 : i32
        %dma_wait3A_972 = arith.constant 0 : i32
        %dma_wait3A_973 = tpu.memref_slice %arg19[%dma_wait3A_971, %dma_wait3A_972] : memref<12288x64xf32, #tpu.memory_space<vmem_shared>> -> memref<12288x64xf32, #tpu.memory_space<vmem_shared>>
        tpu.wait_indirect_dma semaphore(%run_scoped3A_955 : memref<!tpu.dma_semaphore, #tpu.memory_space<semaphore_mem>>) src(%dma_wait3A_967 : memref<128x64xf32, #tpu.memory_space<vmem>>) dst(%dma_wait3A_973 : memref<12288x64xf32, #tpu.memory_space<vmem_shared>>)
        tpu.yield
      }) : () -> ()
      %mul3A_893 = arith.constant 2 : i32
      %mul3A_894 = arith.muli %mul3A_848, %mul3A_893 : i32
      %add3A_895 = arith.constant 0 : i32
      %add3A_896 = arith.addi %add3A_895, %mul3A_894 : i32
      %add3A_897 = arith.constant 1 : i32
      %add3A_898 = arith.addi %add3A_896, %add3A_897 : i32
      "tpu.region"() ({
        %run_scoped3A_955 = tpu.sem_alloc : memref<!tpu.dma_semaphore, #tpu.memory_space<semaphore_mem>>
        %dma_start3A_956 = arith.constant 128 : i32
        %dma_start3A_957 = arith.constant 0 : i32
        %dma_start3A_958 = tpu.memref_slice %arg13[%dma_start3A_956, %dma_start3A_957] : memref<256x64xf32, #tpu.memory_space<vmem>> -> memref<128x64xf32, #tpu.memory_space<vmem>>
        %dma_start3A_959 = arith.constant 0 : i32
        %dma_start3A_960 = tpu.memref_slice %arg12[%add3A_898, %dma_start3A_959] : memref<16x128xi32, #tpu.memory_space<vmem>> -> memref<1x128xi32, #tpu.memory_space<vmem>>
        %dma_start3A_961 = tpu.memref_squeeze %dma_start3A_960 : memref<1x128xi32, #tpu.memory_space<vmem>> -> memref<128xi32, #tpu.memory_space<vmem>>
        %dma_start3A_962 = arith.constant 0 : i32
        %dma_start3A_963 = arith.constant 0 : i32
        %dma_start3A_964 = tpu.memref_slice %arg19[%dma_start3A_962, %dma_start3A_963] : memref<12288x64xf32, #tpu.memory_space<vmem_shared>> -> memref<12288x64xf32, #tpu.memory_space<vmem_shared>>
        tpu.enqueue_indirect_dma source(%dma_start3A_958 : memref<128x64xf32, #tpu.memory_space<vmem>>) target(%dma_start3A_964 : memref<12288x64xf32, #tpu.memory_space<vmem_shared>>) offsets(%dma_start3A_961 : memref<128xi32, #tpu.memory_space<vmem>>) semaphore(%run_scoped3A_955 : memref<!tpu.dma_semaphore, #tpu.memory_space<semaphore_mem>>) {add = true}
        %dma_wait3A_965 = arith.constant 128 : i32
        %dma_wait3A_966 = arith.constant 0 : i32
        %dma_wait3A_967 = tpu.memref_slice %arg13[%dma_wait3A_965, %dma_wait3A_966] : memref<256x64xf32, #tpu.memory_space<vmem>> -> memref<128x64xf32, #tpu.memory_space<vmem>>
        %dma_wait3A_968 = arith.constant 0 : i32
        %dma_wait3A_969 = tpu.memref_slice %arg12[%add3A_898, %dma_wait3A_968] : memref<16x128xi32, #tpu.memory_space<vmem>> -> memref<1x128xi32, #tpu.memory_space<vmem>>
        %dma_wait3A_970 = tpu.memref_squeeze %dma_wait3A_969 : memref<1x128xi32, #tpu.memory_space<vmem>> -> memref<128xi32, #tpu.memory_space<vmem>>
        %dma_wait3A_971 = arith.constant 0 : i32
        %dma_wait3A_972 = arith.constant 0 : i32
        %dma_wait3A_973 = tpu.memref_slice %arg19[%dma_wait3A_971, %dma_wait3A_972] : memref<12288x64xf32, #tpu.memory_space<vmem_shared>> -> memref<12288x64xf32, #tpu.memory_space<vmem_shared>>
        tpu.wait_indirect_dma semaphore(%run_scoped3A_955 : memref<!tpu.dma_semaphore, #tpu.memory_space<semaphore_mem>>) src(%dma_wait3A_967 : memref<128x64xf32, #tpu.memory_space<vmem>>) dst(%dma_wait3A_973 : memref<12288x64xf32, #tpu.memory_space<vmem_shared>>)
        tpu.yield
      }) : () -> ()
      %dma_wait3A_899 = arith.constant 0 : i32
      %dma_wait3A_900 = arith.constant 0 : i32
      %dma_wait3A_901 = tpu.memref_slice %arg2[%dma_wait3A_899, %dma_wait3A_900] : memref<65536x64xf32, #tpu.memory_space<hbm>> -> memref<256x64xf32, #tpu.memory_space<hbm>>
      %dma_wait3A_902 = arith.constant 0 : i32
      %dma_wait3A_903 = arith.constant 0 : i32
      %dma_wait3A_904 = tpu.memref_slice %arg2[%dma_wait3A_902, %dma_wait3A_903] : memref<65536x64xf32, #tpu.memory_space<hbm>> -> memref<256x64xf32, #tpu.memory_space<hbm>>
      tpu.wait_dma2 semaphore(%arg21 : memref<!tpu.dma_semaphore, #tpu.memory_space<semaphore_mem>>) src(%dma_wait3A_904 : memref<256x64xf32, #tpu.memory_space<hbm>>) dst(%arg14 : memref<256x64xf32, #tpu.memory_space<vmem>>)
      %add3A_905 = arith.constant 2 : i32
      %add3A_906 = arith.addi %mul3A_848, %add3A_905 : i32
      %rem3A = arith.constant 8 : i32
      %rem3A_907 = arith.remsi %add3A_906, %rem3A : i32
      %mul3A_908 = arith.constant 2 : i32
      %mul3A_909 = arith.muli %rem3A_907, %mul3A_908 : i32
      %add3A_910 = arith.constant 0 : i32
      %add3A_911 = arith.addi %add3A_910, %mul3A_909 : i32
      %add3A_912 = arith.constant 0 : i32
      %add3A_913 = arith.addi %add3A_911, %add3A_912 : i32
      %dma_start3A_914 = arith.constant 0 : i32
      %dma_start3A_915 = arith.constant 0 : i32
      %dma_start3A_916 = tpu.memref_slice %arg13[%dma_start3A_914, %dma_start3A_915] : memref<256x64xf32, #tpu.memory_space<vmem>> -> memref<128x64xf32, #tpu.memory_space<vmem>>
      %dma_start3A_917 = arith.constant 0 : i32
      %dma_start3A_918 = tpu.memref_slice %arg11[%add3A_913, %dma_start3A_917] : memref<16x128xi32, #tpu.memory_space<vmem>> -> memref<1x128xi32, #tpu.memory_space<vmem>>
      %dma_start3A_919 = tpu.memref_squeeze %dma_start3A_918 : memref<1x128xi32, #tpu.memory_space<vmem>> -> memref<128xi32, #tpu.memory_space<vmem>>
      %dma_start3A_920 = arith.constant 0 : i32
      %dma_start3A_921 = arith.constant 0 : i32
      %dma_start3A_922 = tpu.memref_slice %arg2[%dma_start3A_920, %dma_start3A_921] : memref<65536x64xf32, #tpu.memory_space<hbm>> -> memref<65536x64xf32, #tpu.memory_space<hbm>>
      tpu.enqueue_indirect_dma source(%dma_start3A_922 : memref<65536x64xf32, #tpu.memory_space<hbm>>) target(%dma_start3A_916 : memref<128x64xf32, #tpu.memory_space<vmem>>) offsets(%dma_start3A_919 : memref<128xi32, #tpu.memory_space<vmem>>) semaphore(%arg20 : memref<!tpu.dma_semaphore, #tpu.memory_space<semaphore_mem>>)
      %mul3A_923 = arith.constant 2 : i32
      %mul3A_924 = arith.muli %rem3A_907, %mul3A_923 : i32
      %add3A_925 = arith.constant 0 : i32
      %add3A_926 = arith.addi %add3A_925, %mul3A_924 : i32
      %add3A_927 = arith.constant 1 : i32
      %add3A_928 = arith.addi %add3A_926, %add3A_927 : i32
      %dma_start3A_929 = arith.constant 128 : i32
      %dma_start3A_930 = arith.constant 0 : i32
      %dma_start3A_931 = tpu.memref_slice %arg13[%dma_start3A_929, %dma_start3A_930] : memref<256x64xf32, #tpu.memory_space<vmem>> -> memref<128x64xf32, #tpu.memory_space<vmem>>
      %dma_start3A_932 = arith.constant 0 : i32
      %dma_start3A_933 = tpu.memref_slice %arg11[%add3A_928, %dma_start3A_932] : memref<16x128xi32, #tpu.memory_space<vmem>> -> memref<1x128xi32, #tpu.memory_space<vmem>>
      %dma_start3A_934 = tpu.memref_squeeze %dma_start3A_933 : memref<1x128xi32, #tpu.memory_space<vmem>> -> memref<128xi32, #tpu.memory_space<vmem>>
      %dma_start3A_935 = arith.constant 0 : i32
      %dma_start3A_936 = arith.constant 0 : i32
      %dma_start3A_937 = tpu.memref_slice %arg2[%dma_start3A_935, %dma_start3A_936] : memref<65536x64xf32, #tpu.memory_space<hbm>> -> memref<65536x64xf32, #tpu.memory_space<hbm>>
      tpu.enqueue_indirect_dma source(%dma_start3A_937 : memref<65536x64xf32, #tpu.memory_space<hbm>>) target(%dma_start3A_931 : memref<128x64xf32, #tpu.memory_space<vmem>>) offsets(%dma_start3A_934 : memref<128xi32, #tpu.memory_space<vmem>>) semaphore(%arg20 : memref<!tpu.dma_semaphore, #tpu.memory_space<semaphore_mem>>)
      %add3A_938 = arith.constant 1 : i32
      %add3A_939 = arith.addi %mul3A_848, %add3A_938 : i32
      %mul3A_940 = arith.constant 2 : i32
      %mul3A_941 = arith.muli %add3A_939, %mul3A_940 : i32
      %add3A_942 = arith.constant 0 : i32
      %add3A_943 = arith.addi %add3A_942, %mul3A_941 : i32
      %add3A_944 = arith.constant 0 : i32
      %add3A_945 = arith.addi %add3A_943, %add3A_944 : i32
      "tpu.region"() ({
        %run_scoped3A_955 = tpu.sem_alloc : memref<!tpu.dma_semaphore, #tpu.memory_space<semaphore_mem>>
        %dma_start3A_956 = arith.constant 0 : i32
        %dma_start3A_957 = arith.constant 0 : i32
        %dma_start3A_958 = tpu.memref_slice %arg14[%dma_start3A_956, %dma_start3A_957] : memref<256x64xf32, #tpu.memory_space<vmem>> -> memref<128x64xf32, #tpu.memory_space<vmem>>
        %dma_start3A_959 = arith.constant 0 : i32
        %dma_start3A_960 = tpu.memref_slice %arg12[%add3A_945, %dma_start3A_959] : memref<16x128xi32, #tpu.memory_space<vmem>> -> memref<1x128xi32, #tpu.memory_space<vmem>>
        %dma_start3A_961 = tpu.memref_squeeze %dma_start3A_960 : memref<1x128xi32, #tpu.memory_space<vmem>> -> memref<128xi32, #tpu.memory_space<vmem>>
        %dma_start3A_962 = arith.constant 0 : i32
        %dma_start3A_963 = arith.constant 0 : i32
        %dma_start3A_964 = tpu.memref_slice %arg19[%dma_start3A_962, %dma_start3A_963] : memref<12288x64xf32, #tpu.memory_space<vmem_shared>> -> memref<12288x64xf32, #tpu.memory_space<vmem_shared>>
        tpu.enqueue_indirect_dma source(%dma_start3A_958 : memref<128x64xf32, #tpu.memory_space<vmem>>) target(%dma_start3A_964 : memref<12288x64xf32, #tpu.memory_space<vmem_shared>>) offsets(%dma_start3A_961 : memref<128xi32, #tpu.memory_space<vmem>>) semaphore(%run_scoped3A_955 : memref<!tpu.dma_semaphore, #tpu.memory_space<semaphore_mem>>) {add = true}
        %dma_wait3A_965 = arith.constant 0 : i32
        %dma_wait3A_966 = arith.constant 0 : i32
        %dma_wait3A_967 = tpu.memref_slice %arg14[%dma_wait3A_965, %dma_wait3A_966] : memref<256x64xf32, #tpu.memory_space<vmem>> -> memref<128x64xf32, #tpu.memory_space<vmem>>
        %dma_wait3A_968 = arith.constant 0 : i32
        %dma_wait3A_969 = tpu.memref_slice %arg12[%add3A_945, %dma_wait3A_968] : memref<16x128xi32, #tpu.memory_space<vmem>> -> memref<1x128xi32, #tpu.memory_space<vmem>>
        %dma_wait3A_970 = tpu.memref_squeeze %dma_wait3A_969 : memref<1x128xi32, #tpu.memory_space<vmem>> -> memref<128xi32, #tpu.memory_space<vmem>>
        %dma_wait3A_971 = arith.constant 0 : i32
        %dma_wait3A_972 = arith.constant 0 : i32
        %dma_wait3A_973 = tpu.memref_slice %arg19[%dma_wait3A_971, %dma_wait3A_972] : memref<12288x64xf32, #tpu.memory_space<vmem_shared>> -> memref<12288x64xf32, #tpu.memory_space<vmem_shared>>
        tpu.wait_indirect_dma semaphore(%run_scoped3A_955 : memref<!tpu.dma_semaphore, #tpu.memory_space<semaphore_mem>>) src(%dma_wait3A_967 : memref<128x64xf32, #tpu.memory_space<vmem>>) dst(%dma_wait3A_973 : memref<12288x64xf32, #tpu.memory_space<vmem_shared>>)
        tpu.yield
      }) : () -> ()
      %add3A_946 = arith.constant 1 : i32
      %add3A_947 = arith.addi %mul3A_848, %add3A_946 : i32
      %mul3A_948 = arith.constant 2 : i32
      %mul3A_949 = arith.muli %add3A_947, %mul3A_948 : i32
      %add3A_950 = arith.constant 0 : i32
      %add3A_951 = arith.addi %add3A_950, %mul3A_949 : i32
      %add3A_952 = arith.constant 1 : i32
      %add3A_953 = arith.addi %add3A_951, %add3A_952 : i32
      "tpu.region"() ({
        %run_scoped3A_955 = tpu.sem_alloc : memref<!tpu.dma_semaphore, #tpu.memory_space<semaphore_mem>>
        %dma_start3A_956 = arith.constant 128 : i32
        %dma_start3A_957 = arith.constant 0 : i32
        %dma_start3A_958 = tpu.memref_slice %arg14[%dma_start3A_956, %dma_start3A_957] : memref<256x64xf32, #tpu.memory_space<vmem>> -> memref<128x64xf32, #tpu.memory_space<vmem>>
        %dma_start3A_959 = arith.constant 0 : i32
        %dma_start3A_960 = tpu.memref_slice %arg12[%add3A_953, %dma_start3A_959] : memref<16x128xi32, #tpu.memory_space<vmem>> -> memref<1x128xi32, #tpu.memory_space<vmem>>
        %dma_start3A_961 = tpu.memref_squeeze %dma_start3A_960 : memref<1x128xi32, #tpu.memory_space<vmem>> -> memref<128xi32, #tpu.memory_space<vmem>>
        %dma_start3A_962 = arith.constant 0 : i32
        %dma_start3A_963 = arith.constant 0 : i32
        %dma_start3A_964 = tpu.memref_slice %arg19[%dma_start3A_962, %dma_start3A_963] : memref<12288x64xf32, #tpu.memory_space<vmem_shared>> -> memref<12288x64xf32, #tpu.memory_space<vmem_shared>>
        tpu.enqueue_indirect_dma source(%dma_start3A_958 : memref<128x64xf32, #tpu.memory_space<vmem>>) target(%dma_start3A_964 : memref<12288x64xf32, #tpu.memory_space<vmem_shared>>) offsets(%dma_start3A_961 : memref<128xi32, #tpu.memory_space<vmem>>) semaphore(%run_scoped3A_955 : memref<!tpu.dma_semaphore, #tpu.memory_space<semaphore_mem>>) {add = true}
        %dma_wait3A_965 = arith.constant 128 : i32
        %dma_wait3A_966 = arith.constant 0 : i32
        %dma_wait3A_967 = tpu.memref_slice %arg14[%dma_wait3A_965, %dma_wait3A_966] : memref<256x64xf32, #tpu.memory_space<vmem>> -> memref<128x64xf32, #tpu.memory_space<vmem>>
        %dma_wait3A_968 = arith.constant 0 : i32
        %dma_wait3A_969 = tpu.memref_slice %arg12[%add3A_953, %dma_wait3A_968] : memref<16x128xi32, #tpu.memory_space<vmem>> -> memref<1x128xi32, #tpu.memory_space<vmem>>
        %dma_wait3A_970 = tpu.memref_squeeze %dma_wait3A_969 : memref<1x128xi32, #tpu.memory_space<vmem>> -> memref<128xi32, #tpu.memory_space<vmem>>
        %dma_wait3A_971 = arith.constant 0 : i32
        %dma_wait3A_972 = arith.constant 0 : i32
        %dma_wait3A_973 = tpu.memref_slice %arg19[%dma_wait3A_971, %dma_wait3A_972] : memref<12288x64xf32, #tpu.memory_space<vmem_shared>> -> memref<12288x64xf32, #tpu.memory_space<vmem_shared>>
        tpu.wait_indirect_dma semaphore(%run_scoped3A_955 : memref<!tpu.dma_semaphore, #tpu.memory_space<semaphore_mem>>) src(%dma_wait3A_967 : memref<128x64xf32, #tpu.memory_space<vmem>>) dst(%dma_wait3A_973 : memref<12288x64xf32, #tpu.memory_space<vmem_shared>>)
        tpu.yield
      }) : () -> ()
      %scan3A_954 = arith.constant 0 : i32
      scf.yield %scan3A_954 : i32
    }
    %scan3A_76 = arith.constant 4 : i32
    %dma_wait3A = arith.constant 0 : i32
    %dma_wait3A_77 = arith.constant 0 : i32
    %dma_wait3A_78 = tpu.memref_slice %arg2[%dma_wait3A, %dma_wait3A_77] : memref<65536x64xf32, #tpu.memory_space<hbm>> -> memref<256x64xf32, #tpu.memory_space<hbm>>
    %dma_wait3A_79 = arith.constant 0 : i32
    %dma_wait3A_80 = arith.constant 0 : i32
    %dma_wait3A_81 = tpu.memref_slice %arg2[%dma_wait3A_79, %dma_wait3A_80] : memref<65536x64xf32, #tpu.memory_space<hbm>> -> memref<256x64xf32, #tpu.memory_space<hbm>>
    tpu.wait_dma2 semaphore(%arg20 : memref<!tpu.dma_semaphore, #tpu.memory_space<semaphore_mem>>) src(%dma_wait3A_81 : memref<256x64xf32, #tpu.memory_space<hbm>>) dst(%arg13 : memref<256x64xf32, #tpu.memory_space<vmem>>)
    %dma_start3A_82 = arith.constant 0 : i32
    %dma_start3A_83 = tpu.memref_slice %arg7[%mul3A_44, %dma_start3A_82] : memref<32768x64xf32, #tpu.memory_space<hbm>> -> memref<128x64xf32, #tpu.memory_space<hbm>>
    %dma_start3A_84 = arith.constant 0 : i32
    %dma_start3A_85 = tpu.memref_slice %arg19[%add3A_46, %dma_start3A_84] : memref<12288x64xf32, #tpu.memory_space<vmem_shared>> -> memref<128x64xf32, #tpu.memory_space<vmem_shared>>
    tpu.enqueue_dma source(%dma_start3A_85 : memref<128x64xf32, #tpu.memory_space<vmem_shared>>) target(%dma_start3A_83 : memref<128x64xf32, #tpu.memory_space<hbm>>) target_semaphore(%arg22 : memref<!tpu.dma_semaphore, #tpu.memory_space<semaphore_mem>>)
    %dma_start3A_86 = arith.constant 0 : i32
    %dma_start3A_87 = tpu.memref_slice %arg8[%mul3A_44, %dma_start3A_86] : memref<32768x64xf32, #tpu.memory_space<hbm>> -> memref<128x64xf32, #tpu.memory_space<hbm>>
    %dma_start3A_88 = arith.constant 0 : i32
    %dma_start3A_89 = tpu.memref_slice %arg19[%add3A_48, %dma_start3A_88] : memref<12288x64xf32, #tpu.memory_space<vmem_shared>> -> memref<128x64xf32, #tpu.memory_space<vmem_shared>>
    tpu.enqueue_dma source(%dma_start3A_89 : memref<128x64xf32, #tpu.memory_space<vmem_shared>>) target(%dma_start3A_87 : memref<128x64xf32, #tpu.memory_space<hbm>>) target_semaphore(%arg22 : memref<!tpu.dma_semaphore, #tpu.memory_space<semaphore_mem>>)
    %dma_start3A_90 = arith.constant 0 : i32
    %dma_start3A_91 = tpu.memref_slice %arg9[%mul3A_44, %dma_start3A_90] : memref<32768x64xf32, #tpu.memory_space<hbm>> -> memref<128x64xf32, #tpu.memory_space<hbm>>
    %dma_start3A_92 = arith.constant 0 : i32
    %dma_start3A_93 = tpu.memref_slice %arg19[%add3A_50, %dma_start3A_92] : memref<12288x64xf32, #tpu.memory_space<vmem_shared>> -> memref<128x64xf32, #tpu.memory_space<vmem_shared>>
    tpu.enqueue_dma source(%dma_start3A_93 : memref<128x64xf32, #tpu.memory_space<vmem_shared>>) target(%dma_start3A_91 : memref<128x64xf32, #tpu.memory_space<hbm>>) target_semaphore(%arg22 : memref<!tpu.dma_semaphore, #tpu.memory_space<semaphore_mem>>)
    %mul3A_94 = arith.constant 2 : i32
    %mul3A_95 = arith.muli %arg1, %mul3A_94 : i32
    %add3A_96 = arith.constant 1 : i32
    %add3A_97 = arith.addi %mul3A_95, %add3A_96 : i32
    %mul3A_98 = arith.constant 384 : i32
    %mul3A_99 = arith.muli %add3A_97, %mul3A_98 : i32
    %mul3A_100 = arith.constant 8 : i32
    %mul3A_101 = arith.muli %add3A, %mul3A_100 : i32
    %add3A_102 = arith.constant 1 : i32
    %add3A_103 = arith.addi %mul3A_101, %add3A_102 : i32
    %mul3A_104 = arith.constant 16 : i32
    %mul3A_105 = arith.muli %add3A_103, %mul3A_104 : i32
    "tpu.region"() ({
      %run_scoped3A_845 = tpu.sem_alloc : memref<!tpu.dma_semaphore, #tpu.memory_space<semaphore_mem>>
      %dma_start3A_846 = arith.constant 0 : i32
      %dma_start3A_847 = tpu.memref_slice %arg3[%mul3A_105, %dma_start3A_846] : memref<4096x128xi32, #tpu.memory_space<hbm>> -> memref<16x128xi32, #tpu.memory_space<hbm>>
      %dma_start3A_848 = arith.constant 0 : i32
      %dma_start3A_849 = tpu.memref_slice %arg3[%mul3A_105, %dma_start3A_848] : memref<4096x128xi32, #tpu.memory_space<hbm>> -> memref<16x128xi32, #tpu.memory_space<hbm>>
      tpu.enqueue_dma source(%dma_start3A_849 : memref<16x128xi32, #tpu.memory_space<hbm>>) target(%arg11 : memref<16x128xi32, #tpu.memory_space<vmem>>) target_semaphore(%run_scoped3A_845 : memref<!tpu.dma_semaphore, #tpu.memory_space<semaphore_mem>>)
      %dma_wait3A_850 = arith.constant 0 : i32
      %dma_wait3A_851 = tpu.memref_slice %arg3[%mul3A_105, %dma_wait3A_850] : memref<4096x128xi32, #tpu.memory_space<hbm>> -> memref<16x128xi32, #tpu.memory_space<hbm>>
      %dma_wait3A_852 = arith.constant 0 : i32
      %dma_wait3A_853 = tpu.memref_slice %arg3[%mul3A_105, %dma_wait3A_852] : memref<4096x128xi32, #tpu.memory_space<hbm>> -> memref<16x128xi32, #tpu.memory_space<hbm>>
      tpu.wait_dma2 semaphore(%run_scoped3A_845 : memref<!tpu.dma_semaphore, #tpu.memory_space<semaphore_mem>>) src(%dma_wait3A_853 : memref<16x128xi32, #tpu.memory_space<hbm>>) dst(%arg11 : memref<16x128xi32, #tpu.memory_space<vmem>>)
      tpu.yield
    }) : () -> ()
    %mul3A_106 = arith.constant 8 : i32
    %mul3A_107 = arith.muli %add3A, %mul3A_106 : i32
    %add3A_108 = arith.constant 1 : i32
    %add3A_109 = arith.addi %mul3A_107, %add3A_108 : i32
    %mul3A_110 = arith.constant 16 : i32
    %mul3A_111 = arith.muli %add3A_109, %mul3A_110 : i32
    "tpu.region"() ({
      %run_scoped3A_845 = tpu.sem_alloc : memref<!tpu.dma_semaphore, #tpu.memory_space<semaphore_mem>>
      %dma_start3A_846 = arith.constant 0 : i32
      %dma_start3A_847 = tpu.memref_slice %arg4[%mul3A_111, %dma_start3A_846] : memref<4096x128xi32, #tpu.memory_space<hbm>> -> memref<16x128xi32, #tpu.memory_space<hbm>>
      %dma_start3A_848 = arith.constant 0 : i32
      %dma_start3A_849 = tpu.memref_slice %arg4[%mul3A_111, %dma_start3A_848] : memref<4096x128xi32, #tpu.memory_space<hbm>> -> memref<16x128xi32, #tpu.memory_space<hbm>>
      tpu.enqueue_dma source(%dma_start3A_849 : memref<16x128xi32, #tpu.memory_space<hbm>>) target(%arg12 : memref<16x128xi32, #tpu.memory_space<vmem>>) target_semaphore(%run_scoped3A_845 : memref<!tpu.dma_semaphore, #tpu.memory_space<semaphore_mem>>)
      %dma_wait3A_850 = arith.constant 0 : i32
      %dma_wait3A_851 = tpu.memref_slice %arg4[%mul3A_111, %dma_wait3A_850] : memref<4096x128xi32, #tpu.memory_space<hbm>> -> memref<16x128xi32, #tpu.memory_space<hbm>>
      %dma_wait3A_852 = arith.constant 0 : i32
      %dma_wait3A_853 = tpu.memref_slice %arg4[%mul3A_111, %dma_wait3A_852] : memref<4096x128xi32, #tpu.memory_space<hbm>> -> memref<16x128xi32, #tpu.memory_space<hbm>>
      tpu.wait_dma2 semaphore(%run_scoped3A_845 : memref<!tpu.dma_semaphore, #tpu.memory_space<semaphore_mem>>) src(%dma_wait3A_853 : memref<16x128xi32, #tpu.memory_space<hbm>>) dst(%arg12 : memref<16x128xi32, #tpu.memory_space<vmem>>)
      tpu.yield
    }) : () -> ()
    %mul3A_112 = arith.constant 8 : i32
    %mul3A_113 = arith.muli %add3A, %mul3A_112 : i32
    %add3A_114 = arith.constant 1 : i32
    %add3A_115 = arith.addi %mul3A_113, %add3A_114 : i32
    %mul3A_116 = arith.constant 128 : i32
    %mul3A_117 = arith.muli %add3A_115, %mul3A_116 : i32
    %add3A_118 = arith.constant 0 : i32
    %add3A_119 = arith.addi %mul3A_99, %add3A_118 : i32
    %add3A_120 = arith.constant 128 : i32
    %add3A_121 = arith.addi %mul3A_99, %add3A_120 : i32
    %add3A_122 = arith.constant 256 : i32
    %add3A_123 = arith.addi %mul3A_99, %add3A_122 : i32
    %dma_start3A_124 = arith.constant 0 : i32
    %dma_start3A_125 = arith.constant 0 : i32
    %dma_start3A_126 = arith.constant 0 : i32
    %dma_start3A_127 = tpu.memref_slice %arg13[%dma_start3A_125, %dma_start3A_126] : memref<256x64xf32, #tpu.memory_space<vmem>> -> memref<128x64xf32, #tpu.memory_space<vmem>>
    %dma_start3A_128 = arith.constant 0 : i32
    %dma_start3A_129 = tpu.memref_slice %arg11[%dma_start3A_124, %dma_start3A_128] : memref<16x128xi32, #tpu.memory_space<vmem>> -> memref<1x128xi32, #tpu.memory_space<vmem>>
    %dma_start3A_130 = tpu.memref_squeeze %dma_start3A_129 : memref<1x128xi32, #tpu.memory_space<vmem>> -> memref<128xi32, #tpu.memory_space<vmem>>
    %dma_start3A_131 = arith.constant 0 : i32
    %dma_start3A_132 = arith.constant 0 : i32
    %dma_start3A_133 = tpu.memref_slice %arg2[%dma_start3A_131, %dma_start3A_132] : memref<65536x64xf32, #tpu.memory_space<hbm>> -> memref<65536x64xf32, #tpu.memory_space<hbm>>
    tpu.enqueue_indirect_dma source(%dma_start3A_133 : memref<65536x64xf32, #tpu.memory_space<hbm>>) target(%dma_start3A_127 : memref<128x64xf32, #tpu.memory_space<vmem>>) offsets(%dma_start3A_130 : memref<128xi32, #tpu.memory_space<vmem>>) semaphore(%arg20 : memref<!tpu.dma_semaphore, #tpu.memory_space<semaphore_mem>>)
    %dma_start3A_134 = arith.constant 1 : i32
    %dma_start3A_135 = arith.constant 128 : i32
    %dma_start3A_136 = arith.constant 0 : i32
    %dma_start3A_137 = tpu.memref_slice %arg13[%dma_start3A_135, %dma_start3A_136] : memref<256x64xf32, #tpu.memory_space<vmem>> -> memref<128x64xf32, #tpu.memory_space<vmem>>
    %dma_start3A_138 = arith.constant 0 : i32
    %dma_start3A_139 = tpu.memref_slice %arg11[%dma_start3A_134, %dma_start3A_138] : memref<16x128xi32, #tpu.memory_space<vmem>> -> memref<1x128xi32, #tpu.memory_space<vmem>>
    %dma_start3A_140 = tpu.memref_squeeze %dma_start3A_139 : memref<1x128xi32, #tpu.memory_space<vmem>> -> memref<128xi32, #tpu.memory_space<vmem>>
    %dma_start3A_141 = arith.constant 0 : i32
    %dma_start3A_142 = arith.constant 0 : i32
    %dma_start3A_143 = tpu.memref_slice %arg2[%dma_start3A_141, %dma_start3A_142] : memref<65536x64xf32, #tpu.memory_space<hbm>> -> memref<65536x64xf32, #tpu.memory_space<hbm>>
    tpu.enqueue_indirect_dma source(%dma_start3A_143 : memref<65536x64xf32, #tpu.memory_space<hbm>>) target(%dma_start3A_137 : memref<128x64xf32, #tpu.memory_space<vmem>>) offsets(%dma_start3A_140 : memref<128xi32, #tpu.memory_space<vmem>>) semaphore(%arg20 : memref<!tpu.dma_semaphore, #tpu.memory_space<semaphore_mem>>)
    %scan3A_144 = arith.constant 0 : i32
    %scan3A_145 = arith.constant 0 : i32
    %scan3A_146 = arith.constant 4 : i32
    %scan3A_147 = arith.addi %scan3A_145, %scan3A_146 : i32
    %scan3A_148 = arith.constant 1 : i32
    %scan3A_149 = scf.for %scan3A_845 = %scan3A_145 to %scan3A_147 step %scan3A_148 iter_args(%scan3A_846 = %scan3A_144) -> (i32)  : i32 {
      %mul3A_847 = arith.constant 2 : i32
      %mul3A_848 = arith.muli %mul3A_847, %scan3A_845 : i32
      %dma_wait3A_849 = arith.constant 0 : i32
      %dma_wait3A_850 = arith.constant 0 : i32
      %dma_wait3A_851 = tpu.memref_slice %arg2[%dma_wait3A_849, %dma_wait3A_850] : memref<65536x64xf32, #tpu.memory_space<hbm>> -> memref<256x64xf32, #tpu.memory_space<hbm>>
      %dma_wait3A_852 = arith.constant 0 : i32
      %dma_wait3A_853 = arith.constant 0 : i32
      %dma_wait3A_854 = tpu.memref_slice %arg2[%dma_wait3A_852, %dma_wait3A_853] : memref<65536x64xf32, #tpu.memory_space<hbm>> -> memref<256x64xf32, #tpu.memory_space<hbm>>
      tpu.wait_dma2 semaphore(%arg20 : memref<!tpu.dma_semaphore, #tpu.memory_space<semaphore_mem>>) src(%dma_wait3A_854 : memref<256x64xf32, #tpu.memory_space<hbm>>) dst(%arg13 : memref<256x64xf32, #tpu.memory_space<vmem>>)
      %add3A_855 = arith.constant 1 : i32
      %add3A_856 = arith.addi %mul3A_848, %add3A_855 : i32
      %mul3A_857 = arith.constant 2 : i32
      %mul3A_858 = arith.muli %add3A_856, %mul3A_857 : i32
      %add3A_859 = arith.constant 0 : i32
      %add3A_860 = arith.addi %add3A_859, %mul3A_858 : i32
      %add3A_861 = arith.constant 0 : i32
      %add3A_862 = arith.addi %add3A_860, %add3A_861 : i32
      %dma_start3A_863 = arith.constant 0 : i32
      %dma_start3A_864 = arith.constant 0 : i32
      %dma_start3A_865 = tpu.memref_slice %arg14[%dma_start3A_863, %dma_start3A_864] : memref<256x64xf32, #tpu.memory_space<vmem>> -> memref<128x64xf32, #tpu.memory_space<vmem>>
      %dma_start3A_866 = arith.constant 0 : i32
      %dma_start3A_867 = tpu.memref_slice %arg11[%add3A_862, %dma_start3A_866] : memref<16x128xi32, #tpu.memory_space<vmem>> -> memref<1x128xi32, #tpu.memory_space<vmem>>
      %dma_start3A_868 = tpu.memref_squeeze %dma_start3A_867 : memref<1x128xi32, #tpu.memory_space<vmem>> -> memref<128xi32, #tpu.memory_space<vmem>>
      %dma_start3A_869 = arith.constant 0 : i32
      %dma_start3A_870 = arith.constant 0 : i32
      %dma_start3A_871 = tpu.memref_slice %arg2[%dma_start3A_869, %dma_start3A_870] : memref<65536x64xf32, #tpu.memory_space<hbm>> -> memref<65536x64xf32, #tpu.memory_space<hbm>>
      tpu.enqueue_indirect_dma source(%dma_start3A_871 : memref<65536x64xf32, #tpu.memory_space<hbm>>) target(%dma_start3A_865 : memref<128x64xf32, #tpu.memory_space<vmem>>) offsets(%dma_start3A_868 : memref<128xi32, #tpu.memory_space<vmem>>) semaphore(%arg21 : memref<!tpu.dma_semaphore, #tpu.memory_space<semaphore_mem>>)
      %mul3A_872 = arith.constant 2 : i32
      %mul3A_873 = arith.muli %add3A_856, %mul3A_872 : i32
      %add3A_874 = arith.constant 0 : i32
      %add3A_875 = arith.addi %add3A_874, %mul3A_873 : i32
      %add3A_876 = arith.constant 1 : i32
      %add3A_877 = arith.addi %add3A_875, %add3A_876 : i32
      %dma_start3A_878 = arith.constant 128 : i32
      %dma_start3A_879 = arith.constant 0 : i32
      %dma_start3A_880 = tpu.memref_slice %arg14[%dma_start3A_878, %dma_start3A_879] : memref<256x64xf32, #tpu.memory_space<vmem>> -> memref<128x64xf32, #tpu.memory_space<vmem>>
      %dma_start3A_881 = arith.constant 0 : i32
      %dma_start3A_882 = tpu.memref_slice %arg11[%add3A_877, %dma_start3A_881] : memref<16x128xi32, #tpu.memory_space<vmem>> -> memref<1x128xi32, #tpu.memory_space<vmem>>
      %dma_start3A_883 = tpu.memref_squeeze %dma_start3A_882 : memref<1x128xi32, #tpu.memory_space<vmem>> -> memref<128xi32, #tpu.memory_space<vmem>>
      %dma_start3A_884 = arith.constant 0 : i32
      %dma_start3A_885 = arith.constant 0 : i32
      %dma_start3A_886 = tpu.memref_slice %arg2[%dma_start3A_884, %dma_start3A_885] : memref<65536x64xf32, #tpu.memory_space<hbm>> -> memref<65536x64xf32, #tpu.memory_space<hbm>>
      tpu.enqueue_indirect_dma source(%dma_start3A_886 : memref<65536x64xf32, #tpu.memory_space<hbm>>) target(%dma_start3A_880 : memref<128x64xf32, #tpu.memory_space<vmem>>) offsets(%dma_start3A_883 : memref<128xi32, #tpu.memory_space<vmem>>) semaphore(%arg21 : memref<!tpu.dma_semaphore, #tpu.memory_space<semaphore_mem>>)
      %mul3A_887 = arith.constant 2 : i32
      %mul3A_888 = arith.muli %mul3A_848, %mul3A_887 : i32
      %add3A_889 = arith.constant 0 : i32
      %add3A_890 = arith.addi %add3A_889, %mul3A_888 : i32
      %add3A_891 = arith.constant 0 : i32
      %add3A_892 = arith.addi %add3A_890, %add3A_891 : i32
      "tpu.region"() ({
        %run_scoped3A_955 = tpu.sem_alloc : memref<!tpu.dma_semaphore, #tpu.memory_space<semaphore_mem>>
        %dma_start3A_956 = arith.constant 0 : i32
        %dma_start3A_957 = arith.constant 0 : i32
        %dma_start3A_958 = tpu.memref_slice %arg13[%dma_start3A_956, %dma_start3A_957] : memref<256x64xf32, #tpu.memory_space<vmem>> -> memref<128x64xf32, #tpu.memory_space<vmem>>
        %dma_start3A_959 = arith.constant 0 : i32
        %dma_start3A_960 = tpu.memref_slice %arg12[%add3A_892, %dma_start3A_959] : memref<16x128xi32, #tpu.memory_space<vmem>> -> memref<1x128xi32, #tpu.memory_space<vmem>>
        %dma_start3A_961 = tpu.memref_squeeze %dma_start3A_960 : memref<1x128xi32, #tpu.memory_space<vmem>> -> memref<128xi32, #tpu.memory_space<vmem>>
        %dma_start3A_962 = arith.constant 0 : i32
        %dma_start3A_963 = arith.constant 0 : i32
        %dma_start3A_964 = tpu.memref_slice %arg19[%dma_start3A_962, %dma_start3A_963] : memref<12288x64xf32, #tpu.memory_space<vmem_shared>> -> memref<12288x64xf32, #tpu.memory_space<vmem_shared>>
        tpu.enqueue_indirect_dma source(%dma_start3A_958 : memref<128x64xf32, #tpu.memory_space<vmem>>) target(%dma_start3A_964 : memref<12288x64xf32, #tpu.memory_space<vmem_shared>>) offsets(%dma_start3A_961 : memref<128xi32, #tpu.memory_space<vmem>>) semaphore(%run_scoped3A_955 : memref<!tpu.dma_semaphore, #tpu.memory_space<semaphore_mem>>) {add = true}
        %dma_wait3A_965 = arith.constant 0 : i32
        %dma_wait3A_966 = arith.constant 0 : i32
        %dma_wait3A_967 = tpu.memref_slice %arg13[%dma_wait3A_965, %dma_wait3A_966] : memref<256x64xf32, #tpu.memory_space<vmem>> -> memref<128x64xf32, #tpu.memory_space<vmem>>
        %dma_wait3A_968 = arith.constant 0 : i32
        %dma_wait3A_969 = tpu.memref_slice %arg12[%add3A_892, %dma_wait3A_968] : memref<16x128xi32, #tpu.memory_space<vmem>> -> memref<1x128xi32, #tpu.memory_space<vmem>>
        %dma_wait3A_970 = tpu.memref_squeeze %dma_wait3A_969 : memref<1x128xi32, #tpu.memory_space<vmem>> -> memref<128xi32, #tpu.memory_space<vmem>>
        %dma_wait3A_971 = arith.constant 0 : i32
        %dma_wait3A_972 = arith.constant 0 : i32
        %dma_wait3A_973 = tpu.memref_slice %arg19[%dma_wait3A_971, %dma_wait3A_972] : memref<12288x64xf32, #tpu.memory_space<vmem_shared>> -> memref<12288x64xf32, #tpu.memory_space<vmem_shared>>
        tpu.wait_indirect_dma semaphore(%run_scoped3A_955 : memref<!tpu.dma_semaphore, #tpu.memory_space<semaphore_mem>>) src(%dma_wait3A_967 : memref<128x64xf32, #tpu.memory_space<vmem>>) dst(%dma_wait3A_973 : memref<12288x64xf32, #tpu.memory_space<vmem_shared>>)
        tpu.yield
      }) : () -> ()
      %mul3A_893 = arith.constant 2 : i32
      %mul3A_894 = arith.muli %mul3A_848, %mul3A_893 : i32
      %add3A_895 = arith.constant 0 : i32
      %add3A_896 = arith.addi %add3A_895, %mul3A_894 : i32
      %add3A_897 = arith.constant 1 : i32
      %add3A_898 = arith.addi %add3A_896, %add3A_897 : i32
      "tpu.region"() ({
        %run_scoped3A_955 = tpu.sem_alloc : memref<!tpu.dma_semaphore, #tpu.memory_space<semaphore_mem>>
        %dma_start3A_956 = arith.constant 128 : i32
        %dma_start3A_957 = arith.constant 0 : i32
        %dma_start3A_958 = tpu.memref_slice %arg13[%dma_start3A_956, %dma_start3A_957] : memref<256x64xf32, #tpu.memory_space<vmem>> -> memref<128x64xf32, #tpu.memory_space<vmem>>
        %dma_start3A_959 = arith.constant 0 : i32
        %dma_start3A_960 = tpu.memref_slice %arg12[%add3A_898, %dma_start3A_959] : memref<16x128xi32, #tpu.memory_space<vmem>> -> memref<1x128xi32, #tpu.memory_space<vmem>>
        %dma_start3A_961 = tpu.memref_squeeze %dma_start3A_960 : memref<1x128xi32, #tpu.memory_space<vmem>> -> memref<128xi32, #tpu.memory_space<vmem>>
        %dma_start3A_962 = arith.constant 0 : i32
        %dma_start3A_963 = arith.constant 0 : i32
        %dma_start3A_964 = tpu.memref_slice %arg19[%dma_start3A_962, %dma_start3A_963] : memref<12288x64xf32, #tpu.memory_space<vmem_shared>> -> memref<12288x64xf32, #tpu.memory_space<vmem_shared>>
        tpu.enqueue_indirect_dma source(%dma_start3A_958 : memref<128x64xf32, #tpu.memory_space<vmem>>) target(%dma_start3A_964 : memref<12288x64xf32, #tpu.memory_space<vmem_shared>>) offsets(%dma_start3A_961 : memref<128xi32, #tpu.memory_space<vmem>>) semaphore(%run_scoped3A_955 : memref<!tpu.dma_semaphore, #tpu.memory_space<semaphore_mem>>) {add = true}
        %dma_wait3A_965 = arith.constant 128 : i32
        %dma_wait3A_966 = arith.constant 0 : i32
        %dma_wait3A_967 = tpu.memref_slice %arg13[%dma_wait3A_965, %dma_wait3A_966] : memref<256x64xf32, #tpu.memory_space<vmem>> -> memref<128x64xf32, #tpu.memory_space<vmem>>
        %dma_wait3A_968 = arith.constant 0 : i32
        %dma_wait3A_969 = tpu.memref_slice %arg12[%add3A_898, %dma_wait3A_968] : memref<16x128xi32, #tpu.memory_space<vmem>> -> memref<1x128xi32, #tpu.memory_space<vmem>>
        %dma_wait3A_970 = tpu.memref_squeeze %dma_wait3A_969 : memref<1x128xi32, #tpu.memory_space<vmem>> -> memref<128xi32, #tpu.memory_space<vmem>>
        %dma_wait3A_971 = arith.constant 0 : i32
        %dma_wait3A_972 = arith.constant 0 : i32
        %dma_wait3A_973 = tpu.memref_slice %arg19[%dma_wait3A_971, %dma_wait3A_972] : memref<12288x64xf32, #tpu.memory_space<vmem_shared>> -> memref<12288x64xf32, #tpu.memory_space<vmem_shared>>
        tpu.wait_indirect_dma semaphore(%run_scoped3A_955 : memref<!tpu.dma_semaphore, #tpu.memory_space<semaphore_mem>>) src(%dma_wait3A_967 : memref<128x64xf32, #tpu.memory_space<vmem>>) dst(%dma_wait3A_973 : memref<12288x64xf32, #tpu.memory_space<vmem_shared>>)
        tpu.yield
      }) : () -> ()
      %dma_wait3A_899 = arith.constant 0 : i32
      %dma_wait3A_900 = arith.constant 0 : i32
      %dma_wait3A_901 = tpu.memref_slice %arg2[%dma_wait3A_899, %dma_wait3A_900] : memref<65536x64xf32, #tpu.memory_space<hbm>> -> memref<256x64xf32, #tpu.memory_space<hbm>>
      %dma_wait3A_902 = arith.constant 0 : i32
      %dma_wait3A_903 = arith.constant 0 : i32
      %dma_wait3A_904 = tpu.memref_slice %arg2[%dma_wait3A_902, %dma_wait3A_903] : memref<65536x64xf32, #tpu.memory_space<hbm>> -> memref<256x64xf32, #tpu.memory_space<hbm>>
      tpu.wait_dma2 semaphore(%arg21 : memref<!tpu.dma_semaphore, #tpu.memory_space<semaphore_mem>>) src(%dma_wait3A_904 : memref<256x64xf32, #tpu.memory_space<hbm>>) dst(%arg14 : memref<256x64xf32, #tpu.memory_space<vmem>>)
      %add3A_905 = arith.constant 2 : i32
      %add3A_906 = arith.addi %mul3A_848, %add3A_905 : i32
      %rem3A = arith.constant 8 : i32
      %rem3A_907 = arith.remsi %add3A_906, %rem3A : i32
      %mul3A_908 = arith.constant 2 : i32
      %mul3A_909 = arith.muli %rem3A_907, %mul3A_908 : i32
      %add3A_910 = arith.constant 0 : i32
      %add3A_911 = arith.addi %add3A_910, %mul3A_909 : i32
      %add3A_912 = arith.constant 0 : i32
      %add3A_913 = arith.addi %add3A_911, %add3A_912 : i32
      %dma_start3A_914 = arith.constant 0 : i32
      %dma_start3A_915 = arith.constant 0 : i32
      %dma_start3A_916 = tpu.memref_slice %arg13[%dma_start3A_914, %dma_start3A_915] : memref<256x64xf32, #tpu.memory_space<vmem>> -> memref<128x64xf32, #tpu.memory_space<vmem>>
      %dma_start3A_917 = arith.constant 0 : i32
      %dma_start3A_918 = tpu.memref_slice %arg11[%add3A_913, %dma_start3A_917] : memref<16x128xi32, #tpu.memory_space<vmem>> -> memref<1x128xi32, #tpu.memory_space<vmem>>
      %dma_start3A_919 = tpu.memref_squeeze %dma_start3A_918 : memref<1x128xi32, #tpu.memory_space<vmem>> -> memref<128xi32, #tpu.memory_space<vmem>>
      %dma_start3A_920 = arith.constant 0 : i32
      %dma_start3A_921 = arith.constant 0 : i32
      %dma_start3A_922 = tpu.memref_slice %arg2[%dma_start3A_920, %dma_start3A_921] : memref<65536x64xf32, #tpu.memory_space<hbm>> -> memref<65536x64xf32, #tpu.memory_space<hbm>>
      tpu.enqueue_indirect_dma source(%dma_start3A_922 : memref<65536x64xf32, #tpu.memory_space<hbm>>) target(%dma_start3A_916 : memref<128x64xf32, #tpu.memory_space<vmem>>) offsets(%dma_start3A_919 : memref<128xi32, #tpu.memory_space<vmem>>) semaphore(%arg20 : memref<!tpu.dma_semaphore, #tpu.memory_space<semaphore_mem>>)
      %mul3A_923 = arith.constant 2 : i32
      %mul3A_924 = arith.muli %rem3A_907, %mul3A_923 : i32
      %add3A_925 = arith.constant 0 : i32
      %add3A_926 = arith.addi %add3A_925, %mul3A_924 : i32
      %add3A_927 = arith.constant 1 : i32
      %add3A_928 = arith.addi %add3A_926, %add3A_927 : i32
      %dma_start3A_929 = arith.constant 128 : i32
      %dma_start3A_930 = arith.constant 0 : i32
      %dma_start3A_931 = tpu.memref_slice %arg13[%dma_start3A_929, %dma_start3A_930] : memref<256x64xf32, #tpu.memory_space<vmem>> -> memref<128x64xf32, #tpu.memory_space<vmem>>
      %dma_start3A_932 = arith.constant 0 : i32
      %dma_start3A_933 = tpu.memref_slice %arg11[%add3A_928, %dma_start3A_932] : memref<16x128xi32, #tpu.memory_space<vmem>> -> memref<1x128xi32, #tpu.memory_space<vmem>>
      %dma_start3A_934 = tpu.memref_squeeze %dma_start3A_933 : memref<1x128xi32, #tpu.memory_space<vmem>> -> memref<128xi32, #tpu.memory_space<vmem>>
      %dma_start3A_935 = arith.constant 0 : i32
      %dma_start3A_936 = arith.constant 0 : i32
      %dma_start3A_937 = tpu.memref_slice %arg2[%dma_start3A_935, %dma_start3A_936] : memref<65536x64xf32, #tpu.memory_space<hbm>> -> memref<65536x64xf32, #tpu.memory_space<hbm>>
      tpu.enqueue_indirect_dma source(%dma_start3A_937 : memref<65536x64xf32, #tpu.memory_space<hbm>>) target(%dma_start3A_931 : memref<128x64xf32, #tpu.memory_space<vmem>>) offsets(%dma_start3A_934 : memref<128xi32, #tpu.memory_space<vmem>>) semaphore(%arg20 : memref<!tpu.dma_semaphore, #tpu.memory_space<semaphore_mem>>)
      %add3A_938 = arith.constant 1 : i32
      %add3A_939 = arith.addi %mul3A_848, %add3A_938 : i32
      %mul3A_940 = arith.constant 2 : i32
      %mul3A_941 = arith.muli %add3A_939, %mul3A_940 : i32
      %add3A_942 = arith.constant 0 : i32
      %add3A_943 = arith.addi %add3A_942, %mul3A_941 : i32
      %add3A_944 = arith.constant 0 : i32
      %add3A_945 = arith.addi %add3A_943, %add3A_944 : i32
      "tpu.region"() ({
        %run_scoped3A_955 = tpu.sem_alloc : memref<!tpu.dma_semaphore, #tpu.memory_space<semaphore_mem>>
        %dma_start3A_956 = arith.constant 0 : i32
        %dma_start3A_957 = arith.constant 0 : i32
        %dma_start3A_958 = tpu.memref_slice %arg14[%dma_start3A_956, %dma_start3A_957] : memref<256x64xf32, #tpu.memory_space<vmem>> -> memref<128x64xf32, #tpu.memory_space<vmem>>
        %dma_start3A_959 = arith.constant 0 : i32
        %dma_start3A_960 = tpu.memref_slice %arg12[%add3A_945, %dma_start3A_959] : memref<16x128xi32, #tpu.memory_space<vmem>> -> memref<1x128xi32, #tpu.memory_space<vmem>>
        %dma_start3A_961 = tpu.memref_squeeze %dma_start3A_960 : memref<1x128xi32, #tpu.memory_space<vmem>> -> memref<128xi32, #tpu.memory_space<vmem>>
        %dma_start3A_962 = arith.constant 0 : i32
        %dma_start3A_963 = arith.constant 0 : i32
        %dma_start3A_964 = tpu.memref_slice %arg19[%dma_start3A_962, %dma_start3A_963] : memref<12288x64xf32, #tpu.memory_space<vmem_shared>> -> memref<12288x64xf32, #tpu.memory_space<vmem_shared>>
        tpu.enqueue_indirect_dma source(%dma_start3A_958 : memref<128x64xf32, #tpu.memory_space<vmem>>) target(%dma_start3A_964 : memref<12288x64xf32, #tpu.memory_space<vmem_shared>>) offsets(%dma_start3A_961 : memref<128xi32, #tpu.memory_space<vmem>>) semaphore(%run_scoped3A_955 : memref<!tpu.dma_semaphore, #tpu.memory_space<semaphore_mem>>) {add = true}
        %dma_wait3A_965 = arith.constant 0 : i32
        %dma_wait3A_966 = arith.constant 0 : i32
        %dma_wait3A_967 = tpu.memref_slice %arg14[%dma_wait3A_965, %dma_wait3A_966] : memref<256x64xf32, #tpu.memory_space<vmem>> -> memref<128x64xf32, #tpu.memory_space<vmem>>
        %dma_wait3A_968 = arith.constant 0 : i32
        %dma_wait3A_969 = tpu.memref_slice %arg12[%add3A_945, %dma_wait3A_968] : memref<16x128xi32, #tpu.memory_space<vmem>> -> memref<1x128xi32, #tpu.memory_space<vmem>>
        %dma_wait3A_970 = tpu.memref_squeeze %dma_wait3A_969 : memref<1x128xi32, #tpu.memory_space<vmem>> -> memref<128xi32, #tpu.memory_space<vmem>>
        %dma_wait3A_971 = arith.constant 0 : i32
        %dma_wait3A_972 = arith.constant 0 : i32
        %dma_wait3A_973 = tpu.memref_slice %arg19[%dma_wait3A_971, %dma_wait3A_972] : memref<12288x64xf32, #tpu.memory_space<vmem_shared>> -> memref<12288x64xf32, #tpu.memory_space<vmem_shared>>
        tpu.wait_indirect_dma semaphore(%run_scoped3A_955 : memref<!tpu.dma_semaphore, #tpu.memory_space<semaphore_mem>>) src(%dma_wait3A_967 : memref<128x64xf32, #tpu.memory_space<vmem>>) dst(%dma_wait3A_973 : memref<12288x64xf32, #tpu.memory_space<vmem_shared>>)
        tpu.yield
      }) : () -> ()
      %add3A_946 = arith.constant 1 : i32
      %add3A_947 = arith.addi %mul3A_848, %add3A_946 : i32
      %mul3A_948 = arith.constant 2 : i32
      %mul3A_949 = arith.muli %add3A_947, %mul3A_948 : i32
      %add3A_950 = arith.constant 0 : i32
      %add3A_951 = arith.addi %add3A_950, %mul3A_949 : i32
      %add3A_952 = arith.constant 1 : i32
      %add3A_953 = arith.addi %add3A_951, %add3A_952 : i32
      "tpu.region"() ({
        %run_scoped3A_955 = tpu.sem_alloc : memref<!tpu.dma_semaphore, #tpu.memory_space<semaphore_mem>>
        %dma_start3A_956 = arith.constant 128 : i32
        %dma_start3A_957 = arith.constant 0 : i32
        %dma_start3A_958 = tpu.memref_slice %arg14[%dma_start3A_956, %dma_start3A_957] : memref<256x64xf32, #tpu.memory_space<vmem>> -> memref<128x64xf32, #tpu.memory_space<vmem>>
        %dma_start3A_959 = arith.constant 0 : i32
        %dma_start3A_960 = tpu.memref_slice %arg12[%add3A_953, %dma_start3A_959] : memref<16x128xi32, #tpu.memory_space<vmem>> -> memref<1x128xi32, #tpu.memory_space<vmem>>
        %dma_start3A_961 = tpu.memref_squeeze %dma_start3A_960 : memref<1x128xi32, #tpu.memory_space<vmem>> -> memref<128xi32, #tpu.memory_space<vmem>>
        %dma_start3A_962 = arith.constant 0 : i32
        %dma_start3A_963 = arith.constant 0 : i32
        %dma_start3A_964 = tpu.memref_slice %arg19[%dma_start3A_962, %dma_start3A_963] : memref<12288x64xf32, #tpu.memory_space<vmem_shared>> -> memref<12288x64xf32, #tpu.memory_space<vmem_shared>>
        tpu.enqueue_indirect_dma source(%dma_start3A_958 : memref<128x64xf32, #tpu.memory_space<vmem>>) target(%dma_start3A_964 : memref<12288x64xf32, #tpu.memory_space<vmem_shared>>) offsets(%dma_start3A_961 : memref<128xi32, #tpu.memory_space<vmem>>) semaphore(%run_scoped3A_955 : memref<!tpu.dma_semaphore, #tpu.memory_space<semaphore_mem>>) {add = true}
        %dma_wait3A_965 = arith.constant 128 : i32
        %dma_wait3A_966 = arith.constant 0 : i32
        %dma_wait3A_967 = tpu.memref_slice %arg14[%dma_wait3A_965, %dma_wait3A_966] : memref<256x64xf32, #tpu.memory_space<vmem>> -> memref<128x64xf32, #tpu.memory_space<vmem>>
        %dma_wait3A_968 = arith.constant 0 : i32
        %dma_wait3A_969 = tpu.memref_slice %arg12[%add3A_953, %dma_wait3A_968] : memref<16x128xi32, #tpu.memory_space<vmem>> -> memref<1x128xi32, #tpu.memory_space<vmem>>
        %dma_wait3A_970 = tpu.memref_squeeze %dma_wait3A_969 : memref<1x128xi32, #tpu.memory_space<vmem>> -> memref<128xi32, #tpu.memory_space<vmem>>
        %dma_wait3A_971 = arith.constant 0 : i32
        %dma_wait3A_972 = arith.constant 0 : i32
        %dma_wait3A_973 = tpu.memref_slice %arg19[%dma_wait3A_971, %dma_wait3A_972] : memref<12288x64xf32, #tpu.memory_space<vmem_shared>> -> memref<12288x64xf32, #tpu.memory_space<vmem_shared>>
        tpu.wait_indirect_dma semaphore(%run_scoped3A_955 : memref<!tpu.dma_semaphore, #tpu.memory_space<semaphore_mem>>) src(%dma_wait3A_967 : memref<128x64xf32, #tpu.memory_space<vmem>>) dst(%dma_wait3A_973 : memref<12288x64xf32, #tpu.memory_space<vmem_shared>>)
        tpu.yield
      }) : () -> ()
      %scan3A_954 = arith.constant 0 : i32
      scf.yield %scan3A_954 : i32
    }
    %scan3A_150 = arith.constant 4 : i32
    %dma_wait3A_151 = arith.constant 0 : i32
    %dma_wait3A_152 = arith.constant 0 : i32
    %dma_wait3A_153 = tpu.memref_slice %arg2[%dma_wait3A_151, %dma_wait3A_152] : memref<65536x64xf32, #tpu.memory_space<hbm>> -> memref<256x64xf32, #tpu.memory_space<hbm>>
    %dma_wait3A_154 = arith.constant 0 : i32
    %dma_wait3A_155 = arith.constant 0 : i32
    %dma_wait3A_156 = tpu.memref_slice %arg2[%dma_wait3A_154, %dma_wait3A_155] : memref<65536x64xf32, #tpu.memory_space<hbm>> -> memref<256x64xf32, #tpu.memory_space<hbm>>
    tpu.wait_dma2 semaphore(%arg20 : memref<!tpu.dma_semaphore, #tpu.memory_space<semaphore_mem>>) src(%dma_wait3A_156 : memref<256x64xf32, #tpu.memory_space<hbm>>) dst(%arg13 : memref<256x64xf32, #tpu.memory_space<vmem>>)
    %dma_start3A_157 = arith.constant 0 : i32
    %dma_start3A_158 = tpu.memref_slice %arg7[%mul3A_117, %dma_start3A_157] : memref<32768x64xf32, #tpu.memory_space<hbm>> -> memref<128x64xf32, #tpu.memory_space<hbm>>
    %dma_start3A_159 = arith.constant 0 : i32
    %dma_start3A_160 = tpu.memref_slice %arg19[%add3A_119, %dma_start3A_159] : memref<12288x64xf32, #tpu.memory_space<vmem_shared>> -> memref<128x64xf32, #tpu.memory_space<vmem_shared>>
    tpu.enqueue_dma source(%dma_start3A_160 : memref<128x64xf32, #tpu.memory_space<vmem_shared>>) target(%dma_start3A_158 : memref<128x64xf32, #tpu.memory_space<hbm>>) target_semaphore(%arg23 : memref<!tpu.dma_semaphore, #tpu.memory_space<semaphore_mem>>)
    %dma_start3A_161 = arith.constant 0 : i32
    %dma_start3A_162 = tpu.memref_slice %arg8[%mul3A_117, %dma_start3A_161] : memref<32768x64xf32, #tpu.memory_space<hbm>> -> memref<128x64xf32, #tpu.memory_space<hbm>>
    %dma_start3A_163 = arith.constant 0 : i32
    %dma_start3A_164 = tpu.memref_slice %arg19[%add3A_121, %dma_start3A_163] : memref<12288x64xf32, #tpu.memory_space<vmem_shared>> -> memref<128x64xf32, #tpu.memory_space<vmem_shared>>
    tpu.enqueue_dma source(%dma_start3A_164 : memref<128x64xf32, #tpu.memory_space<vmem_shared>>) target(%dma_start3A_162 : memref<128x64xf32, #tpu.memory_space<hbm>>) target_semaphore(%arg23 : memref<!tpu.dma_semaphore, #tpu.memory_space<semaphore_mem>>)
    %dma_start3A_165 = arith.constant 0 : i32
    %dma_start3A_166 = tpu.memref_slice %arg9[%mul3A_117, %dma_start3A_165] : memref<32768x64xf32, #tpu.memory_space<hbm>> -> memref<128x64xf32, #tpu.memory_space<hbm>>
    %dma_start3A_167 = arith.constant 0 : i32
    %dma_start3A_168 = tpu.memref_slice %arg19[%add3A_123, %dma_start3A_167] : memref<12288x64xf32, #tpu.memory_space<vmem_shared>> -> memref<128x64xf32, #tpu.memory_space<vmem_shared>>
    tpu.enqueue_dma source(%dma_start3A_168 : memref<128x64xf32, #tpu.memory_space<vmem_shared>>) target(%dma_start3A_166 : memref<128x64xf32, #tpu.memory_space<hbm>>) target_semaphore(%arg23 : memref<!tpu.dma_semaphore, #tpu.memory_space<semaphore_mem>>)
    %mul3A_169 = arith.constant 2 : i32
    %mul3A_170 = arith.muli %arg1, %mul3A_169 : i32
    %add3A_171 = arith.constant 0 : i32
    %add3A_172 = arith.addi %mul3A_170, %add3A_171 : i32
    %mul3A_173 = arith.constant 384 : i32
    %mul3A_174 = arith.muli %add3A_172, %mul3A_173 : i32
    %mul3A_175 = arith.constant 8 : i32
    %mul3A_176 = arith.muli %add3A, %mul3A_175 : i32
    %add3A_177 = arith.constant 2 : i32
    %add3A_178 = arith.addi %mul3A_176, %add3A_177 : i32
    %mul3A_179 = arith.constant 16 : i32
    %mul3A_180 = arith.muli %add3A_178, %mul3A_179 : i32
    "tpu.region"() ({
      %run_scoped3A_845 = tpu.sem_alloc : memref<!tpu.dma_semaphore, #tpu.memory_space<semaphore_mem>>
      %dma_start3A_846 = arith.constant 0 : i32
      %dma_start3A_847 = tpu.memref_slice %arg3[%mul3A_180, %dma_start3A_846] : memref<4096x128xi32, #tpu.memory_space<hbm>> -> memref<16x128xi32, #tpu.memory_space<hbm>>
      %dma_start3A_848 = arith.constant 0 : i32
      %dma_start3A_849 = tpu.memref_slice %arg3[%mul3A_180, %dma_start3A_848] : memref<4096x128xi32, #tpu.memory_space<hbm>> -> memref<16x128xi32, #tpu.memory_space<hbm>>
      tpu.enqueue_dma source(%dma_start3A_849 : memref<16x128xi32, #tpu.memory_space<hbm>>) target(%arg11 : memref<16x128xi32, #tpu.memory_space<vmem>>) target_semaphore(%run_scoped3A_845 : memref<!tpu.dma_semaphore, #tpu.memory_space<semaphore_mem>>)
      %dma_wait3A_850 = arith.constant 0 : i32
      %dma_wait3A_851 = tpu.memref_slice %arg3[%mul3A_180, %dma_wait3A_850] : memref<4096x128xi32, #tpu.memory_space<hbm>> -> memref<16x128xi32, #tpu.memory_space<hbm>>
      %dma_wait3A_852 = arith.constant 0 : i32
      %dma_wait3A_853 = tpu.memref_slice %arg3[%mul3A_180, %dma_wait3A_852] : memref<4096x128xi32, #tpu.memory_space<hbm>> -> memref<16x128xi32, #tpu.memory_space<hbm>>
      tpu.wait_dma2 semaphore(%run_scoped3A_845 : memref<!tpu.dma_semaphore, #tpu.memory_space<semaphore_mem>>) src(%dma_wait3A_853 : memref<16x128xi32, #tpu.memory_space<hbm>>) dst(%arg11 : memref<16x128xi32, #tpu.memory_space<vmem>>)
      tpu.yield
    }) : () -> ()
    %mul3A_181 = arith.constant 8 : i32
    %mul3A_182 = arith.muli %add3A, %mul3A_181 : i32
    %add3A_183 = arith.constant 2 : i32
    %add3A_184 = arith.addi %mul3A_182, %add3A_183 : i32
    %mul3A_185 = arith.constant 16 : i32
    %mul3A_186 = arith.muli %add3A_184, %mul3A_185 : i32
    "tpu.region"() ({
      %run_scoped3A_845 = tpu.sem_alloc : memref<!tpu.dma_semaphore, #tpu.memory_space<semaphore_mem>>
      %dma_start3A_846 = arith.constant 0 : i32
      %dma_start3A_847 = tpu.memref_slice %arg4[%mul3A_186, %dma_start3A_846] : memref<4096x128xi32, #tpu.memory_space<hbm>> -> memref<16x128xi32, #tpu.memory_space<hbm>>
      %dma_start3A_848 = arith.constant 0 : i32
      %dma_start3A_849 = tpu.memref_slice %arg4[%mul3A_186, %dma_start3A_848] : memref<4096x128xi32, #tpu.memory_space<hbm>> -> memref<16x128xi32, #tpu.memory_space<hbm>>
      tpu.enqueue_dma source(%dma_start3A_849 : memref<16x128xi32, #tpu.memory_space<hbm>>) target(%arg12 : memref<16x128xi32, #tpu.memory_space<vmem>>) target_semaphore(%run_scoped3A_845 : memref<!tpu.dma_semaphore, #tpu.memory_space<semaphore_mem>>)
      %dma_wait3A_850 = arith.constant 0 : i32
      %dma_wait3A_851 = tpu.memref_slice %arg4[%mul3A_186, %dma_wait3A_850] : memref<4096x128xi32, #tpu.memory_space<hbm>> -> memref<16x128xi32, #tpu.memory_space<hbm>>
      %dma_wait3A_852 = arith.constant 0 : i32
      %dma_wait3A_853 = tpu.memref_slice %arg4[%mul3A_186, %dma_wait3A_852] : memref<4096x128xi32, #tpu.memory_space<hbm>> -> memref<16x128xi32, #tpu.memory_space<hbm>>
      tpu.wait_dma2 semaphore(%run_scoped3A_845 : memref<!tpu.dma_semaphore, #tpu.memory_space<semaphore_mem>>) src(%dma_wait3A_853 : memref<16x128xi32, #tpu.memory_space<hbm>>) dst(%arg12 : memref<16x128xi32, #tpu.memory_space<vmem>>)
      tpu.yield
    }) : () -> ()
    %mul3A_187 = arith.constant 8 : i32
    %mul3A_188 = arith.muli %add3A, %mul3A_187 : i32
    %add3A_189 = arith.constant 2 : i32
    %add3A_190 = arith.addi %mul3A_188, %add3A_189 : i32
    %mul3A_191 = arith.constant 128 : i32
    %mul3A_192 = arith.muli %add3A_190, %mul3A_191 : i32
    %add3A_193 = arith.constant 0 : i32
    %add3A_194 = arith.addi %mul3A_174, %add3A_193 : i32
    %add3A_195 = arith.constant 128 : i32
    %add3A_196 = arith.addi %mul3A_174, %add3A_195 : i32
    %add3A_197 = arith.constant 256 : i32
    %add3A_198 = arith.addi %mul3A_174, %add3A_197 : i32
    %dma_wait3A_199 = arith.constant 0 : i32
    %dma_wait3A_200 = tpu.memref_slice %arg7[%mul3A_192, %dma_wait3A_199] : memref<32768x64xf32, #tpu.memory_space<hbm>> -> memref<128x64xf32, #tpu.memory_space<hbm>>
    %dma_wait3A_201 = arith.constant 0 : i32
    %dma_wait3A_202 = tpu.memref_slice %arg19[%add3A_194, %dma_wait3A_201] : memref<12288x64xf32, #tpu.memory_space<vmem_shared>> -> memref<128x64xf32, #tpu.memory_space<vmem_shared>>
    tpu.wait_dma2 semaphore(%arg22 : memref<!tpu.dma_semaphore, #tpu.memory_space<semaphore_mem>>) src(%dma_wait3A_202 : memref<128x64xf32, #tpu.memory_space<vmem_shared>>) dst(%dma_wait3A_200 : memref<128x64xf32, #tpu.memory_space<hbm>>)
    %dma_wait3A_203 = arith.constant 0 : i32
    %dma_wait3A_204 = tpu.memref_slice %arg8[%mul3A_192, %dma_wait3A_203] : memref<32768x64xf32, #tpu.memory_space<hbm>> -> memref<128x64xf32, #tpu.memory_space<hbm>>
    %dma_wait3A_205 = arith.constant 0 : i32
    %dma_wait3A_206 = tpu.memref_slice %arg19[%add3A_196, %dma_wait3A_205] : memref<12288x64xf32, #tpu.memory_space<vmem_shared>> -> memref<128x64xf32, #tpu.memory_space<vmem_shared>>
    tpu.wait_dma2 semaphore(%arg22 : memref<!tpu.dma_semaphore, #tpu.memory_space<semaphore_mem>>) src(%dma_wait3A_206 : memref<128x64xf32, #tpu.memory_space<vmem_shared>>) dst(%dma_wait3A_204 : memref<128x64xf32, #tpu.memory_space<hbm>>)
    %dma_wait3A_207 = arith.constant 0 : i32
    %dma_wait3A_208 = tpu.memref_slice %arg9[%mul3A_192, %dma_wait3A_207] : memref<32768x64xf32, #tpu.memory_space<hbm>> -> memref<128x64xf32, #tpu.memory_space<hbm>>
    %dma_wait3A_209 = arith.constant 0 : i32
    %dma_wait3A_210 = tpu.memref_slice %arg19[%add3A_198, %dma_wait3A_209] : memref<12288x64xf32, #tpu.memory_space<vmem_shared>> -> memref<128x64xf32, #tpu.memory_space<vmem_shared>>
    tpu.wait_dma2 semaphore(%arg22 : memref<!tpu.dma_semaphore, #tpu.memory_space<semaphore_mem>>) src(%dma_wait3A_210 : memref<128x64xf32, #tpu.memory_space<vmem_shared>>) dst(%dma_wait3A_208 : memref<128x64xf32, #tpu.memory_space<hbm>>)
    %scan3A_211 = arith.constant 0 : i32
    %scan3A_212 = arith.constant 0 : i32
    %scan3A_213 = arith.constant 6 : i32
    %scan3A_214 = arith.addi %scan3A_212, %scan3A_213 : i32
    %scan3A_215 = arith.constant 1 : i32
    %scan3A_216 = scf.for %scan3A_845 = %scan3A_212 to %scan3A_214 step %scan3A_215 iter_args(%scan3A_846 = %scan3A_211) -> (i32)  : i32 {
      %mul3A_847 = arith.constant 2 : i32
      %mul3A_848 = arith.muli %arg1, %mul3A_847 : i32
      %add3A_849 = arith.constant 0 : i32
      %add3A_850 = arith.addi %mul3A_848, %add3A_849 : i32
      %mul3A_851 = arith.constant 384 : i32
      %mul3A_852 = arith.muli %add3A_850, %mul3A_851 : i32
      %mul3A_853 = arith.constant 64 : i32
      %mul3A_854 = arith.muli %scan3A_845, %mul3A_853 : i32
      %add3A_855 = arith.addi %mul3A_852, %mul3A_854 : i32
      "tpu.region"() ({
        %run_scoped3A_857 = tpu.sem_alloc : memref<!tpu.dma_semaphore, #tpu.memory_space<semaphore_mem>>
        %dma_start3A_858 = arith.constant 0 : i32
        %dma_start3A_859 = tpu.memref_slice %arg19[%add3A_855, %dma_start3A_858] : memref<12288x64xf32, #tpu.memory_space<vmem_shared>> -> memref<64x64xf32, #tpu.memory_space<vmem_shared>>
        %dma_start3A_860 = arith.constant 0 : i32
        %dma_start3A_861 = tpu.memref_slice %arg19[%add3A_855, %dma_start3A_860] : memref<12288x64xf32, #tpu.memory_space<vmem_shared>> -> memref<64x64xf32, #tpu.memory_space<vmem_shared>>
        tpu.enqueue_dma source(%arg15 : memref<64x64xf32, #tpu.memory_space<vmem>>) target(%dma_start3A_861 : memref<64x64xf32, #tpu.memory_space<vmem_shared>>) target_semaphore(%run_scoped3A_857 : memref<!tpu.dma_semaphore, #tpu.memory_space<semaphore_mem>>)
        %dma_wait3A_862 = arith.constant 0 : i32
        %dma_wait3A_863 = tpu.memref_slice %arg19[%add3A_855, %dma_wait3A_862] : memref<12288x64xf32, #tpu.memory_space<vmem_shared>> -> memref<64x64xf32, #tpu.memory_space<vmem_shared>>
        %dma_wait3A_864 = arith.constant 0 : i32
        %dma_wait3A_865 = tpu.memref_slice %arg19[%add3A_855, %dma_wait3A_864] : memref<12288x64xf32, #tpu.memory_space<vmem_shared>> -> memref<64x64xf32, #tpu.memory_space<vmem_shared>>
        tpu.wait_dma2 semaphore(%run_scoped3A_857 : memref<!tpu.dma_semaphore, #tpu.memory_space<semaphore_mem>>) src(%arg15 : memref<64x64xf32, #tpu.memory_space<vmem>>) dst(%dma_wait3A_865 : memref<64x64xf32, #tpu.memory_space<vmem_shared>>)
        tpu.yield
      }) : () -> ()
      %scan3A_856 = arith.constant 0 : i32
      scf.yield %scan3A_856 : i32
    }
    %scan3A_217 = arith.constant 6 : i32
    %dma_start3A_218 = arith.constant 0 : i32
    %dma_start3A_219 = arith.constant 0 : i32
    %dma_start3A_220 = arith.constant 0 : i32
    %dma_start3A_221 = tpu.memref_slice %arg13[%dma_start3A_219, %dma_start3A_220] : memref<256x64xf32, #tpu.memory_space<vmem>> -> memref<128x64xf32, #tpu.memory_space<vmem>>
    %dma_start3A_222 = arith.constant 0 : i32
    %dma_start3A_223 = tpu.memref_slice %arg11[%dma_start3A_218, %dma_start3A_222] : memref<16x128xi32, #tpu.memory_space<vmem>> -> memref<1x128xi32, #tpu.memory_space<vmem>>
    %dma_start3A_224 = tpu.memref_squeeze %dma_start3A_223 : memref<1x128xi32, #tpu.memory_space<vmem>> -> memref<128xi32, #tpu.memory_space<vmem>>
    %dma_start3A_225 = arith.constant 0 : i32
    %dma_start3A_226 = arith.constant 0 : i32
    %dma_start3A_227 = tpu.memref_slice %arg2[%dma_start3A_225, %dma_start3A_226] : memref<65536x64xf32, #tpu.memory_space<hbm>> -> memref<65536x64xf32, #tpu.memory_space<hbm>>
    tpu.enqueue_indirect_dma source(%dma_start3A_227 : memref<65536x64xf32, #tpu.memory_space<hbm>>) target(%dma_start3A_221 : memref<128x64xf32, #tpu.memory_space<vmem>>) offsets(%dma_start3A_224 : memref<128xi32, #tpu.memory_space<vmem>>) semaphore(%arg20 : memref<!tpu.dma_semaphore, #tpu.memory_space<semaphore_mem>>)
    %dma_start3A_228 = arith.constant 1 : i32
    %dma_start3A_229 = arith.constant 128 : i32
    %dma_start3A_230 = arith.constant 0 : i32
    %dma_start3A_231 = tpu.memref_slice %arg13[%dma_start3A_229, %dma_start3A_230] : memref<256x64xf32, #tpu.memory_space<vmem>> -> memref<128x64xf32, #tpu.memory_space<vmem>>
    %dma_start3A_232 = arith.constant 0 : i32
    %dma_start3A_233 = tpu.memref_slice %arg11[%dma_start3A_228, %dma_start3A_232] : memref<16x128xi32, #tpu.memory_space<vmem>> -> memref<1x128xi32, #tpu.memory_space<vmem>>
    %dma_start3A_234 = tpu.memref_squeeze %dma_start3A_233 : memref<1x128xi32, #tpu.memory_space<vmem>> -> memref<128xi32, #tpu.memory_space<vmem>>
    %dma_start3A_235 = arith.constant 0 : i32
    %dma_start3A_236 = arith.constant 0 : i32
    %dma_start3A_237 = tpu.memref_slice %arg2[%dma_start3A_235, %dma_start3A_236] : memref<65536x64xf32, #tpu.memory_space<hbm>> -> memref<65536x64xf32, #tpu.memory_space<hbm>>
    tpu.enqueue_indirect_dma source(%dma_start3A_237 : memref<65536x64xf32, #tpu.memory_space<hbm>>) target(%dma_start3A_231 : memref<128x64xf32, #tpu.memory_space<vmem>>) offsets(%dma_start3A_234 : memref<128xi32, #tpu.memory_space<vmem>>) semaphore(%arg20 : memref<!tpu.dma_semaphore, #tpu.memory_space<semaphore_mem>>)
    %scan3A_238 = arith.constant 0 : i32
    %scan3A_239 = arith.constant 0 : i32
    %scan3A_240 = arith.constant 4 : i32
    %scan3A_241 = arith.addi %scan3A_239, %scan3A_240 : i32
    %scan3A_242 = arith.constant 1 : i32
    %scan3A_243 = scf.for %scan3A_845 = %scan3A_239 to %scan3A_241 step %scan3A_242 iter_args(%scan3A_846 = %scan3A_238) -> (i32)  : i32 {
      %mul3A_847 = arith.constant 2 : i32
      %mul3A_848 = arith.muli %mul3A_847, %scan3A_845 : i32
      %dma_wait3A_849 = arith.constant 0 : i32
      %dma_wait3A_850 = arith.constant 0 : i32
      %dma_wait3A_851 = tpu.memref_slice %arg2[%dma_wait3A_849, %dma_wait3A_850] : memref<65536x64xf32, #tpu.memory_space<hbm>> -> memref<256x64xf32, #tpu.memory_space<hbm>>
      %dma_wait3A_852 = arith.constant 0 : i32
      %dma_wait3A_853 = arith.constant 0 : i32
      %dma_wait3A_854 = tpu.memref_slice %arg2[%dma_wait3A_852, %dma_wait3A_853] : memref<65536x64xf32, #tpu.memory_space<hbm>> -> memref<256x64xf32, #tpu.memory_space<hbm>>
      tpu.wait_dma2 semaphore(%arg20 : memref<!tpu.dma_semaphore, #tpu.memory_space<semaphore_mem>>) src(%dma_wait3A_854 : memref<256x64xf32, #tpu.memory_space<hbm>>) dst(%arg13 : memref<256x64xf32, #tpu.memory_space<vmem>>)
      %add3A_855 = arith.constant 1 : i32
      %add3A_856 = arith.addi %mul3A_848, %add3A_855 : i32
      %mul3A_857 = arith.constant 2 : i32
      %mul3A_858 = arith.muli %add3A_856, %mul3A_857 : i32
      %add3A_859 = arith.constant 0 : i32
      %add3A_860 = arith.addi %add3A_859, %mul3A_858 : i32
      %add3A_861 = arith.constant 0 : i32
      %add3A_862 = arith.addi %add3A_860, %add3A_861 : i32
      %dma_start3A_863 = arith.constant 0 : i32
      %dma_start3A_864 = arith.constant 0 : i32
      %dma_start3A_865 = tpu.memref_slice %arg14[%dma_start3A_863, %dma_start3A_864] : memref<256x64xf32, #tpu.memory_space<vmem>> -> memref<128x64xf32, #tpu.memory_space<vmem>>
      %dma_start3A_866 = arith.constant 0 : i32
      %dma_start3A_867 = tpu.memref_slice %arg11[%add3A_862, %dma_start3A_866] : memref<16x128xi32, #tpu.memory_space<vmem>> -> memref<1x128xi32, #tpu.memory_space<vmem>>
      %dma_start3A_868 = tpu.memref_squeeze %dma_start3A_867 : memref<1x128xi32, #tpu.memory_space<vmem>> -> memref<128xi32, #tpu.memory_space<vmem>>
      %dma_start3A_869 = arith.constant 0 : i32
      %dma_start3A_870 = arith.constant 0 : i32
      %dma_start3A_871 = tpu.memref_slice %arg2[%dma_start3A_869, %dma_start3A_870] : memref<65536x64xf32, #tpu.memory_space<hbm>> -> memref<65536x64xf32, #tpu.memory_space<hbm>>
      tpu.enqueue_indirect_dma source(%dma_start3A_871 : memref<65536x64xf32, #tpu.memory_space<hbm>>) target(%dma_start3A_865 : memref<128x64xf32, #tpu.memory_space<vmem>>) offsets(%dma_start3A_868 : memref<128xi32, #tpu.memory_space<vmem>>) semaphore(%arg21 : memref<!tpu.dma_semaphore, #tpu.memory_space<semaphore_mem>>)
      %mul3A_872 = arith.constant 2 : i32
      %mul3A_873 = arith.muli %add3A_856, %mul3A_872 : i32
      %add3A_874 = arith.constant 0 : i32
      %add3A_875 = arith.addi %add3A_874, %mul3A_873 : i32
      %add3A_876 = arith.constant 1 : i32
      %add3A_877 = arith.addi %add3A_875, %add3A_876 : i32
      %dma_start3A_878 = arith.constant 128 : i32
      %dma_start3A_879 = arith.constant 0 : i32
      %dma_start3A_880 = tpu.memref_slice %arg14[%dma_start3A_878, %dma_start3A_879] : memref<256x64xf32, #tpu.memory_space<vmem>> -> memref<128x64xf32, #tpu.memory_space<vmem>>
      %dma_start3A_881 = arith.constant 0 : i32
      %dma_start3A_882 = tpu.memref_slice %arg11[%add3A_877, %dma_start3A_881] : memref<16x128xi32, #tpu.memory_space<vmem>> -> memref<1x128xi32, #tpu.memory_space<vmem>>
      %dma_start3A_883 = tpu.memref_squeeze %dma_start3A_882 : memref<1x128xi32, #tpu.memory_space<vmem>> -> memref<128xi32, #tpu.memory_space<vmem>>
      %dma_start3A_884 = arith.constant 0 : i32
      %dma_start3A_885 = arith.constant 0 : i32
      %dma_start3A_886 = tpu.memref_slice %arg2[%dma_start3A_884, %dma_start3A_885] : memref<65536x64xf32, #tpu.memory_space<hbm>> -> memref<65536x64xf32, #tpu.memory_space<hbm>>
      tpu.enqueue_indirect_dma source(%dma_start3A_886 : memref<65536x64xf32, #tpu.memory_space<hbm>>) target(%dma_start3A_880 : memref<128x64xf32, #tpu.memory_space<vmem>>) offsets(%dma_start3A_883 : memref<128xi32, #tpu.memory_space<vmem>>) semaphore(%arg21 : memref<!tpu.dma_semaphore, #tpu.memory_space<semaphore_mem>>)
      %mul3A_887 = arith.constant 2 : i32
      %mul3A_888 = arith.muli %mul3A_848, %mul3A_887 : i32
      %add3A_889 = arith.constant 0 : i32
      %add3A_890 = arith.addi %add3A_889, %mul3A_888 : i32
      %add3A_891 = arith.constant 0 : i32
      %add3A_892 = arith.addi %add3A_890, %add3A_891 : i32
      "tpu.region"() ({
        %run_scoped3A_955 = tpu.sem_alloc : memref<!tpu.dma_semaphore, #tpu.memory_space<semaphore_mem>>
        %dma_start3A_956 = arith.constant 0 : i32
        %dma_start3A_957 = arith.constant 0 : i32
        %dma_start3A_958 = tpu.memref_slice %arg13[%dma_start3A_956, %dma_start3A_957] : memref<256x64xf32, #tpu.memory_space<vmem>> -> memref<128x64xf32, #tpu.memory_space<vmem>>
        %dma_start3A_959 = arith.constant 0 : i32
        %dma_start3A_960 = tpu.memref_slice %arg12[%add3A_892, %dma_start3A_959] : memref<16x128xi32, #tpu.memory_space<vmem>> -> memref<1x128xi32, #tpu.memory_space<vmem>>
        %dma_start3A_961 = tpu.memref_squeeze %dma_start3A_960 : memref<1x128xi32, #tpu.memory_space<vmem>> -> memref<128xi32, #tpu.memory_space<vmem>>
        %dma_start3A_962 = arith.constant 0 : i32
        %dma_start3A_963 = arith.constant 0 : i32
        %dma_start3A_964 = tpu.memref_slice %arg19[%dma_start3A_962, %dma_start3A_963] : memref<12288x64xf32, #tpu.memory_space<vmem_shared>> -> memref<12288x64xf32, #tpu.memory_space<vmem_shared>>
        tpu.enqueue_indirect_dma source(%dma_start3A_958 : memref<128x64xf32, #tpu.memory_space<vmem>>) target(%dma_start3A_964 : memref<12288x64xf32, #tpu.memory_space<vmem_shared>>) offsets(%dma_start3A_961 : memref<128xi32, #tpu.memory_space<vmem>>) semaphore(%run_scoped3A_955 : memref<!tpu.dma_semaphore, #tpu.memory_space<semaphore_mem>>) {add = true}
        %dma_wait3A_965 = arith.constant 0 : i32
        %dma_wait3A_966 = arith.constant 0 : i32
        %dma_wait3A_967 = tpu.memref_slice %arg13[%dma_wait3A_965, %dma_wait3A_966] : memref<256x64xf32, #tpu.memory_space<vmem>> -> memref<128x64xf32, #tpu.memory_space<vmem>>
        %dma_wait3A_968 = arith.constant 0 : i32
        %dma_wait3A_969 = tpu.memref_slice %arg12[%add3A_892, %dma_wait3A_968] : memref<16x128xi32, #tpu.memory_space<vmem>> -> memref<1x128xi32, #tpu.memory_space<vmem>>
        %dma_wait3A_970 = tpu.memref_squeeze %dma_wait3A_969 : memref<1x128xi32, #tpu.memory_space<vmem>> -> memref<128xi32, #tpu.memory_space<vmem>>
        %dma_wait3A_971 = arith.constant 0 : i32
        %dma_wait3A_972 = arith.constant 0 : i32
        %dma_wait3A_973 = tpu.memref_slice %arg19[%dma_wait3A_971, %dma_wait3A_972] : memref<12288x64xf32, #tpu.memory_space<vmem_shared>> -> memref<12288x64xf32, #tpu.memory_space<vmem_shared>>
        tpu.wait_indirect_dma semaphore(%run_scoped3A_955 : memref<!tpu.dma_semaphore, #tpu.memory_space<semaphore_mem>>) src(%dma_wait3A_967 : memref<128x64xf32, #tpu.memory_space<vmem>>) dst(%dma_wait3A_973 : memref<12288x64xf32, #tpu.memory_space<vmem_shared>>)
        tpu.yield
      }) : () -> ()
      %mul3A_893 = arith.constant 2 : i32
      %mul3A_894 = arith.muli %mul3A_848, %mul3A_893 : i32
      %add3A_895 = arith.constant 0 : i32
      %add3A_896 = arith.addi %add3A_895, %mul3A_894 : i32
      %add3A_897 = arith.constant 1 : i32
      %add3A_898 = arith.addi %add3A_896, %add3A_897 : i32
      "tpu.region"() ({
        %run_scoped3A_955 = tpu.sem_alloc : memref<!tpu.dma_semaphore, #tpu.memory_space<semaphore_mem>>
        %dma_start3A_956 = arith.constant 128 : i32
        %dma_start3A_957 = arith.constant 0 : i32
        %dma_start3A_958 = tpu.memref_slice %arg13[%dma_start3A_956, %dma_start3A_957] : memref<256x64xf32, #tpu.memory_space<vmem>> -> memref<128x64xf32, #tpu.memory_space<vmem>>
        %dma_start3A_959 = arith.constant 0 : i32
        %dma_start3A_960 = tpu.memref_slice %arg12[%add3A_898, %dma_start3A_959] : memref<16x128xi32, #tpu.memory_space<vmem>> -> memref<1x128xi32, #tpu.memory_space<vmem>>
        %dma_start3A_961 = tpu.memref_squeeze %dma_start3A_960 : memref<1x128xi32, #tpu.memory_space<vmem>> -> memref<128xi32, #tpu.memory_space<vmem>>
        %dma_start3A_962 = arith.constant 0 : i32
        %dma_start3A_963 = arith.constant 0 : i32
        %dma_start3A_964 = tpu.memref_slice %arg19[%dma_start3A_962, %dma_start3A_963] : memref<12288x64xf32, #tpu.memory_space<vmem_shared>> -> memref<12288x64xf32, #tpu.memory_space<vmem_shared>>
        tpu.enqueue_indirect_dma source(%dma_start3A_958 : memref<128x64xf32, #tpu.memory_space<vmem>>) target(%dma_start3A_964 : memref<12288x64xf32, #tpu.memory_space<vmem_shared>>) offsets(%dma_start3A_961 : memref<128xi32, #tpu.memory_space<vmem>>) semaphore(%run_scoped3A_955 : memref<!tpu.dma_semaphore, #tpu.memory_space<semaphore_mem>>) {add = true}
        %dma_wait3A_965 = arith.constant 128 : i32
        %dma_wait3A_966 = arith.constant 0 : i32
        %dma_wait3A_967 = tpu.memref_slice %arg13[%dma_wait3A_965, %dma_wait3A_966] : memref<256x64xf32, #tpu.memory_space<vmem>> -> memref<128x64xf32, #tpu.memory_space<vmem>>
        %dma_wait3A_968 = arith.constant 0 : i32
        %dma_wait3A_969 = tpu.memref_slice %arg12[%add3A_898, %dma_wait3A_968] : memref<16x128xi32, #tpu.memory_space<vmem>> -> memref<1x128xi32, #tpu.memory_space<vmem>>
        %dma_wait3A_970 = tpu.memref_squeeze %dma_wait3A_969 : memref<1x128xi32, #tpu.memory_space<vmem>> -> memref<128xi32, #tpu.memory_space<vmem>>
        %dma_wait3A_971 = arith.constant 0 : i32
        %dma_wait3A_972 = arith.constant 0 : i32
        %dma_wait3A_973 = tpu.memref_slice %arg19[%dma_wait3A_971, %dma_wait3A_972] : memref<12288x64xf32, #tpu.memory_space<vmem_shared>> -> memref<12288x64xf32, #tpu.memory_space<vmem_shared>>
        tpu.wait_indirect_dma semaphore(%run_scoped3A_955 : memref<!tpu.dma_semaphore, #tpu.memory_space<semaphore_mem>>) src(%dma_wait3A_967 : memref<128x64xf32, #tpu.memory_space<vmem>>) dst(%dma_wait3A_973 : memref<12288x64xf32, #tpu.memory_space<vmem_shared>>)
        tpu.yield
      }) : () -> ()
      %dma_wait3A_899 = arith.constant 0 : i32
      %dma_wait3A_900 = arith.constant 0 : i32
      %dma_wait3A_901 = tpu.memref_slice %arg2[%dma_wait3A_899, %dma_wait3A_900] : memref<65536x64xf32, #tpu.memory_space<hbm>> -> memref<256x64xf32, #tpu.memory_space<hbm>>
      %dma_wait3A_902 = arith.constant 0 : i32
      %dma_wait3A_903 = arith.constant 0 : i32
      %dma_wait3A_904 = tpu.memref_slice %arg2[%dma_wait3A_902, %dma_wait3A_903] : memref<65536x64xf32, #tpu.memory_space<hbm>> -> memref<256x64xf32, #tpu.memory_space<hbm>>
      tpu.wait_dma2 semaphore(%arg21 : memref<!tpu.dma_semaphore, #tpu.memory_space<semaphore_mem>>) src(%dma_wait3A_904 : memref<256x64xf32, #tpu.memory_space<hbm>>) dst(%arg14 : memref<256x64xf32, #tpu.memory_space<vmem>>)
      %add3A_905 = arith.constant 2 : i32
      %add3A_906 = arith.addi %mul3A_848, %add3A_905 : i32
      %rem3A = arith.constant 8 : i32
      %rem3A_907 = arith.remsi %add3A_906, %rem3A : i32
      %mul3A_908 = arith.constant 2 : i32
      %mul3A_909 = arith.muli %rem3A_907, %mul3A_908 : i32
      %add3A_910 = arith.constant 0 : i32
      %add3A_911 = arith.addi %add3A_910, %mul3A_909 : i32
      %add3A_912 = arith.constant 0 : i32
      %add3A_913 = arith.addi %add3A_911, %add3A_912 : i32
      %dma_start3A_914 = arith.constant 0 : i32
      %dma_start3A_915 = arith.constant 0 : i32
      %dma_start3A_916 = tpu.memref_slice %arg13[%dma_start3A_914, %dma_start3A_915] : memref<256x64xf32, #tpu.memory_space<vmem>> -> memref<128x64xf32, #tpu.memory_space<vmem>>
      %dma_start3A_917 = arith.constant 0 : i32
      %dma_start3A_918 = tpu.memref_slice %arg11[%add3A_913, %dma_start3A_917] : memref<16x128xi32, #tpu.memory_space<vmem>> -> memref<1x128xi32, #tpu.memory_space<vmem>>
      %dma_start3A_919 = tpu.memref_squeeze %dma_start3A_918 : memref<1x128xi32, #tpu.memory_space<vmem>> -> memref<128xi32, #tpu.memory_space<vmem>>
      %dma_start3A_920 = arith.constant 0 : i32
      %dma_start3A_921 = arith.constant 0 : i32
      %dma_start3A_922 = tpu.memref_slice %arg2[%dma_start3A_920, %dma_start3A_921] : memref<65536x64xf32, #tpu.memory_space<hbm>> -> memref<65536x64xf32, #tpu.memory_space<hbm>>
      tpu.enqueue_indirect_dma source(%dma_start3A_922 : memref<65536x64xf32, #tpu.memory_space<hbm>>) target(%dma_start3A_916 : memref<128x64xf32, #tpu.memory_space<vmem>>) offsets(%dma_start3A_919 : memref<128xi32, #tpu.memory_space<vmem>>) semaphore(%arg20 : memref<!tpu.dma_semaphore, #tpu.memory_space<semaphore_mem>>)
      %mul3A_923 = arith.constant 2 : i32
      %mul3A_924 = arith.muli %rem3A_907, %mul3A_923 : i32
      %add3A_925 = arith.constant 0 : i32
      %add3A_926 = arith.addi %add3A_925, %mul3A_924 : i32
      %add3A_927 = arith.constant 1 : i32
      %add3A_928 = arith.addi %add3A_926, %add3A_927 : i32
      %dma_start3A_929 = arith.constant 128 : i32
      %dma_start3A_930 = arith.constant 0 : i32
      %dma_start3A_931 = tpu.memref_slice %arg13[%dma_start3A_929, %dma_start3A_930] : memref<256x64xf32, #tpu.memory_space<vmem>> -> memref<128x64xf32, #tpu.memory_space<vmem>>
      %dma_start3A_932 = arith.constant 0 : i32
      %dma_start3A_933 = tpu.memref_slice %arg11[%add3A_928, %dma_start3A_932] : memref<16x128xi32, #tpu.memory_space<vmem>> -> memref<1x128xi32, #tpu.memory_space<vmem>>
      %dma_start3A_934 = tpu.memref_squeeze %dma_start3A_933 : memref<1x128xi32, #tpu.memory_space<vmem>> -> memref<128xi32, #tpu.memory_space<vmem>>
      %dma_start3A_935 = arith.constant 0 : i32
      %dma_start3A_936 = arith.constant 0 : i32
      %dma_start3A_937 = tpu.memref_slice %arg2[%dma_start3A_935, %dma_start3A_936] : memref<65536x64xf32, #tpu.memory_space<hbm>> -> memref<65536x64xf32, #tpu.memory_space<hbm>>
      tpu.enqueue_indirect_dma source(%dma_start3A_937 : memref<65536x64xf32, #tpu.memory_space<hbm>>) target(%dma_start3A_931 : memref<128x64xf32, #tpu.memory_space<vmem>>) offsets(%dma_start3A_934 : memref<128xi32, #tpu.memory_space<vmem>>) semaphore(%arg20 : memref<!tpu.dma_semaphore, #tpu.memory_space<semaphore_mem>>)
      %add3A_938 = arith.constant 1 : i32
      %add3A_939 = arith.addi %mul3A_848, %add3A_938 : i32
      %mul3A_940 = arith.constant 2 : i32
      %mul3A_941 = arith.muli %add3A_939, %mul3A_940 : i32
      %add3A_942 = arith.constant 0 : i32
      %add3A_943 = arith.addi %add3A_942, %mul3A_941 : i32
      %add3A_944 = arith.constant 0 : i32
      %add3A_945 = arith.addi %add3A_943, %add3A_944 : i32
      "tpu.region"() ({
        %run_scoped3A_955 = tpu.sem_alloc : memref<!tpu.dma_semaphore, #tpu.memory_space<semaphore_mem>>
        %dma_start3A_956 = arith.constant 0 : i32
        %dma_start3A_957 = arith.constant 0 : i32
        %dma_start3A_958 = tpu.memref_slice %arg14[%dma_start3A_956, %dma_start3A_957] : memref<256x64xf32, #tpu.memory_space<vmem>> -> memref<128x64xf32, #tpu.memory_space<vmem>>
        %dma_start3A_959 = arith.constant 0 : i32
        %dma_start3A_960 = tpu.memref_slice %arg12[%add3A_945, %dma_start3A_959] : memref<16x128xi32, #tpu.memory_space<vmem>> -> memref<1x128xi32, #tpu.memory_space<vmem>>
        %dma_start3A_961 = tpu.memref_squeeze %dma_start3A_960 : memref<1x128xi32, #tpu.memory_space<vmem>> -> memref<128xi32, #tpu.memory_space<vmem>>
        %dma_start3A_962 = arith.constant 0 : i32
        %dma_start3A_963 = arith.constant 0 : i32
        %dma_start3A_964 = tpu.memref_slice %arg19[%dma_start3A_962, %dma_start3A_963] : memref<12288x64xf32, #tpu.memory_space<vmem_shared>> -> memref<12288x64xf32, #tpu.memory_space<vmem_shared>>
        tpu.enqueue_indirect_dma source(%dma_start3A_958 : memref<128x64xf32, #tpu.memory_space<vmem>>) target(%dma_start3A_964 : memref<12288x64xf32, #tpu.memory_space<vmem_shared>>) offsets(%dma_start3A_961 : memref<128xi32, #tpu.memory_space<vmem>>) semaphore(%run_scoped3A_955 : memref<!tpu.dma_semaphore, #tpu.memory_space<semaphore_mem>>) {add = true}
        %dma_wait3A_965 = arith.constant 0 : i32
        %dma_wait3A_966 = arith.constant 0 : i32
        %dma_wait3A_967 = tpu.memref_slice %arg14[%dma_wait3A_965, %dma_wait3A_966] : memref<256x64xf32, #tpu.memory_space<vmem>> -> memref<128x64xf32, #tpu.memory_space<vmem>>
        %dma_wait3A_968 = arith.constant 0 : i32
        %dma_wait3A_969 = tpu.memref_slice %arg12[%add3A_945, %dma_wait3A_968] : memref<16x128xi32, #tpu.memory_space<vmem>> -> memref<1x128xi32, #tpu.memory_space<vmem>>
        %dma_wait3A_970 = tpu.memref_squeeze %dma_wait3A_969 : memref<1x128xi32, #tpu.memory_space<vmem>> -> memref<128xi32, #tpu.memory_space<vmem>>
        %dma_wait3A_971 = arith.constant 0 : i32
        %dma_wait3A_972 = arith.constant 0 : i32
        %dma_wait3A_973 = tpu.memref_slice %arg19[%dma_wait3A_971, %dma_wait3A_972] : memref<12288x64xf32, #tpu.memory_space<vmem_shared>> -> memref<12288x64xf32, #tpu.memory_space<vmem_shared>>
        tpu.wait_indirect_dma semaphore(%run_scoped3A_955 : memref<!tpu.dma_semaphore, #tpu.memory_space<semaphore_mem>>) src(%dma_wait3A_967 : memref<128x64xf32, #tpu.memory_space<vmem>>) dst(%dma_wait3A_973 : memref<12288x64xf32, #tpu.memory_space<vmem_shared>>)
        tpu.yield
      }) : () -> ()
      %add3A_946 = arith.constant 1 : i32
      %add3A_947 = arith.addi %mul3A_848, %add3A_946 : i32
      %mul3A_948 = arith.constant 2 : i32
      %mul3A_949 = arith.muli %add3A_947, %mul3A_948 : i32
      %add3A_950 = arith.constant 0 : i32
      %add3A_951 = arith.addi %add3A_950, %mul3A_949 : i32
      %add3A_952 = arith.constant 1 : i32
      %add3A_953 = arith.addi %add3A_951, %add3A_952 : i32
      "tpu.region"() ({
        %run_scoped3A_955 = tpu.sem_alloc : memref<!tpu.dma_semaphore, #tpu.memory_space<semaphore_mem>>
        %dma_start3A_956 = arith.constant 128 : i32
        %dma_start3A_957 = arith.constant 0 : i32
        %dma_start3A_958 = tpu.memref_slice %arg14[%dma_start3A_956, %dma_start3A_957] : memref<256x64xf32, #tpu.memory_space<vmem>> -> memref<128x64xf32, #tpu.memory_space<vmem>>
        %dma_start3A_959 = arith.constant 0 : i32
        %dma_start3A_960 = tpu.memref_slice %arg12[%add3A_953, %dma_start3A_959] : memref<16x128xi32, #tpu.memory_space<vmem>> -> memref<1x128xi32, #tpu.memory_space<vmem>>
        %dma_start3A_961 = tpu.memref_squeeze %dma_start3A_960 : memref<1x128xi32, #tpu.memory_space<vmem>> -> memref<128xi32, #tpu.memory_space<vmem>>
        %dma_start3A_962 = arith.constant 0 : i32
        %dma_start3A_963 = arith.constant 0 : i32
        %dma_start3A_964 = tpu.memref_slice %arg19[%dma_start3A_962, %dma_start3A_963] : memref<12288x64xf32, #tpu.memory_space<vmem_shared>> -> memref<12288x64xf32, #tpu.memory_space<vmem_shared>>
        tpu.enqueue_indirect_dma source(%dma_start3A_958 : memref<128x64xf32, #tpu.memory_space<vmem>>) target(%dma_start3A_964 : memref<12288x64xf32, #tpu.memory_space<vmem_shared>>) offsets(%dma_start3A_961 : memref<128xi32, #tpu.memory_space<vmem>>) semaphore(%run_scoped3A_955 : memref<!tpu.dma_semaphore, #tpu.memory_space<semaphore_mem>>) {add = true}
        %dma_wait3A_965 = arith.constant 128 : i32
        %dma_wait3A_966 = arith.constant 0 : i32
        %dma_wait3A_967 = tpu.memref_slice %arg14[%dma_wait3A_965, %dma_wait3A_966] : memref<256x64xf32, #tpu.memory_space<vmem>> -> memref<128x64xf32, #tpu.memory_space<vmem>>
        %dma_wait3A_968 = arith.constant 0 : i32
        %dma_wait3A_969 = tpu.memref_slice %arg12[%add3A_953, %dma_wait3A_968] : memref<16x128xi32, #tpu.memory_space<vmem>> -> memref<1x128xi32, #tpu.memory_space<vmem>>
        %dma_wait3A_970 = tpu.memref_squeeze %dma_wait3A_969 : memref<1x128xi32, #tpu.memory_space<vmem>> -> memref<128xi32, #tpu.memory_space<vmem>>
        %dma_wait3A_971 = arith.constant 0 : i32
        %dma_wait3A_972 = arith.constant 0 : i32
        %dma_wait3A_973 = tpu.memref_slice %arg19[%dma_wait3A_971, %dma_wait3A_972] : memref<12288x64xf32, #tpu.memory_space<vmem_shared>> -> memref<12288x64xf32, #tpu.memory_space<vmem_shared>>
        tpu.wait_indirect_dma semaphore(%run_scoped3A_955 : memref<!tpu.dma_semaphore, #tpu.memory_space<semaphore_mem>>) src(%dma_wait3A_967 : memref<128x64xf32, #tpu.memory_space<vmem>>) dst(%dma_wait3A_973 : memref<12288x64xf32, #tpu.memory_space<vmem_shared>>)
        tpu.yield
      }) : () -> ()
      %scan3A_954 = arith.constant 0 : i32
      scf.yield %scan3A_954 : i32
    }
    %scan3A_244 = arith.constant 4 : i32
    %dma_wait3A_245 = arith.constant 0 : i32
    %dma_wait3A_246 = arith.constant 0 : i32
    %dma_wait3A_247 = tpu.memref_slice %arg2[%dma_wait3A_245, %dma_wait3A_246] : memref<65536x64xf32, #tpu.memory_space<hbm>> -> memref<256x64xf32, #tpu.memory_space<hbm>>
    %dma_wait3A_248 = arith.constant 0 : i32
    %dma_wait3A_249 = arith.constant 0 : i32
    %dma_wait3A_250 = tpu.memref_slice %arg2[%dma_wait3A_248, %dma_wait3A_249] : memref<65536x64xf32, #tpu.memory_space<hbm>> -> memref<256x64xf32, #tpu.memory_space<hbm>>
    tpu.wait_dma2 semaphore(%arg20 : memref<!tpu.dma_semaphore, #tpu.memory_space<semaphore_mem>>) src(%dma_wait3A_250 : memref<256x64xf32, #tpu.memory_space<hbm>>) dst(%arg13 : memref<256x64xf32, #tpu.memory_space<vmem>>)
    %dma_start3A_251 = arith.constant 0 : i32
    %dma_start3A_252 = tpu.memref_slice %arg7[%mul3A_192, %dma_start3A_251] : memref<32768x64xf32, #tpu.memory_space<hbm>> -> memref<128x64xf32, #tpu.memory_space<hbm>>
    %dma_start3A_253 = arith.constant 0 : i32
    %dma_start3A_254 = tpu.memref_slice %arg19[%add3A_194, %dma_start3A_253] : memref<12288x64xf32, #tpu.memory_space<vmem_shared>> -> memref<128x64xf32, #tpu.memory_space<vmem_shared>>
    tpu.enqueue_dma source(%dma_start3A_254 : memref<128x64xf32, #tpu.memory_space<vmem_shared>>) target(%dma_start3A_252 : memref<128x64xf32, #tpu.memory_space<hbm>>) target_semaphore(%arg22 : memref<!tpu.dma_semaphore, #tpu.memory_space<semaphore_mem>>)
    %dma_start3A_255 = arith.constant 0 : i32
    %dma_start3A_256 = tpu.memref_slice %arg8[%mul3A_192, %dma_start3A_255] : memref<32768x64xf32, #tpu.memory_space<hbm>> -> memref<128x64xf32, #tpu.memory_space<hbm>>
    %dma_start3A_257 = arith.constant 0 : i32
    %dma_start3A_258 = tpu.memref_slice %arg19[%add3A_196, %dma_start3A_257] : memref<12288x64xf32, #tpu.memory_space<vmem_shared>> -> memref<128x64xf32, #tpu.memory_space<vmem_shared>>
    tpu.enqueue_dma source(%dma_start3A_258 : memref<128x64xf32, #tpu.memory_space<vmem_shared>>) target(%dma_start3A_256 : memref<128x64xf32, #tpu.memory_space<hbm>>) target_semaphore(%arg22 : memref<!tpu.dma_semaphore, #tpu.memory_space<semaphore_mem>>)
    %dma_start3A_259 = arith.constant 0 : i32
    %dma_start3A_260 = tpu.memref_slice %arg9[%mul3A_192, %dma_start3A_259] : memref<32768x64xf32, #tpu.memory_space<hbm>> -> memref<128x64xf32, #tpu.memory_space<hbm>>
    %dma_start3A_261 = arith.constant 0 : i32
    %dma_start3A_262 = tpu.memref_slice %arg19[%add3A_198, %dma_start3A_261] : memref<12288x64xf32, #tpu.memory_space<vmem_shared>> -> memref<128x64xf32, #tpu.memory_space<vmem_shared>>
    tpu.enqueue_dma source(%dma_start3A_262 : memref<128x64xf32, #tpu.memory_space<vmem_shared>>) target(%dma_start3A_260 : memref<128x64xf32, #tpu.memory_space<hbm>>) target_semaphore(%arg22 : memref<!tpu.dma_semaphore, #tpu.memory_space<semaphore_mem>>)
    %mul3A_263 = arith.constant 2 : i32
    %mul3A_264 = arith.muli %arg1, %mul3A_263 : i32
    %add3A_265 = arith.constant 1 : i32
    %add3A_266 = arith.addi %mul3A_264, %add3A_265 : i32
    %mul3A_267 = arith.constant 384 : i32
    %mul3A_268 = arith.muli %add3A_266, %mul3A_267 : i32
    %mul3A_269 = arith.constant 8 : i32
    %mul3A_270 = arith.muli %add3A, %mul3A_269 : i32
    %add3A_271 = arith.constant 3 : i32
    %add3A_272 = arith.addi %mul3A_270, %add3A_271 : i32
    %mul3A_273 = arith.constant 16 : i32
    %mul3A_274 = arith.muli %add3A_272, %mul3A_273 : i32
    "tpu.region"() ({
      %run_scoped3A_845 = tpu.sem_alloc : memref<!tpu.dma_semaphore, #tpu.memory_space<semaphore_mem>>
      %dma_start3A_846 = arith.constant 0 : i32
      %dma_start3A_847 = tpu.memref_slice %arg3[%mul3A_274, %dma_start3A_846] : memref<4096x128xi32, #tpu.memory_space<hbm>> -> memref<16x128xi32, #tpu.memory_space<hbm>>
      %dma_start3A_848 = arith.constant 0 : i32
      %dma_start3A_849 = tpu.memref_slice %arg3[%mul3A_274, %dma_start3A_848] : memref<4096x128xi32, #tpu.memory_space<hbm>> -> memref<16x128xi32, #tpu.memory_space<hbm>>
      tpu.enqueue_dma source(%dma_start3A_849 : memref<16x128xi32, #tpu.memory_space<hbm>>) target(%arg11 : memref<16x128xi32, #tpu.memory_space<vmem>>) target_semaphore(%run_scoped3A_845 : memref<!tpu.dma_semaphore, #tpu.memory_space<semaphore_mem>>)
      %dma_wait3A_850 = arith.constant 0 : i32
      %dma_wait3A_851 = tpu.memref_slice %arg3[%mul3A_274, %dma_wait3A_850] : memref<4096x128xi32, #tpu.memory_space<hbm>> -> memref<16x128xi32, #tpu.memory_space<hbm>>
      %dma_wait3A_852 = arith.constant 0 : i32
      %dma_wait3A_853 = tpu.memref_slice %arg3[%mul3A_274, %dma_wait3A_852] : memref<4096x128xi32, #tpu.memory_space<hbm>> -> memref<16x128xi32, #tpu.memory_space<hbm>>
      tpu.wait_dma2 semaphore(%run_scoped3A_845 : memref<!tpu.dma_semaphore, #tpu.memory_space<semaphore_mem>>) src(%dma_wait3A_853 : memref<16x128xi32, #tpu.memory_space<hbm>>) dst(%arg11 : memref<16x128xi32, #tpu.memory_space<vmem>>)
      tpu.yield
    }) : () -> ()
    %mul3A_275 = arith.constant 8 : i32
    %mul3A_276 = arith.muli %add3A, %mul3A_275 : i32
    %add3A_277 = arith.constant 3 : i32
    %add3A_278 = arith.addi %mul3A_276, %add3A_277 : i32
    %mul3A_279 = arith.constant 16 : i32
    %mul3A_280 = arith.muli %add3A_278, %mul3A_279 : i32
    "tpu.region"() ({
      %run_scoped3A_845 = tpu.sem_alloc : memref<!tpu.dma_semaphore, #tpu.memory_space<semaphore_mem>>
      %dma_start3A_846 = arith.constant 0 : i32
      %dma_start3A_847 = tpu.memref_slice %arg4[%mul3A_280, %dma_start3A_846] : memref<4096x128xi32, #tpu.memory_space<hbm>> -> memref<16x128xi32, #tpu.memory_space<hbm>>
      %dma_start3A_848 = arith.constant 0 : i32
      %dma_start3A_849 = tpu.memref_slice %arg4[%mul3A_280, %dma_start3A_848] : memref<4096x128xi32, #tpu.memory_space<hbm>> -> memref<16x128xi32, #tpu.memory_space<hbm>>
      tpu.enqueue_dma source(%dma_start3A_849 : memref<16x128xi32, #tpu.memory_space<hbm>>) target(%arg12 : memref<16x128xi32, #tpu.memory_space<vmem>>) target_semaphore(%run_scoped3A_845 : memref<!tpu.dma_semaphore, #tpu.memory_space<semaphore_mem>>)
      %dma_wait3A_850 = arith.constant 0 : i32
      %dma_wait3A_851 = tpu.memref_slice %arg4[%mul3A_280, %dma_wait3A_850] : memref<4096x128xi32, #tpu.memory_space<hbm>> -> memref<16x128xi32, #tpu.memory_space<hbm>>
      %dma_wait3A_852 = arith.constant 0 : i32
      %dma_wait3A_853 = tpu.memref_slice %arg4[%mul3A_280, %dma_wait3A_852] : memref<4096x128xi32, #tpu.memory_space<hbm>> -> memref<16x128xi32, #tpu.memory_space<hbm>>
      tpu.wait_dma2 semaphore(%run_scoped3A_845 : memref<!tpu.dma_semaphore, #tpu.memory_space<semaphore_mem>>) src(%dma_wait3A_853 : memref<16x128xi32, #tpu.memory_space<hbm>>) dst(%arg12 : memref<16x128xi32, #tpu.memory_space<vmem>>)
      tpu.yield
    }) : () -> ()
    %mul3A_281 = arith.constant 8 : i32
    %mul3A_282 = arith.muli %add3A, %mul3A_281 : i32
    %add3A_283 = arith.constant 3 : i32
    %add3A_284 = arith.addi %mul3A_282, %add3A_283 : i32
    %mul3A_285 = arith.constant 128 : i32
    %mul3A_286 = arith.muli %add3A_284, %mul3A_285 : i32
    %add3A_287 = arith.constant 0 : i32
    %add3A_288 = arith.addi %mul3A_268, %add3A_287 : i32
    %add3A_289 = arith.constant 128 : i32
    %add3A_290 = arith.addi %mul3A_268, %add3A_289 : i32
    %add3A_291 = arith.constant 256 : i32
    %add3A_292 = arith.addi %mul3A_268, %add3A_291 : i32
    %dma_wait3A_293 = arith.constant 0 : i32
    %dma_wait3A_294 = tpu.memref_slice %arg7[%mul3A_286, %dma_wait3A_293] : memref<32768x64xf32, #tpu.memory_space<hbm>> -> memref<128x64xf32, #tpu.memory_space<hbm>>
    %dma_wait3A_295 = arith.constant 0 : i32
    %dma_wait3A_296 = tpu.memref_slice %arg19[%add3A_288, %dma_wait3A_295] : memref<12288x64xf32, #tpu.memory_space<vmem_shared>> -> memref<128x64xf32, #tpu.memory_space<vmem_shared>>
    tpu.wait_dma2 semaphore(%arg23 : memref<!tpu.dma_semaphore, #tpu.memory_space<semaphore_mem>>) src(%dma_wait3A_296 : memref<128x64xf32, #tpu.memory_space<vmem_shared>>) dst(%dma_wait3A_294 : memref<128x64xf32, #tpu.memory_space<hbm>>)
    %dma_wait3A_297 = arith.constant 0 : i32
    %dma_wait3A_298 = tpu.memref_slice %arg8[%mul3A_286, %dma_wait3A_297] : memref<32768x64xf32, #tpu.memory_space<hbm>> -> memref<128x64xf32, #tpu.memory_space<hbm>>
    %dma_wait3A_299 = arith.constant 0 : i32
    %dma_wait3A_300 = tpu.memref_slice %arg19[%add3A_290, %dma_wait3A_299] : memref<12288x64xf32, #tpu.memory_space<vmem_shared>> -> memref<128x64xf32, #tpu.memory_space<vmem_shared>>
    tpu.wait_dma2 semaphore(%arg23 : memref<!tpu.dma_semaphore, #tpu.memory_space<semaphore_mem>>) src(%dma_wait3A_300 : memref<128x64xf32, #tpu.memory_space<vmem_shared>>) dst(%dma_wait3A_298 : memref<128x64xf32, #tpu.memory_space<hbm>>)
    %dma_wait3A_301 = arith.constant 0 : i32
    %dma_wait3A_302 = tpu.memref_slice %arg9[%mul3A_286, %dma_wait3A_301] : memref<32768x64xf32, #tpu.memory_space<hbm>> -> memref<128x64xf32, #tpu.memory_space<hbm>>
    %dma_wait3A_303 = arith.constant 0 : i32
    %dma_wait3A_304 = tpu.memref_slice %arg19[%add3A_292, %dma_wait3A_303] : memref<12288x64xf32, #tpu.memory_space<vmem_shared>> -> memref<128x64xf32, #tpu.memory_space<vmem_shared>>
    tpu.wait_dma2 semaphore(%arg23 : memref<!tpu.dma_semaphore, #tpu.memory_space<semaphore_mem>>) src(%dma_wait3A_304 : memref<128x64xf32, #tpu.memory_space<vmem_shared>>) dst(%dma_wait3A_302 : memref<128x64xf32, #tpu.memory_space<hbm>>)
    %scan3A_305 = arith.constant 0 : i32
    %scan3A_306 = arith.constant 0 : i32
    %scan3A_307 = arith.constant 6 : i32
    %scan3A_308 = arith.addi %scan3A_306, %scan3A_307 : i32
    %scan3A_309 = arith.constant 1 : i32
    %scan3A_310 = scf.for %scan3A_845 = %scan3A_306 to %scan3A_308 step %scan3A_309 iter_args(%scan3A_846 = %scan3A_305) -> (i32)  : i32 {
      %mul3A_847 = arith.constant 2 : i32
      %mul3A_848 = arith.muli %arg1, %mul3A_847 : i32
      %add3A_849 = arith.constant 1 : i32
      %add3A_850 = arith.addi %mul3A_848, %add3A_849 : i32
      %mul3A_851 = arith.constant 384 : i32
      %mul3A_852 = arith.muli %add3A_850, %mul3A_851 : i32
      %mul3A_853 = arith.constant 64 : i32
      %mul3A_854 = arith.muli %scan3A_845, %mul3A_853 : i32
      %add3A_855 = arith.addi %mul3A_852, %mul3A_854 : i32
      "tpu.region"() ({
        %run_scoped3A_857 = tpu.sem_alloc : memref<!tpu.dma_semaphore, #tpu.memory_space<semaphore_mem>>
        %dma_start3A_858 = arith.constant 0 : i32
        %dma_start3A_859 = tpu.memref_slice %arg19[%add3A_855, %dma_start3A_858] : memref<12288x64xf32, #tpu.memory_space<vmem_shared>> -> memref<64x64xf32, #tpu.memory_space<vmem_shared>>
        %dma_start3A_860 = arith.constant 0 : i32
        %dma_start3A_861 = tpu.memref_slice %arg19[%add3A_855, %dma_start3A_860] : memref<12288x64xf32, #tpu.memory_space<vmem_shared>> -> memref<64x64xf32, #tpu.memory_space<vmem_shared>>
        tpu.enqueue_dma source(%arg15 : memref<64x64xf32, #tpu.memory_space<vmem>>) target(%dma_start3A_861 : memref<64x64xf32, #tpu.memory_space<vmem_shared>>) target_semaphore(%run_scoped3A_857 : memref<!tpu.dma_semaphore, #tpu.memory_space<semaphore_mem>>)
        %dma_wait3A_862 = arith.constant 0 : i32
        %dma_wait3A_863 = tpu.memref_slice %arg19[%add3A_855, %dma_wait3A_862] : memref<12288x64xf32, #tpu.memory_space<vmem_shared>> -> memref<64x64xf32, #tpu.memory_space<vmem_shared>>
        %dma_wait3A_864 = arith.constant 0 : i32
        %dma_wait3A_865 = tpu.memref_slice %arg19[%add3A_855, %dma_wait3A_864] : memref<12288x64xf32, #tpu.memory_space<vmem_shared>> -> memref<64x64xf32, #tpu.memory_space<vmem_shared>>
        tpu.wait_dma2 semaphore(%run_scoped3A_857 : memref<!tpu.dma_semaphore, #tpu.memory_space<semaphore_mem>>) src(%arg15 : memref<64x64xf32, #tpu.memory_space<vmem>>) dst(%dma_wait3A_865 : memref<64x64xf32, #tpu.memory_space<vmem_shared>>)
        tpu.yield
      }) : () -> ()
      %scan3A_856 = arith.constant 0 : i32
      scf.yield %scan3A_856 : i32
    }
    %scan3A_311 = arith.constant 6 : i32
    %dma_start3A_312 = arith.constant 0 : i32
    %dma_start3A_313 = arith.constant 0 : i32
    %dma_start3A_314 = arith.constant 0 : i32
    %dma_start3A_315 = tpu.memref_slice %arg13[%dma_start3A_313, %dma_start3A_314] : memref<256x64xf32, #tpu.memory_space<vmem>> -> memref<128x64xf32, #tpu.memory_space<vmem>>
    %dma_start3A_316 = arith.constant 0 : i32
    %dma_start3A_317 = tpu.memref_slice %arg11[%dma_start3A_312, %dma_start3A_316] : memref<16x128xi32, #tpu.memory_space<vmem>> -> memref<1x128xi32, #tpu.memory_space<vmem>>
    %dma_start3A_318 = tpu.memref_squeeze %dma_start3A_317 : memref<1x128xi32, #tpu.memory_space<vmem>> -> memref<128xi32, #tpu.memory_space<vmem>>
    %dma_start3A_319 = arith.constant 0 : i32
    %dma_start3A_320 = arith.constant 0 : i32
    %dma_start3A_321 = tpu.memref_slice %arg2[%dma_start3A_319, %dma_start3A_320] : memref<65536x64xf32, #tpu.memory_space<hbm>> -> memref<65536x64xf32, #tpu.memory_space<hbm>>
    tpu.enqueue_indirect_dma source(%dma_start3A_321 : memref<65536x64xf32, #tpu.memory_space<hbm>>) target(%dma_start3A_315 : memref<128x64xf32, #tpu.memory_space<vmem>>) offsets(%dma_start3A_318 : memref<128xi32, #tpu.memory_space<vmem>>) semaphore(%arg20 : memref<!tpu.dma_semaphore, #tpu.memory_space<semaphore_mem>>)
    %dma_start3A_322 = arith.constant 1 : i32
    %dma_start3A_323 = arith.constant 128 : i32
    %dma_start3A_324 = arith.constant 0 : i32
    %dma_start3A_325 = tpu.memref_slice %arg13[%dma_start3A_323, %dma_start3A_324] : memref<256x64xf32, #tpu.memory_space<vmem>> -> memref<128x64xf32, #tpu.memory_space<vmem>>
    %dma_start3A_326 = arith.constant 0 : i32
    %dma_start3A_327 = tpu.memref_slice %arg11[%dma_start3A_322, %dma_start3A_326] : memref<16x128xi32, #tpu.memory_space<vmem>> -> memref<1x128xi32, #tpu.memory_space<vmem>>
    %dma_start3A_328 = tpu.memref_squeeze %dma_start3A_327 : memref<1x128xi32, #tpu.memory_space<vmem>> -> memref<128xi32, #tpu.memory_space<vmem>>
    %dma_start3A_329 = arith.constant 0 : i32
    %dma_start3A_330 = arith.constant 0 : i32
    %dma_start3A_331 = tpu.memref_slice %arg2[%dma_start3A_329, %dma_start3A_330] : memref<65536x64xf32, #tpu.memory_space<hbm>> -> memref<65536x64xf32, #tpu.memory_space<hbm>>
    tpu.enqueue_indirect_dma source(%dma_start3A_331 : memref<65536x64xf32, #tpu.memory_space<hbm>>) target(%dma_start3A_325 : memref<128x64xf32, #tpu.memory_space<vmem>>) offsets(%dma_start3A_328 : memref<128xi32, #tpu.memory_space<vmem>>) semaphore(%arg20 : memref<!tpu.dma_semaphore, #tpu.memory_space<semaphore_mem>>)
    %scan3A_332 = arith.constant 0 : i32
    %scan3A_333 = arith.constant 0 : i32
    %scan3A_334 = arith.constant 4 : i32
    %scan3A_335 = arith.addi %scan3A_333, %scan3A_334 : i32
    %scan3A_336 = arith.constant 1 : i32
    %scan3A_337 = scf.for %scan3A_845 = %scan3A_333 to %scan3A_335 step %scan3A_336 iter_args(%scan3A_846 = %scan3A_332) -> (i32)  : i32 {
      %mul3A_847 = arith.constant 2 : i32
      %mul3A_848 = arith.muli %mul3A_847, %scan3A_845 : i32
      %dma_wait3A_849 = arith.constant 0 : i32
      %dma_wait3A_850 = arith.constant 0 : i32
      %dma_wait3A_851 = tpu.memref_slice %arg2[%dma_wait3A_849, %dma_wait3A_850] : memref<65536x64xf32, #tpu.memory_space<hbm>> -> memref<256x64xf32, #tpu.memory_space<hbm>>
      %dma_wait3A_852 = arith.constant 0 : i32
      %dma_wait3A_853 = arith.constant 0 : i32
      %dma_wait3A_854 = tpu.memref_slice %arg2[%dma_wait3A_852, %dma_wait3A_853] : memref<65536x64xf32, #tpu.memory_space<hbm>> -> memref<256x64xf32, #tpu.memory_space<hbm>>
      tpu.wait_dma2 semaphore(%arg20 : memref<!tpu.dma_semaphore, #tpu.memory_space<semaphore_mem>>) src(%dma_wait3A_854 : memref<256x64xf32, #tpu.memory_space<hbm>>) dst(%arg13 : memref<256x64xf32, #tpu.memory_space<vmem>>)
      %add3A_855 = arith.constant 1 : i32
      %add3A_856 = arith.addi %mul3A_848, %add3A_855 : i32
      %mul3A_857 = arith.constant 2 : i32
      %mul3A_858 = arith.muli %add3A_856, %mul3A_857 : i32
      %add3A_859 = arith.constant 0 : i32
      %add3A_860 = arith.addi %add3A_859, %mul3A_858 : i32
      %add3A_861 = arith.constant 0 : i32
      %add3A_862 = arith.addi %add3A_860, %add3A_861 : i32
      %dma_start3A_863 = arith.constant 0 : i32
      %dma_start3A_864 = arith.constant 0 : i32
      %dma_start3A_865 = tpu.memref_slice %arg14[%dma_start3A_863, %dma_start3A_864] : memref<256x64xf32, #tpu.memory_space<vmem>> -> memref<128x64xf32, #tpu.memory_space<vmem>>
      %dma_start3A_866 = arith.constant 0 : i32
      %dma_start3A_867 = tpu.memref_slice %arg11[%add3A_862, %dma_start3A_866] : memref<16x128xi32, #tpu.memory_space<vmem>> -> memref<1x128xi32, #tpu.memory_space<vmem>>
      %dma_start3A_868 = tpu.memref_squeeze %dma_start3A_867 : memref<1x128xi32, #tpu.memory_space<vmem>> -> memref<128xi32, #tpu.memory_space<vmem>>
      %dma_start3A_869 = arith.constant 0 : i32
      %dma_start3A_870 = arith.constant 0 : i32
      %dma_start3A_871 = tpu.memref_slice %arg2[%dma_start3A_869, %dma_start3A_870] : memref<65536x64xf32, #tpu.memory_space<hbm>> -> memref<65536x64xf32, #tpu.memory_space<hbm>>
      tpu.enqueue_indirect_dma source(%dma_start3A_871 : memref<65536x64xf32, #tpu.memory_space<hbm>>) target(%dma_start3A_865 : memref<128x64xf32, #tpu.memory_space<vmem>>) offsets(%dma_start3A_868 : memref<128xi32, #tpu.memory_space<vmem>>) semaphore(%arg21 : memref<!tpu.dma_semaphore, #tpu.memory_space<semaphore_mem>>)
      %mul3A_872 = arith.constant 2 : i32
      %mul3A_873 = arith.muli %add3A_856, %mul3A_872 : i32
      %add3A_874 = arith.constant 0 : i32
      %add3A_875 = arith.addi %add3A_874, %mul3A_873 : i32
      %add3A_876 = arith.constant 1 : i32
      %add3A_877 = arith.addi %add3A_875, %add3A_876 : i32
      %dma_start3A_878 = arith.constant 128 : i32
      %dma_start3A_879 = arith.constant 0 : i32
      %dma_start3A_880 = tpu.memref_slice %arg14[%dma_start3A_878, %dma_start3A_879] : memref<256x64xf32, #tpu.memory_space<vmem>> -> memref<128x64xf32, #tpu.memory_space<vmem>>
      %dma_start3A_881 = arith.constant 0 : i32
      %dma_start3A_882 = tpu.memref_slice %arg11[%add3A_877, %dma_start3A_881] : memref<16x128xi32, #tpu.memory_space<vmem>> -> memref<1x128xi32, #tpu.memory_space<vmem>>
      %dma_start3A_883 = tpu.memref_squeeze %dma_start3A_882 : memref<1x128xi32, #tpu.memory_space<vmem>> -> memref<128xi32, #tpu.memory_space<vmem>>
      %dma_start3A_884 = arith.constant 0 : i32
      %dma_start3A_885 = arith.constant 0 : i32
      %dma_start3A_886 = tpu.memref_slice %arg2[%dma_start3A_884, %dma_start3A_885] : memref<65536x64xf32, #tpu.memory_space<hbm>> -> memref<65536x64xf32, #tpu.memory_space<hbm>>
      tpu.enqueue_indirect_dma source(%dma_start3A_886 : memref<65536x64xf32, #tpu.memory_space<hbm>>) target(%dma_start3A_880 : memref<128x64xf32, #tpu.memory_space<vmem>>) offsets(%dma_start3A_883 : memref<128xi32, #tpu.memory_space<vmem>>) semaphore(%arg21 : memref<!tpu.dma_semaphore, #tpu.memory_space<semaphore_mem>>)
      %mul3A_887 = arith.constant 2 : i32
      %mul3A_888 = arith.muli %mul3A_848, %mul3A_887 : i32
      %add3A_889 = arith.constant 0 : i32
      %add3A_890 = arith.addi %add3A_889, %mul3A_888 : i32
      %add3A_891 = arith.constant 0 : i32
      %add3A_892 = arith.addi %add3A_890, %add3A_891 : i32
      "tpu.region"() ({
        %run_scoped3A_955 = tpu.sem_alloc : memref<!tpu.dma_semaphore, #tpu.memory_space<semaphore_mem>>
        %dma_start3A_956 = arith.constant 0 : i32
        %dma_start3A_957 = arith.constant 0 : i32
        %dma_start3A_958 = tpu.memref_slice %arg13[%dma_start3A_956, %dma_start3A_957] : memref<256x64xf32, #tpu.memory_space<vmem>> -> memref<128x64xf32, #tpu.memory_space<vmem>>
        %dma_start3A_959 = arith.constant 0 : i32
        %dma_start3A_960 = tpu.memref_slice %arg12[%add3A_892, %dma_start3A_959] : memref<16x128xi32, #tpu.memory_space<vmem>> -> memref<1x128xi32, #tpu.memory_space<vmem>>
        %dma_start3A_961 = tpu.memref_squeeze %dma_start3A_960 : memref<1x128xi32, #tpu.memory_space<vmem>> -> memref<128xi32, #tpu.memory_space<vmem>>
        %dma_start3A_962 = arith.constant 0 : i32
        %dma_start3A_963 = arith.constant 0 : i32
        %dma_start3A_964 = tpu.memref_slice %arg19[%dma_start3A_962, %dma_start3A_963] : memref<12288x64xf32, #tpu.memory_space<vmem_shared>> -> memref<12288x64xf32, #tpu.memory_space<vmem_shared>>
        tpu.enqueue_indirect_dma source(%dma_start3A_958 : memref<128x64xf32, #tpu.memory_space<vmem>>) target(%dma_start3A_964 : memref<12288x64xf32, #tpu.memory_space<vmem_shared>>) offsets(%dma_start3A_961 : memref<128xi32, #tpu.memory_space<vmem>>) semaphore(%run_scoped3A_955 : memref<!tpu.dma_semaphore, #tpu.memory_space<semaphore_mem>>) {add = true}
        %dma_wait3A_965 = arith.constant 0 : i32
        %dma_wait3A_966 = arith.constant 0 : i32
        %dma_wait3A_967 = tpu.memref_slice %arg13[%dma_wait3A_965, %dma_wait3A_966] : memref<256x64xf32, #tpu.memory_space<vmem>> -> memref<128x64xf32, #tpu.memory_space<vmem>>
        %dma_wait3A_968 = arith.constant 0 : i32
        %dma_wait3A_969 = tpu.memref_slice %arg12[%add3A_892, %dma_wait3A_968] : memref<16x128xi32, #tpu.memory_space<vmem>> -> memref<1x128xi32, #tpu.memory_space<vmem>>
        %dma_wait3A_970 = tpu.memref_squeeze %dma_wait3A_969 : memref<1x128xi32, #tpu.memory_space<vmem>> -> memref<128xi32, #tpu.memory_space<vmem>>
        %dma_wait3A_971 = arith.constant 0 : i32
        %dma_wait3A_972 = arith.constant 0 : i32
        %dma_wait3A_973 = tpu.memref_slice %arg19[%dma_wait3A_971, %dma_wait3A_972] : memref<12288x64xf32, #tpu.memory_space<vmem_shared>> -> memref<12288x64xf32, #tpu.memory_space<vmem_shared>>
        tpu.wait_indirect_dma semaphore(%run_scoped3A_955 : memref<!tpu.dma_semaphore, #tpu.memory_space<semaphore_mem>>) src(%dma_wait3A_967 : memref<128x64xf32, #tpu.memory_space<vmem>>) dst(%dma_wait3A_973 : memref<12288x64xf32, #tpu.memory_space<vmem_shared>>)
        tpu.yield
      }) : () -> ()
      %mul3A_893 = arith.constant 2 : i32
      %mul3A_894 = arith.muli %mul3A_848, %mul3A_893 : i32
      %add3A_895 = arith.constant 0 : i32
      %add3A_896 = arith.addi %add3A_895, %mul3A_894 : i32
      %add3A_897 = arith.constant 1 : i32
      %add3A_898 = arith.addi %add3A_896, %add3A_897 : i32
      "tpu.region"() ({
        %run_scoped3A_955 = tpu.sem_alloc : memref<!tpu.dma_semaphore, #tpu.memory_space<semaphore_mem>>
        %dma_start3A_956 = arith.constant 128 : i32
        %dma_start3A_957 = arith.constant 0 : i32
        %dma_start3A_958 = tpu.memref_slice %arg13[%dma_start3A_956, %dma_start3A_957] : memref<256x64xf32, #tpu.memory_space<vmem>> -> memref<128x64xf32, #tpu.memory_space<vmem>>
        %dma_start3A_959 = arith.constant 0 : i32
        %dma_start3A_960 = tpu.memref_slice %arg12[%add3A_898, %dma_start3A_959] : memref<16x128xi32, #tpu.memory_space<vmem>> -> memref<1x128xi32, #tpu.memory_space<vmem>>
        %dma_start3A_961 = tpu.memref_squeeze %dma_start3A_960 : memref<1x128xi32, #tpu.memory_space<vmem>> -> memref<128xi32, #tpu.memory_space<vmem>>
        %dma_start3A_962 = arith.constant 0 : i32
        %dma_start3A_963 = arith.constant 0 : i32
        %dma_start3A_964 = tpu.memref_slice %arg19[%dma_start3A_962, %dma_start3A_963] : memref<12288x64xf32, #tpu.memory_space<vmem_shared>> -> memref<12288x64xf32, #tpu.memory_space<vmem_shared>>
        tpu.enqueue_indirect_dma source(%dma_start3A_958 : memref<128x64xf32, #tpu.memory_space<vmem>>) target(%dma_start3A_964 : memref<12288x64xf32, #tpu.memory_space<vmem_shared>>) offsets(%dma_start3A_961 : memref<128xi32, #tpu.memory_space<vmem>>) semaphore(%run_scoped3A_955 : memref<!tpu.dma_semaphore, #tpu.memory_space<semaphore_mem>>) {add = true}
        %dma_wait3A_965 = arith.constant 128 : i32
        %dma_wait3A_966 = arith.constant 0 : i32
        %dma_wait3A_967 = tpu.memref_slice %arg13[%dma_wait3A_965, %dma_wait3A_966] : memref<256x64xf32, #tpu.memory_space<vmem>> -> memref<128x64xf32, #tpu.memory_space<vmem>>
        %dma_wait3A_968 = arith.constant 0 : i32
        %dma_wait3A_969 = tpu.memref_slice %arg12[%add3A_898, %dma_wait3A_968] : memref<16x128xi32, #tpu.memory_space<vmem>> -> memref<1x128xi32, #tpu.memory_space<vmem>>
        %dma_wait3A_970 = tpu.memref_squeeze %dma_wait3A_969 : memref<1x128xi32, #tpu.memory_space<vmem>> -> memref<128xi32, #tpu.memory_space<vmem>>
        %dma_wait3A_971 = arith.constant 0 : i32
        %dma_wait3A_972 = arith.constant 0 : i32
        %dma_wait3A_973 = tpu.memref_slice %arg19[%dma_wait3A_971, %dma_wait3A_972] : memref<12288x64xf32, #tpu.memory_space<vmem_shared>> -> memref<12288x64xf32, #tpu.memory_space<vmem_shared>>
        tpu.wait_indirect_dma semaphore(%run_scoped3A_955 : memref<!tpu.dma_semaphore, #tpu.memory_space<semaphore_mem>>) src(%dma_wait3A_967 : memref<128x64xf32, #tpu.memory_space<vmem>>) dst(%dma_wait3A_973 : memref<12288x64xf32, #tpu.memory_space<vmem_shared>>)
        tpu.yield
      }) : () -> ()
      %dma_wait3A_899 = arith.constant 0 : i32
      %dma_wait3A_900 = arith.constant 0 : i32
      %dma_wait3A_901 = tpu.memref_slice %arg2[%dma_wait3A_899, %dma_wait3A_900] : memref<65536x64xf32, #tpu.memory_space<hbm>> -> memref<256x64xf32, #tpu.memory_space<hbm>>
      %dma_wait3A_902 = arith.constant 0 : i32
      %dma_wait3A_903 = arith.constant 0 : i32
      %dma_wait3A_904 = tpu.memref_slice %arg2[%dma_wait3A_902, %dma_wait3A_903] : memref<65536x64xf32, #tpu.memory_space<hbm>> -> memref<256x64xf32, #tpu.memory_space<hbm>>
      tpu.wait_dma2 semaphore(%arg21 : memref<!tpu.dma_semaphore, #tpu.memory_space<semaphore_mem>>) src(%dma_wait3A_904 : memref<256x64xf32, #tpu.memory_space<hbm>>) dst(%arg14 : memref<256x64xf32, #tpu.memory_space<vmem>>)
      %add3A_905 = arith.constant 2 : i32
      %add3A_906 = arith.addi %mul3A_848, %add3A_905 : i32
      %rem3A = arith.constant 8 : i32
      %rem3A_907 = arith.remsi %add3A_906, %rem3A : i32
      %mul3A_908 = arith.constant 2 : i32
      %mul3A_909 = arith.muli %rem3A_907, %mul3A_908 : i32
      %add3A_910 = arith.constant 0 : i32
      %add3A_911 = arith.addi %add3A_910, %mul3A_909 : i32
      %add3A_912 = arith.constant 0 : i32
      %add3A_913 = arith.addi %add3A_911, %add3A_912 : i32
      %dma_start3A_914 = arith.constant 0 : i32
      %dma_start3A_915 = arith.constant 0 : i32
      %dma_start3A_916 = tpu.memref_slice %arg13[%dma_start3A_914, %dma_start3A_915] : memref<256x64xf32, #tpu.memory_space<vmem>> -> memref<128x64xf32, #tpu.memory_space<vmem>>
      %dma_start3A_917 = arith.constant 0 : i32
      %dma_start3A_918 = tpu.memref_slice %arg11[%add3A_913, %dma_start3A_917] : memref<16x128xi32, #tpu.memory_space<vmem>> -> memref<1x128xi32, #tpu.memory_space<vmem>>
      %dma_start3A_919 = tpu.memref_squeeze %dma_start3A_918 : memref<1x128xi32, #tpu.memory_space<vmem>> -> memref<128xi32, #tpu.memory_space<vmem>>
      %dma_start3A_920 = arith.constant 0 : i32
      %dma_start3A_921 = arith.constant 0 : i32
      %dma_start3A_922 = tpu.memref_slice %arg2[%dma_start3A_920, %dma_start3A_921] : memref<65536x64xf32, #tpu.memory_space<hbm>> -> memref<65536x64xf32, #tpu.memory_space<hbm>>
      tpu.enqueue_indirect_dma source(%dma_start3A_922 : memref<65536x64xf32, #tpu.memory_space<hbm>>) target(%dma_start3A_916 : memref<128x64xf32, #tpu.memory_space<vmem>>) offsets(%dma_start3A_919 : memref<128xi32, #tpu.memory_space<vmem>>) semaphore(%arg20 : memref<!tpu.dma_semaphore, #tpu.memory_space<semaphore_mem>>)
      %mul3A_923 = arith.constant 2 : i32
      %mul3A_924 = arith.muli %rem3A_907, %mul3A_923 : i32
      %add3A_925 = arith.constant 0 : i32
      %add3A_926 = arith.addi %add3A_925, %mul3A_924 : i32
      %add3A_927 = arith.constant 1 : i32
      %add3A_928 = arith.addi %add3A_926, %add3A_927 : i32
      %dma_start3A_929 = arith.constant 128 : i32
      %dma_start3A_930 = arith.constant 0 : i32
      %dma_start3A_931 = tpu.memref_slice %arg13[%dma_start3A_929, %dma_start3A_930] : memref<256x64xf32, #tpu.memory_space<vmem>> -> memref<128x64xf32, #tpu.memory_space<vmem>>
      %dma_start3A_932 = arith.constant 0 : i32
      %dma_start3A_933 = tpu.memref_slice %arg11[%add3A_928, %dma_start3A_932] : memref<16x128xi32, #tpu.memory_space<vmem>> -> memref<1x128xi32, #tpu.memory_space<vmem>>
      %dma_start3A_934 = tpu.memref_squeeze %dma_start3A_933 : memref<1x128xi32, #tpu.memory_space<vmem>> -> memref<128xi32, #tpu.memory_space<vmem>>
      %dma_start3A_935 = arith.constant 0 : i32
      %dma_start3A_936 = arith.constant 0 : i32
      %dma_start3A_937 = tpu.memref_slice %arg2[%dma_start3A_935, %dma_start3A_936] : memref<65536x64xf32, #tpu.memory_space<hbm>> -> memref<65536x64xf32, #tpu.memory_space<hbm>>
      tpu.enqueue_indirect_dma source(%dma_start3A_937 : memref<65536x64xf32, #tpu.memory_space<hbm>>) target(%dma_start3A_931 : memref<128x64xf32, #tpu.memory_space<vmem>>) offsets(%dma_start3A_934 : memref<128xi32, #tpu.memory_space<vmem>>) semaphore(%arg20 : memref<!tpu.dma_semaphore, #tpu.memory_space<semaphore_mem>>)
      %add3A_938 = arith.constant 1 : i32
      %add3A_939 = arith.addi %mul3A_848, %add3A_938 : i32
      %mul3A_940 = arith.constant 2 : i32
      %mul3A_941 = arith.muli %add3A_939, %mul3A_940 : i32
      %add3A_942 = arith.constant 0 : i32
      %add3A_943 = arith.addi %add3A_942, %mul3A_941 : i32
      %add3A_944 = arith.constant 0 : i32
      %add3A_945 = arith.addi %add3A_943, %add3A_944 : i32
      "tpu.region"() ({
        %run_scoped3A_955 = tpu.sem_alloc : memref<!tpu.dma_semaphore, #tpu.memory_space<semaphore_mem>>
        %dma_start3A_956 = arith.constant 0 : i32
        %dma_start3A_957 = arith.constant 0 : i32
        %dma_start3A_958 = tpu.memref_slice %arg14[%dma_start3A_956, %dma_start3A_957] : memref<256x64xf32, #tpu.memory_space<vmem>> -> memref<128x64xf32, #tpu.memory_space<vmem>>
        %dma_start3A_959 = arith.constant 0 : i32
        %dma_start3A_960 = tpu.memref_slice %arg12[%add3A_945, %dma_start3A_959] : memref<16x128xi32, #tpu.memory_space<vmem>> -> memref<1x128xi32, #tpu.memory_space<vmem>>
        %dma_start3A_961 = tpu.memref_squeeze %dma_start3A_960 : memref<1x128xi32, #tpu.memory_space<vmem>> -> memref<128xi32, #tpu.memory_space<vmem>>
        %dma_start3A_962 = arith.constant 0 : i32
        %dma_start3A_963 = arith.constant 0 : i32
        %dma_start3A_964 = tpu.memref_slice %arg19[%dma_start3A_962, %dma_start3A_963] : memref<12288x64xf32, #tpu.memory_space<vmem_shared>> -> memref<12288x64xf32, #tpu.memory_space<vmem_shared>>
        tpu.enqueue_indirect_dma source(%dma_start3A_958 : memref<128x64xf32, #tpu.memory_space<vmem>>) target(%dma_start3A_964 : memref<12288x64xf32, #tpu.memory_space<vmem_shared>>) offsets(%dma_start3A_961 : memref<128xi32, #tpu.memory_space<vmem>>) semaphore(%run_scoped3A_955 : memref<!tpu.dma_semaphore, #tpu.memory_space<semaphore_mem>>) {add = true}
        %dma_wait3A_965 = arith.constant 0 : i32
        %dma_wait3A_966 = arith.constant 0 : i32
        %dma_wait3A_967 = tpu.memref_slice %arg14[%dma_wait3A_965, %dma_wait3A_966] : memref<256x64xf32, #tpu.memory_space<vmem>> -> memref<128x64xf32, #tpu.memory_space<vmem>>
        %dma_wait3A_968 = arith.constant 0 : i32
        %dma_wait3A_969 = tpu.memref_slice %arg12[%add3A_945, %dma_wait3A_968] : memref<16x128xi32, #tpu.memory_space<vmem>> -> memref<1x128xi32, #tpu.memory_space<vmem>>
        %dma_wait3A_970 = tpu.memref_squeeze %dma_wait3A_969 : memref<1x128xi32, #tpu.memory_space<vmem>> -> memref<128xi32, #tpu.memory_space<vmem>>
        %dma_wait3A_971 = arith.constant 0 : i32
        %dma_wait3A_972 = arith.constant 0 : i32
        %dma_wait3A_973 = tpu.memref_slice %arg19[%dma_wait3A_971, %dma_wait3A_972] : memref<12288x64xf32, #tpu.memory_space<vmem_shared>> -> memref<12288x64xf32, #tpu.memory_space<vmem_shared>>
        tpu.wait_indirect_dma semaphore(%run_scoped3A_955 : memref<!tpu.dma_semaphore, #tpu.memory_space<semaphore_mem>>) src(%dma_wait3A_967 : memref<128x64xf32, #tpu.memory_space<vmem>>) dst(%dma_wait3A_973 : memref<12288x64xf32, #tpu.memory_space<vmem_shared>>)
        tpu.yield
      }) : () -> ()
      %add3A_946 = arith.constant 1 : i32
      %add3A_947 = arith.addi %mul3A_848, %add3A_946 : i32
      %mul3A_948 = arith.constant 2 : i32
      %mul3A_949 = arith.muli %add3A_947, %mul3A_948 : i32
      %add3A_950 = arith.constant 0 : i32
      %add3A_951 = arith.addi %add3A_950, %mul3A_949 : i32
      %add3A_952 = arith.constant 1 : i32
      %add3A_953 = arith.addi %add3A_951, %add3A_952 : i32
      "tpu.region"() ({
        %run_scoped3A_955 = tpu.sem_alloc : memref<!tpu.dma_semaphore, #tpu.memory_space<semaphore_mem>>
        %dma_start3A_956 = arith.constant 128 : i32
        %dma_start3A_957 = arith.constant 0 : i32
        %dma_start3A_958 = tpu.memref_slice %arg14[%dma_start3A_956, %dma_start3A_957] : memref<256x64xf32, #tpu.memory_space<vmem>> -> memref<128x64xf32, #tpu.memory_space<vmem>>
        %dma_start3A_959 = arith.constant 0 : i32
        %dma_start3A_960 = tpu.memref_slice %arg12[%add3A_953, %dma_start3A_959] : memref<16x128xi32, #tpu.memory_space<vmem>> -> memref<1x128xi32, #tpu.memory_space<vmem>>
        %dma_start3A_961 = tpu.memref_squeeze %dma_start3A_960 : memref<1x128xi32, #tpu.memory_space<vmem>> -> memref<128xi32, #tpu.memory_space<vmem>>
        %dma_start3A_962 = arith.constant 0 : i32
        %dma_start3A_963 = arith.constant 0 : i32
        %dma_start3A_964 = tpu.memref_slice %arg19[%dma_start3A_962, %dma_start3A_963] : memref<12288x64xf32, #tpu.memory_space<vmem_shared>> -> memref<12288x64xf32, #tpu.memory_space<vmem_shared>>
        tpu.enqueue_indirect_dma source(%dma_start3A_958 : memref<128x64xf32, #tpu.memory_space<vmem>>) target(%dma_start3A_964 : memref<12288x64xf32, #tpu.memory_space<vmem_shared>>) offsets(%dma_start3A_961 : memref<128xi32, #tpu.memory_space<vmem>>) semaphore(%run_scoped3A_955 : memref<!tpu.dma_semaphore, #tpu.memory_space<semaphore_mem>>) {add = true}
        %dma_wait3A_965 = arith.constant 128 : i32
        %dma_wait3A_966 = arith.constant 0 : i32
        %dma_wait3A_967 = tpu.memref_slice %arg14[%dma_wait3A_965, %dma_wait3A_966] : memref<256x64xf32, #tpu.memory_space<vmem>> -> memref<128x64xf32, #tpu.memory_space<vmem>>
        %dma_wait3A_968 = arith.constant 0 : i32
        %dma_wait3A_969 = tpu.memref_slice %arg12[%add3A_953, %dma_wait3A_968] : memref<16x128xi32, #tpu.memory_space<vmem>> -> memref<1x128xi32, #tpu.memory_space<vmem>>
        %dma_wait3A_970 = tpu.memref_squeeze %dma_wait3A_969 : memref<1x128xi32, #tpu.memory_space<vmem>> -> memref<128xi32, #tpu.memory_space<vmem>>
        %dma_wait3A_971 = arith.constant 0 : i32
        %dma_wait3A_972 = arith.constant 0 : i32
        %dma_wait3A_973 = tpu.memref_slice %arg19[%dma_wait3A_971, %dma_wait3A_972] : memref<12288x64xf32, #tpu.memory_space<vmem_shared>> -> memref<12288x64xf32, #tpu.memory_space<vmem_shared>>
        tpu.wait_indirect_dma semaphore(%run_scoped3A_955 : memref<!tpu.dma_semaphore, #tpu.memory_space<semaphore_mem>>) src(%dma_wait3A_967 : memref<128x64xf32, #tpu.memory_space<vmem>>) dst(%dma_wait3A_973 : memref<12288x64xf32, #tpu.memory_space<vmem_shared>>)
        tpu.yield
      }) : () -> ()
      %scan3A_954 = arith.constant 0 : i32
      scf.yield %scan3A_954 : i32
    }
    %scan3A_338 = arith.constant 4 : i32
    %dma_wait3A_339 = arith.constant 0 : i32
    %dma_wait3A_340 = arith.constant 0 : i32
    %dma_wait3A_341 = tpu.memref_slice %arg2[%dma_wait3A_339, %dma_wait3A_340] : memref<65536x64xf32, #tpu.memory_space<hbm>> -> memref<256x64xf32, #tpu.memory_space<hbm>>
    %dma_wait3A_342 = arith.constant 0 : i32
    %dma_wait3A_343 = arith.constant 0 : i32
    %dma_wait3A_344 = tpu.memref_slice %arg2[%dma_wait3A_342, %dma_wait3A_343] : memref<65536x64xf32, #tpu.memory_space<hbm>> -> memref<256x64xf32, #tpu.memory_space<hbm>>
    tpu.wait_dma2 semaphore(%arg20 : memref<!tpu.dma_semaphore, #tpu.memory_space<semaphore_mem>>) src(%dma_wait3A_344 : memref<256x64xf32, #tpu.memory_space<hbm>>) dst(%arg13 : memref<256x64xf32, #tpu.memory_space<vmem>>)
    %dma_start3A_345 = arith.constant 0 : i32
    %dma_start3A_346 = tpu.memref_slice %arg7[%mul3A_286, %dma_start3A_345] : memref<32768x64xf32, #tpu.memory_space<hbm>> -> memref<128x64xf32, #tpu.memory_space<hbm>>
    %dma_start3A_347 = arith.constant 0 : i32
    %dma_start3A_348 = tpu.memref_slice %arg19[%add3A_288, %dma_start3A_347] : memref<12288x64xf32, #tpu.memory_space<vmem_shared>> -> memref<128x64xf32, #tpu.memory_space<vmem_shared>>
    tpu.enqueue_dma source(%dma_start3A_348 : memref<128x64xf32, #tpu.memory_space<vmem_shared>>) target(%dma_start3A_346 : memref<128x64xf32, #tpu.memory_space<hbm>>) target_semaphore(%arg23 : memref<!tpu.dma_semaphore, #tpu.memory_space<semaphore_mem>>)
    %dma_start3A_349 = arith.constant 0 : i32
    %dma_start3A_350 = tpu.memref_slice %arg8[%mul3A_286, %dma_start3A_349] : memref<32768x64xf32, #tpu.memory_space<hbm>> -> memref<128x64xf32, #tpu.memory_space<hbm>>
    %dma_start3A_351 = arith.constant 0 : i32
    %dma_start3A_352 = tpu.memref_slice %arg19[%add3A_290, %dma_start3A_351] : memref<12288x64xf32, #tpu.memory_space<vmem_shared>> -> memref<128x64xf32, #tpu.memory_space<vmem_shared>>
    tpu.enqueue_dma source(%dma_start3A_352 : memref<128x64xf32, #tpu.memory_space<vmem_shared>>) target(%dma_start3A_350 : memref<128x64xf32, #tpu.memory_space<hbm>>) target_semaphore(%arg23 : memref<!tpu.dma_semaphore, #tpu.memory_space<semaphore_mem>>)
    %dma_start3A_353 = arith.constant 0 : i32
    %dma_start3A_354 = tpu.memref_slice %arg9[%mul3A_286, %dma_start3A_353] : memref<32768x64xf32, #tpu.memory_space<hbm>> -> memref<128x64xf32, #tpu.memory_space<hbm>>
    %dma_start3A_355 = arith.constant 0 : i32
    %dma_start3A_356 = tpu.memref_slice %arg19[%add3A_292, %dma_start3A_355] : memref<12288x64xf32, #tpu.memory_space<vmem_shared>> -> memref<128x64xf32, #tpu.memory_space<vmem_shared>>
    tpu.enqueue_dma source(%dma_start3A_356 : memref<128x64xf32, #tpu.memory_space<vmem_shared>>) target(%dma_start3A_354 : memref<128x64xf32, #tpu.memory_space<hbm>>) target_semaphore(%arg23 : memref<!tpu.dma_semaphore, #tpu.memory_space<semaphore_mem>>)
    %mul3A_357 = arith.constant 2 : i32
    %mul3A_358 = arith.muli %arg1, %mul3A_357 : i32
    %add3A_359 = arith.constant 0 : i32
    %add3A_360 = arith.addi %mul3A_358, %add3A_359 : i32
    %mul3A_361 = arith.constant 384 : i32
    %mul3A_362 = arith.muli %add3A_360, %mul3A_361 : i32
    %mul3A_363 = arith.constant 8 : i32
    %mul3A_364 = arith.muli %add3A, %mul3A_363 : i32
    %add3A_365 = arith.constant 4 : i32
    %add3A_366 = arith.addi %mul3A_364, %add3A_365 : i32
    %mul3A_367 = arith.constant 16 : i32
    %mul3A_368 = arith.muli %add3A_366, %mul3A_367 : i32
    "tpu.region"() ({
      %run_scoped3A_845 = tpu.sem_alloc : memref<!tpu.dma_semaphore, #tpu.memory_space<semaphore_mem>>
      %dma_start3A_846 = arith.constant 0 : i32
      %dma_start3A_847 = tpu.memref_slice %arg3[%mul3A_368, %dma_start3A_846] : memref<4096x128xi32, #tpu.memory_space<hbm>> -> memref<16x128xi32, #tpu.memory_space<hbm>>
      %dma_start3A_848 = arith.constant 0 : i32
      %dma_start3A_849 = tpu.memref_slice %arg3[%mul3A_368, %dma_start3A_848] : memref<4096x128xi32, #tpu.memory_space<hbm>> -> memref<16x128xi32, #tpu.memory_space<hbm>>
      tpu.enqueue_dma source(%dma_start3A_849 : memref<16x128xi32, #tpu.memory_space<hbm>>) target(%arg11 : memref<16x128xi32, #tpu.memory_space<vmem>>) target_semaphore(%run_scoped3A_845 : memref<!tpu.dma_semaphore, #tpu.memory_space<semaphore_mem>>)
      %dma_wait3A_850 = arith.constant 0 : i32
      %dma_wait3A_851 = tpu.memref_slice %arg3[%mul3A_368, %dma_wait3A_850] : memref<4096x128xi32, #tpu.memory_space<hbm>> -> memref<16x128xi32, #tpu.memory_space<hbm>>
      %dma_wait3A_852 = arith.constant 0 : i32
      %dma_wait3A_853 = tpu.memref_slice %arg3[%mul3A_368, %dma_wait3A_852] : memref<4096x128xi32, #tpu.memory_space<hbm>> -> memref<16x128xi32, #tpu.memory_space<hbm>>
      tpu.wait_dma2 semaphore(%run_scoped3A_845 : memref<!tpu.dma_semaphore, #tpu.memory_space<semaphore_mem>>) src(%dma_wait3A_853 : memref<16x128xi32, #tpu.memory_space<hbm>>) dst(%arg11 : memref<16x128xi32, #tpu.memory_space<vmem>>)
      tpu.yield
    }) : () -> ()
    %mul3A_369 = arith.constant 8 : i32
    %mul3A_370 = arith.muli %add3A, %mul3A_369 : i32
    %add3A_371 = arith.constant 4 : i32
    %add3A_372 = arith.addi %mul3A_370, %add3A_371 : i32
    %mul3A_373 = arith.constant 16 : i32
    %mul3A_374 = arith.muli %add3A_372, %mul3A_373 : i32
    "tpu.region"() ({
      %run_scoped3A_845 = tpu.sem_alloc : memref<!tpu.dma_semaphore, #tpu.memory_space<semaphore_mem>>
      %dma_start3A_846 = arith.constant 0 : i32
      %dma_start3A_847 = tpu.memref_slice %arg4[%mul3A_374, %dma_start3A_846] : memref<4096x128xi32, #tpu.memory_space<hbm>> -> memref<16x128xi32, #tpu.memory_space<hbm>>
      %dma_start3A_848 = arith.constant 0 : i32
      %dma_start3A_849 = tpu.memref_slice %arg4[%mul3A_374, %dma_start3A_848] : memref<4096x128xi32, #tpu.memory_space<hbm>> -> memref<16x128xi32, #tpu.memory_space<hbm>>
      tpu.enqueue_dma source(%dma_start3A_849 : memref<16x128xi32, #tpu.memory_space<hbm>>) target(%arg12 : memref<16x128xi32, #tpu.memory_space<vmem>>) target_semaphore(%run_scoped3A_845 : memref<!tpu.dma_semaphore, #tpu.memory_space<semaphore_mem>>)
      %dma_wait3A_850 = arith.constant 0 : i32
      %dma_wait3A_851 = tpu.memref_slice %arg4[%mul3A_374, %dma_wait3A_850] : memref<4096x128xi32, #tpu.memory_space<hbm>> -> memref<16x128xi32, #tpu.memory_space<hbm>>
      %dma_wait3A_852 = arith.constant 0 : i32
      %dma_wait3A_853 = tpu.memref_slice %arg4[%mul3A_374, %dma_wait3A_852] : memref<4096x128xi32, #tpu.memory_space<hbm>> -> memref<16x128xi32, #tpu.memory_space<hbm>>
      tpu.wait_dma2 semaphore(%run_scoped3A_845 : memref<!tpu.dma_semaphore, #tpu.memory_space<semaphore_mem>>) src(%dma_wait3A_853 : memref<16x128xi32, #tpu.memory_space<hbm>>) dst(%arg12 : memref<16x128xi32, #tpu.memory_space<vmem>>)
      tpu.yield
    }) : () -> ()
    %mul3A_375 = arith.constant 8 : i32
    %mul3A_376 = arith.muli %add3A, %mul3A_375 : i32
    %add3A_377 = arith.constant 4 : i32
    %add3A_378 = arith.addi %mul3A_376, %add3A_377 : i32
    %mul3A_379 = arith.constant 128 : i32
    %mul3A_380 = arith.muli %add3A_378, %mul3A_379 : i32
    %add3A_381 = arith.constant 0 : i32
    %add3A_382 = arith.addi %mul3A_362, %add3A_381 : i32
    %add3A_383 = arith.constant 128 : i32
    %add3A_384 = arith.addi %mul3A_362, %add3A_383 : i32
    %add3A_385 = arith.constant 256 : i32
    %add3A_386 = arith.addi %mul3A_362, %add3A_385 : i32
    %dma_wait3A_387 = arith.constant 0 : i32
    %dma_wait3A_388 = tpu.memref_slice %arg7[%mul3A_380, %dma_wait3A_387] : memref<32768x64xf32, #tpu.memory_space<hbm>> -> memref<128x64xf32, #tpu.memory_space<hbm>>
    %dma_wait3A_389 = arith.constant 0 : i32
    %dma_wait3A_390 = tpu.memref_slice %arg19[%add3A_382, %dma_wait3A_389] : memref<12288x64xf32, #tpu.memory_space<vmem_shared>> -> memref<128x64xf32, #tpu.memory_space<vmem_shared>>
    tpu.wait_dma2 semaphore(%arg22 : memref<!tpu.dma_semaphore, #tpu.memory_space<semaphore_mem>>) src(%dma_wait3A_390 : memref<128x64xf32, #tpu.memory_space<vmem_shared>>) dst(%dma_wait3A_388 : memref<128x64xf32, #tpu.memory_space<hbm>>)
    %dma_wait3A_391 = arith.constant 0 : i32
    %dma_wait3A_392 = tpu.memref_slice %arg8[%mul3A_380, %dma_wait3A_391] : memref<32768x64xf32, #tpu.memory_space<hbm>> -> memref<128x64xf32, #tpu.memory_space<hbm>>
    %dma_wait3A_393 = arith.constant 0 : i32
    %dma_wait3A_394 = tpu.memref_slice %arg19[%add3A_384, %dma_wait3A_393] : memref<12288x64xf32, #tpu.memory_space<vmem_shared>> -> memref<128x64xf32, #tpu.memory_space<vmem_shared>>
    tpu.wait_dma2 semaphore(%arg22 : memref<!tpu.dma_semaphore, #tpu.memory_space<semaphore_mem>>) src(%dma_wait3A_394 : memref<128x64xf32, #tpu.memory_space<vmem_shared>>) dst(%dma_wait3A_392 : memref<128x64xf32, #tpu.memory_space<hbm>>)
    %dma_wait3A_395 = arith.constant 0 : i32
    %dma_wait3A_396 = tpu.memref_slice %arg9[%mul3A_380, %dma_wait3A_395] : memref<32768x64xf32, #tpu.memory_space<hbm>> -> memref<128x64xf32, #tpu.memory_space<hbm>>
    %dma_wait3A_397 = arith.constant 0 : i32
    %dma_wait3A_398 = tpu.memref_slice %arg19[%add3A_386, %dma_wait3A_397] : memref<12288x64xf32, #tpu.memory_space<vmem_shared>> -> memref<128x64xf32, #tpu.memory_space<vmem_shared>>
    tpu.wait_dma2 semaphore(%arg22 : memref<!tpu.dma_semaphore, #tpu.memory_space<semaphore_mem>>) src(%dma_wait3A_398 : memref<128x64xf32, #tpu.memory_space<vmem_shared>>) dst(%dma_wait3A_396 : memref<128x64xf32, #tpu.memory_space<hbm>>)
    %scan3A_399 = arith.constant 0 : i32
    %scan3A_400 = arith.constant 0 : i32
    %scan3A_401 = arith.constant 6 : i32
    %scan3A_402 = arith.addi %scan3A_400, %scan3A_401 : i32
    %scan3A_403 = arith.constant 1 : i32
    %scan3A_404 = scf.for %scan3A_845 = %scan3A_400 to %scan3A_402 step %scan3A_403 iter_args(%scan3A_846 = %scan3A_399) -> (i32)  : i32 {
      %mul3A_847 = arith.constant 2 : i32
      %mul3A_848 = arith.muli %arg1, %mul3A_847 : i32
      %add3A_849 = arith.constant 0 : i32
      %add3A_850 = arith.addi %mul3A_848, %add3A_849 : i32
      %mul3A_851 = arith.constant 384 : i32
      %mul3A_852 = arith.muli %add3A_850, %mul3A_851 : i32
      %mul3A_853 = arith.constant 64 : i32
      %mul3A_854 = arith.muli %scan3A_845, %mul3A_853 : i32
      %add3A_855 = arith.addi %mul3A_852, %mul3A_854 : i32
      "tpu.region"() ({
        %run_scoped3A_857 = tpu.sem_alloc : memref<!tpu.dma_semaphore, #tpu.memory_space<semaphore_mem>>
        %dma_start3A_858 = arith.constant 0 : i32
        %dma_start3A_859 = tpu.memref_slice %arg19[%add3A_855, %dma_start3A_858] : memref<12288x64xf32, #tpu.memory_space<vmem_shared>> -> memref<64x64xf32, #tpu.memory_space<vmem_shared>>
        %dma_start3A_860 = arith.constant 0 : i32
        %dma_start3A_861 = tpu.memref_slice %arg19[%add3A_855, %dma_start3A_860] : memref<12288x64xf32, #tpu.memory_space<vmem_shared>> -> memref<64x64xf32, #tpu.memory_space<vmem_shared>>
        tpu.enqueue_dma source(%arg15 : memref<64x64xf32, #tpu.memory_space<vmem>>) target(%dma_start3A_861 : memref<64x64xf32, #tpu.memory_space<vmem_shared>>) target_semaphore(%run_scoped3A_857 : memref<!tpu.dma_semaphore, #tpu.memory_space<semaphore_mem>>)
        %dma_wait3A_862 = arith.constant 0 : i32
        %dma_wait3A_863 = tpu.memref_slice %arg19[%add3A_855, %dma_wait3A_862] : memref<12288x64xf32, #tpu.memory_space<vmem_shared>> -> memref<64x64xf32, #tpu.memory_space<vmem_shared>>
        %dma_wait3A_864 = arith.constant 0 : i32
        %dma_wait3A_865 = tpu.memref_slice %arg19[%add3A_855, %dma_wait3A_864] : memref<12288x64xf32, #tpu.memory_space<vmem_shared>> -> memref<64x64xf32, #tpu.memory_space<vmem_shared>>
        tpu.wait_dma2 semaphore(%run_scoped3A_857 : memref<!tpu.dma_semaphore, #tpu.memory_space<semaphore_mem>>) src(%arg15 : memref<64x64xf32, #tpu.memory_space<vmem>>) dst(%dma_wait3A_865 : memref<64x64xf32, #tpu.memory_space<vmem_shared>>)
        tpu.yield
      }) : () -> ()
      %scan3A_856 = arith.constant 0 : i32
      scf.yield %scan3A_856 : i32
    }
    %scan3A_405 = arith.constant 6 : i32
    %dma_start3A_406 = arith.constant 0 : i32
    %dma_start3A_407 = arith.constant 0 : i32
    %dma_start3A_408 = arith.constant 0 : i32
    %dma_start3A_409 = tpu.memref_slice %arg13[%dma_start3A_407, %dma_start3A_408] : memref<256x64xf32, #tpu.memory_space<vmem>> -> memref<128x64xf32, #tpu.memory_space<vmem>>
    %dma_start3A_410 = arith.constant 0 : i32
    %dma_start3A_411 = tpu.memref_slice %arg11[%dma_start3A_406, %dma_start3A_410] : memref<16x128xi32, #tpu.memory_space<vmem>> -> memref<1x128xi32, #tpu.memory_space<vmem>>
    %dma_start3A_412 = tpu.memref_squeeze %dma_start3A_411 : memref<1x128xi32, #tpu.memory_space<vmem>> -> memref<128xi32, #tpu.memory_space<vmem>>
    %dma_start3A_413 = arith.constant 0 : i32
    %dma_start3A_414 = arith.constant 0 : i32
    %dma_start3A_415 = tpu.memref_slice %arg2[%dma_start3A_413, %dma_start3A_414] : memref<65536x64xf32, #tpu.memory_space<hbm>> -> memref<65536x64xf32, #tpu.memory_space<hbm>>
    tpu.enqueue_indirect_dma source(%dma_start3A_415 : memref<65536x64xf32, #tpu.memory_space<hbm>>) target(%dma_start3A_409 : memref<128x64xf32, #tpu.memory_space<vmem>>) offsets(%dma_start3A_412 : memref<128xi32, #tpu.memory_space<vmem>>) semaphore(%arg20 : memref<!tpu.dma_semaphore, #tpu.memory_space<semaphore_mem>>)
    %dma_start3A_416 = arith.constant 1 : i32
    %dma_start3A_417 = arith.constant 128 : i32
    %dma_start3A_418 = arith.constant 0 : i32
    %dma_start3A_419 = tpu.memref_slice %arg13[%dma_start3A_417, %dma_start3A_418] : memref<256x64xf32, #tpu.memory_space<vmem>> -> memref<128x64xf32, #tpu.memory_space<vmem>>
    %dma_start3A_420 = arith.constant 0 : i32
    %dma_start3A_421 = tpu.memref_slice %arg11[%dma_start3A_416, %dma_start3A_420] : memref<16x128xi32, #tpu.memory_space<vmem>> -> memref<1x128xi32, #tpu.memory_space<vmem>>
    %dma_start3A_422 = tpu.memref_squeeze %dma_start3A_421 : memref<1x128xi32, #tpu.memory_space<vmem>> -> memref<128xi32, #tpu.memory_space<vmem>>
    %dma_start3A_423 = arith.constant 0 : i32
    %dma_start3A_424 = arith.constant 0 : i32
    %dma_start3A_425 = tpu.memref_slice %arg2[%dma_start3A_423, %dma_start3A_424] : memref<65536x64xf32, #tpu.memory_space<hbm>> -> memref<65536x64xf32, #tpu.memory_space<hbm>>
    tpu.enqueue_indirect_dma source(%dma_start3A_425 : memref<65536x64xf32, #tpu.memory_space<hbm>>) target(%dma_start3A_419 : memref<128x64xf32, #tpu.memory_space<vmem>>) offsets(%dma_start3A_422 : memref<128xi32, #tpu.memory_space<vmem>>) semaphore(%arg20 : memref<!tpu.dma_semaphore, #tpu.memory_space<semaphore_mem>>)
    %scan3A_426 = arith.constant 0 : i32
    %scan3A_427 = arith.constant 0 : i32
    %scan3A_428 = arith.constant 4 : i32
    %scan3A_429 = arith.addi %scan3A_427, %scan3A_428 : i32
    %scan3A_430 = arith.constant 1 : i32
    %scan3A_431 = scf.for %scan3A_845 = %scan3A_427 to %scan3A_429 step %scan3A_430 iter_args(%scan3A_846 = %scan3A_426) -> (i32)  : i32 {
      %mul3A_847 = arith.constant 2 : i32
      %mul3A_848 = arith.muli %mul3A_847, %scan3A_845 : i32
      %dma_wait3A_849 = arith.constant 0 : i32
      %dma_wait3A_850 = arith.constant 0 : i32
      %dma_wait3A_851 = tpu.memref_slice %arg2[%dma_wait3A_849, %dma_wait3A_850] : memref<65536x64xf32, #tpu.memory_space<hbm>> -> memref<256x64xf32, #tpu.memory_space<hbm>>
      %dma_wait3A_852 = arith.constant 0 : i32
      %dma_wait3A_853 = arith.constant 0 : i32
      %dma_wait3A_854 = tpu.memref_slice %arg2[%dma_wait3A_852, %dma_wait3A_853] : memref<65536x64xf32, #tpu.memory_space<hbm>> -> memref<256x64xf32, #tpu.memory_space<hbm>>
      tpu.wait_dma2 semaphore(%arg20 : memref<!tpu.dma_semaphore, #tpu.memory_space<semaphore_mem>>) src(%dma_wait3A_854 : memref<256x64xf32, #tpu.memory_space<hbm>>) dst(%arg13 : memref<256x64xf32, #tpu.memory_space<vmem>>)
      %add3A_855 = arith.constant 1 : i32
      %add3A_856 = arith.addi %mul3A_848, %add3A_855 : i32
      %mul3A_857 = arith.constant 2 : i32
      %mul3A_858 = arith.muli %add3A_856, %mul3A_857 : i32
      %add3A_859 = arith.constant 0 : i32
      %add3A_860 = arith.addi %add3A_859, %mul3A_858 : i32
      %add3A_861 = arith.constant 0 : i32
      %add3A_862 = arith.addi %add3A_860, %add3A_861 : i32
      %dma_start3A_863 = arith.constant 0 : i32
      %dma_start3A_864 = arith.constant 0 : i32
      %dma_start3A_865 = tpu.memref_slice %arg14[%dma_start3A_863, %dma_start3A_864] : memref<256x64xf32, #tpu.memory_space<vmem>> -> memref<128x64xf32, #tpu.memory_space<vmem>>
      %dma_start3A_866 = arith.constant 0 : i32
      %dma_start3A_867 = tpu.memref_slice %arg11[%add3A_862, %dma_start3A_866] : memref<16x128xi32, #tpu.memory_space<vmem>> -> memref<1x128xi32, #tpu.memory_space<vmem>>
      %dma_start3A_868 = tpu.memref_squeeze %dma_start3A_867 : memref<1x128xi32, #tpu.memory_space<vmem>> -> memref<128xi32, #tpu.memory_space<vmem>>
      %dma_start3A_869 = arith.constant 0 : i32
      %dma_start3A_870 = arith.constant 0 : i32
      %dma_start3A_871 = tpu.memref_slice %arg2[%dma_start3A_869, %dma_start3A_870] : memref<65536x64xf32, #tpu.memory_space<hbm>> -> memref<65536x64xf32, #tpu.memory_space<hbm>>
      tpu.enqueue_indirect_dma source(%dma_start3A_871 : memref<65536x64xf32, #tpu.memory_space<hbm>>) target(%dma_start3A_865 : memref<128x64xf32, #tpu.memory_space<vmem>>) offsets(%dma_start3A_868 : memref<128xi32, #tpu.memory_space<vmem>>) semaphore(%arg21 : memref<!tpu.dma_semaphore, #tpu.memory_space<semaphore_mem>>)
      %mul3A_872 = arith.constant 2 : i32
      %mul3A_873 = arith.muli %add3A_856, %mul3A_872 : i32
      %add3A_874 = arith.constant 0 : i32
      %add3A_875 = arith.addi %add3A_874, %mul3A_873 : i32
      %add3A_876 = arith.constant 1 : i32
      %add3A_877 = arith.addi %add3A_875, %add3A_876 : i32
      %dma_start3A_878 = arith.constant 128 : i32
      %dma_start3A_879 = arith.constant 0 : i32
      %dma_start3A_880 = tpu.memref_slice %arg14[%dma_start3A_878, %dma_start3A_879] : memref<256x64xf32, #tpu.memory_space<vmem>> -> memref<128x64xf32, #tpu.memory_space<vmem>>
      %dma_start3A_881 = arith.constant 0 : i32
      %dma_start3A_882 = tpu.memref_slice %arg11[%add3A_877, %dma_start3A_881] : memref<16x128xi32, #tpu.memory_space<vmem>> -> memref<1x128xi32, #tpu.memory_space<vmem>>
      %dma_start3A_883 = tpu.memref_squeeze %dma_start3A_882 : memref<1x128xi32, #tpu.memory_space<vmem>> -> memref<128xi32, #tpu.memory_space<vmem>>
      %dma_start3A_884 = arith.constant 0 : i32
      %dma_start3A_885 = arith.constant 0 : i32
      %dma_start3A_886 = tpu.memref_slice %arg2[%dma_start3A_884, %dma_start3A_885] : memref<65536x64xf32, #tpu.memory_space<hbm>> -> memref<65536x64xf32, #tpu.memory_space<hbm>>
      tpu.enqueue_indirect_dma source(%dma_start3A_886 : memref<65536x64xf32, #tpu.memory_space<hbm>>) target(%dma_start3A_880 : memref<128x64xf32, #tpu.memory_space<vmem>>) offsets(%dma_start3A_883 : memref<128xi32, #tpu.memory_space<vmem>>) semaphore(%arg21 : memref<!tpu.dma_semaphore, #tpu.memory_space<semaphore_mem>>)
      %mul3A_887 = arith.constant 2 : i32
      %mul3A_888 = arith.muli %mul3A_848, %mul3A_887 : i32
      %add3A_889 = arith.constant 0 : i32
      %add3A_890 = arith.addi %add3A_889, %mul3A_888 : i32
      %add3A_891 = arith.constant 0 : i32
      %add3A_892 = arith.addi %add3A_890, %add3A_891 : i32
      "tpu.region"() ({
        %run_scoped3A_955 = tpu.sem_alloc : memref<!tpu.dma_semaphore, #tpu.memory_space<semaphore_mem>>
        %dma_start3A_956 = arith.constant 0 : i32
        %dma_start3A_957 = arith.constant 0 : i32
        %dma_start3A_958 = tpu.memref_slice %arg13[%dma_start3A_956, %dma_start3A_957] : memref<256x64xf32, #tpu.memory_space<vmem>> -> memref<128x64xf32, #tpu.memory_space<vmem>>
        %dma_start3A_959 = arith.constant 0 : i32
        %dma_start3A_960 = tpu.memref_slice %arg12[%add3A_892, %dma_start3A_959] : memref<16x128xi32, #tpu.memory_space<vmem>> -> memref<1x128xi32, #tpu.memory_space<vmem>>
        %dma_start3A_961 = tpu.memref_squeeze %dma_start3A_960 : memref<1x128xi32, #tpu.memory_space<vmem>> -> memref<128xi32, #tpu.memory_space<vmem>>
        %dma_start3A_962 = arith.constant 0 : i32
        %dma_start3A_963 = arith.constant 0 : i32
        %dma_start3A_964 = tpu.memref_slice %arg19[%dma_start3A_962, %dma_start3A_963] : memref<12288x64xf32, #tpu.memory_space<vmem_shared>> -> memref<12288x64xf32, #tpu.memory_space<vmem_shared>>
        tpu.enqueue_indirect_dma source(%dma_start3A_958 : memref<128x64xf32, #tpu.memory_space<vmem>>) target(%dma_start3A_964 : memref<12288x64xf32, #tpu.memory_space<vmem_shared>>) offsets(%dma_start3A_961 : memref<128xi32, #tpu.memory_space<vmem>>) semaphore(%run_scoped3A_955 : memref<!tpu.dma_semaphore, #tpu.memory_space<semaphore_mem>>) {add = true}
        %dma_wait3A_965 = arith.constant 0 : i32
        %dma_wait3A_966 = arith.constant 0 : i32
        %dma_wait3A_967 = tpu.memref_slice %arg13[%dma_wait3A_965, %dma_wait3A_966] : memref<256x64xf32, #tpu.memory_space<vmem>> -> memref<128x64xf32, #tpu.memory_space<vmem>>
        %dma_wait3A_968 = arith.constant 0 : i32
        %dma_wait3A_969 = tpu.memref_slice %arg12[%add3A_892, %dma_wait3A_968] : memref<16x128xi32, #tpu.memory_space<vmem>> -> memref<1x128xi32, #tpu.memory_space<vmem>>
        %dma_wait3A_970 = tpu.memref_squeeze %dma_wait3A_969 : memref<1x128xi32, #tpu.memory_space<vmem>> -> memref<128xi32, #tpu.memory_space<vmem>>
        %dma_wait3A_971 = arith.constant 0 : i32
        %dma_wait3A_972 = arith.constant 0 : i32
        %dma_wait3A_973 = tpu.memref_slice %arg19[%dma_wait3A_971, %dma_wait3A_972] : memref<12288x64xf32, #tpu.memory_space<vmem_shared>> -> memref<12288x64xf32, #tpu.memory_space<vmem_shared>>
        tpu.wait_indirect_dma semaphore(%run_scoped3A_955 : memref<!tpu.dma_semaphore, #tpu.memory_space<semaphore_mem>>) src(%dma_wait3A_967 : memref<128x64xf32, #tpu.memory_space<vmem>>) dst(%dma_wait3A_973 : memref<12288x64xf32, #tpu.memory_space<vmem_shared>>)
        tpu.yield
      }) : () -> ()
      %mul3A_893 = arith.constant 2 : i32
      %mul3A_894 = arith.muli %mul3A_848, %mul3A_893 : i32
      %add3A_895 = arith.constant 0 : i32
      %add3A_896 = arith.addi %add3A_895, %mul3A_894 : i32
      %add3A_897 = arith.constant 1 : i32
      %add3A_898 = arith.addi %add3A_896, %add3A_897 : i32
      "tpu.region"() ({
        %run_scoped3A_955 = tpu.sem_alloc : memref<!tpu.dma_semaphore, #tpu.memory_space<semaphore_mem>>
        %dma_start3A_956 = arith.constant 128 : i32
        %dma_start3A_957 = arith.constant 0 : i32
        %dma_start3A_958 = tpu.memref_slice %arg13[%dma_start3A_956, %dma_start3A_957] : memref<256x64xf32, #tpu.memory_space<vmem>> -> memref<128x64xf32, #tpu.memory_space<vmem>>
        %dma_start3A_959 = arith.constant 0 : i32
        %dma_start3A_960 = tpu.memref_slice %arg12[%add3A_898, %dma_start3A_959] : memref<16x128xi32, #tpu.memory_space<vmem>> -> memref<1x128xi32, #tpu.memory_space<vmem>>
        %dma_start3A_961 = tpu.memref_squeeze %dma_start3A_960 : memref<1x128xi32, #tpu.memory_space<vmem>> -> memref<128xi32, #tpu.memory_space<vmem>>
        %dma_start3A_962 = arith.constant 0 : i32
        %dma_start3A_963 = arith.constant 0 : i32
        %dma_start3A_964 = tpu.memref_slice %arg19[%dma_start3A_962, %dma_start3A_963] : memref<12288x64xf32, #tpu.memory_space<vmem_shared>> -> memref<12288x64xf32, #tpu.memory_space<vmem_shared>>
        tpu.enqueue_indirect_dma source(%dma_start3A_958 : memref<128x64xf32, #tpu.memory_space<vmem>>) target(%dma_start3A_964 : memref<12288x64xf32, #tpu.memory_space<vmem_shared>>) offsets(%dma_start3A_961 : memref<128xi32, #tpu.memory_space<vmem>>) semaphore(%run_scoped3A_955 : memref<!tpu.dma_semaphore, #tpu.memory_space<semaphore_mem>>) {add = true}
        %dma_wait3A_965 = arith.constant 128 : i32
        %dma_wait3A_966 = arith.constant 0 : i32
        %dma_wait3A_967 = tpu.memref_slice %arg13[%dma_wait3A_965, %dma_wait3A_966] : memref<256x64xf32, #tpu.memory_space<vmem>> -> memref<128x64xf32, #tpu.memory_space<vmem>>
        %dma_wait3A_968 = arith.constant 0 : i32
        %dma_wait3A_969 = tpu.memref_slice %arg12[%add3A_898, %dma_wait3A_968] : memref<16x128xi32, #tpu.memory_space<vmem>> -> memref<1x128xi32, #tpu.memory_space<vmem>>
        %dma_wait3A_970 = tpu.memref_squeeze %dma_wait3A_969 : memref<1x128xi32, #tpu.memory_space<vmem>> -> memref<128xi32, #tpu.memory_space<vmem>>
        %dma_wait3A_971 = arith.constant 0 : i32
        %dma_wait3A_972 = arith.constant 0 : i32
        %dma_wait3A_973 = tpu.memref_slice %arg19[%dma_wait3A_971, %dma_wait3A_972] : memref<12288x64xf32, #tpu.memory_space<vmem_shared>> -> memref<12288x64xf32, #tpu.memory_space<vmem_shared>>
        tpu.wait_indirect_dma semaphore(%run_scoped3A_955 : memref<!tpu.dma_semaphore, #tpu.memory_space<semaphore_mem>>) src(%dma_wait3A_967 : memref<128x64xf32, #tpu.memory_space<vmem>>) dst(%dma_wait3A_973 : memref<12288x64xf32, #tpu.memory_space<vmem_shared>>)
        tpu.yield
      }) : () -> ()
      %dma_wait3A_899 = arith.constant 0 : i32
      %dma_wait3A_900 = arith.constant 0 : i32
      %dma_wait3A_901 = tpu.memref_slice %arg2[%dma_wait3A_899, %dma_wait3A_900] : memref<65536x64xf32, #tpu.memory_space<hbm>> -> memref<256x64xf32, #tpu.memory_space<hbm>>
      %dma_wait3A_902 = arith.constant 0 : i32
      %dma_wait3A_903 = arith.constant 0 : i32
      %dma_wait3A_904 = tpu.memref_slice %arg2[%dma_wait3A_902, %dma_wait3A_903] : memref<65536x64xf32, #tpu.memory_space<hbm>> -> memref<256x64xf32, #tpu.memory_space<hbm>>
      tpu.wait_dma2 semaphore(%arg21 : memref<!tpu.dma_semaphore, #tpu.memory_space<semaphore_mem>>) src(%dma_wait3A_904 : memref<256x64xf32, #tpu.memory_space<hbm>>) dst(%arg14 : memref<256x64xf32, #tpu.memory_space<vmem>>)
      %add3A_905 = arith.constant 2 : i32
      %add3A_906 = arith.addi %mul3A_848, %add3A_905 : i32
      %rem3A = arith.constant 8 : i32
      %rem3A_907 = arith.remsi %add3A_906, %rem3A : i32
      %mul3A_908 = arith.constant 2 : i32
      %mul3A_909 = arith.muli %rem3A_907, %mul3A_908 : i32
      %add3A_910 = arith.constant 0 : i32
      %add3A_911 = arith.addi %add3A_910, %mul3A_909 : i32
      %add3A_912 = arith.constant 0 : i32
      %add3A_913 = arith.addi %add3A_911, %add3A_912 : i32
      %dma_start3A_914 = arith.constant 0 : i32
      %dma_start3A_915 = arith.constant 0 : i32
      %dma_start3A_916 = tpu.memref_slice %arg13[%dma_start3A_914, %dma_start3A_915] : memref<256x64xf32, #tpu.memory_space<vmem>> -> memref<128x64xf32, #tpu.memory_space<vmem>>
      %dma_start3A_917 = arith.constant 0 : i32
      %dma_start3A_918 = tpu.memref_slice %arg11[%add3A_913, %dma_start3A_917] : memref<16x128xi32, #tpu.memory_space<vmem>> -> memref<1x128xi32, #tpu.memory_space<vmem>>
      %dma_start3A_919 = tpu.memref_squeeze %dma_start3A_918 : memref<1x128xi32, #tpu.memory_space<vmem>> -> memref<128xi32, #tpu.memory_space<vmem>>
      %dma_start3A_920 = arith.constant 0 : i32
      %dma_start3A_921 = arith.constant 0 : i32
      %dma_start3A_922 = tpu.memref_slice %arg2[%dma_start3A_920, %dma_start3A_921] : memref<65536x64xf32, #tpu.memory_space<hbm>> -> memref<65536x64xf32, #tpu.memory_space<hbm>>
      tpu.enqueue_indirect_dma source(%dma_start3A_922 : memref<65536x64xf32, #tpu.memory_space<hbm>>) target(%dma_start3A_916 : memref<128x64xf32, #tpu.memory_space<vmem>>) offsets(%dma_start3A_919 : memref<128xi32, #tpu.memory_space<vmem>>) semaphore(%arg20 : memref<!tpu.dma_semaphore, #tpu.memory_space<semaphore_mem>>)
      %mul3A_923 = arith.constant 2 : i32
      %mul3A_924 = arith.muli %rem3A_907, %mul3A_923 : i32
      %add3A_925 = arith.constant 0 : i32
      %add3A_926 = arith.addi %add3A_925, %mul3A_924 : i32
      %add3A_927 = arith.constant 1 : i32
      %add3A_928 = arith.addi %add3A_926, %add3A_927 : i32
      %dma_start3A_929 = arith.constant 128 : i32
      %dma_start3A_930 = arith.constant 0 : i32
      %dma_start3A_931 = tpu.memref_slice %arg13[%dma_start3A_929, %dma_start3A_930] : memref<256x64xf32, #tpu.memory_space<vmem>> -> memref<128x64xf32, #tpu.memory_space<vmem>>
      %dma_start3A_932 = arith.constant 0 : i32
      %dma_start3A_933 = tpu.memref_slice %arg11[%add3A_928, %dma_start3A_932] : memref<16x128xi32, #tpu.memory_space<vmem>> -> memref<1x128xi32, #tpu.memory_space<vmem>>
      %dma_start3A_934 = tpu.memref_squeeze %dma_start3A_933 : memref<1x128xi32, #tpu.memory_space<vmem>> -> memref<128xi32, #tpu.memory_space<vmem>>
      %dma_start3A_935 = arith.constant 0 : i32
      %dma_start3A_936 = arith.constant 0 : i32
      %dma_start3A_937 = tpu.memref_slice %arg2[%dma_start3A_935, %dma_start3A_936] : memref<65536x64xf32, #tpu.memory_space<hbm>> -> memref<65536x64xf32, #tpu.memory_space<hbm>>
      tpu.enqueue_indirect_dma source(%dma_start3A_937 : memref<65536x64xf32, #tpu.memory_space<hbm>>) target(%dma_start3A_931 : memref<128x64xf32, #tpu.memory_space<vmem>>) offsets(%dma_start3A_934 : memref<128xi32, #tpu.memory_space<vmem>>) semaphore(%arg20 : memref<!tpu.dma_semaphore, #tpu.memory_space<semaphore_mem>>)
      %add3A_938 = arith.constant 1 : i32
      %add3A_939 = arith.addi %mul3A_848, %add3A_938 : i32
      %mul3A_940 = arith.constant 2 : i32
      %mul3A_941 = arith.muli %add3A_939, %mul3A_940 : i32
      %add3A_942 = arith.constant 0 : i32
      %add3A_943 = arith.addi %add3A_942, %mul3A_941 : i32
      %add3A_944 = arith.constant 0 : i32
      %add3A_945 = arith.addi %add3A_943, %add3A_944 : i32
      "tpu.region"() ({
        %run_scoped3A_955 = tpu.sem_alloc : memref<!tpu.dma_semaphore, #tpu.memory_space<semaphore_mem>>
        %dma_start3A_956 = arith.constant 0 : i32
        %dma_start3A_957 = arith.constant 0 : i32
        %dma_start3A_958 = tpu.memref_slice %arg14[%dma_start3A_956, %dma_start3A_957] : memref<256x64xf32, #tpu.memory_space<vmem>> -> memref<128x64xf32, #tpu.memory_space<vmem>>
        %dma_start3A_959 = arith.constant 0 : i32
        %dma_start3A_960 = tpu.memref_slice %arg12[%add3A_945, %dma_start3A_959] : memref<16x128xi32, #tpu.memory_space<vmem>> -> memref<1x128xi32, #tpu.memory_space<vmem>>
        %dma_start3A_961 = tpu.memref_squeeze %dma_start3A_960 : memref<1x128xi32, #tpu.memory_space<vmem>> -> memref<128xi32, #tpu.memory_space<vmem>>
        %dma_start3A_962 = arith.constant 0 : i32
        %dma_start3A_963 = arith.constant 0 : i32
        %dma_start3A_964 = tpu.memref_slice %arg19[%dma_start3A_962, %dma_start3A_963] : memref<12288x64xf32, #tpu.memory_space<vmem_shared>> -> memref<12288x64xf32, #tpu.memory_space<vmem_shared>>
        tpu.enqueue_indirect_dma source(%dma_start3A_958 : memref<128x64xf32, #tpu.memory_space<vmem>>) target(%dma_start3A_964 : memref<12288x64xf32, #tpu.memory_space<vmem_shared>>) offsets(%dma_start3A_961 : memref<128xi32, #tpu.memory_space<vmem>>) semaphore(%run_scoped3A_955 : memref<!tpu.dma_semaphore, #tpu.memory_space<semaphore_mem>>) {add = true}
        %dma_wait3A_965 = arith.constant 0 : i32
        %dma_wait3A_966 = arith.constant 0 : i32
        %dma_wait3A_967 = tpu.memref_slice %arg14[%dma_wait3A_965, %dma_wait3A_966] : memref<256x64xf32, #tpu.memory_space<vmem>> -> memref<128x64xf32, #tpu.memory_space<vmem>>
        %dma_wait3A_968 = arith.constant 0 : i32
        %dma_wait3A_969 = tpu.memref_slice %arg12[%add3A_945, %dma_wait3A_968] : memref<16x128xi32, #tpu.memory_space<vmem>> -> memref<1x128xi32, #tpu.memory_space<vmem>>
        %dma_wait3A_970 = tpu.memref_squeeze %dma_wait3A_969 : memref<1x128xi32, #tpu.memory_space<vmem>> -> memref<128xi32, #tpu.memory_space<vmem>>
        %dma_wait3A_971 = arith.constant 0 : i32
        %dma_wait3A_972 = arith.constant 0 : i32
        %dma_wait3A_973 = tpu.memref_slice %arg19[%dma_wait3A_971, %dma_wait3A_972] : memref<12288x64xf32, #tpu.memory_space<vmem_shared>> -> memref<12288x64xf32, #tpu.memory_space<vmem_shared>>
        tpu.wait_indirect_dma semaphore(%run_scoped3A_955 : memref<!tpu.dma_semaphore, #tpu.memory_space<semaphore_mem>>) src(%dma_wait3A_967 : memref<128x64xf32, #tpu.memory_space<vmem>>) dst(%dma_wait3A_973 : memref<12288x64xf32, #tpu.memory_space<vmem_shared>>)
        tpu.yield
      }) : () -> ()
      %add3A_946 = arith.constant 1 : i32
      %add3A_947 = arith.addi %mul3A_848, %add3A_946 : i32
      %mul3A_948 = arith.constant 2 : i32
      %mul3A_949 = arith.muli %add3A_947, %mul3A_948 : i32
      %add3A_950 = arith.constant 0 : i32
      %add3A_951 = arith.addi %add3A_950, %mul3A_949 : i32
      %add3A_952 = arith.constant 1 : i32
      %add3A_953 = arith.addi %add3A_951, %add3A_952 : i32
      "tpu.region"() ({
        %run_scoped3A_955 = tpu.sem_alloc : memref<!tpu.dma_semaphore, #tpu.memory_space<semaphore_mem>>
        %dma_start3A_956 = arith.constant 128 : i32
        %dma_start3A_957 = arith.constant 0 : i32
        %dma_start3A_958 = tpu.memref_slice %arg14[%dma_start3A_956, %dma_start3A_957] : memref<256x64xf32, #tpu.memory_space<vmem>> -> memref<128x64xf32, #tpu.memory_space<vmem>>
        %dma_start3A_959 = arith.constant 0 : i32
        %dma_start3A_960 = tpu.memref_slice %arg12[%add3A_953, %dma_start3A_959] : memref<16x128xi32, #tpu.memory_space<vmem>> -> memref<1x128xi32, #tpu.memory_space<vmem>>
        %dma_start3A_961 = tpu.memref_squeeze %dma_start3A_960 : memref<1x128xi32, #tpu.memory_space<vmem>> -> memref<128xi32, #tpu.memory_space<vmem>>
        %dma_start3A_962 = arith.constant 0 : i32
        %dma_start3A_963 = arith.constant 0 : i32
        %dma_start3A_964 = tpu.memref_slice %arg19[%dma_start3A_962, %dma_start3A_963] : memref<12288x64xf32, #tpu.memory_space<vmem_shared>> -> memref<12288x64xf32, #tpu.memory_space<vmem_shared>>
        tpu.enqueue_indirect_dma source(%dma_start3A_958 : memref<128x64xf32, #tpu.memory_space<vmem>>) target(%dma_start3A_964 : memref<12288x64xf32, #tpu.memory_space<vmem_shared>>) offsets(%dma_start3A_961 : memref<128xi32, #tpu.memory_space<vmem>>) semaphore(%run_scoped3A_955 : memref<!tpu.dma_semaphore, #tpu.memory_space<semaphore_mem>>) {add = true}
        %dma_wait3A_965 = arith.constant 128 : i32
        %dma_wait3A_966 = arith.constant 0 : i32
        %dma_wait3A_967 = tpu.memref_slice %arg14[%dma_wait3A_965, %dma_wait3A_966] : memref<256x64xf32, #tpu.memory_space<vmem>> -> memref<128x64xf32, #tpu.memory_space<vmem>>
        %dma_wait3A_968 = arith.constant 0 : i32
        %dma_wait3A_969 = tpu.memref_slice %arg12[%add3A_953, %dma_wait3A_968] : memref<16x128xi32, #tpu.memory_space<vmem>> -> memref<1x128xi32, #tpu.memory_space<vmem>>
        %dma_wait3A_970 = tpu.memref_squeeze %dma_wait3A_969 : memref<1x128xi32, #tpu.memory_space<vmem>> -> memref<128xi32, #tpu.memory_space<vmem>>
        %dma_wait3A_971 = arith.constant 0 : i32
        %dma_wait3A_972 = arith.constant 0 : i32
        %dma_wait3A_973 = tpu.memref_slice %arg19[%dma_wait3A_971, %dma_wait3A_972] : memref<12288x64xf32, #tpu.memory_space<vmem_shared>> -> memref<12288x64xf32, #tpu.memory_space<vmem_shared>>
        tpu.wait_indirect_dma semaphore(%run_scoped3A_955 : memref<!tpu.dma_semaphore, #tpu.memory_space<semaphore_mem>>) src(%dma_wait3A_967 : memref<128x64xf32, #tpu.memory_space<vmem>>) dst(%dma_wait3A_973 : memref<12288x64xf32, #tpu.memory_space<vmem_shared>>)
        tpu.yield
      }) : () -> ()
      %scan3A_954 = arith.constant 0 : i32
      scf.yield %scan3A_954 : i32
    }
    %scan3A_432 = arith.constant 4 : i32
    %dma_wait3A_433 = arith.constant 0 : i32
    %dma_wait3A_434 = arith.constant 0 : i32
    %dma_wait3A_435 = tpu.memref_slice %arg2[%dma_wait3A_433, %dma_wait3A_434] : memref<65536x64xf32, #tpu.memory_space<hbm>> -> memref<256x64xf32, #tpu.memory_space<hbm>>
    %dma_wait3A_436 = arith.constant 0 : i32
    %dma_wait3A_437 = arith.constant 0 : i32
    %dma_wait3A_438 = tpu.memref_slice %arg2[%dma_wait3A_436, %dma_wait3A_437] : memref<65536x64xf32, #tpu.memory_space<hbm>> -> memref<256x64xf32, #tpu.memory_space<hbm>>
    tpu.wait_dma2 semaphore(%arg20 : memref<!tpu.dma_semaphore, #tpu.memory_space<semaphore_mem>>) src(%dma_wait3A_438 : memref<256x64xf32, #tpu.memory_space<hbm>>) dst(%arg13 : memref<256x64xf32, #tpu.memory_space<vmem>>)
    %dma_start3A_439 = arith.constant 0 : i32
    %dma_start3A_440 = tpu.memref_slice %arg7[%mul3A_380, %dma_start3A_439] : memref<32768x64xf32, #tpu.memory_space<hbm>> -> memref<128x64xf32, #tpu.memory_space<hbm>>
    %dma_start3A_441 = arith.constant 0 : i32
    %dma_start3A_442 = tpu.memref_slice %arg19[%add3A_382, %dma_start3A_441] : memref<12288x64xf32, #tpu.memory_space<vmem_shared>> -> memref<128x64xf32, #tpu.memory_space<vmem_shared>>
    tpu.enqueue_dma source(%dma_start3A_442 : memref<128x64xf32, #tpu.memory_space<vmem_shared>>) target(%dma_start3A_440 : memref<128x64xf32, #tpu.memory_space<hbm>>) target_semaphore(%arg22 : memref<!tpu.dma_semaphore, #tpu.memory_space<semaphore_mem>>)
    %dma_start3A_443 = arith.constant 0 : i32
    %dma_start3A_444 = tpu.memref_slice %arg8[%mul3A_380, %dma_start3A_443] : memref<32768x64xf32, #tpu.memory_space<hbm>> -> memref<128x64xf32, #tpu.memory_space<hbm>>
    %dma_start3A_445 = arith.constant 0 : i32
    %dma_start3A_446 = tpu.memref_slice %arg19[%add3A_384, %dma_start3A_445] : memref<12288x64xf32, #tpu.memory_space<vmem_shared>> -> memref<128x64xf32, #tpu.memory_space<vmem_shared>>
    tpu.enqueue_dma source(%dma_start3A_446 : memref<128x64xf32, #tpu.memory_space<vmem_shared>>) target(%dma_start3A_444 : memref<128x64xf32, #tpu.memory_space<hbm>>) target_semaphore(%arg22 : memref<!tpu.dma_semaphore, #tpu.memory_space<semaphore_mem>>)
    %dma_start3A_447 = arith.constant 0 : i32
    %dma_start3A_448 = tpu.memref_slice %arg9[%mul3A_380, %dma_start3A_447] : memref<32768x64xf32, #tpu.memory_space<hbm>> -> memref<128x64xf32, #tpu.memory_space<hbm>>
    %dma_start3A_449 = arith.constant 0 : i32
    %dma_start3A_450 = tpu.memref_slice %arg19[%add3A_386, %dma_start3A_449] : memref<12288x64xf32, #tpu.memory_space<vmem_shared>> -> memref<128x64xf32, #tpu.memory_space<vmem_shared>>
    tpu.enqueue_dma source(%dma_start3A_450 : memref<128x64xf32, #tpu.memory_space<vmem_shared>>) target(%dma_start3A_448 : memref<128x64xf32, #tpu.memory_space<hbm>>) target_semaphore(%arg22 : memref<!tpu.dma_semaphore, #tpu.memory_space<semaphore_mem>>)
    %mul3A_451 = arith.constant 2 : i32
    %mul3A_452 = arith.muli %arg1, %mul3A_451 : i32
    %add3A_453 = arith.constant 1 : i32
    %add3A_454 = arith.addi %mul3A_452, %add3A_453 : i32
    %mul3A_455 = arith.constant 384 : i32
    %mul3A_456 = arith.muli %add3A_454, %mul3A_455 : i32
    %mul3A_457 = arith.constant 8 : i32
    %mul3A_458 = arith.muli %add3A, %mul3A_457 : i32
    %add3A_459 = arith.constant 5 : i32
    %add3A_460 = arith.addi %mul3A_458, %add3A_459 : i32
    %mul3A_461 = arith.constant 16 : i32
    %mul3A_462 = arith.muli %add3A_460, %mul3A_461 : i32
    "tpu.region"() ({
      %run_scoped3A_845 = tpu.sem_alloc : memref<!tpu.dma_semaphore, #tpu.memory_space<semaphore_mem>>
      %dma_start3A_846 = arith.constant 0 : i32
      %dma_start3A_847 = tpu.memref_slice %arg3[%mul3A_462, %dma_start3A_846] : memref<4096x128xi32, #tpu.memory_space<hbm>> -> memref<16x128xi32, #tpu.memory_space<hbm>>
      %dma_start3A_848 = arith.constant 0 : i32
      %dma_start3A_849 = tpu.memref_slice %arg3[%mul3A_462, %dma_start3A_848] : memref<4096x128xi32, #tpu.memory_space<hbm>> -> memref<16x128xi32, #tpu.memory_space<hbm>>
      tpu.enqueue_dma source(%dma_start3A_849 : memref<16x128xi32, #tpu.memory_space<hbm>>) target(%arg11 : memref<16x128xi32, #tpu.memory_space<vmem>>) target_semaphore(%run_scoped3A_845 : memref<!tpu.dma_semaphore, #tpu.memory_space<semaphore_mem>>)
      %dma_wait3A_850 = arith.constant 0 : i32
      %dma_wait3A_851 = tpu.memref_slice %arg3[%mul3A_462, %dma_wait3A_850] : memref<4096x128xi32, #tpu.memory_space<hbm>> -> memref<16x128xi32, #tpu.memory_space<hbm>>
      %dma_wait3A_852 = arith.constant 0 : i32
      %dma_wait3A_853 = tpu.memref_slice %arg3[%mul3A_462, %dma_wait3A_852] : memref<4096x128xi32, #tpu.memory_space<hbm>> -> memref<16x128xi32, #tpu.memory_space<hbm>>
      tpu.wait_dma2 semaphore(%run_scoped3A_845 : memref<!tpu.dma_semaphore, #tpu.memory_space<semaphore_mem>>) src(%dma_wait3A_853 : memref<16x128xi32, #tpu.memory_space<hbm>>) dst(%arg11 : memref<16x128xi32, #tpu.memory_space<vmem>>)
      tpu.yield
    }) : () -> ()
    %mul3A_463 = arith.constant 8 : i32
    %mul3A_464 = arith.muli %add3A, %mul3A_463 : i32
    %add3A_465 = arith.constant 5 : i32
    %add3A_466 = arith.addi %mul3A_464, %add3A_465 : i32
    %mul3A_467 = arith.constant 16 : i32
    %mul3A_468 = arith.muli %add3A_466, %mul3A_467 : i32
    "tpu.region"() ({
      %run_scoped3A_845 = tpu.sem_alloc : memref<!tpu.dma_semaphore, #tpu.memory_space<semaphore_mem>>
      %dma_start3A_846 = arith.constant 0 : i32
      %dma_start3A_847 = tpu.memref_slice %arg4[%mul3A_468, %dma_start3A_846] : memref<4096x128xi32, #tpu.memory_space<hbm>> -> memref<16x128xi32, #tpu.memory_space<hbm>>
      %dma_start3A_848 = arith.constant 0 : i32
      %dma_start3A_849 = tpu.memref_slice %arg4[%mul3A_468, %dma_start3A_848] : memref<4096x128xi32, #tpu.memory_space<hbm>> -> memref<16x128xi32, #tpu.memory_space<hbm>>
      tpu.enqueue_dma source(%dma_start3A_849 : memref<16x128xi32, #tpu.memory_space<hbm>>) target(%arg12 : memref<16x128xi32, #tpu.memory_space<vmem>>) target_semaphore(%run_scoped3A_845 : memref<!tpu.dma_semaphore, #tpu.memory_space<semaphore_mem>>)
      %dma_wait3A_850 = arith.constant 0 : i32
      %dma_wait3A_851 = tpu.memref_slice %arg4[%mul3A_468, %dma_wait3A_850] : memref<4096x128xi32, #tpu.memory_space<hbm>> -> memref<16x128xi32, #tpu.memory_space<hbm>>
      %dma_wait3A_852 = arith.constant 0 : i32
      %dma_wait3A_853 = tpu.memref_slice %arg4[%mul3A_468, %dma_wait3A_852] : memref<4096x128xi32, #tpu.memory_space<hbm>> -> memref<16x128xi32, #tpu.memory_space<hbm>>
      tpu.wait_dma2 semaphore(%run_scoped3A_845 : memref<!tpu.dma_semaphore, #tpu.memory_space<semaphore_mem>>) src(%dma_wait3A_853 : memref<16x128xi32, #tpu.memory_space<hbm>>) dst(%arg12 : memref<16x128xi32, #tpu.memory_space<vmem>>)
      tpu.yield
    }) : () -> ()
    %mul3A_469 = arith.constant 8 : i32
    %mul3A_470 = arith.muli %add3A, %mul3A_469 : i32
    %add3A_471 = arith.constant 5 : i32
    %add3A_472 = arith.addi %mul3A_470, %add3A_471 : i32
    %mul3A_473 = arith.constant 128 : i32
    %mul3A_474 = arith.muli %add3A_472, %mul3A_473 : i32
    %add3A_475 = arith.constant 0 : i32
    %add3A_476 = arith.addi %mul3A_456, %add3A_475 : i32
    %add3A_477 = arith.constant 128 : i32
    %add3A_478 = arith.addi %mul3A_456, %add3A_477 : i32
    %add3A_479 = arith.constant 256 : i32
    %add3A_480 = arith.addi %mul3A_456, %add3A_479 : i32
    %dma_wait3A_481 = arith.constant 0 : i32
    %dma_wait3A_482 = tpu.memref_slice %arg7[%mul3A_474, %dma_wait3A_481] : memref<32768x64xf32, #tpu.memory_space<hbm>> -> memref<128x64xf32, #tpu.memory_space<hbm>>
    %dma_wait3A_483 = arith.constant 0 : i32
    %dma_wait3A_484 = tpu.memref_slice %arg19[%add3A_476, %dma_wait3A_483] : memref<12288x64xf32, #tpu.memory_space<vmem_shared>> -> memref<128x64xf32, #tpu.memory_space<vmem_shared>>
    tpu.wait_dma2 semaphore(%arg23 : memref<!tpu.dma_semaphore, #tpu.memory_space<semaphore_mem>>) src(%dma_wait3A_484 : memref<128x64xf32, #tpu.memory_space<vmem_shared>>) dst(%dma_wait3A_482 : memref<128x64xf32, #tpu.memory_space<hbm>>)
    %dma_wait3A_485 = arith.constant 0 : i32
    %dma_wait3A_486 = tpu.memref_slice %arg8[%mul3A_474, %dma_wait3A_485] : memref<32768x64xf32, #tpu.memory_space<hbm>> -> memref<128x64xf32, #tpu.memory_space<hbm>>
    %dma_wait3A_487 = arith.constant 0 : i32
    %dma_wait3A_488 = tpu.memref_slice %arg19[%add3A_478, %dma_wait3A_487] : memref<12288x64xf32, #tpu.memory_space<vmem_shared>> -> memref<128x64xf32, #tpu.memory_space<vmem_shared>>
    tpu.wait_dma2 semaphore(%arg23 : memref<!tpu.dma_semaphore, #tpu.memory_space<semaphore_mem>>) src(%dma_wait3A_488 : memref<128x64xf32, #tpu.memory_space<vmem_shared>>) dst(%dma_wait3A_486 : memref<128x64xf32, #tpu.memory_space<hbm>>)
    %dma_wait3A_489 = arith.constant 0 : i32
    %dma_wait3A_490 = tpu.memref_slice %arg9[%mul3A_474, %dma_wait3A_489] : memref<32768x64xf32, #tpu.memory_space<hbm>> -> memref<128x64xf32, #tpu.memory_space<hbm>>
    %dma_wait3A_491 = arith.constant 0 : i32
    %dma_wait3A_492 = tpu.memref_slice %arg19[%add3A_480, %dma_wait3A_491] : memref<12288x64xf32, #tpu.memory_space<vmem_shared>> -> memref<128x64xf32, #tpu.memory_space<vmem_shared>>
    tpu.wait_dma2 semaphore(%arg23 : memref<!tpu.dma_semaphore, #tpu.memory_space<semaphore_mem>>) src(%dma_wait3A_492 : memref<128x64xf32, #tpu.memory_space<vmem_shared>>) dst(%dma_wait3A_490 : memref<128x64xf32, #tpu.memory_space<hbm>>)
    %scan3A_493 = arith.constant 0 : i32
    %scan3A_494 = arith.constant 0 : i32
    %scan3A_495 = arith.constant 6 : i32
    %scan3A_496 = arith.addi %scan3A_494, %scan3A_495 : i32
    %scan3A_497 = arith.constant 1 : i32
    %scan3A_498 = scf.for %scan3A_845 = %scan3A_494 to %scan3A_496 step %scan3A_497 iter_args(%scan3A_846 = %scan3A_493) -> (i32)  : i32 {
      %mul3A_847 = arith.constant 2 : i32
      %mul3A_848 = arith.muli %arg1, %mul3A_847 : i32
      %add3A_849 = arith.constant 1 : i32
      %add3A_850 = arith.addi %mul3A_848, %add3A_849 : i32
      %mul3A_851 = arith.constant 384 : i32
      %mul3A_852 = arith.muli %add3A_850, %mul3A_851 : i32
      %mul3A_853 = arith.constant 64 : i32
      %mul3A_854 = arith.muli %scan3A_845, %mul3A_853 : i32
      %add3A_855 = arith.addi %mul3A_852, %mul3A_854 : i32
      "tpu.region"() ({
        %run_scoped3A_857 = tpu.sem_alloc : memref<!tpu.dma_semaphore, #tpu.memory_space<semaphore_mem>>
        %dma_start3A_858 = arith.constant 0 : i32
        %dma_start3A_859 = tpu.memref_slice %arg19[%add3A_855, %dma_start3A_858] : memref<12288x64xf32, #tpu.memory_space<vmem_shared>> -> memref<64x64xf32, #tpu.memory_space<vmem_shared>>
        %dma_start3A_860 = arith.constant 0 : i32
        %dma_start3A_861 = tpu.memref_slice %arg19[%add3A_855, %dma_start3A_860] : memref<12288x64xf32, #tpu.memory_space<vmem_shared>> -> memref<64x64xf32, #tpu.memory_space<vmem_shared>>
        tpu.enqueue_dma source(%arg15 : memref<64x64xf32, #tpu.memory_space<vmem>>) target(%dma_start3A_861 : memref<64x64xf32, #tpu.memory_space<vmem_shared>>) target_semaphore(%run_scoped3A_857 : memref<!tpu.dma_semaphore, #tpu.memory_space<semaphore_mem>>)
        %dma_wait3A_862 = arith.constant 0 : i32
        %dma_wait3A_863 = tpu.memref_slice %arg19[%add3A_855, %dma_wait3A_862] : memref<12288x64xf32, #tpu.memory_space<vmem_shared>> -> memref<64x64xf32, #tpu.memory_space<vmem_shared>>
        %dma_wait3A_864 = arith.constant 0 : i32
        %dma_wait3A_865 = tpu.memref_slice %arg19[%add3A_855, %dma_wait3A_864] : memref<12288x64xf32, #tpu.memory_space<vmem_shared>> -> memref<64x64xf32, #tpu.memory_space<vmem_shared>>
        tpu.wait_dma2 semaphore(%run_scoped3A_857 : memref<!tpu.dma_semaphore, #tpu.memory_space<semaphore_mem>>) src(%arg15 : memref<64x64xf32, #tpu.memory_space<vmem>>) dst(%dma_wait3A_865 : memref<64x64xf32, #tpu.memory_space<vmem_shared>>)
        tpu.yield
      }) : () -> ()
      %scan3A_856 = arith.constant 0 : i32
      scf.yield %scan3A_856 : i32
    }
    %scan3A_499 = arith.constant 6 : i32
    %dma_start3A_500 = arith.constant 0 : i32
    %dma_start3A_501 = arith.constant 0 : i32
    %dma_start3A_502 = arith.constant 0 : i32
    %dma_start3A_503 = tpu.memref_slice %arg13[%dma_start3A_501, %dma_start3A_502] : memref<256x64xf32, #tpu.memory_space<vmem>> -> memref<128x64xf32, #tpu.memory_space<vmem>>
    %dma_start3A_504 = arith.constant 0 : i32
    %dma_start3A_505 = tpu.memref_slice %arg11[%dma_start3A_500, %dma_start3A_504] : memref<16x128xi32, #tpu.memory_space<vmem>> -> memref<1x128xi32, #tpu.memory_space<vmem>>
    %dma_start3A_506 = tpu.memref_squeeze %dma_start3A_505 : memref<1x128xi32, #tpu.memory_space<vmem>> -> memref<128xi32, #tpu.memory_space<vmem>>
    %dma_start3A_507 = arith.constant 0 : i32
    %dma_start3A_508 = arith.constant 0 : i32
    %dma_start3A_509 = tpu.memref_slice %arg2[%dma_start3A_507, %dma_start3A_508] : memref<65536x64xf32, #tpu.memory_space<hbm>> -> memref<65536x64xf32, #tpu.memory_space<hbm>>
    tpu.enqueue_indirect_dma source(%dma_start3A_509 : memref<65536x64xf32, #tpu.memory_space<hbm>>) target(%dma_start3A_503 : memref<128x64xf32, #tpu.memory_space<vmem>>) offsets(%dma_start3A_506 : memref<128xi32, #tpu.memory_space<vmem>>) semaphore(%arg20 : memref<!tpu.dma_semaphore, #tpu.memory_space<semaphore_mem>>)
    %dma_start3A_510 = arith.constant 1 : i32
    %dma_start3A_511 = arith.constant 128 : i32
    %dma_start3A_512 = arith.constant 0 : i32
    %dma_start3A_513 = tpu.memref_slice %arg13[%dma_start3A_511, %dma_start3A_512] : memref<256x64xf32, #tpu.memory_space<vmem>> -> memref<128x64xf32, #tpu.memory_space<vmem>>
    %dma_start3A_514 = arith.constant 0 : i32
    %dma_start3A_515 = tpu.memref_slice %arg11[%dma_start3A_510, %dma_start3A_514] : memref<16x128xi32, #tpu.memory_space<vmem>> -> memref<1x128xi32, #tpu.memory_space<vmem>>
    %dma_start3A_516 = tpu.memref_squeeze %dma_start3A_515 : memref<1x128xi32, #tpu.memory_space<vmem>> -> memref<128xi32, #tpu.memory_space<vmem>>
    %dma_start3A_517 = arith.constant 0 : i32
    %dma_start3A_518 = arith.constant 0 : i32
    %dma_start3A_519 = tpu.memref_slice %arg2[%dma_start3A_517, %dma_start3A_518] : memref<65536x64xf32, #tpu.memory_space<hbm>> -> memref<65536x64xf32, #tpu.memory_space<hbm>>
    tpu.enqueue_indirect_dma source(%dma_start3A_519 : memref<65536x64xf32, #tpu.memory_space<hbm>>) target(%dma_start3A_513 : memref<128x64xf32, #tpu.memory_space<vmem>>) offsets(%dma_start3A_516 : memref<128xi32, #tpu.memory_space<vmem>>) semaphore(%arg20 : memref<!tpu.dma_semaphore, #tpu.memory_space<semaphore_mem>>)
    %scan3A_520 = arith.constant 0 : i32
    %scan3A_521 = arith.constant 0 : i32
    %scan3A_522 = arith.constant 4 : i32
    %scan3A_523 = arith.addi %scan3A_521, %scan3A_522 : i32
    %scan3A_524 = arith.constant 1 : i32
    %scan3A_525 = scf.for %scan3A_845 = %scan3A_521 to %scan3A_523 step %scan3A_524 iter_args(%scan3A_846 = %scan3A_520) -> (i32)  : i32 {
      %mul3A_847 = arith.constant 2 : i32
      %mul3A_848 = arith.muli %mul3A_847, %scan3A_845 : i32
      %dma_wait3A_849 = arith.constant 0 : i32
      %dma_wait3A_850 = arith.constant 0 : i32
      %dma_wait3A_851 = tpu.memref_slice %arg2[%dma_wait3A_849, %dma_wait3A_850] : memref<65536x64xf32, #tpu.memory_space<hbm>> -> memref<256x64xf32, #tpu.memory_space<hbm>>
      %dma_wait3A_852 = arith.constant 0 : i32
      %dma_wait3A_853 = arith.constant 0 : i32
      %dma_wait3A_854 = tpu.memref_slice %arg2[%dma_wait3A_852, %dma_wait3A_853] : memref<65536x64xf32, #tpu.memory_space<hbm>> -> memref<256x64xf32, #tpu.memory_space<hbm>>
      tpu.wait_dma2 semaphore(%arg20 : memref<!tpu.dma_semaphore, #tpu.memory_space<semaphore_mem>>) src(%dma_wait3A_854 : memref<256x64xf32, #tpu.memory_space<hbm>>) dst(%arg13 : memref<256x64xf32, #tpu.memory_space<vmem>>)
      %add3A_855 = arith.constant 1 : i32
      %add3A_856 = arith.addi %mul3A_848, %add3A_855 : i32
      %mul3A_857 = arith.constant 2 : i32
      %mul3A_858 = arith.muli %add3A_856, %mul3A_857 : i32
      %add3A_859 = arith.constant 0 : i32
      %add3A_860 = arith.addi %add3A_859, %mul3A_858 : i32
      %add3A_861 = arith.constant 0 : i32
      %add3A_862 = arith.addi %add3A_860, %add3A_861 : i32
      %dma_start3A_863 = arith.constant 0 : i32
      %dma_start3A_864 = arith.constant 0 : i32
      %dma_start3A_865 = tpu.memref_slice %arg14[%dma_start3A_863, %dma_start3A_864] : memref<256x64xf32, #tpu.memory_space<vmem>> -> memref<128x64xf32, #tpu.memory_space<vmem>>
      %dma_start3A_866 = arith.constant 0 : i32
      %dma_start3A_867 = tpu.memref_slice %arg11[%add3A_862, %dma_start3A_866] : memref<16x128xi32, #tpu.memory_space<vmem>> -> memref<1x128xi32, #tpu.memory_space<vmem>>
      %dma_start3A_868 = tpu.memref_squeeze %dma_start3A_867 : memref<1x128xi32, #tpu.memory_space<vmem>> -> memref<128xi32, #tpu.memory_space<vmem>>
      %dma_start3A_869 = arith.constant 0 : i32
      %dma_start3A_870 = arith.constant 0 : i32
      %dma_start3A_871 = tpu.memref_slice %arg2[%dma_start3A_869, %dma_start3A_870] : memref<65536x64xf32, #tpu.memory_space<hbm>> -> memref<65536x64xf32, #tpu.memory_space<hbm>>
      tpu.enqueue_indirect_dma source(%dma_start3A_871 : memref<65536x64xf32, #tpu.memory_space<hbm>>) target(%dma_start3A_865 : memref<128x64xf32, #tpu.memory_space<vmem>>) offsets(%dma_start3A_868 : memref<128xi32, #tpu.memory_space<vmem>>) semaphore(%arg21 : memref<!tpu.dma_semaphore, #tpu.memory_space<semaphore_mem>>)
      %mul3A_872 = arith.constant 2 : i32
      %mul3A_873 = arith.muli %add3A_856, %mul3A_872 : i32
      %add3A_874 = arith.constant 0 : i32
      %add3A_875 = arith.addi %add3A_874, %mul3A_873 : i32
      %add3A_876 = arith.constant 1 : i32
      %add3A_877 = arith.addi %add3A_875, %add3A_876 : i32
      %dma_start3A_878 = arith.constant 128 : i32
      %dma_start3A_879 = arith.constant 0 : i32
      %dma_start3A_880 = tpu.memref_slice %arg14[%dma_start3A_878, %dma_start3A_879] : memref<256x64xf32, #tpu.memory_space<vmem>> -> memref<128x64xf32, #tpu.memory_space<vmem>>
      %dma_start3A_881 = arith.constant 0 : i32
      %dma_start3A_882 = tpu.memref_slice %arg11[%add3A_877, %dma_start3A_881] : memref<16x128xi32, #tpu.memory_space<vmem>> -> memref<1x128xi32, #tpu.memory_space<vmem>>
      %dma_start3A_883 = tpu.memref_squeeze %dma_start3A_882 : memref<1x128xi32, #tpu.memory_space<vmem>> -> memref<128xi32, #tpu.memory_space<vmem>>
      %dma_start3A_884 = arith.constant 0 : i32
      %dma_start3A_885 = arith.constant 0 : i32
      %dma_start3A_886 = tpu.memref_slice %arg2[%dma_start3A_884, %dma_start3A_885] : memref<65536x64xf32, #tpu.memory_space<hbm>> -> memref<65536x64xf32, #tpu.memory_space<hbm>>
      tpu.enqueue_indirect_dma source(%dma_start3A_886 : memref<65536x64xf32, #tpu.memory_space<hbm>>) target(%dma_start3A_880 : memref<128x64xf32, #tpu.memory_space<vmem>>) offsets(%dma_start3A_883 : memref<128xi32, #tpu.memory_space<vmem>>) semaphore(%arg21 : memref<!tpu.dma_semaphore, #tpu.memory_space<semaphore_mem>>)
      %mul3A_887 = arith.constant 2 : i32
      %mul3A_888 = arith.muli %mul3A_848, %mul3A_887 : i32
      %add3A_889 = arith.constant 0 : i32
      %add3A_890 = arith.addi %add3A_889, %mul3A_888 : i32
      %add3A_891 = arith.constant 0 : i32
      %add3A_892 = arith.addi %add3A_890, %add3A_891 : i32
      "tpu.region"() ({
        %run_scoped3A_955 = tpu.sem_alloc : memref<!tpu.dma_semaphore, #tpu.memory_space<semaphore_mem>>
        %dma_start3A_956 = arith.constant 0 : i32
        %dma_start3A_957 = arith.constant 0 : i32
        %dma_start3A_958 = tpu.memref_slice %arg13[%dma_start3A_956, %dma_start3A_957] : memref<256x64xf32, #tpu.memory_space<vmem>> -> memref<128x64xf32, #tpu.memory_space<vmem>>
        %dma_start3A_959 = arith.constant 0 : i32
        %dma_start3A_960 = tpu.memref_slice %arg12[%add3A_892, %dma_start3A_959] : memref<16x128xi32, #tpu.memory_space<vmem>> -> memref<1x128xi32, #tpu.memory_space<vmem>>
        %dma_start3A_961 = tpu.memref_squeeze %dma_start3A_960 : memref<1x128xi32, #tpu.memory_space<vmem>> -> memref<128xi32, #tpu.memory_space<vmem>>
        %dma_start3A_962 = arith.constant 0 : i32
        %dma_start3A_963 = arith.constant 0 : i32
        %dma_start3A_964 = tpu.memref_slice %arg19[%dma_start3A_962, %dma_start3A_963] : memref<12288x64xf32, #tpu.memory_space<vmem_shared>> -> memref<12288x64xf32, #tpu.memory_space<vmem_shared>>
        tpu.enqueue_indirect_dma source(%dma_start3A_958 : memref<128x64xf32, #tpu.memory_space<vmem>>) target(%dma_start3A_964 : memref<12288x64xf32, #tpu.memory_space<vmem_shared>>) offsets(%dma_start3A_961 : memref<128xi32, #tpu.memory_space<vmem>>) semaphore(%run_scoped3A_955 : memref<!tpu.dma_semaphore, #tpu.memory_space<semaphore_mem>>) {add = true}
        %dma_wait3A_965 = arith.constant 0 : i32
        %dma_wait3A_966 = arith.constant 0 : i32
        %dma_wait3A_967 = tpu.memref_slice %arg13[%dma_wait3A_965, %dma_wait3A_966] : memref<256x64xf32, #tpu.memory_space<vmem>> -> memref<128x64xf32, #tpu.memory_space<vmem>>
        %dma_wait3A_968 = arith.constant 0 : i32
        %dma_wait3A_969 = tpu.memref_slice %arg12[%add3A_892, %dma_wait3A_968] : memref<16x128xi32, #tpu.memory_space<vmem>> -> memref<1x128xi32, #tpu.memory_space<vmem>>
        %dma_wait3A_970 = tpu.memref_squeeze %dma_wait3A_969 : memref<1x128xi32, #tpu.memory_space<vmem>> -> memref<128xi32, #tpu.memory_space<vmem>>
        %dma_wait3A_971 = arith.constant 0 : i32
        %dma_wait3A_972 = arith.constant 0 : i32
        %dma_wait3A_973 = tpu.memref_slice %arg19[%dma_wait3A_971, %dma_wait3A_972] : memref<12288x64xf32, #tpu.memory_space<vmem_shared>> -> memref<12288x64xf32, #tpu.memory_space<vmem_shared>>
        tpu.wait_indirect_dma semaphore(%run_scoped3A_955 : memref<!tpu.dma_semaphore, #tpu.memory_space<semaphore_mem>>) src(%dma_wait3A_967 : memref<128x64xf32, #tpu.memory_space<vmem>>) dst(%dma_wait3A_973 : memref<12288x64xf32, #tpu.memory_space<vmem_shared>>)
        tpu.yield
      }) : () -> ()
      %mul3A_893 = arith.constant 2 : i32
      %mul3A_894 = arith.muli %mul3A_848, %mul3A_893 : i32
      %add3A_895 = arith.constant 0 : i32
      %add3A_896 = arith.addi %add3A_895, %mul3A_894 : i32
      %add3A_897 = arith.constant 1 : i32
      %add3A_898 = arith.addi %add3A_896, %add3A_897 : i32
      "tpu.region"() ({
        %run_scoped3A_955 = tpu.sem_alloc : memref<!tpu.dma_semaphore, #tpu.memory_space<semaphore_mem>>
        %dma_start3A_956 = arith.constant 128 : i32
        %dma_start3A_957 = arith.constant 0 : i32
        %dma_start3A_958 = tpu.memref_slice %arg13[%dma_start3A_956, %dma_start3A_957] : memref<256x64xf32, #tpu.memory_space<vmem>> -> memref<128x64xf32, #tpu.memory_space<vmem>>
        %dma_start3A_959 = arith.constant 0 : i32
        %dma_start3A_960 = tpu.memref_slice %arg12[%add3A_898, %dma_start3A_959] : memref<16x128xi32, #tpu.memory_space<vmem>> -> memref<1x128xi32, #tpu.memory_space<vmem>>
        %dma_start3A_961 = tpu.memref_squeeze %dma_start3A_960 : memref<1x128xi32, #tpu.memory_space<vmem>> -> memref<128xi32, #tpu.memory_space<vmem>>
        %dma_start3A_962 = arith.constant 0 : i32
        %dma_start3A_963 = arith.constant 0 : i32
        %dma_start3A_964 = tpu.memref_slice %arg19[%dma_start3A_962, %dma_start3A_963] : memref<12288x64xf32, #tpu.memory_space<vmem_shared>> -> memref<12288x64xf32, #tpu.memory_space<vmem_shared>>
        tpu.enqueue_indirect_dma source(%dma_start3A_958 : memref<128x64xf32, #tpu.memory_space<vmem>>) target(%dma_start3A_964 : memref<12288x64xf32, #tpu.memory_space<vmem_shared>>) offsets(%dma_start3A_961 : memref<128xi32, #tpu.memory_space<vmem>>) semaphore(%run_scoped3A_955 : memref<!tpu.dma_semaphore, #tpu.memory_space<semaphore_mem>>) {add = true}
        %dma_wait3A_965 = arith.constant 128 : i32
        %dma_wait3A_966 = arith.constant 0 : i32
        %dma_wait3A_967 = tpu.memref_slice %arg13[%dma_wait3A_965, %dma_wait3A_966] : memref<256x64xf32, #tpu.memory_space<vmem>> -> memref<128x64xf32, #tpu.memory_space<vmem>>
        %dma_wait3A_968 = arith.constant 0 : i32
        %dma_wait3A_969 = tpu.memref_slice %arg12[%add3A_898, %dma_wait3A_968] : memref<16x128xi32, #tpu.memory_space<vmem>> -> memref<1x128xi32, #tpu.memory_space<vmem>>
        %dma_wait3A_970 = tpu.memref_squeeze %dma_wait3A_969 : memref<1x128xi32, #tpu.memory_space<vmem>> -> memref<128xi32, #tpu.memory_space<vmem>>
        %dma_wait3A_971 = arith.constant 0 : i32
        %dma_wait3A_972 = arith.constant 0 : i32
        %dma_wait3A_973 = tpu.memref_slice %arg19[%dma_wait3A_971, %dma_wait3A_972] : memref<12288x64xf32, #tpu.memory_space<vmem_shared>> -> memref<12288x64xf32, #tpu.memory_space<vmem_shared>>
        tpu.wait_indirect_dma semaphore(%run_scoped3A_955 : memref<!tpu.dma_semaphore, #tpu.memory_space<semaphore_mem>>) src(%dma_wait3A_967 : memref<128x64xf32, #tpu.memory_space<vmem>>) dst(%dma_wait3A_973 : memref<12288x64xf32, #tpu.memory_space<vmem_shared>>)
        tpu.yield
      }) : () -> ()
      %dma_wait3A_899 = arith.constant 0 : i32
      %dma_wait3A_900 = arith.constant 0 : i32
      %dma_wait3A_901 = tpu.memref_slice %arg2[%dma_wait3A_899, %dma_wait3A_900] : memref<65536x64xf32, #tpu.memory_space<hbm>> -> memref<256x64xf32, #tpu.memory_space<hbm>>
      %dma_wait3A_902 = arith.constant 0 : i32
      %dma_wait3A_903 = arith.constant 0 : i32
      %dma_wait3A_904 = tpu.memref_slice %arg2[%dma_wait3A_902, %dma_wait3A_903] : memref<65536x64xf32, #tpu.memory_space<hbm>> -> memref<256x64xf32, #tpu.memory_space<hbm>>
      tpu.wait_dma2 semaphore(%arg21 : memref<!tpu.dma_semaphore, #tpu.memory_space<semaphore_mem>>) src(%dma_wait3A_904 : memref<256x64xf32, #tpu.memory_space<hbm>>) dst(%arg14 : memref<256x64xf32, #tpu.memory_space<vmem>>)
      %add3A_905 = arith.constant 2 : i32
      %add3A_906 = arith.addi %mul3A_848, %add3A_905 : i32
      %rem3A = arith.constant 8 : i32
      %rem3A_907 = arith.remsi %add3A_906, %rem3A : i32
      %mul3A_908 = arith.constant 2 : i32
      %mul3A_909 = arith.muli %rem3A_907, %mul3A_908 : i32
      %add3A_910 = arith.constant 0 : i32
      %add3A_911 = arith.addi %add3A_910, %mul3A_909 : i32
      %add3A_912 = arith.constant 0 : i32
      %add3A_913 = arith.addi %add3A_911, %add3A_912 : i32
      %dma_start3A_914 = arith.constant 0 : i32
      %dma_start3A_915 = arith.constant 0 : i32
      %dma_start3A_916 = tpu.memref_slice %arg13[%dma_start3A_914, %dma_start3A_915] : memref<256x64xf32, #tpu.memory_space<vmem>> -> memref<128x64xf32, #tpu.memory_space<vmem>>
      %dma_start3A_917 = arith.constant 0 : i32
      %dma_start3A_918 = tpu.memref_slice %arg11[%add3A_913, %dma_start3A_917] : memref<16x128xi32, #tpu.memory_space<vmem>> -> memref<1x128xi32, #tpu.memory_space<vmem>>
      %dma_start3A_919 = tpu.memref_squeeze %dma_start3A_918 : memref<1x128xi32, #tpu.memory_space<vmem>> -> memref<128xi32, #tpu.memory_space<vmem>>
      %dma_start3A_920 = arith.constant 0 : i32
      %dma_start3A_921 = arith.constant 0 : i32
      %dma_start3A_922 = tpu.memref_slice %arg2[%dma_start3A_920, %dma_start3A_921] : memref<65536x64xf32, #tpu.memory_space<hbm>> -> memref<65536x64xf32, #tpu.memory_space<hbm>>
      tpu.enqueue_indirect_dma source(%dma_start3A_922 : memref<65536x64xf32, #tpu.memory_space<hbm>>) target(%dma_start3A_916 : memref<128x64xf32, #tpu.memory_space<vmem>>) offsets(%dma_start3A_919 : memref<128xi32, #tpu.memory_space<vmem>>) semaphore(%arg20 : memref<!tpu.dma_semaphore, #tpu.memory_space<semaphore_mem>>)
      %mul3A_923 = arith.constant 2 : i32
      %mul3A_924 = arith.muli %rem3A_907, %mul3A_923 : i32
      %add3A_925 = arith.constant 0 : i32
      %add3A_926 = arith.addi %add3A_925, %mul3A_924 : i32
      %add3A_927 = arith.constant 1 : i32
      %add3A_928 = arith.addi %add3A_926, %add3A_927 : i32
      %dma_start3A_929 = arith.constant 128 : i32
      %dma_start3A_930 = arith.constant 0 : i32
      %dma_start3A_931 = tpu.memref_slice %arg13[%dma_start3A_929, %dma_start3A_930] : memref<256x64xf32, #tpu.memory_space<vmem>> -> memref<128x64xf32, #tpu.memory_space<vmem>>
      %dma_start3A_932 = arith.constant 0 : i32
      %dma_start3A_933 = tpu.memref_slice %arg11[%add3A_928, %dma_start3A_932] : memref<16x128xi32, #tpu.memory_space<vmem>> -> memref<1x128xi32, #tpu.memory_space<vmem>>
      %dma_start3A_934 = tpu.memref_squeeze %dma_start3A_933 : memref<1x128xi32, #tpu.memory_space<vmem>> -> memref<128xi32, #tpu.memory_space<vmem>>
      %dma_start3A_935 = arith.constant 0 : i32
      %dma_start3A_936 = arith.constant 0 : i32
      %dma_start3A_937 = tpu.memref_slice %arg2[%dma_start3A_935, %dma_start3A_936] : memref<65536x64xf32, #tpu.memory_space<hbm>> -> memref<65536x64xf32, #tpu.memory_space<hbm>>
      tpu.enqueue_indirect_dma source(%dma_start3A_937 : memref<65536x64xf32, #tpu.memory_space<hbm>>) target(%dma_start3A_931 : memref<128x64xf32, #tpu.memory_space<vmem>>) offsets(%dma_start3A_934 : memref<128xi32, #tpu.memory_space<vmem>>) semaphore(%arg20 : memref<!tpu.dma_semaphore, #tpu.memory_space<semaphore_mem>>)
      %add3A_938 = arith.constant 1 : i32
      %add3A_939 = arith.addi %mul3A_848, %add3A_938 : i32
      %mul3A_940 = arith.constant 2 : i32
      %mul3A_941 = arith.muli %add3A_939, %mul3A_940 : i32
      %add3A_942 = arith.constant 0 : i32
      %add3A_943 = arith.addi %add3A_942, %mul3A_941 : i32
      %add3A_944 = arith.constant 0 : i32
      %add3A_945 = arith.addi %add3A_943, %add3A_944 : i32
      "tpu.region"() ({
        %run_scoped3A_955 = tpu.sem_alloc : memref<!tpu.dma_semaphore, #tpu.memory_space<semaphore_mem>>
        %dma_start3A_956 = arith.constant 0 : i32
        %dma_start3A_957 = arith.constant 0 : i32
        %dma_start3A_958 = tpu.memref_slice %arg14[%dma_start3A_956, %dma_start3A_957] : memref<256x64xf32, #tpu.memory_space<vmem>> -> memref<128x64xf32, #tpu.memory_space<vmem>>
        %dma_start3A_959 = arith.constant 0 : i32
        %dma_start3A_960 = tpu.memref_slice %arg12[%add3A_945, %dma_start3A_959] : memref<16x128xi32, #tpu.memory_space<vmem>> -> memref<1x128xi32, #tpu.memory_space<vmem>>
        %dma_start3A_961 = tpu.memref_squeeze %dma_start3A_960 : memref<1x128xi32, #tpu.memory_space<vmem>> -> memref<128xi32, #tpu.memory_space<vmem>>
        %dma_start3A_962 = arith.constant 0 : i32
        %dma_start3A_963 = arith.constant 0 : i32
        %dma_start3A_964 = tpu.memref_slice %arg19[%dma_start3A_962, %dma_start3A_963] : memref<12288x64xf32, #tpu.memory_space<vmem_shared>> -> memref<12288x64xf32, #tpu.memory_space<vmem_shared>>
        tpu.enqueue_indirect_dma source(%dma_start3A_958 : memref<128x64xf32, #tpu.memory_space<vmem>>) target(%dma_start3A_964 : memref<12288x64xf32, #tpu.memory_space<vmem_shared>>) offsets(%dma_start3A_961 : memref<128xi32, #tpu.memory_space<vmem>>) semaphore(%run_scoped3A_955 : memref<!tpu.dma_semaphore, #tpu.memory_space<semaphore_mem>>) {add = true}
        %dma_wait3A_965 = arith.constant 0 : i32
        %dma_wait3A_966 = arith.constant 0 : i32
        %dma_wait3A_967 = tpu.memref_slice %arg14[%dma_wait3A_965, %dma_wait3A_966] : memref<256x64xf32, #tpu.memory_space<vmem>> -> memref<128x64xf32, #tpu.memory_space<vmem>>
        %dma_wait3A_968 = arith.constant 0 : i32
        %dma_wait3A_969 = tpu.memref_slice %arg12[%add3A_945, %dma_wait3A_968] : memref<16x128xi32, #tpu.memory_space<vmem>> -> memref<1x128xi32, #tpu.memory_space<vmem>>
        %dma_wait3A_970 = tpu.memref_squeeze %dma_wait3A_969 : memref<1x128xi32, #tpu.memory_space<vmem>> -> memref<128xi32, #tpu.memory_space<vmem>>
        %dma_wait3A_971 = arith.constant 0 : i32
        %dma_wait3A_972 = arith.constant 0 : i32
        %dma_wait3A_973 = tpu.memref_slice %arg19[%dma_wait3A_971, %dma_wait3A_972] : memref<12288x64xf32, #tpu.memory_space<vmem_shared>> -> memref<12288x64xf32, #tpu.memory_space<vmem_shared>>
        tpu.wait_indirect_dma semaphore(%run_scoped3A_955 : memref<!tpu.dma_semaphore, #tpu.memory_space<semaphore_mem>>) src(%dma_wait3A_967 : memref<128x64xf32, #tpu.memory_space<vmem>>) dst(%dma_wait3A_973 : memref<12288x64xf32, #tpu.memory_space<vmem_shared>>)
        tpu.yield
      }) : () -> ()
      %add3A_946 = arith.constant 1 : i32
      %add3A_947 = arith.addi %mul3A_848, %add3A_946 : i32
      %mul3A_948 = arith.constant 2 : i32
      %mul3A_949 = arith.muli %add3A_947, %mul3A_948 : i32
      %add3A_950 = arith.constant 0 : i32
      %add3A_951 = arith.addi %add3A_950, %mul3A_949 : i32
      %add3A_952 = arith.constant 1 : i32
      %add3A_953 = arith.addi %add3A_951, %add3A_952 : i32
      "tpu.region"() ({
        %run_scoped3A_955 = tpu.sem_alloc : memref<!tpu.dma_semaphore, #tpu.memory_space<semaphore_mem>>
        %dma_start3A_956 = arith.constant 128 : i32
        %dma_start3A_957 = arith.constant 0 : i32
        %dma_start3A_958 = tpu.memref_slice %arg14[%dma_start3A_956, %dma_start3A_957] : memref<256x64xf32, #tpu.memory_space<vmem>> -> memref<128x64xf32, #tpu.memory_space<vmem>>
        %dma_start3A_959 = arith.constant 0 : i32
        %dma_start3A_960 = tpu.memref_slice %arg12[%add3A_953, %dma_start3A_959] : memref<16x128xi32, #tpu.memory_space<vmem>> -> memref<1x128xi32, #tpu.memory_space<vmem>>
        %dma_start3A_961 = tpu.memref_squeeze %dma_start3A_960 : memref<1x128xi32, #tpu.memory_space<vmem>> -> memref<128xi32, #tpu.memory_space<vmem>>
        %dma_start3A_962 = arith.constant 0 : i32
        %dma_start3A_963 = arith.constant 0 : i32
        %dma_start3A_964 = tpu.memref_slice %arg19[%dma_start3A_962, %dma_start3A_963] : memref<12288x64xf32, #tpu.memory_space<vmem_shared>> -> memref<12288x64xf32, #tpu.memory_space<vmem_shared>>
        tpu.enqueue_indirect_dma source(%dma_start3A_958 : memref<128x64xf32, #tpu.memory_space<vmem>>) target(%dma_start3A_964 : memref<12288x64xf32, #tpu.memory_space<vmem_shared>>) offsets(%dma_start3A_961 : memref<128xi32, #tpu.memory_space<vmem>>) semaphore(%run_scoped3A_955 : memref<!tpu.dma_semaphore, #tpu.memory_space<semaphore_mem>>) {add = true}
        %dma_wait3A_965 = arith.constant 128 : i32
        %dma_wait3A_966 = arith.constant 0 : i32
        %dma_wait3A_967 = tpu.memref_slice %arg14[%dma_wait3A_965, %dma_wait3A_966] : memref<256x64xf32, #tpu.memory_space<vmem>> -> memref<128x64xf32, #tpu.memory_space<vmem>>
        %dma_wait3A_968 = arith.constant 0 : i32
        %dma_wait3A_969 = tpu.memref_slice %arg12[%add3A_953, %dma_wait3A_968] : memref<16x128xi32, #tpu.memory_space<vmem>> -> memref<1x128xi32, #tpu.memory_space<vmem>>
        %dma_wait3A_970 = tpu.memref_squeeze %dma_wait3A_969 : memref<1x128xi32, #tpu.memory_space<vmem>> -> memref<128xi32, #tpu.memory_space<vmem>>
        %dma_wait3A_971 = arith.constant 0 : i32
        %dma_wait3A_972 = arith.constant 0 : i32
        %dma_wait3A_973 = tpu.memref_slice %arg19[%dma_wait3A_971, %dma_wait3A_972] : memref<12288x64xf32, #tpu.memory_space<vmem_shared>> -> memref<12288x64xf32, #tpu.memory_space<vmem_shared>>
        tpu.wait_indirect_dma semaphore(%run_scoped3A_955 : memref<!tpu.dma_semaphore, #tpu.memory_space<semaphore_mem>>) src(%dma_wait3A_967 : memref<128x64xf32, #tpu.memory_space<vmem>>) dst(%dma_wait3A_973 : memref<12288x64xf32, #tpu.memory_space<vmem_shared>>)
        tpu.yield
      }) : () -> ()
      %scan3A_954 = arith.constant 0 : i32
      scf.yield %scan3A_954 : i32
    }
    %scan3A_526 = arith.constant 4 : i32
    %dma_wait3A_527 = arith.constant 0 : i32
    %dma_wait3A_528 = arith.constant 0 : i32
    %dma_wait3A_529 = tpu.memref_slice %arg2[%dma_wait3A_527, %dma_wait3A_528] : memref<65536x64xf32, #tpu.memory_space<hbm>> -> memref<256x64xf32, #tpu.memory_space<hbm>>
    %dma_wait3A_530 = arith.constant 0 : i32
    %dma_wait3A_531 = arith.constant 0 : i32
    %dma_wait3A_532 = tpu.memref_slice %arg2[%dma_wait3A_530, %dma_wait3A_531] : memref<65536x64xf32, #tpu.memory_space<hbm>> -> memref<256x64xf32, #tpu.memory_space<hbm>>
    tpu.wait_dma2 semaphore(%arg20 : memref<!tpu.dma_semaphore, #tpu.memory_space<semaphore_mem>>) src(%dma_wait3A_532 : memref<256x64xf32, #tpu.memory_space<hbm>>) dst(%arg13 : memref<256x64xf32, #tpu.memory_space<vmem>>)
    %dma_start3A_533 = arith.constant 0 : i32
    %dma_start3A_534 = tpu.memref_slice %arg7[%mul3A_474, %dma_start3A_533] : memref<32768x64xf32, #tpu.memory_space<hbm>> -> memref<128x64xf32, #tpu.memory_space<hbm>>
    %dma_start3A_535 = arith.constant 0 : i32
    %dma_start3A_536 = tpu.memref_slice %arg19[%add3A_476, %dma_start3A_535] : memref<12288x64xf32, #tpu.memory_space<vmem_shared>> -> memref<128x64xf32, #tpu.memory_space<vmem_shared>>
    tpu.enqueue_dma source(%dma_start3A_536 : memref<128x64xf32, #tpu.memory_space<vmem_shared>>) target(%dma_start3A_534 : memref<128x64xf32, #tpu.memory_space<hbm>>) target_semaphore(%arg23 : memref<!tpu.dma_semaphore, #tpu.memory_space<semaphore_mem>>)
    %dma_start3A_537 = arith.constant 0 : i32
    %dma_start3A_538 = tpu.memref_slice %arg8[%mul3A_474, %dma_start3A_537] : memref<32768x64xf32, #tpu.memory_space<hbm>> -> memref<128x64xf32, #tpu.memory_space<hbm>>
    %dma_start3A_539 = arith.constant 0 : i32
    %dma_start3A_540 = tpu.memref_slice %arg19[%add3A_478, %dma_start3A_539] : memref<12288x64xf32, #tpu.memory_space<vmem_shared>> -> memref<128x64xf32, #tpu.memory_space<vmem_shared>>
    tpu.enqueue_dma source(%dma_start3A_540 : memref<128x64xf32, #tpu.memory_space<vmem_shared>>) target(%dma_start3A_538 : memref<128x64xf32, #tpu.memory_space<hbm>>) target_semaphore(%arg23 : memref<!tpu.dma_semaphore, #tpu.memory_space<semaphore_mem>>)
    %dma_start3A_541 = arith.constant 0 : i32
    %dma_start3A_542 = tpu.memref_slice %arg9[%mul3A_474, %dma_start3A_541] : memref<32768x64xf32, #tpu.memory_space<hbm>> -> memref<128x64xf32, #tpu.memory_space<hbm>>
    %dma_start3A_543 = arith.constant 0 : i32
    %dma_start3A_544 = tpu.memref_slice %arg19[%add3A_480, %dma_start3A_543] : memref<12288x64xf32, #tpu.memory_space<vmem_shared>> -> memref<128x64xf32, #tpu.memory_space<vmem_shared>>
    tpu.enqueue_dma source(%dma_start3A_544 : memref<128x64xf32, #tpu.memory_space<vmem_shared>>) target(%dma_start3A_542 : memref<128x64xf32, #tpu.memory_space<hbm>>) target_semaphore(%arg23 : memref<!tpu.dma_semaphore, #tpu.memory_space<semaphore_mem>>)
    %mul3A_545 = arith.constant 2 : i32
    %mul3A_546 = arith.muli %arg1, %mul3A_545 : i32
    %add3A_547 = arith.constant 0 : i32
    %add3A_548 = arith.addi %mul3A_546, %add3A_547 : i32
    %mul3A_549 = arith.constant 384 : i32
    %mul3A_550 = arith.muli %add3A_548, %mul3A_549 : i32
    %mul3A_551 = arith.constant 8 : i32
    %mul3A_552 = arith.muli %add3A, %mul3A_551 : i32
    %add3A_553 = arith.constant 6 : i32
    %add3A_554 = arith.addi %mul3A_552, %add3A_553 : i32
    %mul3A_555 = arith.constant 16 : i32
    %mul3A_556 = arith.muli %add3A_554, %mul3A_555 : i32
    "tpu.region"() ({
      %run_scoped3A_845 = tpu.sem_alloc : memref<!tpu.dma_semaphore, #tpu.memory_space<semaphore_mem>>
      %dma_start3A_846 = arith.constant 0 : i32
      %dma_start3A_847 = tpu.memref_slice %arg3[%mul3A_556, %dma_start3A_846] : memref<4096x128xi32, #tpu.memory_space<hbm>> -> memref<16x128xi32, #tpu.memory_space<hbm>>
      %dma_start3A_848 = arith.constant 0 : i32
      %dma_start3A_849 = tpu.memref_slice %arg3[%mul3A_556, %dma_start3A_848] : memref<4096x128xi32, #tpu.memory_space<hbm>> -> memref<16x128xi32, #tpu.memory_space<hbm>>
      tpu.enqueue_dma source(%dma_start3A_849 : memref<16x128xi32, #tpu.memory_space<hbm>>) target(%arg11 : memref<16x128xi32, #tpu.memory_space<vmem>>) target_semaphore(%run_scoped3A_845 : memref<!tpu.dma_semaphore, #tpu.memory_space<semaphore_mem>>)
      %dma_wait3A_850 = arith.constant 0 : i32
      %dma_wait3A_851 = tpu.memref_slice %arg3[%mul3A_556, %dma_wait3A_850] : memref<4096x128xi32, #tpu.memory_space<hbm>> -> memref<16x128xi32, #tpu.memory_space<hbm>>
      %dma_wait3A_852 = arith.constant 0 : i32
      %dma_wait3A_853 = tpu.memref_slice %arg3[%mul3A_556, %dma_wait3A_852] : memref<4096x128xi32, #tpu.memory_space<hbm>> -> memref<16x128xi32, #tpu.memory_space<hbm>>
      tpu.wait_dma2 semaphore(%run_scoped3A_845 : memref<!tpu.dma_semaphore, #tpu.memory_space<semaphore_mem>>) src(%dma_wait3A_853 : memref<16x128xi32, #tpu.memory_space<hbm>>) dst(%arg11 : memref<16x128xi32, #tpu.memory_space<vmem>>)
      tpu.yield
    }) : () -> ()
    %mul3A_557 = arith.constant 8 : i32
    %mul3A_558 = arith.muli %add3A, %mul3A_557 : i32
    %add3A_559 = arith.constant 6 : i32
    %add3A_560 = arith.addi %mul3A_558, %add3A_559 : i32
    %mul3A_561 = arith.constant 16 : i32
    %mul3A_562 = arith.muli %add3A_560, %mul3A_561 : i32
    "tpu.region"() ({
      %run_scoped3A_845 = tpu.sem_alloc : memref<!tpu.dma_semaphore, #tpu.memory_space<semaphore_mem>>
      %dma_start3A_846 = arith.constant 0 : i32
      %dma_start3A_847 = tpu.memref_slice %arg4[%mul3A_562, %dma_start3A_846] : memref<4096x128xi32, #tpu.memory_space<hbm>> -> memref<16x128xi32, #tpu.memory_space<hbm>>
      %dma_start3A_848 = arith.constant 0 : i32
      %dma_start3A_849 = tpu.memref_slice %arg4[%mul3A_562, %dma_start3A_848] : memref<4096x128xi32, #tpu.memory_space<hbm>> -> memref<16x128xi32, #tpu.memory_space<hbm>>
      tpu.enqueue_dma source(%dma_start3A_849 : memref<16x128xi32, #tpu.memory_space<hbm>>) target(%arg12 : memref<16x128xi32, #tpu.memory_space<vmem>>) target_semaphore(%run_scoped3A_845 : memref<!tpu.dma_semaphore, #tpu.memory_space<semaphore_mem>>)
      %dma_wait3A_850 = arith.constant 0 : i32
      %dma_wait3A_851 = tpu.memref_slice %arg4[%mul3A_562, %dma_wait3A_850] : memref<4096x128xi32, #tpu.memory_space<hbm>> -> memref<16x128xi32, #tpu.memory_space<hbm>>
      %dma_wait3A_852 = arith.constant 0 : i32
      %dma_wait3A_853 = tpu.memref_slice %arg4[%mul3A_562, %dma_wait3A_852] : memref<4096x128xi32, #tpu.memory_space<hbm>> -> memref<16x128xi32, #tpu.memory_space<hbm>>
      tpu.wait_dma2 semaphore(%run_scoped3A_845 : memref<!tpu.dma_semaphore, #tpu.memory_space<semaphore_mem>>) src(%dma_wait3A_853 : memref<16x128xi32, #tpu.memory_space<hbm>>) dst(%arg12 : memref<16x128xi32, #tpu.memory_space<vmem>>)
      tpu.yield
    }) : () -> ()
    %mul3A_563 = arith.constant 8 : i32
    %mul3A_564 = arith.muli %add3A, %mul3A_563 : i32
    %add3A_565 = arith.constant 6 : i32
    %add3A_566 = arith.addi %mul3A_564, %add3A_565 : i32
    %mul3A_567 = arith.constant 128 : i32
    %mul3A_568 = arith.muli %add3A_566, %mul3A_567 : i32
    %add3A_569 = arith.constant 0 : i32
    %add3A_570 = arith.addi %mul3A_550, %add3A_569 : i32
    %add3A_571 = arith.constant 128 : i32
    %add3A_572 = arith.addi %mul3A_550, %add3A_571 : i32
    %add3A_573 = arith.constant 256 : i32
    %add3A_574 = arith.addi %mul3A_550, %add3A_573 : i32
    %dma_wait3A_575 = arith.constant 0 : i32
    %dma_wait3A_576 = tpu.memref_slice %arg7[%mul3A_568, %dma_wait3A_575] : memref<32768x64xf32, #tpu.memory_space<hbm>> -> memref<128x64xf32, #tpu.memory_space<hbm>>
    %dma_wait3A_577 = arith.constant 0 : i32
    %dma_wait3A_578 = tpu.memref_slice %arg19[%add3A_570, %dma_wait3A_577] : memref<12288x64xf32, #tpu.memory_space<vmem_shared>> -> memref<128x64xf32, #tpu.memory_space<vmem_shared>>
    tpu.wait_dma2 semaphore(%arg22 : memref<!tpu.dma_semaphore, #tpu.memory_space<semaphore_mem>>) src(%dma_wait3A_578 : memref<128x64xf32, #tpu.memory_space<vmem_shared>>) dst(%dma_wait3A_576 : memref<128x64xf32, #tpu.memory_space<hbm>>)
    %dma_wait3A_579 = arith.constant 0 : i32
    %dma_wait3A_580 = tpu.memref_slice %arg8[%mul3A_568, %dma_wait3A_579] : memref<32768x64xf32, #tpu.memory_space<hbm>> -> memref<128x64xf32, #tpu.memory_space<hbm>>
    %dma_wait3A_581 = arith.constant 0 : i32
    %dma_wait3A_582 = tpu.memref_slice %arg19[%add3A_572, %dma_wait3A_581] : memref<12288x64xf32, #tpu.memory_space<vmem_shared>> -> memref<128x64xf32, #tpu.memory_space<vmem_shared>>
    tpu.wait_dma2 semaphore(%arg22 : memref<!tpu.dma_semaphore, #tpu.memory_space<semaphore_mem>>) src(%dma_wait3A_582 : memref<128x64xf32, #tpu.memory_space<vmem_shared>>) dst(%dma_wait3A_580 : memref<128x64xf32, #tpu.memory_space<hbm>>)
    %dma_wait3A_583 = arith.constant 0 : i32
    %dma_wait3A_584 = tpu.memref_slice %arg9[%mul3A_568, %dma_wait3A_583] : memref<32768x64xf32, #tpu.memory_space<hbm>> -> memref<128x64xf32, #tpu.memory_space<hbm>>
    %dma_wait3A_585 = arith.constant 0 : i32
    %dma_wait3A_586 = tpu.memref_slice %arg19[%add3A_574, %dma_wait3A_585] : memref<12288x64xf32, #tpu.memory_space<vmem_shared>> -> memref<128x64xf32, #tpu.memory_space<vmem_shared>>
    tpu.wait_dma2 semaphore(%arg22 : memref<!tpu.dma_semaphore, #tpu.memory_space<semaphore_mem>>) src(%dma_wait3A_586 : memref<128x64xf32, #tpu.memory_space<vmem_shared>>) dst(%dma_wait3A_584 : memref<128x64xf32, #tpu.memory_space<hbm>>)
    %scan3A_587 = arith.constant 0 : i32
    %scan3A_588 = arith.constant 0 : i32
    %scan3A_589 = arith.constant 6 : i32
    %scan3A_590 = arith.addi %scan3A_588, %scan3A_589 : i32
    %scan3A_591 = arith.constant 1 : i32
    %scan3A_592 = scf.for %scan3A_845 = %scan3A_588 to %scan3A_590 step %scan3A_591 iter_args(%scan3A_846 = %scan3A_587) -> (i32)  : i32 {
      %mul3A_847 = arith.constant 2 : i32
      %mul3A_848 = arith.muli %arg1, %mul3A_847 : i32
      %add3A_849 = arith.constant 0 : i32
      %add3A_850 = arith.addi %mul3A_848, %add3A_849 : i32
      %mul3A_851 = arith.constant 384 : i32
      %mul3A_852 = arith.muli %add3A_850, %mul3A_851 : i32
      %mul3A_853 = arith.constant 64 : i32
      %mul3A_854 = arith.muli %scan3A_845, %mul3A_853 : i32
      %add3A_855 = arith.addi %mul3A_852, %mul3A_854 : i32
      "tpu.region"() ({
        %run_scoped3A_857 = tpu.sem_alloc : memref<!tpu.dma_semaphore, #tpu.memory_space<semaphore_mem>>
        %dma_start3A_858 = arith.constant 0 : i32
        %dma_start3A_859 = tpu.memref_slice %arg19[%add3A_855, %dma_start3A_858] : memref<12288x64xf32, #tpu.memory_space<vmem_shared>> -> memref<64x64xf32, #tpu.memory_space<vmem_shared>>
        %dma_start3A_860 = arith.constant 0 : i32
        %dma_start3A_861 = tpu.memref_slice %arg19[%add3A_855, %dma_start3A_860] : memref<12288x64xf32, #tpu.memory_space<vmem_shared>> -> memref<64x64xf32, #tpu.memory_space<vmem_shared>>
        tpu.enqueue_dma source(%arg15 : memref<64x64xf32, #tpu.memory_space<vmem>>) target(%dma_start3A_861 : memref<64x64xf32, #tpu.memory_space<vmem_shared>>) target_semaphore(%run_scoped3A_857 : memref<!tpu.dma_semaphore, #tpu.memory_space<semaphore_mem>>)
        %dma_wait3A_862 = arith.constant 0 : i32
        %dma_wait3A_863 = tpu.memref_slice %arg19[%add3A_855, %dma_wait3A_862] : memref<12288x64xf32, #tpu.memory_space<vmem_shared>> -> memref<64x64xf32, #tpu.memory_space<vmem_shared>>
        %dma_wait3A_864 = arith.constant 0 : i32
        %dma_wait3A_865 = tpu.memref_slice %arg19[%add3A_855, %dma_wait3A_864] : memref<12288x64xf32, #tpu.memory_space<vmem_shared>> -> memref<64x64xf32, #tpu.memory_space<vmem_shared>>
        tpu.wait_dma2 semaphore(%run_scoped3A_857 : memref<!tpu.dma_semaphore, #tpu.memory_space<semaphore_mem>>) src(%arg15 : memref<64x64xf32, #tpu.memory_space<vmem>>) dst(%dma_wait3A_865 : memref<64x64xf32, #tpu.memory_space<vmem_shared>>)
        tpu.yield
      }) : () -> ()
      %scan3A_856 = arith.constant 0 : i32
      scf.yield %scan3A_856 : i32
    }
    %scan3A_593 = arith.constant 6 : i32
    %dma_start3A_594 = arith.constant 0 : i32
    %dma_start3A_595 = arith.constant 0 : i32
    %dma_start3A_596 = arith.constant 0 : i32
    %dma_start3A_597 = tpu.memref_slice %arg13[%dma_start3A_595, %dma_start3A_596] : memref<256x64xf32, #tpu.memory_space<vmem>> -> memref<128x64xf32, #tpu.memory_space<vmem>>
    %dma_start3A_598 = arith.constant 0 : i32
    %dma_start3A_599 = tpu.memref_slice %arg11[%dma_start3A_594, %dma_start3A_598] : memref<16x128xi32, #tpu.memory_space<vmem>> -> memref<1x128xi32, #tpu.memory_space<vmem>>
    %dma_start3A_600 = tpu.memref_squeeze %dma_start3A_599 : memref<1x128xi32, #tpu.memory_space<vmem>> -> memref<128xi32, #tpu.memory_space<vmem>>
    %dma_start3A_601 = arith.constant 0 : i32
    %dma_start3A_602 = arith.constant 0 : i32
    %dma_start3A_603 = tpu.memref_slice %arg2[%dma_start3A_601, %dma_start3A_602] : memref<65536x64xf32, #tpu.memory_space<hbm>> -> memref<65536x64xf32, #tpu.memory_space<hbm>>
    tpu.enqueue_indirect_dma source(%dma_start3A_603 : memref<65536x64xf32, #tpu.memory_space<hbm>>) target(%dma_start3A_597 : memref<128x64xf32, #tpu.memory_space<vmem>>) offsets(%dma_start3A_600 : memref<128xi32, #tpu.memory_space<vmem>>) semaphore(%arg20 : memref<!tpu.dma_semaphore, #tpu.memory_space<semaphore_mem>>)
    %dma_start3A_604 = arith.constant 1 : i32
    %dma_start3A_605 = arith.constant 128 : i32
    %dma_start3A_606 = arith.constant 0 : i32
    %dma_start3A_607 = tpu.memref_slice %arg13[%dma_start3A_605, %dma_start3A_606] : memref<256x64xf32, #tpu.memory_space<vmem>> -> memref<128x64xf32, #tpu.memory_space<vmem>>
    %dma_start3A_608 = arith.constant 0 : i32
    %dma_start3A_609 = tpu.memref_slice %arg11[%dma_start3A_604, %dma_start3A_608] : memref<16x128xi32, #tpu.memory_space<vmem>> -> memref<1x128xi32, #tpu.memory_space<vmem>>
    %dma_start3A_610 = tpu.memref_squeeze %dma_start3A_609 : memref<1x128xi32, #tpu.memory_space<vmem>> -> memref<128xi32, #tpu.memory_space<vmem>>
    %dma_start3A_611 = arith.constant 0 : i32
    %dma_start3A_612 = arith.constant 0 : i32
    %dma_start3A_613 = tpu.memref_slice %arg2[%dma_start3A_611, %dma_start3A_612] : memref<65536x64xf32, #tpu.memory_space<hbm>> -> memref<65536x64xf32, #tpu.memory_space<hbm>>
    tpu.enqueue_indirect_dma source(%dma_start3A_613 : memref<65536x64xf32, #tpu.memory_space<hbm>>) target(%dma_start3A_607 : memref<128x64xf32, #tpu.memory_space<vmem>>) offsets(%dma_start3A_610 : memref<128xi32, #tpu.memory_space<vmem>>) semaphore(%arg20 : memref<!tpu.dma_semaphore, #tpu.memory_space<semaphore_mem>>)
    %scan3A_614 = arith.constant 0 : i32
    %scan3A_615 = arith.constant 0 : i32
    %scan3A_616 = arith.constant 4 : i32
    %scan3A_617 = arith.addi %scan3A_615, %scan3A_616 : i32
    %scan3A_618 = arith.constant 1 : i32
    %scan3A_619 = scf.for %scan3A_845 = %scan3A_615 to %scan3A_617 step %scan3A_618 iter_args(%scan3A_846 = %scan3A_614) -> (i32)  : i32 {
      %mul3A_847 = arith.constant 2 : i32
      %mul3A_848 = arith.muli %mul3A_847, %scan3A_845 : i32
      %dma_wait3A_849 = arith.constant 0 : i32
      %dma_wait3A_850 = arith.constant 0 : i32
      %dma_wait3A_851 = tpu.memref_slice %arg2[%dma_wait3A_849, %dma_wait3A_850] : memref<65536x64xf32, #tpu.memory_space<hbm>> -> memref<256x64xf32, #tpu.memory_space<hbm>>
      %dma_wait3A_852 = arith.constant 0 : i32
      %dma_wait3A_853 = arith.constant 0 : i32
      %dma_wait3A_854 = tpu.memref_slice %arg2[%dma_wait3A_852, %dma_wait3A_853] : memref<65536x64xf32, #tpu.memory_space<hbm>> -> memref<256x64xf32, #tpu.memory_space<hbm>>
      tpu.wait_dma2 semaphore(%arg20 : memref<!tpu.dma_semaphore, #tpu.memory_space<semaphore_mem>>) src(%dma_wait3A_854 : memref<256x64xf32, #tpu.memory_space<hbm>>) dst(%arg13 : memref<256x64xf32, #tpu.memory_space<vmem>>)
      %add3A_855 = arith.constant 1 : i32
      %add3A_856 = arith.addi %mul3A_848, %add3A_855 : i32
      %mul3A_857 = arith.constant 2 : i32
      %mul3A_858 = arith.muli %add3A_856, %mul3A_857 : i32
      %add3A_859 = arith.constant 0 : i32
      %add3A_860 = arith.addi %add3A_859, %mul3A_858 : i32
      %add3A_861 = arith.constant 0 : i32
      %add3A_862 = arith.addi %add3A_860, %add3A_861 : i32
      %dma_start3A_863 = arith.constant 0 : i32
      %dma_start3A_864 = arith.constant 0 : i32
      %dma_start3A_865 = tpu.memref_slice %arg14[%dma_start3A_863, %dma_start3A_864] : memref<256x64xf32, #tpu.memory_space<vmem>> -> memref<128x64xf32, #tpu.memory_space<vmem>>
      %dma_start3A_866 = arith.constant 0 : i32
      %dma_start3A_867 = tpu.memref_slice %arg11[%add3A_862, %dma_start3A_866] : memref<16x128xi32, #tpu.memory_space<vmem>> -> memref<1x128xi32, #tpu.memory_space<vmem>>
      %dma_start3A_868 = tpu.memref_squeeze %dma_start3A_867 : memref<1x128xi32, #tpu.memory_space<vmem>> -> memref<128xi32, #tpu.memory_space<vmem>>
      %dma_start3A_869 = arith.constant 0 : i32
      %dma_start3A_870 = arith.constant 0 : i32
      %dma_start3A_871 = tpu.memref_slice %arg2[%dma_start3A_869, %dma_start3A_870] : memref<65536x64xf32, #tpu.memory_space<hbm>> -> memref<65536x64xf32, #tpu.memory_space<hbm>>
      tpu.enqueue_indirect_dma source(%dma_start3A_871 : memref<65536x64xf32, #tpu.memory_space<hbm>>) target(%dma_start3A_865 : memref<128x64xf32, #tpu.memory_space<vmem>>) offsets(%dma_start3A_868 : memref<128xi32, #tpu.memory_space<vmem>>) semaphore(%arg21 : memref<!tpu.dma_semaphore, #tpu.memory_space<semaphore_mem>>)
      %mul3A_872 = arith.constant 2 : i32
      %mul3A_873 = arith.muli %add3A_856, %mul3A_872 : i32
      %add3A_874 = arith.constant 0 : i32
      %add3A_875 = arith.addi %add3A_874, %mul3A_873 : i32
      %add3A_876 = arith.constant 1 : i32
      %add3A_877 = arith.addi %add3A_875, %add3A_876 : i32
      %dma_start3A_878 = arith.constant 128 : i32
      %dma_start3A_879 = arith.constant 0 : i32
      %dma_start3A_880 = tpu.memref_slice %arg14[%dma_start3A_878, %dma_start3A_879] : memref<256x64xf32, #tpu.memory_space<vmem>> -> memref<128x64xf32, #tpu.memory_space<vmem>>
      %dma_start3A_881 = arith.constant 0 : i32
      %dma_start3A_882 = tpu.memref_slice %arg11[%add3A_877, %dma_start3A_881] : memref<16x128xi32, #tpu.memory_space<vmem>> -> memref<1x128xi32, #tpu.memory_space<vmem>>
      %dma_start3A_883 = tpu.memref_squeeze %dma_start3A_882 : memref<1x128xi32, #tpu.memory_space<vmem>> -> memref<128xi32, #tpu.memory_space<vmem>>
      %dma_start3A_884 = arith.constant 0 : i32
      %dma_start3A_885 = arith.constant 0 : i32
      %dma_start3A_886 = tpu.memref_slice %arg2[%dma_start3A_884, %dma_start3A_885] : memref<65536x64xf32, #tpu.memory_space<hbm>> -> memref<65536x64xf32, #tpu.memory_space<hbm>>
      tpu.enqueue_indirect_dma source(%dma_start3A_886 : memref<65536x64xf32, #tpu.memory_space<hbm>>) target(%dma_start3A_880 : memref<128x64xf32, #tpu.memory_space<vmem>>) offsets(%dma_start3A_883 : memref<128xi32, #tpu.memory_space<vmem>>) semaphore(%arg21 : memref<!tpu.dma_semaphore, #tpu.memory_space<semaphore_mem>>)
      %mul3A_887 = arith.constant 2 : i32
      %mul3A_888 = arith.muli %mul3A_848, %mul3A_887 : i32
      %add3A_889 = arith.constant 0 : i32
      %add3A_890 = arith.addi %add3A_889, %mul3A_888 : i32
      %add3A_891 = arith.constant 0 : i32
      %add3A_892 = arith.addi %add3A_890, %add3A_891 : i32
      "tpu.region"() ({
        %run_scoped3A_955 = tpu.sem_alloc : memref<!tpu.dma_semaphore, #tpu.memory_space<semaphore_mem>>
        %dma_start3A_956 = arith.constant 0 : i32
        %dma_start3A_957 = arith.constant 0 : i32
        %dma_start3A_958 = tpu.memref_slice %arg13[%dma_start3A_956, %dma_start3A_957] : memref<256x64xf32, #tpu.memory_space<vmem>> -> memref<128x64xf32, #tpu.memory_space<vmem>>
        %dma_start3A_959 = arith.constant 0 : i32
        %dma_start3A_960 = tpu.memref_slice %arg12[%add3A_892, %dma_start3A_959] : memref<16x128xi32, #tpu.memory_space<vmem>> -> memref<1x128xi32, #tpu.memory_space<vmem>>
        %dma_start3A_961 = tpu.memref_squeeze %dma_start3A_960 : memref<1x128xi32, #tpu.memory_space<vmem>> -> memref<128xi32, #tpu.memory_space<vmem>>
        %dma_start3A_962 = arith.constant 0 : i32
        %dma_start3A_963 = arith.constant 0 : i32
        %dma_start3A_964 = tpu.memref_slice %arg19[%dma_start3A_962, %dma_start3A_963] : memref<12288x64xf32, #tpu.memory_space<vmem_shared>> -> memref<12288x64xf32, #tpu.memory_space<vmem_shared>>
        tpu.enqueue_indirect_dma source(%dma_start3A_958 : memref<128x64xf32, #tpu.memory_space<vmem>>) target(%dma_start3A_964 : memref<12288x64xf32, #tpu.memory_space<vmem_shared>>) offsets(%dma_start3A_961 : memref<128xi32, #tpu.memory_space<vmem>>) semaphore(%run_scoped3A_955 : memref<!tpu.dma_semaphore, #tpu.memory_space<semaphore_mem>>) {add = true}
        %dma_wait3A_965 = arith.constant 0 : i32
        %dma_wait3A_966 = arith.constant 0 : i32
        %dma_wait3A_967 = tpu.memref_slice %arg13[%dma_wait3A_965, %dma_wait3A_966] : memref<256x64xf32, #tpu.memory_space<vmem>> -> memref<128x64xf32, #tpu.memory_space<vmem>>
        %dma_wait3A_968 = arith.constant 0 : i32
        %dma_wait3A_969 = tpu.memref_slice %arg12[%add3A_892, %dma_wait3A_968] : memref<16x128xi32, #tpu.memory_space<vmem>> -> memref<1x128xi32, #tpu.memory_space<vmem>>
        %dma_wait3A_970 = tpu.memref_squeeze %dma_wait3A_969 : memref<1x128xi32, #tpu.memory_space<vmem>> -> memref<128xi32, #tpu.memory_space<vmem>>
        %dma_wait3A_971 = arith.constant 0 : i32
        %dma_wait3A_972 = arith.constant 0 : i32
        %dma_wait3A_973 = tpu.memref_slice %arg19[%dma_wait3A_971, %dma_wait3A_972] : memref<12288x64xf32, #tpu.memory_space<vmem_shared>> -> memref<12288x64xf32, #tpu.memory_space<vmem_shared>>
        tpu.wait_indirect_dma semaphore(%run_scoped3A_955 : memref<!tpu.dma_semaphore, #tpu.memory_space<semaphore_mem>>) src(%dma_wait3A_967 : memref<128x64xf32, #tpu.memory_space<vmem>>) dst(%dma_wait3A_973 : memref<12288x64xf32, #tpu.memory_space<vmem_shared>>)
        tpu.yield
      }) : () -> ()
      %mul3A_893 = arith.constant 2 : i32
      %mul3A_894 = arith.muli %mul3A_848, %mul3A_893 : i32
      %add3A_895 = arith.constant 0 : i32
      %add3A_896 = arith.addi %add3A_895, %mul3A_894 : i32
      %add3A_897 = arith.constant 1 : i32
      %add3A_898 = arith.addi %add3A_896, %add3A_897 : i32
      "tpu.region"() ({
        %run_scoped3A_955 = tpu.sem_alloc : memref<!tpu.dma_semaphore, #tpu.memory_space<semaphore_mem>>
        %dma_start3A_956 = arith.constant 128 : i32
        %dma_start3A_957 = arith.constant 0 : i32
        %dma_start3A_958 = tpu.memref_slice %arg13[%dma_start3A_956, %dma_start3A_957] : memref<256x64xf32, #tpu.memory_space<vmem>> -> memref<128x64xf32, #tpu.memory_space<vmem>>
        %dma_start3A_959 = arith.constant 0 : i32
        %dma_start3A_960 = tpu.memref_slice %arg12[%add3A_898, %dma_start3A_959] : memref<16x128xi32, #tpu.memory_space<vmem>> -> memref<1x128xi32, #tpu.memory_space<vmem>>
        %dma_start3A_961 = tpu.memref_squeeze %dma_start3A_960 : memref<1x128xi32, #tpu.memory_space<vmem>> -> memref<128xi32, #tpu.memory_space<vmem>>
        %dma_start3A_962 = arith.constant 0 : i32
        %dma_start3A_963 = arith.constant 0 : i32
        %dma_start3A_964 = tpu.memref_slice %arg19[%dma_start3A_962, %dma_start3A_963] : memref<12288x64xf32, #tpu.memory_space<vmem_shared>> -> memref<12288x64xf32, #tpu.memory_space<vmem_shared>>
        tpu.enqueue_indirect_dma source(%dma_start3A_958 : memref<128x64xf32, #tpu.memory_space<vmem>>) target(%dma_start3A_964 : memref<12288x64xf32, #tpu.memory_space<vmem_shared>>) offsets(%dma_start3A_961 : memref<128xi32, #tpu.memory_space<vmem>>) semaphore(%run_scoped3A_955 : memref<!tpu.dma_semaphore, #tpu.memory_space<semaphore_mem>>) {add = true}
        %dma_wait3A_965 = arith.constant 128 : i32
        %dma_wait3A_966 = arith.constant 0 : i32
        %dma_wait3A_967 = tpu.memref_slice %arg13[%dma_wait3A_965, %dma_wait3A_966] : memref<256x64xf32, #tpu.memory_space<vmem>> -> memref<128x64xf32, #tpu.memory_space<vmem>>
        %dma_wait3A_968 = arith.constant 0 : i32
        %dma_wait3A_969 = tpu.memref_slice %arg12[%add3A_898, %dma_wait3A_968] : memref<16x128xi32, #tpu.memory_space<vmem>> -> memref<1x128xi32, #tpu.memory_space<vmem>>
        %dma_wait3A_970 = tpu.memref_squeeze %dma_wait3A_969 : memref<1x128xi32, #tpu.memory_space<vmem>> -> memref<128xi32, #tpu.memory_space<vmem>>
        %dma_wait3A_971 = arith.constant 0 : i32
        %dma_wait3A_972 = arith.constant 0 : i32
        %dma_wait3A_973 = tpu.memref_slice %arg19[%dma_wait3A_971, %dma_wait3A_972] : memref<12288x64xf32, #tpu.memory_space<vmem_shared>> -> memref<12288x64xf32, #tpu.memory_space<vmem_shared>>
        tpu.wait_indirect_dma semaphore(%run_scoped3A_955 : memref<!tpu.dma_semaphore, #tpu.memory_space<semaphore_mem>>) src(%dma_wait3A_967 : memref<128x64xf32, #tpu.memory_space<vmem>>) dst(%dma_wait3A_973 : memref<12288x64xf32, #tpu.memory_space<vmem_shared>>)
        tpu.yield
      }) : () -> ()
      %dma_wait3A_899 = arith.constant 0 : i32
      %dma_wait3A_900 = arith.constant 0 : i32
      %dma_wait3A_901 = tpu.memref_slice %arg2[%dma_wait3A_899, %dma_wait3A_900] : memref<65536x64xf32, #tpu.memory_space<hbm>> -> memref<256x64xf32, #tpu.memory_space<hbm>>
      %dma_wait3A_902 = arith.constant 0 : i32
      %dma_wait3A_903 = arith.constant 0 : i32
      %dma_wait3A_904 = tpu.memref_slice %arg2[%dma_wait3A_902, %dma_wait3A_903] : memref<65536x64xf32, #tpu.memory_space<hbm>> -> memref<256x64xf32, #tpu.memory_space<hbm>>
      tpu.wait_dma2 semaphore(%arg21 : memref<!tpu.dma_semaphore, #tpu.memory_space<semaphore_mem>>) src(%dma_wait3A_904 : memref<256x64xf32, #tpu.memory_space<hbm>>) dst(%arg14 : memref<256x64xf32, #tpu.memory_space<vmem>>)
      %add3A_905 = arith.constant 2 : i32
      %add3A_906 = arith.addi %mul3A_848, %add3A_905 : i32
      %rem3A = arith.constant 8 : i32
      %rem3A_907 = arith.remsi %add3A_906, %rem3A : i32
      %mul3A_908 = arith.constant 2 : i32
      %mul3A_909 = arith.muli %rem3A_907, %mul3A_908 : i32
      %add3A_910 = arith.constant 0 : i32
      %add3A_911 = arith.addi %add3A_910, %mul3A_909 : i32
      %add3A_912 = arith.constant 0 : i32
      %add3A_913 = arith.addi %add3A_911, %add3A_912 : i32
      %dma_start3A_914 = arith.constant 0 : i32
      %dma_start3A_915 = arith.constant 0 : i32
      %dma_start3A_916 = tpu.memref_slice %arg13[%dma_start3A_914, %dma_start3A_915] : memref<256x64xf32, #tpu.memory_space<vmem>> -> memref<128x64xf32, #tpu.memory_space<vmem>>
      %dma_start3A_917 = arith.constant 0 : i32
      %dma_start3A_918 = tpu.memref_slice %arg11[%add3A_913, %dma_start3A_917] : memref<16x128xi32, #tpu.memory_space<vmem>> -> memref<1x128xi32, #tpu.memory_space<vmem>>
      %dma_start3A_919 = tpu.memref_squeeze %dma_start3A_918 : memref<1x128xi32, #tpu.memory_space<vmem>> -> memref<128xi32, #tpu.memory_space<vmem>>
      %dma_start3A_920 = arith.constant 0 : i32
      %dma_start3A_921 = arith.constant 0 : i32
      %dma_start3A_922 = tpu.memref_slice %arg2[%dma_start3A_920, %dma_start3A_921] : memref<65536x64xf32, #tpu.memory_space<hbm>> -> memref<65536x64xf32, #tpu.memory_space<hbm>>
      tpu.enqueue_indirect_dma source(%dma_start3A_922 : memref<65536x64xf32, #tpu.memory_space<hbm>>) target(%dma_start3A_916 : memref<128x64xf32, #tpu.memory_space<vmem>>) offsets(%dma_start3A_919 : memref<128xi32, #tpu.memory_space<vmem>>) semaphore(%arg20 : memref<!tpu.dma_semaphore, #tpu.memory_space<semaphore_mem>>)
      %mul3A_923 = arith.constant 2 : i32
      %mul3A_924 = arith.muli %rem3A_907, %mul3A_923 : i32
      %add3A_925 = arith.constant 0 : i32
      %add3A_926 = arith.addi %add3A_925, %mul3A_924 : i32
      %add3A_927 = arith.constant 1 : i32
      %add3A_928 = arith.addi %add3A_926, %add3A_927 : i32
      %dma_start3A_929 = arith.constant 128 : i32
      %dma_start3A_930 = arith.constant 0 : i32
      %dma_start3A_931 = tpu.memref_slice %arg13[%dma_start3A_929, %dma_start3A_930] : memref<256x64xf32, #tpu.memory_space<vmem>> -> memref<128x64xf32, #tpu.memory_space<vmem>>
      %dma_start3A_932 = arith.constant 0 : i32
      %dma_start3A_933 = tpu.memref_slice %arg11[%add3A_928, %dma_start3A_932] : memref<16x128xi32, #tpu.memory_space<vmem>> -> memref<1x128xi32, #tpu.memory_space<vmem>>
      %dma_start3A_934 = tpu.memref_squeeze %dma_start3A_933 : memref<1x128xi32, #tpu.memory_space<vmem>> -> memref<128xi32, #tpu.memory_space<vmem>>
      %dma_start3A_935 = arith.constant 0 : i32
      %dma_start3A_936 = arith.constant 0 : i32
      %dma_start3A_937 = tpu.memref_slice %arg2[%dma_start3A_935, %dma_start3A_936] : memref<65536x64xf32, #tpu.memory_space<hbm>> -> memref<65536x64xf32, #tpu.memory_space<hbm>>
      tpu.enqueue_indirect_dma source(%dma_start3A_937 : memref<65536x64xf32, #tpu.memory_space<hbm>>) target(%dma_start3A_931 : memref<128x64xf32, #tpu.memory_space<vmem>>) offsets(%dma_start3A_934 : memref<128xi32, #tpu.memory_space<vmem>>) semaphore(%arg20 : memref<!tpu.dma_semaphore, #tpu.memory_space<semaphore_mem>>)
      %add3A_938 = arith.constant 1 : i32
      %add3A_939 = arith.addi %mul3A_848, %add3A_938 : i32
      %mul3A_940 = arith.constant 2 : i32
      %mul3A_941 = arith.muli %add3A_939, %mul3A_940 : i32
      %add3A_942 = arith.constant 0 : i32
      %add3A_943 = arith.addi %add3A_942, %mul3A_941 : i32
      %add3A_944 = arith.constant 0 : i32
      %add3A_945 = arith.addi %add3A_943, %add3A_944 : i32
      "tpu.region"() ({
        %run_scoped3A_955 = tpu.sem_alloc : memref<!tpu.dma_semaphore, #tpu.memory_space<semaphore_mem>>
        %dma_start3A_956 = arith.constant 0 : i32
        %dma_start3A_957 = arith.constant 0 : i32
        %dma_start3A_958 = tpu.memref_slice %arg14[%dma_start3A_956, %dma_start3A_957] : memref<256x64xf32, #tpu.memory_space<vmem>> -> memref<128x64xf32, #tpu.memory_space<vmem>>
        %dma_start3A_959 = arith.constant 0 : i32
        %dma_start3A_960 = tpu.memref_slice %arg12[%add3A_945, %dma_start3A_959] : memref<16x128xi32, #tpu.memory_space<vmem>> -> memref<1x128xi32, #tpu.memory_space<vmem>>
        %dma_start3A_961 = tpu.memref_squeeze %dma_start3A_960 : memref<1x128xi32, #tpu.memory_space<vmem>> -> memref<128xi32, #tpu.memory_space<vmem>>
        %dma_start3A_962 = arith.constant 0 : i32
        %dma_start3A_963 = arith.constant 0 : i32
        %dma_start3A_964 = tpu.memref_slice %arg19[%dma_start3A_962, %dma_start3A_963] : memref<12288x64xf32, #tpu.memory_space<vmem_shared>> -> memref<12288x64xf32, #tpu.memory_space<vmem_shared>>
        tpu.enqueue_indirect_dma source(%dma_start3A_958 : memref<128x64xf32, #tpu.memory_space<vmem>>) target(%dma_start3A_964 : memref<12288x64xf32, #tpu.memory_space<vmem_shared>>) offsets(%dma_start3A_961 : memref<128xi32, #tpu.memory_space<vmem>>) semaphore(%run_scoped3A_955 : memref<!tpu.dma_semaphore, #tpu.memory_space<semaphore_mem>>) {add = true}
        %dma_wait3A_965 = arith.constant 0 : i32
        %dma_wait3A_966 = arith.constant 0 : i32
        %dma_wait3A_967 = tpu.memref_slice %arg14[%dma_wait3A_965, %dma_wait3A_966] : memref<256x64xf32, #tpu.memory_space<vmem>> -> memref<128x64xf32, #tpu.memory_space<vmem>>
        %dma_wait3A_968 = arith.constant 0 : i32
        %dma_wait3A_969 = tpu.memref_slice %arg12[%add3A_945, %dma_wait3A_968] : memref<16x128xi32, #tpu.memory_space<vmem>> -> memref<1x128xi32, #tpu.memory_space<vmem>>
        %dma_wait3A_970 = tpu.memref_squeeze %dma_wait3A_969 : memref<1x128xi32, #tpu.memory_space<vmem>> -> memref<128xi32, #tpu.memory_space<vmem>>
        %dma_wait3A_971 = arith.constant 0 : i32
        %dma_wait3A_972 = arith.constant 0 : i32
        %dma_wait3A_973 = tpu.memref_slice %arg19[%dma_wait3A_971, %dma_wait3A_972] : memref<12288x64xf32, #tpu.memory_space<vmem_shared>> -> memref<12288x64xf32, #tpu.memory_space<vmem_shared>>
        tpu.wait_indirect_dma semaphore(%run_scoped3A_955 : memref<!tpu.dma_semaphore, #tpu.memory_space<semaphore_mem>>) src(%dma_wait3A_967 : memref<128x64xf32, #tpu.memory_space<vmem>>) dst(%dma_wait3A_973 : memref<12288x64xf32, #tpu.memory_space<vmem_shared>>)
        tpu.yield
      }) : () -> ()
      %add3A_946 = arith.constant 1 : i32
      %add3A_947 = arith.addi %mul3A_848, %add3A_946 : i32
      %mul3A_948 = arith.constant 2 : i32
      %mul3A_949 = arith.muli %add3A_947, %mul3A_948 : i32
      %add3A_950 = arith.constant 0 : i32
      %add3A_951 = arith.addi %add3A_950, %mul3A_949 : i32
      %add3A_952 = arith.constant 1 : i32
      %add3A_953 = arith.addi %add3A_951, %add3A_952 : i32
      "tpu.region"() ({
        %run_scoped3A_955 = tpu.sem_alloc : memref<!tpu.dma_semaphore, #tpu.memory_space<semaphore_mem>>
        %dma_start3A_956 = arith.constant 128 : i32
        %dma_start3A_957 = arith.constant 0 : i32
        %dma_start3A_958 = tpu.memref_slice %arg14[%dma_start3A_956, %dma_start3A_957] : memref<256x64xf32, #tpu.memory_space<vmem>> -> memref<128x64xf32, #tpu.memory_space<vmem>>
        %dma_start3A_959 = arith.constant 0 : i32
        %dma_start3A_960 = tpu.memref_slice %arg12[%add3A_953, %dma_start3A_959] : memref<16x128xi32, #tpu.memory_space<vmem>> -> memref<1x128xi32, #tpu.memory_space<vmem>>
        %dma_start3A_961 = tpu.memref_squeeze %dma_start3A_960 : memref<1x128xi32, #tpu.memory_space<vmem>> -> memref<128xi32, #tpu.memory_space<vmem>>
        %dma_start3A_962 = arith.constant 0 : i32
        %dma_start3A_963 = arith.constant 0 : i32
        %dma_start3A_964 = tpu.memref_slice %arg19[%dma_start3A_962, %dma_start3A_963] : memref<12288x64xf32, #tpu.memory_space<vmem_shared>> -> memref<12288x64xf32, #tpu.memory_space<vmem_shared>>
        tpu.enqueue_indirect_dma source(%dma_start3A_958 : memref<128x64xf32, #tpu.memory_space<vmem>>) target(%dma_start3A_964 : memref<12288x64xf32, #tpu.memory_space<vmem_shared>>) offsets(%dma_start3A_961 : memref<128xi32, #tpu.memory_space<vmem>>) semaphore(%run_scoped3A_955 : memref<!tpu.dma_semaphore, #tpu.memory_space<semaphore_mem>>) {add = true}
        %dma_wait3A_965 = arith.constant 128 : i32
        %dma_wait3A_966 = arith.constant 0 : i32
        %dma_wait3A_967 = tpu.memref_slice %arg14[%dma_wait3A_965, %dma_wait3A_966] : memref<256x64xf32, #tpu.memory_space<vmem>> -> memref<128x64xf32, #tpu.memory_space<vmem>>
        %dma_wait3A_968 = arith.constant 0 : i32
        %dma_wait3A_969 = tpu.memref_slice %arg12[%add3A_953, %dma_wait3A_968] : memref<16x128xi32, #tpu.memory_space<vmem>> -> memref<1x128xi32, #tpu.memory_space<vmem>>
        %dma_wait3A_970 = tpu.memref_squeeze %dma_wait3A_969 : memref<1x128xi32, #tpu.memory_space<vmem>> -> memref<128xi32, #tpu.memory_space<vmem>>
        %dma_wait3A_971 = arith.constant 0 : i32
        %dma_wait3A_972 = arith.constant 0 : i32
        %dma_wait3A_973 = tpu.memref_slice %arg19[%dma_wait3A_971, %dma_wait3A_972] : memref<12288x64xf32, #tpu.memory_space<vmem_shared>> -> memref<12288x64xf32, #tpu.memory_space<vmem_shared>>
        tpu.wait_indirect_dma semaphore(%run_scoped3A_955 : memref<!tpu.dma_semaphore, #tpu.memory_space<semaphore_mem>>) src(%dma_wait3A_967 : memref<128x64xf32, #tpu.memory_space<vmem>>) dst(%dma_wait3A_973 : memref<12288x64xf32, #tpu.memory_space<vmem_shared>>)
        tpu.yield
      }) : () -> ()
      %scan3A_954 = arith.constant 0 : i32
      scf.yield %scan3A_954 : i32
    }
    %scan3A_620 = arith.constant 4 : i32
    %dma_wait3A_621 = arith.constant 0 : i32
    %dma_wait3A_622 = arith.constant 0 : i32
    %dma_wait3A_623 = tpu.memref_slice %arg2[%dma_wait3A_621, %dma_wait3A_622] : memref<65536x64xf32, #tpu.memory_space<hbm>> -> memref<256x64xf32, #tpu.memory_space<hbm>>
    %dma_wait3A_624 = arith.constant 0 : i32
    %dma_wait3A_625 = arith.constant 0 : i32
    %dma_wait3A_626 = tpu.memref_slice %arg2[%dma_wait3A_624, %dma_wait3A_625] : memref<65536x64xf32, #tpu.memory_space<hbm>> -> memref<256x64xf32, #tpu.memory_space<hbm>>
    tpu.wait_dma2 semaphore(%arg20 : memref<!tpu.dma_semaphore, #tpu.memory_space<semaphore_mem>>) src(%dma_wait3A_626 : memref<256x64xf32, #tpu.memory_space<hbm>>) dst(%arg13 : memref<256x64xf32, #tpu.memory_space<vmem>>)
    %dma_start3A_627 = arith.constant 0 : i32
    %dma_start3A_628 = tpu.memref_slice %arg7[%mul3A_568, %dma_start3A_627] : memref<32768x64xf32, #tpu.memory_space<hbm>> -> memref<128x64xf32, #tpu.memory_space<hbm>>
    %dma_start3A_629 = arith.constant 0 : i32
    %dma_start3A_630 = tpu.memref_slice %arg19[%add3A_570, %dma_start3A_629] : memref<12288x64xf32, #tpu.memory_space<vmem_shared>> -> memref<128x64xf32, #tpu.memory_space<vmem_shared>>
    tpu.enqueue_dma source(%dma_start3A_630 : memref<128x64xf32, #tpu.memory_space<vmem_shared>>) target(%dma_start3A_628 : memref<128x64xf32, #tpu.memory_space<hbm>>) target_semaphore(%arg22 : memref<!tpu.dma_semaphore, #tpu.memory_space<semaphore_mem>>)
    %dma_start3A_631 = arith.constant 0 : i32
    %dma_start3A_632 = tpu.memref_slice %arg8[%mul3A_568, %dma_start3A_631] : memref<32768x64xf32, #tpu.memory_space<hbm>> -> memref<128x64xf32, #tpu.memory_space<hbm>>
    %dma_start3A_633 = arith.constant 0 : i32
    %dma_start3A_634 = tpu.memref_slice %arg19[%add3A_572, %dma_start3A_633] : memref<12288x64xf32, #tpu.memory_space<vmem_shared>> -> memref<128x64xf32, #tpu.memory_space<vmem_shared>>
    tpu.enqueue_dma source(%dma_start3A_634 : memref<128x64xf32, #tpu.memory_space<vmem_shared>>) target(%dma_start3A_632 : memref<128x64xf32, #tpu.memory_space<hbm>>) target_semaphore(%arg22 : memref<!tpu.dma_semaphore, #tpu.memory_space<semaphore_mem>>)
    %dma_start3A_635 = arith.constant 0 : i32
    %dma_start3A_636 = tpu.memref_slice %arg9[%mul3A_568, %dma_start3A_635] : memref<32768x64xf32, #tpu.memory_space<hbm>> -> memref<128x64xf32, #tpu.memory_space<hbm>>
    %dma_start3A_637 = arith.constant 0 : i32
    %dma_start3A_638 = tpu.memref_slice %arg19[%add3A_574, %dma_start3A_637] : memref<12288x64xf32, #tpu.memory_space<vmem_shared>> -> memref<128x64xf32, #tpu.memory_space<vmem_shared>>
    tpu.enqueue_dma source(%dma_start3A_638 : memref<128x64xf32, #tpu.memory_space<vmem_shared>>) target(%dma_start3A_636 : memref<128x64xf32, #tpu.memory_space<hbm>>) target_semaphore(%arg22 : memref<!tpu.dma_semaphore, #tpu.memory_space<semaphore_mem>>)
    %mul3A_639 = arith.constant 2 : i32
    %mul3A_640 = arith.muli %arg1, %mul3A_639 : i32
    %add3A_641 = arith.constant 1 : i32
    %add3A_642 = arith.addi %mul3A_640, %add3A_641 : i32
    %mul3A_643 = arith.constant 384 : i32
    %mul3A_644 = arith.muli %add3A_642, %mul3A_643 : i32
    %mul3A_645 = arith.constant 8 : i32
    %mul3A_646 = arith.muli %add3A, %mul3A_645 : i32
    %add3A_647 = arith.constant 7 : i32
    %add3A_648 = arith.addi %mul3A_646, %add3A_647 : i32
    %mul3A_649 = arith.constant 16 : i32
    %mul3A_650 = arith.muli %add3A_648, %mul3A_649 : i32
    "tpu.region"() ({
      %run_scoped3A_845 = tpu.sem_alloc : memref<!tpu.dma_semaphore, #tpu.memory_space<semaphore_mem>>
      %dma_start3A_846 = arith.constant 0 : i32
      %dma_start3A_847 = tpu.memref_slice %arg3[%mul3A_650, %dma_start3A_846] : memref<4096x128xi32, #tpu.memory_space<hbm>> -> memref<16x128xi32, #tpu.memory_space<hbm>>
      %dma_start3A_848 = arith.constant 0 : i32
      %dma_start3A_849 = tpu.memref_slice %arg3[%mul3A_650, %dma_start3A_848] : memref<4096x128xi32, #tpu.memory_space<hbm>> -> memref<16x128xi32, #tpu.memory_space<hbm>>
      tpu.enqueue_dma source(%dma_start3A_849 : memref<16x128xi32, #tpu.memory_space<hbm>>) target(%arg11 : memref<16x128xi32, #tpu.memory_space<vmem>>) target_semaphore(%run_scoped3A_845 : memref<!tpu.dma_semaphore, #tpu.memory_space<semaphore_mem>>)
      %dma_wait3A_850 = arith.constant 0 : i32
      %dma_wait3A_851 = tpu.memref_slice %arg3[%mul3A_650, %dma_wait3A_850] : memref<4096x128xi32, #tpu.memory_space<hbm>> -> memref<16x128xi32, #tpu.memory_space<hbm>>
      %dma_wait3A_852 = arith.constant 0 : i32
      %dma_wait3A_853 = tpu.memref_slice %arg3[%mul3A_650, %dma_wait3A_852] : memref<4096x128xi32, #tpu.memory_space<hbm>> -> memref<16x128xi32, #tpu.memory_space<hbm>>
      tpu.wait_dma2 semaphore(%run_scoped3A_845 : memref<!tpu.dma_semaphore, #tpu.memory_space<semaphore_mem>>) src(%dma_wait3A_853 : memref<16x128xi32, #tpu.memory_space<hbm>>) dst(%arg11 : memref<16x128xi32, #tpu.memory_space<vmem>>)
      tpu.yield
    }) : () -> ()
    %mul3A_651 = arith.constant 8 : i32
    %mul3A_652 = arith.muli %add3A, %mul3A_651 : i32
    %add3A_653 = arith.constant 7 : i32
    %add3A_654 = arith.addi %mul3A_652, %add3A_653 : i32
    %mul3A_655 = arith.constant 16 : i32
    %mul3A_656 = arith.muli %add3A_654, %mul3A_655 : i32
    "tpu.region"() ({
      %run_scoped3A_845 = tpu.sem_alloc : memref<!tpu.dma_semaphore, #tpu.memory_space<semaphore_mem>>
      %dma_start3A_846 = arith.constant 0 : i32
      %dma_start3A_847 = tpu.memref_slice %arg4[%mul3A_656, %dma_start3A_846] : memref<4096x128xi32, #tpu.memory_space<hbm>> -> memref<16x128xi32, #tpu.memory_space<hbm>>
      %dma_start3A_848 = arith.constant 0 : i32
      %dma_start3A_849 = tpu.memref_slice %arg4[%mul3A_656, %dma_start3A_848] : memref<4096x128xi32, #tpu.memory_space<hbm>> -> memref<16x128xi32, #tpu.memory_space<hbm>>
      tpu.enqueue_dma source(%dma_start3A_849 : memref<16x128xi32, #tpu.memory_space<hbm>>) target(%arg12 : memref<16x128xi32, #tpu.memory_space<vmem>>) target_semaphore(%run_scoped3A_845 : memref<!tpu.dma_semaphore, #tpu.memory_space<semaphore_mem>>)
      %dma_wait3A_850 = arith.constant 0 : i32
      %dma_wait3A_851 = tpu.memref_slice %arg4[%mul3A_656, %dma_wait3A_850] : memref<4096x128xi32, #tpu.memory_space<hbm>> -> memref<16x128xi32, #tpu.memory_space<hbm>>
      %dma_wait3A_852 = arith.constant 0 : i32
      %dma_wait3A_853 = tpu.memref_slice %arg4[%mul3A_656, %dma_wait3A_852] : memref<4096x128xi32, #tpu.memory_space<hbm>> -> memref<16x128xi32, #tpu.memory_space<hbm>>
      tpu.wait_dma2 semaphore(%run_scoped3A_845 : memref<!tpu.dma_semaphore, #tpu.memory_space<semaphore_mem>>) src(%dma_wait3A_853 : memref<16x128xi32, #tpu.memory_space<hbm>>) dst(%arg12 : memref<16x128xi32, #tpu.memory_space<vmem>>)
      tpu.yield
    }) : () -> ()
    %mul3A_657 = arith.constant 8 : i32
    %mul3A_658 = arith.muli %add3A, %mul3A_657 : i32
    %add3A_659 = arith.constant 7 : i32
    %add3A_660 = arith.addi %mul3A_658, %add3A_659 : i32
    %mul3A_661 = arith.constant 128 : i32
    %mul3A_662 = arith.muli %add3A_660, %mul3A_661 : i32
    %add3A_663 = arith.constant 0 : i32
    %add3A_664 = arith.addi %mul3A_644, %add3A_663 : i32
    %add3A_665 = arith.constant 128 : i32
    %add3A_666 = arith.addi %mul3A_644, %add3A_665 : i32
    %add3A_667 = arith.constant 256 : i32
    %add3A_668 = arith.addi %mul3A_644, %add3A_667 : i32
    %dma_wait3A_669 = arith.constant 0 : i32
    %dma_wait3A_670 = tpu.memref_slice %arg7[%mul3A_662, %dma_wait3A_669] : memref<32768x64xf32, #tpu.memory_space<hbm>> -> memref<128x64xf32, #tpu.memory_space<hbm>>
    %dma_wait3A_671 = arith.constant 0 : i32
    %dma_wait3A_672 = tpu.memref_slice %arg19[%add3A_664, %dma_wait3A_671] : memref<12288x64xf32, #tpu.memory_space<vmem_shared>> -> memref<128x64xf32, #tpu.memory_space<vmem_shared>>
    tpu.wait_dma2 semaphore(%arg23 : memref<!tpu.dma_semaphore, #tpu.memory_space<semaphore_mem>>) src(%dma_wait3A_672 : memref<128x64xf32, #tpu.memory_space<vmem_shared>>) dst(%dma_wait3A_670 : memref<128x64xf32, #tpu.memory_space<hbm>>)
    %dma_wait3A_673 = arith.constant 0 : i32
    %dma_wait3A_674 = tpu.memref_slice %arg8[%mul3A_662, %dma_wait3A_673] : memref<32768x64xf32, #tpu.memory_space<hbm>> -> memref<128x64xf32, #tpu.memory_space<hbm>>
    %dma_wait3A_675 = arith.constant 0 : i32
    %dma_wait3A_676 = tpu.memref_slice %arg19[%add3A_666, %dma_wait3A_675] : memref<12288x64xf32, #tpu.memory_space<vmem_shared>> -> memref<128x64xf32, #tpu.memory_space<vmem_shared>>
    tpu.wait_dma2 semaphore(%arg23 : memref<!tpu.dma_semaphore, #tpu.memory_space<semaphore_mem>>) src(%dma_wait3A_676 : memref<128x64xf32, #tpu.memory_space<vmem_shared>>) dst(%dma_wait3A_674 : memref<128x64xf32, #tpu.memory_space<hbm>>)
    %dma_wait3A_677 = arith.constant 0 : i32
    %dma_wait3A_678 = tpu.memref_slice %arg9[%mul3A_662, %dma_wait3A_677] : memref<32768x64xf32, #tpu.memory_space<hbm>> -> memref<128x64xf32, #tpu.memory_space<hbm>>
    %dma_wait3A_679 = arith.constant 0 : i32
    %dma_wait3A_680 = tpu.memref_slice %arg19[%add3A_668, %dma_wait3A_679] : memref<12288x64xf32, #tpu.memory_space<vmem_shared>> -> memref<128x64xf32, #tpu.memory_space<vmem_shared>>
    tpu.wait_dma2 semaphore(%arg23 : memref<!tpu.dma_semaphore, #tpu.memory_space<semaphore_mem>>) src(%dma_wait3A_680 : memref<128x64xf32, #tpu.memory_space<vmem_shared>>) dst(%dma_wait3A_678 : memref<128x64xf32, #tpu.memory_space<hbm>>)
    %scan3A_681 = arith.constant 0 : i32
    %scan3A_682 = arith.constant 0 : i32
    %scan3A_683 = arith.constant 6 : i32
    %scan3A_684 = arith.addi %scan3A_682, %scan3A_683 : i32
    %scan3A_685 = arith.constant 1 : i32
    %scan3A_686 = scf.for %scan3A_845 = %scan3A_682 to %scan3A_684 step %scan3A_685 iter_args(%scan3A_846 = %scan3A_681) -> (i32)  : i32 {
      %mul3A_847 = arith.constant 2 : i32
      %mul3A_848 = arith.muli %arg1, %mul3A_847 : i32
      %add3A_849 = arith.constant 1 : i32
      %add3A_850 = arith.addi %mul3A_848, %add3A_849 : i32
      %mul3A_851 = arith.constant 384 : i32
      %mul3A_852 = arith.muli %add3A_850, %mul3A_851 : i32
      %mul3A_853 = arith.constant 64 : i32
      %mul3A_854 = arith.muli %scan3A_845, %mul3A_853 : i32
      %add3A_855 = arith.addi %mul3A_852, %mul3A_854 : i32
      "tpu.region"() ({
        %run_scoped3A_857 = tpu.sem_alloc : memref<!tpu.dma_semaphore, #tpu.memory_space<semaphore_mem>>
        %dma_start3A_858 = arith.constant 0 : i32
        %dma_start3A_859 = tpu.memref_slice %arg19[%add3A_855, %dma_start3A_858] : memref<12288x64xf32, #tpu.memory_space<vmem_shared>> -> memref<64x64xf32, #tpu.memory_space<vmem_shared>>
        %dma_start3A_860 = arith.constant 0 : i32
        %dma_start3A_861 = tpu.memref_slice %arg19[%add3A_855, %dma_start3A_860] : memref<12288x64xf32, #tpu.memory_space<vmem_shared>> -> memref<64x64xf32, #tpu.memory_space<vmem_shared>>
        tpu.enqueue_dma source(%arg15 : memref<64x64xf32, #tpu.memory_space<vmem>>) target(%dma_start3A_861 : memref<64x64xf32, #tpu.memory_space<vmem_shared>>) target_semaphore(%run_scoped3A_857 : memref<!tpu.dma_semaphore, #tpu.memory_space<semaphore_mem>>)
        %dma_wait3A_862 = arith.constant 0 : i32
        %dma_wait3A_863 = tpu.memref_slice %arg19[%add3A_855, %dma_wait3A_862] : memref<12288x64xf32, #tpu.memory_space<vmem_shared>> -> memref<64x64xf32, #tpu.memory_space<vmem_shared>>
        %dma_wait3A_864 = arith.constant 0 : i32
        %dma_wait3A_865 = tpu.memref_slice %arg19[%add3A_855, %dma_wait3A_864] : memref<12288x64xf32, #tpu.memory_space<vmem_shared>> -> memref<64x64xf32, #tpu.memory_space<vmem_shared>>
        tpu.wait_dma2 semaphore(%run_scoped3A_857 : memref<!tpu.dma_semaphore, #tpu.memory_space<semaphore_mem>>) src(%arg15 : memref<64x64xf32, #tpu.memory_space<vmem>>) dst(%dma_wait3A_865 : memref<64x64xf32, #tpu.memory_space<vmem_shared>>)
        tpu.yield
      }) : () -> ()
      %scan3A_856 = arith.constant 0 : i32
      scf.yield %scan3A_856 : i32
    }
    %scan3A_687 = arith.constant 6 : i32
    %dma_start3A_688 = arith.constant 0 : i32
    %dma_start3A_689 = arith.constant 0 : i32
    %dma_start3A_690 = arith.constant 0 : i32
    %dma_start3A_691 = tpu.memref_slice %arg13[%dma_start3A_689, %dma_start3A_690] : memref<256x64xf32, #tpu.memory_space<vmem>> -> memref<128x64xf32, #tpu.memory_space<vmem>>
    %dma_start3A_692 = arith.constant 0 : i32
    %dma_start3A_693 = tpu.memref_slice %arg11[%dma_start3A_688, %dma_start3A_692] : memref<16x128xi32, #tpu.memory_space<vmem>> -> memref<1x128xi32, #tpu.memory_space<vmem>>
    %dma_start3A_694 = tpu.memref_squeeze %dma_start3A_693 : memref<1x128xi32, #tpu.memory_space<vmem>> -> memref<128xi32, #tpu.memory_space<vmem>>
    %dma_start3A_695 = arith.constant 0 : i32
    %dma_start3A_696 = arith.constant 0 : i32
    %dma_start3A_697 = tpu.memref_slice %arg2[%dma_start3A_695, %dma_start3A_696] : memref<65536x64xf32, #tpu.memory_space<hbm>> -> memref<65536x64xf32, #tpu.memory_space<hbm>>
    tpu.enqueue_indirect_dma source(%dma_start3A_697 : memref<65536x64xf32, #tpu.memory_space<hbm>>) target(%dma_start3A_691 : memref<128x64xf32, #tpu.memory_space<vmem>>) offsets(%dma_start3A_694 : memref<128xi32, #tpu.memory_space<vmem>>) semaphore(%arg20 : memref<!tpu.dma_semaphore, #tpu.memory_space<semaphore_mem>>)
    %dma_start3A_698 = arith.constant 1 : i32
    %dma_start3A_699 = arith.constant 128 : i32
    %dma_start3A_700 = arith.constant 0 : i32
    %dma_start3A_701 = tpu.memref_slice %arg13[%dma_start3A_699, %dma_start3A_700] : memref<256x64xf32, #tpu.memory_space<vmem>> -> memref<128x64xf32, #tpu.memory_space<vmem>>
    %dma_start3A_702 = arith.constant 0 : i32
    %dma_start3A_703 = tpu.memref_slice %arg11[%dma_start3A_698, %dma_start3A_702] : memref<16x128xi32, #tpu.memory_space<vmem>> -> memref<1x128xi32, #tpu.memory_space<vmem>>
    %dma_start3A_704 = tpu.memref_squeeze %dma_start3A_703 : memref<1x128xi32, #tpu.memory_space<vmem>> -> memref<128xi32, #tpu.memory_space<vmem>>
    %dma_start3A_705 = arith.constant 0 : i32
    %dma_start3A_706 = arith.constant 0 : i32
    %dma_start3A_707 = tpu.memref_slice %arg2[%dma_start3A_705, %dma_start3A_706] : memref<65536x64xf32, #tpu.memory_space<hbm>> -> memref<65536x64xf32, #tpu.memory_space<hbm>>
    tpu.enqueue_indirect_dma source(%dma_start3A_707 : memref<65536x64xf32, #tpu.memory_space<hbm>>) target(%dma_start3A_701 : memref<128x64xf32, #tpu.memory_space<vmem>>) offsets(%dma_start3A_704 : memref<128xi32, #tpu.memory_space<vmem>>) semaphore(%arg20 : memref<!tpu.dma_semaphore, #tpu.memory_space<semaphore_mem>>)
    %scan3A_708 = arith.constant 0 : i32
    %scan3A_709 = arith.constant 0 : i32
    %scan3A_710 = arith.constant 4 : i32
    %scan3A_711 = arith.addi %scan3A_709, %scan3A_710 : i32
    %scan3A_712 = arith.constant 1 : i32
    %scan3A_713 = scf.for %scan3A_845 = %scan3A_709 to %scan3A_711 step %scan3A_712 iter_args(%scan3A_846 = %scan3A_708) -> (i32)  : i32 {
      %mul3A_847 = arith.constant 2 : i32
      %mul3A_848 = arith.muli %mul3A_847, %scan3A_845 : i32
      %dma_wait3A_849 = arith.constant 0 : i32
      %dma_wait3A_850 = arith.constant 0 : i32
      %dma_wait3A_851 = tpu.memref_slice %arg2[%dma_wait3A_849, %dma_wait3A_850] : memref<65536x64xf32, #tpu.memory_space<hbm>> -> memref<256x64xf32, #tpu.memory_space<hbm>>
      %dma_wait3A_852 = arith.constant 0 : i32
      %dma_wait3A_853 = arith.constant 0 : i32
      %dma_wait3A_854 = tpu.memref_slice %arg2[%dma_wait3A_852, %dma_wait3A_853] : memref<65536x64xf32, #tpu.memory_space<hbm>> -> memref<256x64xf32, #tpu.memory_space<hbm>>
      tpu.wait_dma2 semaphore(%arg20 : memref<!tpu.dma_semaphore, #tpu.memory_space<semaphore_mem>>) src(%dma_wait3A_854 : memref<256x64xf32, #tpu.memory_space<hbm>>) dst(%arg13 : memref<256x64xf32, #tpu.memory_space<vmem>>)
      %add3A_855 = arith.constant 1 : i32
      %add3A_856 = arith.addi %mul3A_848, %add3A_855 : i32
      %mul3A_857 = arith.constant 2 : i32
      %mul3A_858 = arith.muli %add3A_856, %mul3A_857 : i32
      %add3A_859 = arith.constant 0 : i32
      %add3A_860 = arith.addi %add3A_859, %mul3A_858 : i32
      %add3A_861 = arith.constant 0 : i32
      %add3A_862 = arith.addi %add3A_860, %add3A_861 : i32
      %dma_start3A_863 = arith.constant 0 : i32
      %dma_start3A_864 = arith.constant 0 : i32
      %dma_start3A_865 = tpu.memref_slice %arg14[%dma_start3A_863, %dma_start3A_864] : memref<256x64xf32, #tpu.memory_space<vmem>> -> memref<128x64xf32, #tpu.memory_space<vmem>>
      %dma_start3A_866 = arith.constant 0 : i32
      %dma_start3A_867 = tpu.memref_slice %arg11[%add3A_862, %dma_start3A_866] : memref<16x128xi32, #tpu.memory_space<vmem>> -> memref<1x128xi32, #tpu.memory_space<vmem>>
      %dma_start3A_868 = tpu.memref_squeeze %dma_start3A_867 : memref<1x128xi32, #tpu.memory_space<vmem>> -> memref<128xi32, #tpu.memory_space<vmem>>
      %dma_start3A_869 = arith.constant 0 : i32
      %dma_start3A_870 = arith.constant 0 : i32
      %dma_start3A_871 = tpu.memref_slice %arg2[%dma_start3A_869, %dma_start3A_870] : memref<65536x64xf32, #tpu.memory_space<hbm>> -> memref<65536x64xf32, #tpu.memory_space<hbm>>
      tpu.enqueue_indirect_dma source(%dma_start3A_871 : memref<65536x64xf32, #tpu.memory_space<hbm>>) target(%dma_start3A_865 : memref<128x64xf32, #tpu.memory_space<vmem>>) offsets(%dma_start3A_868 : memref<128xi32, #tpu.memory_space<vmem>>) semaphore(%arg21 : memref<!tpu.dma_semaphore, #tpu.memory_space<semaphore_mem>>)
      %mul3A_872 = arith.constant 2 : i32
      %mul3A_873 = arith.muli %add3A_856, %mul3A_872 : i32
      %add3A_874 = arith.constant 0 : i32
      %add3A_875 = arith.addi %add3A_874, %mul3A_873 : i32
      %add3A_876 = arith.constant 1 : i32
      %add3A_877 = arith.addi %add3A_875, %add3A_876 : i32
      %dma_start3A_878 = arith.constant 128 : i32
      %dma_start3A_879 = arith.constant 0 : i32
      %dma_start3A_880 = tpu.memref_slice %arg14[%dma_start3A_878, %dma_start3A_879] : memref<256x64xf32, #tpu.memory_space<vmem>> -> memref<128x64xf32, #tpu.memory_space<vmem>>
      %dma_start3A_881 = arith.constant 0 : i32
      %dma_start3A_882 = tpu.memref_slice %arg11[%add3A_877, %dma_start3A_881] : memref<16x128xi32, #tpu.memory_space<vmem>> -> memref<1x128xi32, #tpu.memory_space<vmem>>
      %dma_start3A_883 = tpu.memref_squeeze %dma_start3A_882 : memref<1x128xi32, #tpu.memory_space<vmem>> -> memref<128xi32, #tpu.memory_space<vmem>>
      %dma_start3A_884 = arith.constant 0 : i32
      %dma_start3A_885 = arith.constant 0 : i32
      %dma_start3A_886 = tpu.memref_slice %arg2[%dma_start3A_884, %dma_start3A_885] : memref<65536x64xf32, #tpu.memory_space<hbm>> -> memref<65536x64xf32, #tpu.memory_space<hbm>>
      tpu.enqueue_indirect_dma source(%dma_start3A_886 : memref<65536x64xf32, #tpu.memory_space<hbm>>) target(%dma_start3A_880 : memref<128x64xf32, #tpu.memory_space<vmem>>) offsets(%dma_start3A_883 : memref<128xi32, #tpu.memory_space<vmem>>) semaphore(%arg21 : memref<!tpu.dma_semaphore, #tpu.memory_space<semaphore_mem>>)
      %mul3A_887 = arith.constant 2 : i32
      %mul3A_888 = arith.muli %mul3A_848, %mul3A_887 : i32
      %add3A_889 = arith.constant 0 : i32
      %add3A_890 = arith.addi %add3A_889, %mul3A_888 : i32
      %add3A_891 = arith.constant 0 : i32
      %add3A_892 = arith.addi %add3A_890, %add3A_891 : i32
      "tpu.region"() ({
        %run_scoped3A_955 = tpu.sem_alloc : memref<!tpu.dma_semaphore, #tpu.memory_space<semaphore_mem>>
        %dma_start3A_956 = arith.constant 0 : i32
        %dma_start3A_957 = arith.constant 0 : i32
        %dma_start3A_958 = tpu.memref_slice %arg13[%dma_start3A_956, %dma_start3A_957] : memref<256x64xf32, #tpu.memory_space<vmem>> -> memref<128x64xf32, #tpu.memory_space<vmem>>
        %dma_start3A_959 = arith.constant 0 : i32
        %dma_start3A_960 = tpu.memref_slice %arg12[%add3A_892, %dma_start3A_959] : memref<16x128xi32, #tpu.memory_space<vmem>> -> memref<1x128xi32, #tpu.memory_space<vmem>>
        %dma_start3A_961 = tpu.memref_squeeze %dma_start3A_960 : memref<1x128xi32, #tpu.memory_space<vmem>> -> memref<128xi32, #tpu.memory_space<vmem>>
        %dma_start3A_962 = arith.constant 0 : i32
        %dma_start3A_963 = arith.constant 0 : i32
        %dma_start3A_964 = tpu.memref_slice %arg19[%dma_start3A_962, %dma_start3A_963] : memref<12288x64xf32, #tpu.memory_space<vmem_shared>> -> memref<12288x64xf32, #tpu.memory_space<vmem_shared>>
        tpu.enqueue_indirect_dma source(%dma_start3A_958 : memref<128x64xf32, #tpu.memory_space<vmem>>) target(%dma_start3A_964 : memref<12288x64xf32, #tpu.memory_space<vmem_shared>>) offsets(%dma_start3A_961 : memref<128xi32, #tpu.memory_space<vmem>>) semaphore(%run_scoped3A_955 : memref<!tpu.dma_semaphore, #tpu.memory_space<semaphore_mem>>) {add = true}
        %dma_wait3A_965 = arith.constant 0 : i32
        %dma_wait3A_966 = arith.constant 0 : i32
        %dma_wait3A_967 = tpu.memref_slice %arg13[%dma_wait3A_965, %dma_wait3A_966] : memref<256x64xf32, #tpu.memory_space<vmem>> -> memref<128x64xf32, #tpu.memory_space<vmem>>
        %dma_wait3A_968 = arith.constant 0 : i32
        %dma_wait3A_969 = tpu.memref_slice %arg12[%add3A_892, %dma_wait3A_968] : memref<16x128xi32, #tpu.memory_space<vmem>> -> memref<1x128xi32, #tpu.memory_space<vmem>>
        %dma_wait3A_970 = tpu.memref_squeeze %dma_wait3A_969 : memref<1x128xi32, #tpu.memory_space<vmem>> -> memref<128xi32, #tpu.memory_space<vmem>>
        %dma_wait3A_971 = arith.constant 0 : i32
        %dma_wait3A_972 = arith.constant 0 : i32
        %dma_wait3A_973 = tpu.memref_slice %arg19[%dma_wait3A_971, %dma_wait3A_972] : memref<12288x64xf32, #tpu.memory_space<vmem_shared>> -> memref<12288x64xf32, #tpu.memory_space<vmem_shared>>
        tpu.wait_indirect_dma semaphore(%run_scoped3A_955 : memref<!tpu.dma_semaphore, #tpu.memory_space<semaphore_mem>>) src(%dma_wait3A_967 : memref<128x64xf32, #tpu.memory_space<vmem>>) dst(%dma_wait3A_973 : memref<12288x64xf32, #tpu.memory_space<vmem_shared>>)
        tpu.yield
      }) : () -> ()
      %mul3A_893 = arith.constant 2 : i32
      %mul3A_894 = arith.muli %mul3A_848, %mul3A_893 : i32
      %add3A_895 = arith.constant 0 : i32
      %add3A_896 = arith.addi %add3A_895, %mul3A_894 : i32
      %add3A_897 = arith.constant 1 : i32
      %add3A_898 = arith.addi %add3A_896, %add3A_897 : i32
      "tpu.region"() ({
        %run_scoped3A_955 = tpu.sem_alloc : memref<!tpu.dma_semaphore, #tpu.memory_space<semaphore_mem>>
        %dma_start3A_956 = arith.constant 128 : i32
        %dma_start3A_957 = arith.constant 0 : i32
        %dma_start3A_958 = tpu.memref_slice %arg13[%dma_start3A_956, %dma_start3A_957] : memref<256x64xf32, #tpu.memory_space<vmem>> -> memref<128x64xf32, #tpu.memory_space<vmem>>
        %dma_start3A_959 = arith.constant 0 : i32
        %dma_start3A_960 = tpu.memref_slice %arg12[%add3A_898, %dma_start3A_959] : memref<16x128xi32, #tpu.memory_space<vmem>> -> memref<1x128xi32, #tpu.memory_space<vmem>>
        %dma_start3A_961 = tpu.memref_squeeze %dma_start3A_960 : memref<1x128xi32, #tpu.memory_space<vmem>> -> memref<128xi32, #tpu.memory_space<vmem>>
        %dma_start3A_962 = arith.constant 0 : i32
        %dma_start3A_963 = arith.constant 0 : i32
        %dma_start3A_964 = tpu.memref_slice %arg19[%dma_start3A_962, %dma_start3A_963] : memref<12288x64xf32, #tpu.memory_space<vmem_shared>> -> memref<12288x64xf32, #tpu.memory_space<vmem_shared>>
        tpu.enqueue_indirect_dma source(%dma_start3A_958 : memref<128x64xf32, #tpu.memory_space<vmem>>) target(%dma_start3A_964 : memref<12288x64xf32, #tpu.memory_space<vmem_shared>>) offsets(%dma_start3A_961 : memref<128xi32, #tpu.memory_space<vmem>>) semaphore(%run_scoped3A_955 : memref<!tpu.dma_semaphore, #tpu.memory_space<semaphore_mem>>) {add = true}
        %dma_wait3A_965 = arith.constant 128 : i32
        %dma_wait3A_966 = arith.constant 0 : i32
        %dma_wait3A_967 = tpu.memref_slice %arg13[%dma_wait3A_965, %dma_wait3A_966] : memref<256x64xf32, #tpu.memory_space<vmem>> -> memref<128x64xf32, #tpu.memory_space<vmem>>
        %dma_wait3A_968 = arith.constant 0 : i32
        %dma_wait3A_969 = tpu.memref_slice %arg12[%add3A_898, %dma_wait3A_968] : memref<16x128xi32, #tpu.memory_space<vmem>> -> memref<1x128xi32, #tpu.memory_space<vmem>>
        %dma_wait3A_970 = tpu.memref_squeeze %dma_wait3A_969 : memref<1x128xi32, #tpu.memory_space<vmem>> -> memref<128xi32, #tpu.memory_space<vmem>>
        %dma_wait3A_971 = arith.constant 0 : i32
        %dma_wait3A_972 = arith.constant 0 : i32
        %dma_wait3A_973 = tpu.memref_slice %arg19[%dma_wait3A_971, %dma_wait3A_972] : memref<12288x64xf32, #tpu.memory_space<vmem_shared>> -> memref<12288x64xf32, #tpu.memory_space<vmem_shared>>
        tpu.wait_indirect_dma semaphore(%run_scoped3A_955 : memref<!tpu.dma_semaphore, #tpu.memory_space<semaphore_mem>>) src(%dma_wait3A_967 : memref<128x64xf32, #tpu.memory_space<vmem>>) dst(%dma_wait3A_973 : memref<12288x64xf32, #tpu.memory_space<vmem_shared>>)
        tpu.yield
      }) : () -> ()
      %dma_wait3A_899 = arith.constant 0 : i32
      %dma_wait3A_900 = arith.constant 0 : i32
      %dma_wait3A_901 = tpu.memref_slice %arg2[%dma_wait3A_899, %dma_wait3A_900] : memref<65536x64xf32, #tpu.memory_space<hbm>> -> memref<256x64xf32, #tpu.memory_space<hbm>>
      %dma_wait3A_902 = arith.constant 0 : i32
      %dma_wait3A_903 = arith.constant 0 : i32
      %dma_wait3A_904 = tpu.memref_slice %arg2[%dma_wait3A_902, %dma_wait3A_903] : memref<65536x64xf32, #tpu.memory_space<hbm>> -> memref<256x64xf32, #tpu.memory_space<hbm>>
      tpu.wait_dma2 semaphore(%arg21 : memref<!tpu.dma_semaphore, #tpu.memory_space<semaphore_mem>>) src(%dma_wait3A_904 : memref<256x64xf32, #tpu.memory_space<hbm>>) dst(%arg14 : memref<256x64xf32, #tpu.memory_space<vmem>>)
      %add3A_905 = arith.constant 2 : i32
      %add3A_906 = arith.addi %mul3A_848, %add3A_905 : i32
      %rem3A = arith.constant 8 : i32
      %rem3A_907 = arith.remsi %add3A_906, %rem3A : i32
      %mul3A_908 = arith.constant 2 : i32
      %mul3A_909 = arith.muli %rem3A_907, %mul3A_908 : i32
      %add3A_910 = arith.constant 0 : i32
      %add3A_911 = arith.addi %add3A_910, %mul3A_909 : i32
      %add3A_912 = arith.constant 0 : i32
      %add3A_913 = arith.addi %add3A_911, %add3A_912 : i32
      %dma_start3A_914 = arith.constant 0 : i32
      %dma_start3A_915 = arith.constant 0 : i32
      %dma_start3A_916 = tpu.memref_slice %arg13[%dma_start3A_914, %dma_start3A_915] : memref<256x64xf32, #tpu.memory_space<vmem>> -> memref<128x64xf32, #tpu.memory_space<vmem>>
      %dma_start3A_917 = arith.constant 0 : i32
      %dma_start3A_918 = tpu.memref_slice %arg11[%add3A_913, %dma_start3A_917] : memref<16x128xi32, #tpu.memory_space<vmem>> -> memref<1x128xi32, #tpu.memory_space<vmem>>
      %dma_start3A_919 = tpu.memref_squeeze %dma_start3A_918 : memref<1x128xi32, #tpu.memory_space<vmem>> -> memref<128xi32, #tpu.memory_space<vmem>>
      %dma_start3A_920 = arith.constant 0 : i32
      %dma_start3A_921 = arith.constant 0 : i32
      %dma_start3A_922 = tpu.memref_slice %arg2[%dma_start3A_920, %dma_start3A_921] : memref<65536x64xf32, #tpu.memory_space<hbm>> -> memref<65536x64xf32, #tpu.memory_space<hbm>>
      tpu.enqueue_indirect_dma source(%dma_start3A_922 : memref<65536x64xf32, #tpu.memory_space<hbm>>) target(%dma_start3A_916 : memref<128x64xf32, #tpu.memory_space<vmem>>) offsets(%dma_start3A_919 : memref<128xi32, #tpu.memory_space<vmem>>) semaphore(%arg20 : memref<!tpu.dma_semaphore, #tpu.memory_space<semaphore_mem>>)
      %mul3A_923 = arith.constant 2 : i32
      %mul3A_924 = arith.muli %rem3A_907, %mul3A_923 : i32
      %add3A_925 = arith.constant 0 : i32
      %add3A_926 = arith.addi %add3A_925, %mul3A_924 : i32
      %add3A_927 = arith.constant 1 : i32
      %add3A_928 = arith.addi %add3A_926, %add3A_927 : i32
      %dma_start3A_929 = arith.constant 128 : i32
      %dma_start3A_930 = arith.constant 0 : i32
      %dma_start3A_931 = tpu.memref_slice %arg13[%dma_start3A_929, %dma_start3A_930] : memref<256x64xf32, #tpu.memory_space<vmem>> -> memref<128x64xf32, #tpu.memory_space<vmem>>
      %dma_start3A_932 = arith.constant 0 : i32
      %dma_start3A_933 = tpu.memref_slice %arg11[%add3A_928, %dma_start3A_932] : memref<16x128xi32, #tpu.memory_space<vmem>> -> memref<1x128xi32, #tpu.memory_space<vmem>>
      %dma_start3A_934 = tpu.memref_squeeze %dma_start3A_933 : memref<1x128xi32, #tpu.memory_space<vmem>> -> memref<128xi32, #tpu.memory_space<vmem>>
      %dma_start3A_935 = arith.constant 0 : i32
      %dma_start3A_936 = arith.constant 0 : i32
      %dma_start3A_937 = tpu.memref_slice %arg2[%dma_start3A_935, %dma_start3A_936] : memref<65536x64xf32, #tpu.memory_space<hbm>> -> memref<65536x64xf32, #tpu.memory_space<hbm>>
      tpu.enqueue_indirect_dma source(%dma_start3A_937 : memref<65536x64xf32, #tpu.memory_space<hbm>>) target(%dma_start3A_931 : memref<128x64xf32, #tpu.memory_space<vmem>>) offsets(%dma_start3A_934 : memref<128xi32, #tpu.memory_space<vmem>>) semaphore(%arg20 : memref<!tpu.dma_semaphore, #tpu.memory_space<semaphore_mem>>)
      %add3A_938 = arith.constant 1 : i32
      %add3A_939 = arith.addi %mul3A_848, %add3A_938 : i32
      %mul3A_940 = arith.constant 2 : i32
      %mul3A_941 = arith.muli %add3A_939, %mul3A_940 : i32
      %add3A_942 = arith.constant 0 : i32
      %add3A_943 = arith.addi %add3A_942, %mul3A_941 : i32
      %add3A_944 = arith.constant 0 : i32
      %add3A_945 = arith.addi %add3A_943, %add3A_944 : i32
      "tpu.region"() ({
        %run_scoped3A_955 = tpu.sem_alloc : memref<!tpu.dma_semaphore, #tpu.memory_space<semaphore_mem>>
        %dma_start3A_956 = arith.constant 0 : i32
        %dma_start3A_957 = arith.constant 0 : i32
        %dma_start3A_958 = tpu.memref_slice %arg14[%dma_start3A_956, %dma_start3A_957] : memref<256x64xf32, #tpu.memory_space<vmem>> -> memref<128x64xf32, #tpu.memory_space<vmem>>
        %dma_start3A_959 = arith.constant 0 : i32
        %dma_start3A_960 = tpu.memref_slice %arg12[%add3A_945, %dma_start3A_959] : memref<16x128xi32, #tpu.memory_space<vmem>> -> memref<1x128xi32, #tpu.memory_space<vmem>>
        %dma_start3A_961 = tpu.memref_squeeze %dma_start3A_960 : memref<1x128xi32, #tpu.memory_space<vmem>> -> memref<128xi32, #tpu.memory_space<vmem>>
        %dma_start3A_962 = arith.constant 0 : i32
        %dma_start3A_963 = arith.constant 0 : i32
        %dma_start3A_964 = tpu.memref_slice %arg19[%dma_start3A_962, %dma_start3A_963] : memref<12288x64xf32, #tpu.memory_space<vmem_shared>> -> memref<12288x64xf32, #tpu.memory_space<vmem_shared>>
        tpu.enqueue_indirect_dma source(%dma_start3A_958 : memref<128x64xf32, #tpu.memory_space<vmem>>) target(%dma_start3A_964 : memref<12288x64xf32, #tpu.memory_space<vmem_shared>>) offsets(%dma_start3A_961 : memref<128xi32, #tpu.memory_space<vmem>>) semaphore(%run_scoped3A_955 : memref<!tpu.dma_semaphore, #tpu.memory_space<semaphore_mem>>) {add = true}
        %dma_wait3A_965 = arith.constant 0 : i32
        %dma_wait3A_966 = arith.constant 0 : i32
        %dma_wait3A_967 = tpu.memref_slice %arg14[%dma_wait3A_965, %dma_wait3A_966] : memref<256x64xf32, #tpu.memory_space<vmem>> -> memref<128x64xf32, #tpu.memory_space<vmem>>
        %dma_wait3A_968 = arith.constant 0 : i32
        %dma_wait3A_969 = tpu.memref_slice %arg12[%add3A_945, %dma_wait3A_968] : memref<16x128xi32, #tpu.memory_space<vmem>> -> memref<1x128xi32, #tpu.memory_space<vmem>>
        %dma_wait3A_970 = tpu.memref_squeeze %dma_wait3A_969 : memref<1x128xi32, #tpu.memory_space<vmem>> -> memref<128xi32, #tpu.memory_space<vmem>>
        %dma_wait3A_971 = arith.constant 0 : i32
        %dma_wait3A_972 = arith.constant 0 : i32
        %dma_wait3A_973 = tpu.memref_slice %arg19[%dma_wait3A_971, %dma_wait3A_972] : memref<12288x64xf32, #tpu.memory_space<vmem_shared>> -> memref<12288x64xf32, #tpu.memory_space<vmem_shared>>
        tpu.wait_indirect_dma semaphore(%run_scoped3A_955 : memref<!tpu.dma_semaphore, #tpu.memory_space<semaphore_mem>>) src(%dma_wait3A_967 : memref<128x64xf32, #tpu.memory_space<vmem>>) dst(%dma_wait3A_973 : memref<12288x64xf32, #tpu.memory_space<vmem_shared>>)
        tpu.yield
      }) : () -> ()
      %add3A_946 = arith.constant 1 : i32
      %add3A_947 = arith.addi %mul3A_848, %add3A_946 : i32
      %mul3A_948 = arith.constant 2 : i32
      %mul3A_949 = arith.muli %add3A_947, %mul3A_948 : i32
      %add3A_950 = arith.constant 0 : i32
      %add3A_951 = arith.addi %add3A_950, %mul3A_949 : i32
      %add3A_952 = arith.constant 1 : i32
      %add3A_953 = arith.addi %add3A_951, %add3A_952 : i32
      "tpu.region"() ({
        %run_scoped3A_955 = tpu.sem_alloc : memref<!tpu.dma_semaphore, #tpu.memory_space<semaphore_mem>>
        %dma_start3A_956 = arith.constant 128 : i32
        %dma_start3A_957 = arith.constant 0 : i32
        %dma_start3A_958 = tpu.memref_slice %arg14[%dma_start3A_956, %dma_start3A_957] : memref<256x64xf32, #tpu.memory_space<vmem>> -> memref<128x64xf32, #tpu.memory_space<vmem>>
        %dma_start3A_959 = arith.constant 0 : i32
        %dma_start3A_960 = tpu.memref_slice %arg12[%add3A_953, %dma_start3A_959] : memref<16x128xi32, #tpu.memory_space<vmem>> -> memref<1x128xi32, #tpu.memory_space<vmem>>
        %dma_start3A_961 = tpu.memref_squeeze %dma_start3A_960 : memref<1x128xi32, #tpu.memory_space<vmem>> -> memref<128xi32, #tpu.memory_space<vmem>>
        %dma_start3A_962 = arith.constant 0 : i32
        %dma_start3A_963 = arith.constant 0 : i32
        %dma_start3A_964 = tpu.memref_slice %arg19[%dma_start3A_962, %dma_start3A_963] : memref<12288x64xf32, #tpu.memory_space<vmem_shared>> -> memref<12288x64xf32, #tpu.memory_space<vmem_shared>>
        tpu.enqueue_indirect_dma source(%dma_start3A_958 : memref<128x64xf32, #tpu.memory_space<vmem>>) target(%dma_start3A_964 : memref<12288x64xf32, #tpu.memory_space<vmem_shared>>) offsets(%dma_start3A_961 : memref<128xi32, #tpu.memory_space<vmem>>) semaphore(%run_scoped3A_955 : memref<!tpu.dma_semaphore, #tpu.memory_space<semaphore_mem>>) {add = true}
        %dma_wait3A_965 = arith.constant 128 : i32
        %dma_wait3A_966 = arith.constant 0 : i32
        %dma_wait3A_967 = tpu.memref_slice %arg14[%dma_wait3A_965, %dma_wait3A_966] : memref<256x64xf32, #tpu.memory_space<vmem>> -> memref<128x64xf32, #tpu.memory_space<vmem>>
        %dma_wait3A_968 = arith.constant 0 : i32
        %dma_wait3A_969 = tpu.memref_slice %arg12[%add3A_953, %dma_wait3A_968] : memref<16x128xi32, #tpu.memory_space<vmem>> -> memref<1x128xi32, #tpu.memory_space<vmem>>
        %dma_wait3A_970 = tpu.memref_squeeze %dma_wait3A_969 : memref<1x128xi32, #tpu.memory_space<vmem>> -> memref<128xi32, #tpu.memory_space<vmem>>
        %dma_wait3A_971 = arith.constant 0 : i32
        %dma_wait3A_972 = arith.constant 0 : i32
        %dma_wait3A_973 = tpu.memref_slice %arg19[%dma_wait3A_971, %dma_wait3A_972] : memref<12288x64xf32, #tpu.memory_space<vmem_shared>> -> memref<12288x64xf32, #tpu.memory_space<vmem_shared>>
        tpu.wait_indirect_dma semaphore(%run_scoped3A_955 : memref<!tpu.dma_semaphore, #tpu.memory_space<semaphore_mem>>) src(%dma_wait3A_967 : memref<128x64xf32, #tpu.memory_space<vmem>>) dst(%dma_wait3A_973 : memref<12288x64xf32, #tpu.memory_space<vmem_shared>>)
        tpu.yield
      }) : () -> ()
      %scan3A_954 = arith.constant 0 : i32
      scf.yield %scan3A_954 : i32
    }
    %scan3A_714 = arith.constant 4 : i32
    %dma_wait3A_715 = arith.constant 0 : i32
    %dma_wait3A_716 = arith.constant 0 : i32
    %dma_wait3A_717 = tpu.memref_slice %arg2[%dma_wait3A_715, %dma_wait3A_716] : memref<65536x64xf32, #tpu.memory_space<hbm>> -> memref<256x64xf32, #tpu.memory_space<hbm>>
    %dma_wait3A_718 = arith.constant 0 : i32
    %dma_wait3A_719 = arith.constant 0 : i32
    %dma_wait3A_720 = tpu.memref_slice %arg2[%dma_wait3A_718, %dma_wait3A_719] : memref<65536x64xf32, #tpu.memory_space<hbm>> -> memref<256x64xf32, #tpu.memory_space<hbm>>
    tpu.wait_dma2 semaphore(%arg20 : memref<!tpu.dma_semaphore, #tpu.memory_space<semaphore_mem>>) src(%dma_wait3A_720 : memref<256x64xf32, #tpu.memory_space<hbm>>) dst(%arg13 : memref<256x64xf32, #tpu.memory_space<vmem>>)
    %dma_start3A_721 = arith.constant 0 : i32
    %dma_start3A_722 = tpu.memref_slice %arg7[%mul3A_662, %dma_start3A_721] : memref<32768x64xf32, #tpu.memory_space<hbm>> -> memref<128x64xf32, #tpu.memory_space<hbm>>
    %dma_start3A_723 = arith.constant 0 : i32
    %dma_start3A_724 = tpu.memref_slice %arg19[%add3A_664, %dma_start3A_723] : memref<12288x64xf32, #tpu.memory_space<vmem_shared>> -> memref<128x64xf32, #tpu.memory_space<vmem_shared>>
    tpu.enqueue_dma source(%dma_start3A_724 : memref<128x64xf32, #tpu.memory_space<vmem_shared>>) target(%dma_start3A_722 : memref<128x64xf32, #tpu.memory_space<hbm>>) target_semaphore(%arg23 : memref<!tpu.dma_semaphore, #tpu.memory_space<semaphore_mem>>)
    %dma_start3A_725 = arith.constant 0 : i32
    %dma_start3A_726 = tpu.memref_slice %arg8[%mul3A_662, %dma_start3A_725] : memref<32768x64xf32, #tpu.memory_space<hbm>> -> memref<128x64xf32, #tpu.memory_space<hbm>>
    %dma_start3A_727 = arith.constant 0 : i32
    %dma_start3A_728 = tpu.memref_slice %arg19[%add3A_666, %dma_start3A_727] : memref<12288x64xf32, #tpu.memory_space<vmem_shared>> -> memref<128x64xf32, #tpu.memory_space<vmem_shared>>
    tpu.enqueue_dma source(%dma_start3A_728 : memref<128x64xf32, #tpu.memory_space<vmem_shared>>) target(%dma_start3A_726 : memref<128x64xf32, #tpu.memory_space<hbm>>) target_semaphore(%arg23 : memref<!tpu.dma_semaphore, #tpu.memory_space<semaphore_mem>>)
    %dma_start3A_729 = arith.constant 0 : i32
    %dma_start3A_730 = tpu.memref_slice %arg9[%mul3A_662, %dma_start3A_729] : memref<32768x64xf32, #tpu.memory_space<hbm>> -> memref<128x64xf32, #tpu.memory_space<hbm>>
    %dma_start3A_731 = arith.constant 0 : i32
    %dma_start3A_732 = tpu.memref_slice %arg19[%add3A_668, %dma_start3A_731] : memref<12288x64xf32, #tpu.memory_space<vmem_shared>> -> memref<128x64xf32, #tpu.memory_space<vmem_shared>>
    tpu.enqueue_dma source(%dma_start3A_732 : memref<128x64xf32, #tpu.memory_space<vmem_shared>>) target(%dma_start3A_730 : memref<128x64xf32, #tpu.memory_space<hbm>>) target_semaphore(%arg23 : memref<!tpu.dma_semaphore, #tpu.memory_space<semaphore_mem>>)
    %mul3A_733 = arith.constant 2 : i32
    %mul3A_734 = arith.muli %arg1, %mul3A_733 : i32
    %add3A_735 = arith.constant 0 : i32
    %add3A_736 = arith.addi %mul3A_734, %add3A_735 : i32
    %mul3A_737 = arith.constant 384 : i32
    %mul3A_738 = arith.muli %add3A_736, %mul3A_737 : i32
    %mul3A_739 = arith.constant 8 : i32
    %mul3A_740 = arith.muli %add3A, %mul3A_739 : i32
    %add3A_741 = arith.constant 6 : i32
    %add3A_742 = arith.addi %mul3A_740, %add3A_741 : i32
    %mul3A_743 = arith.constant 128 : i32
    %mul3A_744 = arith.muli %add3A_742, %mul3A_743 : i32
    %add3A_745 = arith.constant 0 : i32
    %add3A_746 = arith.addi %mul3A_738, %add3A_745 : i32
    %dma_wait3A_747 = arith.constant 0 : i32
    %dma_wait3A_748 = tpu.memref_slice %arg7[%mul3A_744, %dma_wait3A_747] : memref<32768x64xf32, #tpu.memory_space<hbm>> -> memref<128x64xf32, #tpu.memory_space<hbm>>
    %dma_wait3A_749 = arith.constant 0 : i32
    %dma_wait3A_750 = tpu.memref_slice %arg19[%add3A_746, %dma_wait3A_749] : memref<12288x64xf32, #tpu.memory_space<vmem_shared>> -> memref<128x64xf32, #tpu.memory_space<vmem_shared>>
    tpu.wait_dma2 semaphore(%arg22 : memref<!tpu.dma_semaphore, #tpu.memory_space<semaphore_mem>>) src(%dma_wait3A_750 : memref<128x64xf32, #tpu.memory_space<vmem_shared>>) dst(%dma_wait3A_748 : memref<128x64xf32, #tpu.memory_space<hbm>>)
    %add3A_751 = arith.constant 128 : i32
    %add3A_752 = arith.addi %mul3A_738, %add3A_751 : i32
    %dma_wait3A_753 = arith.constant 0 : i32
    %dma_wait3A_754 = tpu.memref_slice %arg8[%mul3A_744, %dma_wait3A_753] : memref<32768x64xf32, #tpu.memory_space<hbm>> -> memref<128x64xf32, #tpu.memory_space<hbm>>
    %dma_wait3A_755 = arith.constant 0 : i32
    %dma_wait3A_756 = tpu.memref_slice %arg19[%add3A_752, %dma_wait3A_755] : memref<12288x64xf32, #tpu.memory_space<vmem_shared>> -> memref<128x64xf32, #tpu.memory_space<vmem_shared>>
    tpu.wait_dma2 semaphore(%arg22 : memref<!tpu.dma_semaphore, #tpu.memory_space<semaphore_mem>>) src(%dma_wait3A_756 : memref<128x64xf32, #tpu.memory_space<vmem_shared>>) dst(%dma_wait3A_754 : memref<128x64xf32, #tpu.memory_space<hbm>>)
    %add3A_757 = arith.constant 256 : i32
    %add3A_758 = arith.addi %mul3A_738, %add3A_757 : i32
    %dma_wait3A_759 = arith.constant 0 : i32
    %dma_wait3A_760 = tpu.memref_slice %arg9[%mul3A_744, %dma_wait3A_759] : memref<32768x64xf32, #tpu.memory_space<hbm>> -> memref<128x64xf32, #tpu.memory_space<hbm>>
    %dma_wait3A_761 = arith.constant 0 : i32
    %dma_wait3A_762 = tpu.memref_slice %arg19[%add3A_758, %dma_wait3A_761] : memref<12288x64xf32, #tpu.memory_space<vmem_shared>> -> memref<128x64xf32, #tpu.memory_space<vmem_shared>>
    tpu.wait_dma2 semaphore(%arg22 : memref<!tpu.dma_semaphore, #tpu.memory_space<semaphore_mem>>) src(%dma_wait3A_762 : memref<128x64xf32, #tpu.memory_space<vmem_shared>>) dst(%dma_wait3A_760 : memref<128x64xf32, #tpu.memory_space<hbm>>)
    %mul3A_763 = arith.constant 2 : i32
    %mul3A_764 = arith.muli %arg1, %mul3A_763 : i32
    %add3A_765 = arith.constant 1 : i32
    %add3A_766 = arith.addi %mul3A_764, %add3A_765 : i32
    %mul3A_767 = arith.constant 384 : i32
    %mul3A_768 = arith.muli %add3A_766, %mul3A_767 : i32
    %mul3A_769 = arith.constant 8 : i32
    %mul3A_770 = arith.muli %add3A, %mul3A_769 : i32
    %add3A_771 = arith.constant 7 : i32
    %add3A_772 = arith.addi %mul3A_770, %add3A_771 : i32
    %mul3A_773 = arith.constant 128 : i32
    %mul3A_774 = arith.muli %add3A_772, %mul3A_773 : i32
    %add3A_775 = arith.constant 0 : i32
    %add3A_776 = arith.addi %mul3A_768, %add3A_775 : i32
    %dma_wait3A_777 = arith.constant 0 : i32
    %dma_wait3A_778 = tpu.memref_slice %arg7[%mul3A_774, %dma_wait3A_777] : memref<32768x64xf32, #tpu.memory_space<hbm>> -> memref<128x64xf32, #tpu.memory_space<hbm>>
    %dma_wait3A_779 = arith.constant 0 : i32
    %dma_wait3A_780 = tpu.memref_slice %arg19[%add3A_776, %dma_wait3A_779] : memref<12288x64xf32, #tpu.memory_space<vmem_shared>> -> memref<128x64xf32, #tpu.memory_space<vmem_shared>>
    tpu.wait_dma2 semaphore(%arg23 : memref<!tpu.dma_semaphore, #tpu.memory_space<semaphore_mem>>) src(%dma_wait3A_780 : memref<128x64xf32, #tpu.memory_space<vmem_shared>>) dst(%dma_wait3A_778 : memref<128x64xf32, #tpu.memory_space<hbm>>)
    %add3A_781 = arith.constant 128 : i32
    %add3A_782 = arith.addi %mul3A_768, %add3A_781 : i32
    %dma_wait3A_783 = arith.constant 0 : i32
    %dma_wait3A_784 = tpu.memref_slice %arg8[%mul3A_774, %dma_wait3A_783] : memref<32768x64xf32, #tpu.memory_space<hbm>> -> memref<128x64xf32, #tpu.memory_space<hbm>>
    %dma_wait3A_785 = arith.constant 0 : i32
    %dma_wait3A_786 = tpu.memref_slice %arg19[%add3A_782, %dma_wait3A_785] : memref<12288x64xf32, #tpu.memory_space<vmem_shared>> -> memref<128x64xf32, #tpu.memory_space<vmem_shared>>
    tpu.wait_dma2 semaphore(%arg23 : memref<!tpu.dma_semaphore, #tpu.memory_space<semaphore_mem>>) src(%dma_wait3A_786 : memref<128x64xf32, #tpu.memory_space<vmem_shared>>) dst(%dma_wait3A_784 : memref<128x64xf32, #tpu.memory_space<hbm>>)
    %add3A_787 = arith.constant 256 : i32
    %add3A_788 = arith.addi %mul3A_768, %add3A_787 : i32
    %dma_wait3A_789 = arith.constant 0 : i32
    %dma_wait3A_790 = tpu.memref_slice %arg9[%mul3A_774, %dma_wait3A_789] : memref<32768x64xf32, #tpu.memory_space<hbm>> -> memref<128x64xf32, #tpu.memory_space<hbm>>
    %dma_wait3A_791 = arith.constant 0 : i32
    %dma_wait3A_792 = tpu.memref_slice %arg19[%add3A_788, %dma_wait3A_791] : memref<12288x64xf32, #tpu.memory_space<vmem_shared>> -> memref<128x64xf32, #tpu.memory_space<vmem_shared>>
    tpu.wait_dma2 semaphore(%arg23 : memref<!tpu.dma_semaphore, #tpu.memory_space<semaphore_mem>>) src(%dma_wait3A_792 : memref<128x64xf32, #tpu.memory_space<vmem_shared>>) dst(%dma_wait3A_790 : memref<128x64xf32, #tpu.memory_space<hbm>>)
    %mul3A_793 = arith.constant 4 : i32
    %mul3A_794 = arith.muli %add3A, %mul3A_793 : i32
    "tpu.region"() ({
      %run_scoped3A_845 = tpu.sem_alloc : memref<!tpu.dma_semaphore, #tpu.memory_space<semaphore_mem>>
      %dma_start3A_846 = arith.constant 0 : i32
      %dma_start3A_847 = tpu.memref_slice %arg5[%mul3A_794, %dma_start3A_846] : memref<128x128xi32, #tpu.memory_space<hbm>> -> memref<4x128xi32, #tpu.memory_space<hbm>>
      %dma_start3A_848 = arith.constant 0 : i32
      %dma_start3A_849 = tpu.memref_slice %arg5[%mul3A_794, %dma_start3A_848] : memref<128x128xi32, #tpu.memory_space<hbm>> -> memref<4x128xi32, #tpu.memory_space<hbm>>
      tpu.enqueue_dma source(%dma_start3A_849 : memref<4x128xi32, #tpu.memory_space<hbm>>) target(%arg16 : memref<4x128xi32, #tpu.memory_space<vmem>>) target_semaphore(%run_scoped3A_845 : memref<!tpu.dma_semaphore, #tpu.memory_space<semaphore_mem>>)
      %dma_wait3A_850 = arith.constant 0 : i32
      %dma_wait3A_851 = tpu.memref_slice %arg5[%mul3A_794, %dma_wait3A_850] : memref<128x128xi32, #tpu.memory_space<hbm>> -> memref<4x128xi32, #tpu.memory_space<hbm>>
      %dma_wait3A_852 = arith.constant 0 : i32
      %dma_wait3A_853 = tpu.memref_slice %arg5[%mul3A_794, %dma_wait3A_852] : memref<128x128xi32, #tpu.memory_space<hbm>> -> memref<4x128xi32, #tpu.memory_space<hbm>>
      tpu.wait_dma2 semaphore(%run_scoped3A_845 : memref<!tpu.dma_semaphore, #tpu.memory_space<semaphore_mem>>) src(%dma_wait3A_853 : memref<4x128xi32, #tpu.memory_space<hbm>>) dst(%arg16 : memref<4x128xi32, #tpu.memory_space<vmem>>)
      tpu.yield
    }) : () -> ()
    %scan3A_795 = arith.constant 0 : i32
    %scan3A_796 = arith.constant 0 : i32
    %scan3A_797 = arith.constant 4 : i32
    %scan3A_798 = arith.addi %scan3A_796, %scan3A_797 : i32
    %scan3A_799 = arith.constant 1 : i32
    %scan3A_800 = scf.for %scan3A_845 = %scan3A_796 to %scan3A_798 step %scan3A_799 iter_args(%scan3A_846 = %scan3A_795) -> (i32)  : i32 {
      %get3A = arith.index_cast %scan3A_845 : i32 to index
      %get3A_847 = arith.constant 0 : index
      %get3A_848 = tpu.vector_load %arg16[%get3A, %get3A_847] {strides = array<i32>} : memref<4x128xi32, #tpu.memory_space<vmem>>, vector<1x16xi32>,
      %get3A_849 = vector.shape_cast %get3A_848 : vector<1x16xi32> to vector<16xi32>
      %add3A_850 = arith.constant 0 : i32
      %add3A_851 = vector.broadcast %add3A_850 : i32 to vector<16xi32>
      %add3A_852 = arith.addi %get3A_849, %add3A_851 : vector<16xi32>
      %swap3A = arith.index_cast %scan3A_845 : i32 to index
      %swap3A_853 = arith.constant 0 : index
      %swap3A_854 = tpu.vector_load %arg17[%swap3A, %swap3A_853] {strides = array<i32>} : memref<4x128xi32, #tpu.memory_space<vmem>>, vector<1x16xi32>,
      %swap3A_855 = vector.shape_cast %swap3A_854 : vector<1x16xi32> to vector<16xi32>
      %swap3A_856 = vector.shape_cast %add3A_852 : vector<16xi32> to vector<1x16xi32>
      tpu.vector_store %arg17[%swap3A, %swap3A_853], %swap3A_856 {strides = array<i32>} : memref<4x128xi32, #tpu.memory_space<vmem>>, vector<1x16xi32>,
      %get3A_857 = arith.index_cast %scan3A_845 : i32 to index
      %get3A_858 = arith.constant 16 : index
      %get3A_859 = tpu.vector_load %arg16[%get3A_857, %get3A_858] {strides = array<i32>} : memref<4x128xi32, #tpu.memory_space<vmem>>, vector<1x16xi32>,
      %get3A_860 = vector.shape_cast %get3A_859 : vector<1x16xi32> to vector<16xi32>
      %add3A_861 = arith.constant 0 : i32
      %add3A_862 = vector.broadcast %add3A_861 : i32 to vector<16xi32>
      %add3A_863 = arith.addi %get3A_860, %add3A_862 : vector<16xi32>
      %swap3A_864 = arith.index_cast %scan3A_845 : i32 to index
      %swap3A_865 = arith.constant 16 : index
      %swap3A_866 = tpu.vector_load %arg17[%swap3A_864, %swap3A_865] {strides = array<i32>} : memref<4x128xi32, #tpu.memory_space<vmem>>, vector<1x16xi32>,
      %swap3A_867 = vector.shape_cast %swap3A_866 : vector<1x16xi32> to vector<16xi32>
      %swap3A_868 = vector.shape_cast %add3A_863 : vector<16xi32> to vector<1x16xi32>
      tpu.vector_store %arg17[%swap3A_864, %swap3A_865], %swap3A_868 {strides = array<i32>} : memref<4x128xi32, #tpu.memory_space<vmem>>, vector<1x16xi32>,
      %get3A_869 = arith.index_cast %scan3A_845 : i32 to index
      %get3A_870 = arith.constant 32 : index
      %get3A_871 = tpu.vector_load %arg16[%get3A_869, %get3A_870] {strides = array<i32>} : memref<4x128xi32, #tpu.memory_space<vmem>>, vector<1x16xi32>,
      %get3A_872 = vector.shape_cast %get3A_871 : vector<1x16xi32> to vector<16xi32>
      %add3A_873 = arith.constant 0 : i32
      %add3A_874 = vector.broadcast %add3A_873 : i32 to vector<16xi32>
      %add3A_875 = arith.addi %get3A_872, %add3A_874 : vector<16xi32>
      %swap3A_876 = arith.index_cast %scan3A_845 : i32 to index
      %swap3A_877 = arith.constant 32 : index
      %swap3A_878 = tpu.vector_load %arg17[%swap3A_876, %swap3A_877] {strides = array<i32>} : memref<4x128xi32, #tpu.memory_space<vmem>>, vector<1x16xi32>,
      %swap3A_879 = vector.shape_cast %swap3A_878 : vector<1x16xi32> to vector<16xi32>
      %swap3A_880 = vector.shape_cast %add3A_875 : vector<16xi32> to vector<1x16xi32>
      tpu.vector_store %arg17[%swap3A_876, %swap3A_877], %swap3A_880 {strides = array<i32>} : memref<4x128xi32, #tpu.memory_space<vmem>>, vector<1x16xi32>,
      %get3A_881 = arith.index_cast %scan3A_845 : i32 to index
      %get3A_882 = arith.constant 48 : index
      %get3A_883 = tpu.vector_load %arg16[%get3A_881, %get3A_882] {strides = array<i32>} : memref<4x128xi32, #tpu.memory_space<vmem>>, vector<1x16xi32>,
      %get3A_884 = vector.shape_cast %get3A_883 : vector<1x16xi32> to vector<16xi32>
      %add3A_885 = arith.constant 0 : i32
      %add3A_886 = vector.broadcast %add3A_885 : i32 to vector<16xi32>
      %add3A_887 = arith.addi %get3A_884, %add3A_886 : vector<16xi32>
      %swap3A_888 = arith.index_cast %scan3A_845 : i32 to index
      %swap3A_889 = arith.constant 48 : index
      %swap3A_890 = tpu.vector_load %arg17[%swap3A_888, %swap3A_889] {strides = array<i32>} : memref<4x128xi32, #tpu.memory_space<vmem>>, vector<1x16xi32>,
      %swap3A_891 = vector.shape_cast %swap3A_890 : vector<1x16xi32> to vector<16xi32>
      %swap3A_892 = vector.shape_cast %add3A_887 : vector<16xi32> to vector<1x16xi32>
      tpu.vector_store %arg17[%swap3A_888, %swap3A_889], %swap3A_892 {strides = array<i32>} : memref<4x128xi32, #tpu.memory_space<vmem>>, vector<1x16xi32>,
      %get3A_893 = arith.index_cast %scan3A_845 : i32 to index
      %get3A_894 = arith.constant 64 : index
      %get3A_895 = tpu.vector_load %arg16[%get3A_893, %get3A_894] {strides = array<i32>} : memref<4x128xi32, #tpu.memory_space<vmem>>, vector<1x16xi32>,
      %get3A_896 = vector.shape_cast %get3A_895 : vector<1x16xi32> to vector<16xi32>
      %add3A_897 = arith.constant 0 : i32
      %add3A_898 = vector.broadcast %add3A_897 : i32 to vector<16xi32>
      %add3A_899 = arith.addi %get3A_896, %add3A_898 : vector<16xi32>
      %swap3A_900 = arith.index_cast %scan3A_845 : i32 to index
      %swap3A_901 = arith.constant 64 : index
      %swap3A_902 = tpu.vector_load %arg17[%swap3A_900, %swap3A_901] {strides = array<i32>} : memref<4x128xi32, #tpu.memory_space<vmem>>, vector<1x16xi32>,
      %swap3A_903 = vector.shape_cast %swap3A_902 : vector<1x16xi32> to vector<16xi32>
      %swap3A_904 = vector.shape_cast %add3A_899 : vector<16xi32> to vector<1x16xi32>
      tpu.vector_store %arg17[%swap3A_900, %swap3A_901], %swap3A_904 {strides = array<i32>} : memref<4x128xi32, #tpu.memory_space<vmem>>, vector<1x16xi32>,
      %get3A_905 = arith.index_cast %scan3A_845 : i32 to index
      %get3A_906 = arith.constant 80 : index
      %get3A_907 = tpu.vector_load %arg16[%get3A_905, %get3A_906] {strides = array<i32>} : memref<4x128xi32, #tpu.memory_space<vmem>>, vector<1x16xi32>,
      %get3A_908 = vector.shape_cast %get3A_907 : vector<1x16xi32> to vector<16xi32>
      %add3A_909 = arith.constant 0 : i32
      %add3A_910 = vector.broadcast %add3A_909 : i32 to vector<16xi32>
      %add3A_911 = arith.addi %get3A_908, %add3A_910 : vector<16xi32>
      %swap3A_912 = arith.index_cast %scan3A_845 : i32 to index
      %swap3A_913 = arith.constant 80 : index
      %swap3A_914 = tpu.vector_load %arg17[%swap3A_912, %swap3A_913] {strides = array<i32>} : memref<4x128xi32, #tpu.memory_space<vmem>>, vector<1x16xi32>,
      %swap3A_915 = vector.shape_cast %swap3A_914 : vector<1x16xi32> to vector<16xi32>
      %swap3A_916 = vector.shape_cast %add3A_911 : vector<16xi32> to vector<1x16xi32>
      tpu.vector_store %arg17[%swap3A_912, %swap3A_913], %swap3A_916 {strides = array<i32>} : memref<4x128xi32, #tpu.memory_space<vmem>>, vector<1x16xi32>,
      %get3A_917 = arith.index_cast %scan3A_845 : i32 to index
      %get3A_918 = arith.constant 96 : index
      %get3A_919 = tpu.vector_load %arg16[%get3A_917, %get3A_918] {strides = array<i32>} : memref<4x128xi32, #tpu.memory_space<vmem>>, vector<1x16xi32>,
      %get3A_920 = vector.shape_cast %get3A_919 : vector<1x16xi32> to vector<16xi32>
      %add3A_921 = arith.constant 0 : i32
      %add3A_922 = vector.broadcast %add3A_921 : i32 to vector<16xi32>
      %add3A_923 = arith.addi %get3A_920, %add3A_922 : vector<16xi32>
      %swap3A_924 = arith.index_cast %scan3A_845 : i32 to index
      %swap3A_925 = arith.constant 96 : index
      %swap3A_926 = tpu.vector_load %arg17[%swap3A_924, %swap3A_925] {strides = array<i32>} : memref<4x128xi32, #tpu.memory_space<vmem>>, vector<1x16xi32>,
      %swap3A_927 = vector.shape_cast %swap3A_926 : vector<1x16xi32> to vector<16xi32>
      %swap3A_928 = vector.shape_cast %add3A_923 : vector<16xi32> to vector<1x16xi32>
      tpu.vector_store %arg17[%swap3A_924, %swap3A_925], %swap3A_928 {strides = array<i32>} : memref<4x128xi32, #tpu.memory_space<vmem>>, vector<1x16xi32>,
      %get3A_929 = arith.index_cast %scan3A_845 : i32 to index
      %get3A_930 = arith.constant 112 : index
      %get3A_931 = tpu.vector_load %arg16[%get3A_929, %get3A_930] {strides = array<i32>} : memref<4x128xi32, #tpu.memory_space<vmem>>, vector<1x16xi32>,
      %get3A_932 = vector.shape_cast %get3A_931 : vector<1x16xi32> to vector<16xi32>
      %add3A_933 = arith.constant 0 : i32
      %add3A_934 = vector.broadcast %add3A_933 : i32 to vector<16xi32>
      %add3A_935 = arith.addi %get3A_932, %add3A_934 : vector<16xi32>
      %swap3A_936 = arith.index_cast %scan3A_845 : i32 to index
      %swap3A_937 = arith.constant 112 : index
      %swap3A_938 = tpu.vector_load %arg17[%swap3A_936, %swap3A_937] {strides = array<i32>} : memref<4x128xi32, #tpu.memory_space<vmem>>, vector<1x16xi32>,
      %swap3A_939 = vector.shape_cast %swap3A_938 : vector<1x16xi32> to vector<16xi32>
      %swap3A_940 = vector.shape_cast %add3A_935 : vector<16xi32> to vector<1x16xi32>
      tpu.vector_store %arg17[%swap3A_936, %swap3A_937], %swap3A_940 {strides = array<i32>} : memref<4x128xi32, #tpu.memory_space<vmem>>, vector<1x16xi32>,
      %scan3A_941 = arith.constant 0 : i32
      scf.yield %scan3A_941 : i32
    }
    %scan3A_801 = arith.constant 4 : i32
    %scan3A_802 = arith.constant 0 : i32
    %scan3A_803 = arith.constant 0 : i32
    %scan3A_804 = arith.constant 4 : i32
    %scan3A_805 = arith.addi %scan3A_803, %scan3A_804 : i32
    %scan3A_806 = arith.constant 1 : i32
    %scan3A_807 = scf.for %scan3A_845 = %scan3A_803 to %scan3A_805 step %scan3A_806 iter_args(%scan3A_846 = %scan3A_802) -> (i32)  : i32 {
      %dma_start3A_847 = arith.constant 0 : i32
      %dma_start3A_848 = tpu.memref_slice %arg18[%scan3A_845, %dma_start3A_847] : memref<4x128xf32, #tpu.memory_space<vmem>> -> memref<1x128xf32, #tpu.memory_space<vmem>>
      %dma_start3A_849 = tpu.memref_squeeze %dma_start3A_848 : memref<1x128xf32, #tpu.memory_space<vmem>> -> memref<128xf32, #tpu.memory_space<vmem>>
      %dma_start3A_850 = arith.constant 0 : i32
      %dma_start3A_851 = tpu.memref_slice %arg17[%scan3A_845, %dma_start3A_850] : memref<4x128xi32, #tpu.memory_space<vmem>> -> memref<1x128xi32, #tpu.memory_space<vmem>>
      %dma_start3A_852 = tpu.memref_squeeze %dma_start3A_851 : memref<1x128xi32, #tpu.memory_space<vmem>> -> memref<128xi32, #tpu.memory_space<vmem>>
      %dma_start3A_853 = arith.constant 0 : i32
      %dma_start3A_854 = tpu.memref_slice %arg6[%dma_start3A_853] : memref<196608xf32, #tpu.memory_space<hbm>> -> memref<196608xf32, #tpu.memory_space<hbm>>
      tpu.enqueue_indirect_dma source(%dma_start3A_854 : memref<196608xf32, #tpu.memory_space<hbm>>) target(%dma_start3A_849 : memref<128xf32, #tpu.memory_space<vmem>>) offsets(%dma_start3A_852 : memref<128xi32, #tpu.memory_space<vmem>>) semaphore(%arg20 : memref<!tpu.dma_semaphore, #tpu.memory_space<semaphore_mem>>)
      %dma_wait3A_855 = arith.constant 0 : i32
      %dma_wait3A_856 = tpu.memref_slice %arg18[%scan3A_845, %dma_wait3A_855] : memref<4x128xf32, #tpu.memory_space<vmem>> -> memref<1x128xf32, #tpu.memory_space<vmem>>
      %dma_wait3A_857 = tpu.memref_squeeze %dma_wait3A_856 : memref<1x128xf32, #tpu.memory_space<vmem>> -> memref<128xf32, #tpu.memory_space<vmem>>
      %dma_wait3A_858 = arith.constant 0 : i32
      %dma_wait3A_859 = tpu.memref_slice %arg17[%scan3A_845, %dma_wait3A_858] : memref<4x128xi32, #tpu.memory_space<vmem>> -> memref<1x128xi32, #tpu.memory_space<vmem>>
      %dma_wait3A_860 = tpu.memref_squeeze %dma_wait3A_859 : memref<1x128xi32, #tpu.memory_space<vmem>> -> memref<128xi32, #tpu.memory_space<vmem>>
      %dma_wait3A_861 = arith.constant 0 : i32
      %dma_wait3A_862 = tpu.memref_slice %arg6[%dma_wait3A_861] : memref<196608xf32, #tpu.memory_space<hbm>> -> memref<196608xf32, #tpu.memory_space<hbm>>
      tpu.wait_indirect_dma semaphore(%arg20 : memref<!tpu.dma_semaphore, #tpu.memory_space<semaphore_mem>>) src(%dma_wait3A_862 : memref<196608xf32, #tpu.memory_space<hbm>>) dst(%dma_wait3A_857 : memref<128xf32, #tpu.memory_space<vmem>>)
      %scan3A_863 = arith.constant 0 : i32
      scf.yield %scan3A_863 : i32
    }
    %scan3A_808 = arith.constant 4 : i32
    %mul3A_809 = arith.constant 4 : i32
    %mul3A_810 = arith.muli %add3A, %mul3A_809 : i32
    %run_scoped3A = arith.constant 0 : i32
    "tpu.region"() ({
      %run_scoped3A_845 = tpu.sem_alloc : memref<!tpu.dma_semaphore, #tpu.memory_space<semaphore_mem>>
      %dma_start3A_846 = arith.constant 0 : i32
      %dma_start3A_847 = tpu.memref_slice %arg10[%run_scoped3A, %mul3A_810, %dma_start3A_846] : memref<3x128x128xf32, #tpu.memory_space<hbm>> -> memref<1x4x128xf32, #tpu.memory_space<hbm>>
      %dma_start3A_848 = tpu.memref_squeeze %dma_start3A_847 : memref<1x4x128xf32, #tpu.memory_space<hbm>> -> memref<4x128xf32, #tpu.memory_space<hbm>>
      %dma_start3A_849 = arith.constant 0 : i32
      %dma_start3A_850 = tpu.memref_slice %arg10[%run_scoped3A, %mul3A_810, %dma_start3A_849] : memref<3x128x128xf32, #tpu.memory_space<hbm>> -> memref<1x4x128xf32, #tpu.memory_space<hbm>>
      %dma_start3A_851 = tpu.memref_squeeze %dma_start3A_850 : memref<1x4x128xf32, #tpu.memory_space<hbm>> -> memref<4x128xf32, #tpu.memory_space<hbm>>
      tpu.enqueue_dma source(%arg18 : memref<4x128xf32, #tpu.memory_space<vmem>>) target(%dma_start3A_851 : memref<4x128xf32, #tpu.memory_space<hbm>>) target_semaphore(%run_scoped3A_845 : memref<!tpu.dma_semaphore, #tpu.memory_space<semaphore_mem>>)
      %dma_wait3A_852 = arith.constant 0 : i32
      %dma_wait3A_853 = tpu.memref_slice %arg10[%run_scoped3A, %mul3A_810, %dma_wait3A_852] : memref<3x128x128xf32, #tpu.memory_space<hbm>> -> memref<1x4x128xf32, #tpu.memory_space<hbm>>
      %dma_wait3A_854 = tpu.memref_squeeze %dma_wait3A_853 : memref<1x4x128xf32, #tpu.memory_space<hbm>> -> memref<4x128xf32, #tpu.memory_space<hbm>>
      %dma_wait3A_855 = arith.constant 0 : i32
      %dma_wait3A_856 = tpu.memref_slice %arg10[%run_scoped3A, %mul3A_810, %dma_wait3A_855] : memref<3x128x128xf32, #tpu.memory_space<hbm>> -> memref<1x4x128xf32, #tpu.memory_space<hbm>>
      %dma_wait3A_857 = tpu.memref_squeeze %dma_wait3A_856 : memref<1x4x128xf32, #tpu.memory_space<hbm>> -> memref<4x128xf32, #tpu.memory_space<hbm>>
      tpu.wait_dma2 semaphore(%run_scoped3A_845 : memref<!tpu.dma_semaphore, #tpu.memory_space<semaphore_mem>>) src(%arg18 : memref<4x128xf32, #tpu.memory_space<vmem>>) dst(%dma_wait3A_857 : memref<4x128xf32, #tpu.memory_space<hbm>>)
      tpu.yield
    }) : () -> ()
    %scan3A_811 = arith.constant 0 : i32
    %scan3A_812 = arith.constant 0 : i32
    %scan3A_813 = arith.constant 4 : i32
    %scan3A_814 = arith.addi %scan3A_812, %scan3A_813 : i32
    %scan3A_815 = arith.constant 1 : i32
    %scan3A_816 = scf.for %scan3A_845 = %scan3A_812 to %scan3A_814 step %scan3A_815 iter_args(%scan3A_846 = %scan3A_811) -> (i32)  : i32 {
      %get3A = arith.index_cast %scan3A_845 : i32 to index
      %get3A_847 = arith.constant 0 : index
      %get3A_848 = tpu.vector_load %arg16[%get3A, %get3A_847] {strides = array<i32>} : memref<4x128xi32, #tpu.memory_space<vmem>>, vector<1x16xi32>,
      %get3A_849 = vector.shape_cast %get3A_848 : vector<1x16xi32> to vector<16xi32>
      %add3A_850 = arith.constant 65536 : i32
      %add3A_851 = vector.broadcast %add3A_850 : i32 to vector<16xi32>
      %add3A_852 = arith.addi %get3A_849, %add3A_851 : vector<16xi32>
      %swap3A = arith.index_cast %scan3A_845 : i32 to index
      %swap3A_853 = arith.constant 0 : index
      %swap3A_854 = tpu.vector_load %arg17[%swap3A, %swap3A_853] {strides = array<i32>} : memref<4x128xi32, #tpu.memory_space<vmem>>, vector<1x16xi32>,
      %swap3A_855 = vector.shape_cast %swap3A_854 : vector<1x16xi32> to vector<16xi32>
      %swap3A_856 = vector.shape_cast %add3A_852 : vector<16xi32> to vector<1x16xi32>
      tpu.vector_store %arg17[%swap3A, %swap3A_853], %swap3A_856 {strides = array<i32>} : memref<4x128xi32, #tpu.memory_space<vmem>>, vector<1x16xi32>,
      %get3A_857 = arith.index_cast %scan3A_845 : i32 to index
      %get3A_858 = arith.constant 16 : index
      %get3A_859 = tpu.vector_load %arg16[%get3A_857, %get3A_858] {strides = array<i32>} : memref<4x128xi32, #tpu.memory_space<vmem>>, vector<1x16xi32>,
      %get3A_860 = vector.shape_cast %get3A_859 : vector<1x16xi32> to vector<16xi32>
      %add3A_861 = arith.constant 65536 : i32
      %add3A_862 = vector.broadcast %add3A_861 : i32 to vector<16xi32>
      %add3A_863 = arith.addi %get3A_860, %add3A_862 : vector<16xi32>
      %swap3A_864 = arith.index_cast %scan3A_845 : i32 to index
      %swap3A_865 = arith.constant 16 : index
      %swap3A_866 = tpu.vector_load %arg17[%swap3A_864, %swap3A_865] {strides = array<i32>} : memref<4x128xi32, #tpu.memory_space<vmem>>, vector<1x16xi32>,
      %swap3A_867 = vector.shape_cast %swap3A_866 : vector<1x16xi32> to vector<16xi32>
      %swap3A_868 = vector.shape_cast %add3A_863 : vector<16xi32> to vector<1x16xi32>
      tpu.vector_store %arg17[%swap3A_864, %swap3A_865], %swap3A_868 {strides = array<i32>} : memref<4x128xi32, #tpu.memory_space<vmem>>, vector<1x16xi32>,
      %get3A_869 = arith.index_cast %scan3A_845 : i32 to index
      %get3A_870 = arith.constant 32 : index
      %get3A_871 = tpu.vector_load %arg16[%get3A_869, %get3A_870] {strides = array<i32>} : memref<4x128xi32, #tpu.memory_space<vmem>>, vector<1x16xi32>,
      %get3A_872 = vector.shape_cast %get3A_871 : vector<1x16xi32> to vector<16xi32>
      %add3A_873 = arith.constant 65536 : i32
      %add3A_874 = vector.broadcast %add3A_873 : i32 to vector<16xi32>
      %add3A_875 = arith.addi %get3A_872, %add3A_874 : vector<16xi32>
      %swap3A_876 = arith.index_cast %scan3A_845 : i32 to index
      %swap3A_877 = arith.constant 32 : index
      %swap3A_878 = tpu.vector_load %arg17[%swap3A_876, %swap3A_877] {strides = array<i32>} : memref<4x128xi32, #tpu.memory_space<vmem>>, vector<1x16xi32>,
      %swap3A_879 = vector.shape_cast %swap3A_878 : vector<1x16xi32> to vector<16xi32>
      %swap3A_880 = vector.shape_cast %add3A_875 : vector<16xi32> to vector<1x16xi32>
      tpu.vector_store %arg17[%swap3A_876, %swap3A_877], %swap3A_880 {strides = array<i32>} : memref<4x128xi32, #tpu.memory_space<vmem>>, vector<1x16xi32>,
      %get3A_881 = arith.index_cast %scan3A_845 : i32 to index
      %get3A_882 = arith.constant 48 : index
      %get3A_883 = tpu.vector_load %arg16[%get3A_881, %get3A_882] {strides = array<i32>} : memref<4x128xi32, #tpu.memory_space<vmem>>, vector<1x16xi32>,
      %get3A_884 = vector.shape_cast %get3A_883 : vector<1x16xi32> to vector<16xi32>
      %add3A_885 = arith.constant 65536 : i32
      %add3A_886 = vector.broadcast %add3A_885 : i32 to vector<16xi32>
      %add3A_887 = arith.addi %get3A_884, %add3A_886 : vector<16xi32>
      %swap3A_888 = arith.index_cast %scan3A_845 : i32 to index
      %swap3A_889 = arith.constant 48 : index
      %swap3A_890 = tpu.vector_load %arg17[%swap3A_888, %swap3A_889] {strides = array<i32>} : memref<4x128xi32, #tpu.memory_space<vmem>>, vector<1x16xi32>,
      %swap3A_891 = vector.shape_cast %swap3A_890 : vector<1x16xi32> to vector<16xi32>
      %swap3A_892 = vector.shape_cast %add3A_887 : vector<16xi32> to vector<1x16xi32>
      tpu.vector_store %arg17[%swap3A_888, %swap3A_889], %swap3A_892 {strides = array<i32>} : memref<4x128xi32, #tpu.memory_space<vmem>>, vector<1x16xi32>,
      %get3A_893 = arith.index_cast %scan3A_845 : i32 to index
      %get3A_894 = arith.constant 64 : index
      %get3A_895 = tpu.vector_load %arg16[%get3A_893, %get3A_894] {strides = array<i32>} : memref<4x128xi32, #tpu.memory_space<vmem>>, vector<1x16xi32>,
      %get3A_896 = vector.shape_cast %get3A_895 : vector<1x16xi32> to vector<16xi32>
      %add3A_897 = arith.constant 65536 : i32
      %add3A_898 = vector.broadcast %add3A_897 : i32 to vector<16xi32>
      %add3A_899 = arith.addi %get3A_896, %add3A_898 : vector<16xi32>
      %swap3A_900 = arith.index_cast %scan3A_845 : i32 to index
      %swap3A_901 = arith.constant 64 : index
      %swap3A_902 = tpu.vector_load %arg17[%swap3A_900, %swap3A_901] {strides = array<i32>} : memref<4x128xi32, #tpu.memory_space<vmem>>, vector<1x16xi32>,
      %swap3A_903 = vector.shape_cast %swap3A_902 : vector<1x16xi32> to vector<16xi32>
      %swap3A_904 = vector.shape_cast %add3A_899 : vector<16xi32> to vector<1x16xi32>
      tpu.vector_store %arg17[%swap3A_900, %swap3A_901], %swap3A_904 {strides = array<i32>} : memref<4x128xi32, #tpu.memory_space<vmem>>, vector<1x16xi32>,
      %get3A_905 = arith.index_cast %scan3A_845 : i32 to index
      %get3A_906 = arith.constant 80 : index
      %get3A_907 = tpu.vector_load %arg16[%get3A_905, %get3A_906] {strides = array<i32>} : memref<4x128xi32, #tpu.memory_space<vmem>>, vector<1x16xi32>,
      %get3A_908 = vector.shape_cast %get3A_907 : vector<1x16xi32> to vector<16xi32>
      %add3A_909 = arith.constant 65536 : i32
      %add3A_910 = vector.broadcast %add3A_909 : i32 to vector<16xi32>
      %add3A_911 = arith.addi %get3A_908, %add3A_910 : vector<16xi32>
      %swap3A_912 = arith.index_cast %scan3A_845 : i32 to index
      %swap3A_913 = arith.constant 80 : index
      %swap3A_914 = tpu.vector_load %arg17[%swap3A_912, %swap3A_913] {strides = array<i32>} : memref<4x128xi32, #tpu.memory_space<vmem>>, vector<1x16xi32>,
      %swap3A_915 = vector.shape_cast %swap3A_914 : vector<1x16xi32> to vector<16xi32>
      %swap3A_916 = vector.shape_cast %add3A_911 : vector<16xi32> to vector<1x16xi32>
      tpu.vector_store %arg17[%swap3A_912, %swap3A_913], %swap3A_916 {strides = array<i32>} : memref<4x128xi32, #tpu.memory_space<vmem>>, vector<1x16xi32>,
      %get3A_917 = arith.index_cast %scan3A_845 : i32 to index
      %get3A_918 = arith.constant 96 : index
      %get3A_919 = tpu.vector_load %arg16[%get3A_917, %get3A_918] {strides = array<i32>} : memref<4x128xi32, #tpu.memory_space<vmem>>, vector<1x16xi32>,
      %get3A_920 = vector.shape_cast %get3A_919 : vector<1x16xi32> to vector<16xi32>
      %add3A_921 = arith.constant 65536 : i32
      %add3A_922 = vector.broadcast %add3A_921 : i32 to vector<16xi32>
      %add3A_923 = arith.addi %get3A_920, %add3A_922 : vector<16xi32>
      %swap3A_924 = arith.index_cast %scan3A_845 : i32 to index
      %swap3A_925 = arith.constant 96 : index
      %swap3A_926 = tpu.vector_load %arg17[%swap3A_924, %swap3A_925] {strides = array<i32>} : memref<4x128xi32, #tpu.memory_space<vmem>>, vector<1x16xi32>,
      %swap3A_927 = vector.shape_cast %swap3A_926 : vector<1x16xi32> to vector<16xi32>
      %swap3A_928 = vector.shape_cast %add3A_923 : vector<16xi32> to vector<1x16xi32>
      tpu.vector_store %arg17[%swap3A_924, %swap3A_925], %swap3A_928 {strides = array<i32>} : memref<4x128xi32, #tpu.memory_space<vmem>>, vector<1x16xi32>,
      %get3A_929 = arith.index_cast %scan3A_845 : i32 to index
      %get3A_930 = arith.constant 112 : index
      %get3A_931 = tpu.vector_load %arg16[%get3A_929, %get3A_930] {strides = array<i32>} : memref<4x128xi32, #tpu.memory_space<vmem>>, vector<1x16xi32>,
      %get3A_932 = vector.shape_cast %get3A_931 : vector<1x16xi32> to vector<16xi32>
      %add3A_933 = arith.constant 65536 : i32
      %add3A_934 = vector.broadcast %add3A_933 : i32 to vector<16xi32>
      %add3A_935 = arith.addi %get3A_932, %add3A_934 : vector<16xi32>
      %swap3A_936 = arith.index_cast %scan3A_845 : i32 to index
      %swap3A_937 = arith.constant 112 : index
      %swap3A_938 = tpu.vector_load %arg17[%swap3A_936, %swap3A_937] {strides = array<i32>} : memref<4x128xi32, #tpu.memory_space<vmem>>, vector<1x16xi32>,
      %swap3A_939 = vector.shape_cast %swap3A_938 : vector<1x16xi32> to vector<16xi32>
      %swap3A_940 = vector.shape_cast %add3A_935 : vector<16xi32> to vector<1x16xi32>
      tpu.vector_store %arg17[%swap3A_936, %swap3A_937], %swap3A_940 {strides = array<i32>} : memref<4x128xi32, #tpu.memory_space<vmem>>, vector<1x16xi32>,
      %scan3A_941 = arith.constant 0 : i32
      scf.yield %scan3A_941 : i32
    }
    %scan3A_817 = arith.constant 4 : i32
    %scan3A_818 = arith.constant 0 : i32
    %scan3A_819 = arith.constant 0 : i32
    %scan3A_820 = arith.constant 4 : i32
    %scan3A_821 = arith.addi %scan3A_819, %scan3A_820 : i32
    %scan3A_822 = arith.constant 1 : i32
    %scan3A_823 = scf.for %scan3A_845 = %scan3A_819 to %scan3A_821 step %scan3A_822 iter_args(%scan3A_846 = %scan3A_818) -> (i32)  : i32 {
      %dma_start3A_847 = arith.constant 0 : i32
      %dma_start3A_848 = tpu.memref_slice %arg18[%scan3A_845, %dma_start3A_847] : memref<4x128xf32, #tpu.memory_space<vmem>> -> memref<1x128xf32, #tpu.memory_space<vmem>>
      %dma_start3A_849 = tpu.memref_squeeze %dma_start3A_848 : memref<1x128xf32, #tpu.memory_space<vmem>> -> memref<128xf32, #tpu.memory_space<vmem>>
      %dma_start3A_850 = arith.constant 0 : i32
      %dma_start3A_851 = tpu.memref_slice %arg17[%scan3A_845, %dma_start3A_850] : memref<4x128xi32, #tpu.memory_space<vmem>> -> memref<1x128xi32, #tpu.memory_space<vmem>>
      %dma_start3A_852 = tpu.memref_squeeze %dma_start3A_851 : memref<1x128xi32, #tpu.memory_space<vmem>> -> memref<128xi32, #tpu.memory_space<vmem>>
      %dma_start3A_853 = arith.constant 0 : i32
      %dma_start3A_854 = tpu.memref_slice %arg6[%dma_start3A_853] : memref<196608xf32, #tpu.memory_space<hbm>> -> memref<196608xf32, #tpu.memory_space<hbm>>
      tpu.enqueue_indirect_dma source(%dma_start3A_854 : memref<196608xf32, #tpu.memory_space<hbm>>) target(%dma_start3A_849 : memref<128xf32, #tpu.memory_space<vmem>>) offsets(%dma_start3A_852 : memref<128xi32, #tpu.memory_space<vmem>>) semaphore(%arg20 : memref<!tpu.dma_semaphore, #tpu.memory_space<semaphore_mem>>)
      %dma_wait3A_855 = arith.constant 0 : i32
      %dma_wait3A_856 = tpu.memref_slice %arg18[%scan3A_845, %dma_wait3A_855] : memref<4x128xf32, #tpu.memory_space<vmem>> -> memref<1x128xf32, #tpu.memory_space<vmem>>
      %dma_wait3A_857 = tpu.memref_squeeze %dma_wait3A_856 : memref<1x128xf32, #tpu.memory_space<vmem>> -> memref<128xf32, #tpu.memory_space<vmem>>
      %dma_wait3A_858 = arith.constant 0 : i32
      %dma_wait3A_859 = tpu.memref_slice %arg17[%scan3A_845, %dma_wait3A_858] : memref<4x128xi32, #tpu.memory_space<vmem>> -> memref<1x128xi32, #tpu.memory_space<vmem>>
      %dma_wait3A_860 = tpu.memref_squeeze %dma_wait3A_859 : memref<1x128xi32, #tpu.memory_space<vmem>> -> memref<128xi32, #tpu.memory_space<vmem>>
      %dma_wait3A_861 = arith.constant 0 : i32
      %dma_wait3A_862 = tpu.memref_slice %arg6[%dma_wait3A_861] : memref<196608xf32, #tpu.memory_space<hbm>> -> memref<196608xf32, #tpu.memory_space<hbm>>
      tpu.wait_indirect_dma semaphore(%arg20 : memref<!tpu.dma_semaphore, #tpu.memory_space<semaphore_mem>>) src(%dma_wait3A_862 : memref<196608xf32, #tpu.memory_space<hbm>>) dst(%dma_wait3A_857 : memref<128xf32, #tpu.memory_space<vmem>>)
      %scan3A_863 = arith.constant 0 : i32
      scf.yield %scan3A_863 : i32
    }
    %scan3A_824 = arith.constant 4 : i32
    %mul3A_825 = arith.constant 4 : i32
    %mul3A_826 = arith.muli %add3A, %mul3A_825 : i32
    %run_scoped3A_827 = arith.constant 1 : i32
    "tpu.region"() ({
      %run_scoped3A_845 = tpu.sem_alloc : memref<!tpu.dma_semaphore, #tpu.memory_space<semaphore_mem>>
      %dma_start3A_846 = arith.constant 0 : i32
      %dma_start3A_847 = tpu.memref_slice %arg10[%run_scoped3A_827, %mul3A_826, %dma_start3A_846] : memref<3x128x128xf32, #tpu.memory_space<hbm>> -> memref<1x4x128xf32, #tpu.memory_space<hbm>>
      %dma_start3A_848 = tpu.memref_squeeze %dma_start3A_847 : memref<1x4x128xf32, #tpu.memory_space<hbm>> -> memref<4x128xf32, #tpu.memory_space<hbm>>
      %dma_start3A_849 = arith.constant 0 : i32
      %dma_start3A_850 = tpu.memref_slice %arg10[%run_scoped3A_827, %mul3A_826, %dma_start3A_849] : memref<3x128x128xf32, #tpu.memory_space<hbm>> -> memref<1x4x128xf32, #tpu.memory_space<hbm>>
      %dma_start3A_851 = tpu.memref_squeeze %dma_start3A_850 : memref<1x4x128xf32, #tpu.memory_space<hbm>> -> memref<4x128xf32, #tpu.memory_space<hbm>>
      tpu.enqueue_dma source(%arg18 : memref<4x128xf32, #tpu.memory_space<vmem>>) target(%dma_start3A_851 : memref<4x128xf32, #tpu.memory_space<hbm>>) target_semaphore(%run_scoped3A_845 : memref<!tpu.dma_semaphore, #tpu.memory_space<semaphore_mem>>)
      %dma_wait3A_852 = arith.constant 0 : i32
      %dma_wait3A_853 = tpu.memref_slice %arg10[%run_scoped3A_827, %mul3A_826, %dma_wait3A_852] : memref<3x128x128xf32, #tpu.memory_space<hbm>> -> memref<1x4x128xf32, #tpu.memory_space<hbm>>
      %dma_wait3A_854 = tpu.memref_squeeze %dma_wait3A_853 : memref<1x4x128xf32, #tpu.memory_space<hbm>> -> memref<4x128xf32, #tpu.memory_space<hbm>>
      %dma_wait3A_855 = arith.constant 0 : i32
      %dma_wait3A_856 = tpu.memref_slice %arg10[%run_scoped3A_827, %mul3A_826, %dma_wait3A_855] : memref<3x128x128xf32, #tpu.memory_space<hbm>> -> memref<1x4x128xf32, #tpu.memory_space<hbm>>
      %dma_wait3A_857 = tpu.memref_squeeze %dma_wait3A_856 : memref<1x4x128xf32, #tpu.memory_space<hbm>> -> memref<4x128xf32, #tpu.memory_space<hbm>>
      tpu.wait_dma2 semaphore(%run_scoped3A_845 : memref<!tpu.dma_semaphore, #tpu.memory_space<semaphore_mem>>) src(%arg18 : memref<4x128xf32, #tpu.memory_space<vmem>>) dst(%dma_wait3A_857 : memref<4x128xf32, #tpu.memory_space<hbm>>)
      tpu.yield
    }) : () -> ()
    %scan3A_828 = arith.constant 0 : i32
    %scan3A_829 = arith.constant 0 : i32
    %scan3A_830 = arith.constant 4 : i32
    %scan3A_831 = arith.addi %scan3A_829, %scan3A_830 : i32
    %scan3A_832 = arith.constant 1 : i32
    %scan3A_833 = scf.for %scan3A_845 = %scan3A_829 to %scan3A_831 step %scan3A_832 iter_args(%scan3A_846 = %scan3A_828) -> (i32)  : i32 {
      %get3A = arith.index_cast %scan3A_845 : i32 to index
      %get3A_847 = arith.constant 0 : index
      %get3A_848 = tpu.vector_load %arg16[%get3A, %get3A_847] {strides = array<i32>} : memref<4x128xi32, #tpu.memory_space<vmem>>, vector<1x16xi32>,
      %get3A_849 = vector.shape_cast %get3A_848 : vector<1x16xi32> to vector<16xi32>
      %add3A_850 = arith.constant 131072 : i32
      %add3A_851 = vector.broadcast %add3A_850 : i32 to vector<16xi32>
      %add3A_852 = arith.addi %get3A_849, %add3A_851 : vector<16xi32>
      %swap3A = arith.index_cast %scan3A_845 : i32 to index
      %swap3A_853 = arith.constant 0 : index
      %swap3A_854 = tpu.vector_load %arg17[%swap3A, %swap3A_853] {strides = array<i32>} : memref<4x128xi32, #tpu.memory_space<vmem>>, vector<1x16xi32>,
      %swap3A_855 = vector.shape_cast %swap3A_854 : vector<1x16xi32> to vector<16xi32>
      %swap3A_856 = vector.shape_cast %add3A_852 : vector<16xi32> to vector<1x16xi32>
      tpu.vector_store %arg17[%swap3A, %swap3A_853], %swap3A_856 {strides = array<i32>} : memref<4x128xi32, #tpu.memory_space<vmem>>, vector<1x16xi32>,
      %get3A_857 = arith.index_cast %scan3A_845 : i32 to index
      %get3A_858 = arith.constant 16 : index
      %get3A_859 = tpu.vector_load %arg16[%get3A_857, %get3A_858] {strides = array<i32>} : memref<4x128xi32, #tpu.memory_space<vmem>>, vector<1x16xi32>,
      %get3A_860 = vector.shape_cast %get3A_859 : vector<1x16xi32> to vector<16xi32>
      %add3A_861 = arith.constant 131072 : i32
      %add3A_862 = vector.broadcast %add3A_861 : i32 to vector<16xi32>
      %add3A_863 = arith.addi %get3A_860, %add3A_862 : vector<16xi32>
      %swap3A_864 = arith.index_cast %scan3A_845 : i32 to index
      %swap3A_865 = arith.constant 16 : index
      %swap3A_866 = tpu.vector_load %arg17[%swap3A_864, %swap3A_865] {strides = array<i32>} : memref<4x128xi32, #tpu.memory_space<vmem>>, vector<1x16xi32>,
      %swap3A_867 = vector.shape_cast %swap3A_866 : vector<1x16xi32> to vector<16xi32>
      %swap3A_868 = vector.shape_cast %add3A_863 : vector<16xi32> to vector<1x16xi32>
      tpu.vector_store %arg17[%swap3A_864, %swap3A_865], %swap3A_868 {strides = array<i32>} : memref<4x128xi32, #tpu.memory_space<vmem>>, vector<1x16xi32>,
      %get3A_869 = arith.index_cast %scan3A_845 : i32 to index
      %get3A_870 = arith.constant 32 : index
      %get3A_871 = tpu.vector_load %arg16[%get3A_869, %get3A_870] {strides = array<i32>} : memref<4x128xi32, #tpu.memory_space<vmem>>, vector<1x16xi32>,
      %get3A_872 = vector.shape_cast %get3A_871 : vector<1x16xi32> to vector<16xi32>
      %add3A_873 = arith.constant 131072 : i32
      %add3A_874 = vector.broadcast %add3A_873 : i32 to vector<16xi32>
      %add3A_875 = arith.addi %get3A_872, %add3A_874 : vector<16xi32>
      %swap3A_876 = arith.index_cast %scan3A_845 : i32 to index
      %swap3A_877 = arith.constant 32 : index
      %swap3A_878 = tpu.vector_load %arg17[%swap3A_876, %swap3A_877] {strides = array<i32>} : memref<4x128xi32, #tpu.memory_space<vmem>>, vector<1x16xi32>,
      %swap3A_879 = vector.shape_cast %swap3A_878 : vector<1x16xi32> to vector<16xi32>
      %swap3A_880 = vector.shape_cast %add3A_875 : vector<16xi32> to vector<1x16xi32>
      tpu.vector_store %arg17[%swap3A_876, %swap3A_877], %swap3A_880 {strides = array<i32>} : memref<4x128xi32, #tpu.memory_space<vmem>>, vector<1x16xi32>,
      %get3A_881 = arith.index_cast %scan3A_845 : i32 to index
      %get3A_882 = arith.constant 48 : index
      %get3A_883 = tpu.vector_load %arg16[%get3A_881, %get3A_882] {strides = array<i32>} : memref<4x128xi32, #tpu.memory_space<vmem>>, vector<1x16xi32>,
      %get3A_884 = vector.shape_cast %get3A_883 : vector<1x16xi32> to vector<16xi32>
      %add3A_885 = arith.constant 131072 : i32
      %add3A_886 = vector.broadcast %add3A_885 : i32 to vector<16xi32>
      %add3A_887 = arith.addi %get3A_884, %add3A_886 : vector<16xi32>
      %swap3A_888 = arith.index_cast %scan3A_845 : i32 to index
      %swap3A_889 = arith.constant 48 : index
      %swap3A_890 = tpu.vector_load %arg17[%swap3A_888, %swap3A_889] {strides = array<i32>} : memref<4x128xi32, #tpu.memory_space<vmem>>, vector<1x16xi32>,
      %swap3A_891 = vector.shape_cast %swap3A_890 : vector<1x16xi32> to vector<16xi32>
      %swap3A_892 = vector.shape_cast %add3A_887 : vector<16xi32> to vector<1x16xi32>
      tpu.vector_store %arg17[%swap3A_888, %swap3A_889], %swap3A_892 {strides = array<i32>} : memref<4x128xi32, #tpu.memory_space<vmem>>, vector<1x16xi32>,
      %get3A_893 = arith.index_cast %scan3A_845 : i32 to index
      %get3A_894 = arith.constant 64 : index
      %get3A_895 = tpu.vector_load %arg16[%get3A_893, %get3A_894] {strides = array<i32>} : memref<4x128xi32, #tpu.memory_space<vmem>>, vector<1x16xi32>,
      %get3A_896 = vector.shape_cast %get3A_895 : vector<1x16xi32> to vector<16xi32>
      %add3A_897 = arith.constant 131072 : i32
      %add3A_898 = vector.broadcast %add3A_897 : i32 to vector<16xi32>
      %add3A_899 = arith.addi %get3A_896, %add3A_898 : vector<16xi32>
      %swap3A_900 = arith.index_cast %scan3A_845 : i32 to index
      %swap3A_901 = arith.constant 64 : index
      %swap3A_902 = tpu.vector_load %arg17[%swap3A_900, %swap3A_901] {strides = array<i32>} : memref<4x128xi32, #tpu.memory_space<vmem>>, vector<1x16xi32>,
      %swap3A_903 = vector.shape_cast %swap3A_902 : vector<1x16xi32> to vector<16xi32>
      %swap3A_904 = vector.shape_cast %add3A_899 : vector<16xi32> to vector<1x16xi32>
      tpu.vector_store %arg17[%swap3A_900, %swap3A_901], %swap3A_904 {strides = array<i32>} : memref<4x128xi32, #tpu.memory_space<vmem>>, vector<1x16xi32>,
      %get3A_905 = arith.index_cast %scan3A_845 : i32 to index
      %get3A_906 = arith.constant 80 : index
      %get3A_907 = tpu.vector_load %arg16[%get3A_905, %get3A_906] {strides = array<i32>} : memref<4x128xi32, #tpu.memory_space<vmem>>, vector<1x16xi32>,
      %get3A_908 = vector.shape_cast %get3A_907 : vector<1x16xi32> to vector<16xi32>
      %add3A_909 = arith.constant 131072 : i32
      %add3A_910 = vector.broadcast %add3A_909 : i32 to vector<16xi32>
      %add3A_911 = arith.addi %get3A_908, %add3A_910 : vector<16xi32>
      %swap3A_912 = arith.index_cast %scan3A_845 : i32 to index
      %swap3A_913 = arith.constant 80 : index
      %swap3A_914 = tpu.vector_load %arg17[%swap3A_912, %swap3A_913] {strides = array<i32>} : memref<4x128xi32, #tpu.memory_space<vmem>>, vector<1x16xi32>,
      %swap3A_915 = vector.shape_cast %swap3A_914 : vector<1x16xi32> to vector<16xi32>
      %swap3A_916 = vector.shape_cast %add3A_911 : vector<16xi32> to vector<1x16xi32>
      tpu.vector_store %arg17[%swap3A_912, %swap3A_913], %swap3A_916 {strides = array<i32>} : memref<4x128xi32, #tpu.memory_space<vmem>>, vector<1x16xi32>,
      %get3A_917 = arith.index_cast %scan3A_845 : i32 to index
      %get3A_918 = arith.constant 96 : index
      %get3A_919 = tpu.vector_load %arg16[%get3A_917, %get3A_918] {strides = array<i32>} : memref<4x128xi32, #tpu.memory_space<vmem>>, vector<1x16xi32>,
      %get3A_920 = vector.shape_cast %get3A_919 : vector<1x16xi32> to vector<16xi32>
      %add3A_921 = arith.constant 131072 : i32
      %add3A_922 = vector.broadcast %add3A_921 : i32 to vector<16xi32>
      %add3A_923 = arith.addi %get3A_920, %add3A_922 : vector<16xi32>
      %swap3A_924 = arith.index_cast %scan3A_845 : i32 to index
      %swap3A_925 = arith.constant 96 : index
      %swap3A_926 = tpu.vector_load %arg17[%swap3A_924, %swap3A_925] {strides = array<i32>} : memref<4x128xi32, #tpu.memory_space<vmem>>, vector<1x16xi32>,
      %swap3A_927 = vector.shape_cast %swap3A_926 : vector<1x16xi32> to vector<16xi32>
      %swap3A_928 = vector.shape_cast %add3A_923 : vector<16xi32> to vector<1x16xi32>
      tpu.vector_store %arg17[%swap3A_924, %swap3A_925], %swap3A_928 {strides = array<i32>} : memref<4x128xi32, #tpu.memory_space<vmem>>, vector<1x16xi32>,
      %get3A_929 = arith.index_cast %scan3A_845 : i32 to index
      %get3A_930 = arith.constant 112 : index
      %get3A_931 = tpu.vector_load %arg16[%get3A_929, %get3A_930] {strides = array<i32>} : memref<4x128xi32, #tpu.memory_space<vmem>>, vector<1x16xi32>,
      %get3A_932 = vector.shape_cast %get3A_931 : vector<1x16xi32> to vector<16xi32>
      %add3A_933 = arith.constant 131072 : i32
      %add3A_934 = vector.broadcast %add3A_933 : i32 to vector<16xi32>
      %add3A_935 = arith.addi %get3A_932, %add3A_934 : vector<16xi32>
      %swap3A_936 = arith.index_cast %scan3A_845 : i32 to index
      %swap3A_937 = arith.constant 112 : index
      %swap3A_938 = tpu.vector_load %arg17[%swap3A_936, %swap3A_937] {strides = array<i32>} : memref<4x128xi32, #tpu.memory_space<vmem>>, vector<1x16xi32>,
      %swap3A_939 = vector.shape_cast %swap3A_938 : vector<1x16xi32> to vector<16xi32>
      %swap3A_940 = vector.shape_cast %add3A_935 : vector<16xi32> to vector<1x16xi32>
      tpu.vector_store %arg17[%swap3A_936, %swap3A_937], %swap3A_940 {strides = array<i32>} : memref<4x128xi32, #tpu.memory_space<vmem>>, vector<1x16xi32>,
      %scan3A_941 = arith.constant 0 : i32
      scf.yield %scan3A_941 : i32
    }
    %scan3A_834 = arith.constant 4 : i32
    %scan3A_835 = arith.constant 0 : i32
    %scan3A_836 = arith.constant 0 : i32
    %scan3A_837 = arith.constant 4 : i32
    %scan3A_838 = arith.addi %scan3A_836, %scan3A_837 : i32
    %scan3A_839 = arith.constant 1 : i32
    %scan3A_840 = scf.for %scan3A_845 = %scan3A_836 to %scan3A_838 step %scan3A_839 iter_args(%scan3A_846 = %scan3A_835) -> (i32)  : i32 {
      %dma_start3A_847 = arith.constant 0 : i32
      %dma_start3A_848 = tpu.memref_slice %arg18[%scan3A_845, %dma_start3A_847] : memref<4x128xf32, #tpu.memory_space<vmem>> -> memref<1x128xf32, #tpu.memory_space<vmem>>
      %dma_start3A_849 = tpu.memref_squeeze %dma_start3A_848 : memref<1x128xf32, #tpu.memory_space<vmem>> -> memref<128xf32, #tpu.memory_space<vmem>>
      %dma_start3A_850 = arith.constant 0 : i32
      %dma_start3A_851 = tpu.memref_slice %arg17[%scan3A_845, %dma_start3A_850] : memref<4x128xi32, #tpu.memory_space<vmem>> -> memref<1x128xi32, #tpu.memory_space<vmem>>
      %dma_start3A_852 = tpu.memref_squeeze %dma_start3A_851 : memref<1x128xi32, #tpu.memory_space<vmem>> -> memref<128xi32, #tpu.memory_space<vmem>>
      %dma_start3A_853 = arith.constant 0 : i32
      %dma_start3A_854 = tpu.memref_slice %arg6[%dma_start3A_853] : memref<196608xf32, #tpu.memory_space<hbm>> -> memref<196608xf32, #tpu.memory_space<hbm>>
      tpu.enqueue_indirect_dma source(%dma_start3A_854 : memref<196608xf32, #tpu.memory_space<hbm>>) target(%dma_start3A_849 : memref<128xf32, #tpu.memory_space<vmem>>) offsets(%dma_start3A_852 : memref<128xi32, #tpu.memory_space<vmem>>) semaphore(%arg20 : memref<!tpu.dma_semaphore, #tpu.memory_space<semaphore_mem>>)
      %dma_wait3A_855 = arith.constant 0 : i32
      %dma_wait3A_856 = tpu.memref_slice %arg18[%scan3A_845, %dma_wait3A_855] : memref<4x128xf32, #tpu.memory_space<vmem>> -> memref<1x128xf32, #tpu.memory_space<vmem>>
      %dma_wait3A_857 = tpu.memref_squeeze %dma_wait3A_856 : memref<1x128xf32, #tpu.memory_space<vmem>> -> memref<128xf32, #tpu.memory_space<vmem>>
      %dma_wait3A_858 = arith.constant 0 : i32
      %dma_wait3A_859 = tpu.memref_slice %arg17[%scan3A_845, %dma_wait3A_858] : memref<4x128xi32, #tpu.memory_space<vmem>> -> memref<1x128xi32, #tpu.memory_space<vmem>>
      %dma_wait3A_860 = tpu.memref_squeeze %dma_wait3A_859 : memref<1x128xi32, #tpu.memory_space<vmem>> -> memref<128xi32, #tpu.memory_space<vmem>>
      %dma_wait3A_861 = arith.constant 0 : i32
      %dma_wait3A_862 = tpu.memref_slice %arg6[%dma_wait3A_861] : memref<196608xf32, #tpu.memory_space<hbm>> -> memref<196608xf32, #tpu.memory_space<hbm>>
      tpu.wait_indirect_dma semaphore(%arg20 : memref<!tpu.dma_semaphore, #tpu.memory_space<semaphore_mem>>) src(%dma_wait3A_862 : memref<196608xf32, #tpu.memory_space<hbm>>) dst(%dma_wait3A_857 : memref<128xf32, #tpu.memory_space<vmem>>)
      %scan3A_863 = arith.constant 0 : i32
      scf.yield %scan3A_863 : i32
    }
    %scan3A_841 = arith.constant 4 : i32
    %mul3A_842 = arith.constant 4 : i32
    %mul3A_843 = arith.muli %add3A, %mul3A_842 : i32
    %run_scoped3A_844 = arith.constant 2 : i32
    "tpu.region"() ({
      %run_scoped3A_845 = tpu.sem_alloc : memref<!tpu.dma_semaphore, #tpu.memory_space<semaphore_mem>>
      %dma_start3A_846 = arith.constant 0 : i32
      %dma_start3A_847 = tpu.memref_slice %arg10[%run_scoped3A_844, %mul3A_843, %dma_start3A_846] : memref<3x128x128xf32, #tpu.memory_space<hbm>> -> memref<1x4x128xf32, #tpu.memory_space<hbm>>
      %dma_start3A_848 = tpu.memref_squeeze %dma_start3A_847 : memref<1x4x128xf32, #tpu.memory_space<hbm>> -> memref<4x128xf32, #tpu.memory_space<hbm>>
      %dma_start3A_849 = arith.constant 0 : i32
      %dma_start3A_850 = tpu.memref_slice %arg10[%run_scoped3A_844, %mul3A_843, %dma_start3A_849] : memref<3x128x128xf32, #tpu.memory_space<hbm>> -> memref<1x4x128xf32, #tpu.memory_space<hbm>>
      %dma_start3A_851 = tpu.memref_squeeze %dma_start3A_850 : memref<1x4x128xf32, #tpu.memory_space<hbm>> -> memref<4x128xf32, #tpu.memory_space<hbm>>
      tpu.enqueue_dma source(%arg18 : memref<4x128xf32, #tpu.memory_space<vmem>>) target(%dma_start3A_851 : memref<4x128xf32, #tpu.memory_space<hbm>>) target_semaphore(%run_scoped3A_845 : memref<!tpu.dma_semaphore, #tpu.memory_space<semaphore_mem>>)
      %dma_wait3A_852 = arith.constant 0 : i32
      %dma_wait3A_853 = tpu.memref_slice %arg10[%run_scoped3A_844, %mul3A_843, %dma_wait3A_852] : memref<3x128x128xf32, #tpu.memory_space<hbm>> -> memref<1x4x128xf32, #tpu.memory_space<hbm>>
      %dma_wait3A_854 = tpu.memref_squeeze %dma_wait3A_853 : memref<1x4x128xf32, #tpu.memory_space<hbm>> -> memref<4x128xf32, #tpu.memory_space<hbm>>
      %dma_wait3A_855 = arith.constant 0 : i32
      %dma_wait3A_856 = tpu.memref_slice %arg10[%run_scoped3A_844, %mul3A_843, %dma_wait3A_855] : memref<3x128x128xf32, #tpu.memory_space<hbm>> -> memref<1x4x128xf32, #tpu.memory_space<hbm>>
      %dma_wait3A_857 = tpu.memref_squeeze %dma_wait3A_856 : memref<1x4x128xf32, #tpu.memory_space<hbm>> -> memref<4x128xf32, #tpu.memory_space<hbm>>
      tpu.wait_dma2 semaphore(%run_scoped3A_845 : memref<!tpu.dma_semaphore, #tpu.memory_space<semaphore_mem>>) src(%arg18 : memref<4x128xf32, #tpu.memory_space<vmem>>) dst(%dma_wait3A_857 : memref<4x128xf32, #tpu.memory_space<hbm>>)
      tpu.yield
    }) : () -> ()
    return
  }
}

module attributes {stable_mosaic.version = 14 : i64} {
  func.func @_idx_kernel(%arg0: i32, %arg1: memref<1024x128xf32, #tpu.memory_space<vmem>>, %arg2: memref<1024x128xf32, #tpu.memory_space<vmem>>, %arg3: memref<1024x128xi32, #tpu.memory_space<vmem>>, %arg4: memref<32x128xi32, #tpu.memory_space<vmem>>, %arg5: memref<1024x128xi32, #tpu.memory_space<vmem>>, %arg6: memref<1024x128xi32, #tpu.memory_space<vmem>>, %arg7: memref<32x128xi32, #tpu.memory_space<vmem>>) attributes {dimension_semantics = [#tpu.dimension_semantics<arbitrary>], iteration_bounds = array<i64: 4>, scalar_prefetch = 0 : i64, scratch_operands = 0 : i64, tpu.core_type = #tpu.core_type<tc>, window_params = [{transform_indices = @transform_0, window_bounds = array<i64: 1024, 128>}, {transform_indices = @transform_1, window_bounds = array<i64: 1024, 128>}, {transform_indices = @transform_2, window_bounds = array<i64: 1024, 128>}, {transform_indices = @transform_3, window_bounds = array<i64: 32, 128>}, {transform_indices = @transform_4, window_bounds = array<i64: 1024, 128>}, {transform_indices = @transform_5, window_bounds = array<i64: 1024, 128>}, {transform_indices = @transform_6, window_bounds = array<i64: 32, 128>}]} {
    %mul3A = arith.constant 1024 : i32
    %mul3A_0 = arith.muli %arg0, %mul3A : i32
    %mul3A_1 = arith.constant 128 : i32
    %mul3A_2 = arith.muli %mul3A_0, %mul3A_1 : i32
    %iota3A = tpu.iota {dimensions = array<i32: 0>} : vector<1024x128xi32>
    %mul3A_3 = arith.constant 128 : i32
    %mul3A_4 = vector.broadcast %mul3A_3 : i32 to vector<1024x128xi32>
    %mul3A_5 = arith.muli %iota3A, %mul3A_4 : vector<1024x128xi32>
    %add3A = vector.broadcast %mul3A_2 : i32 to vector<1024x128xi32>
    %add3A_6 = arith.addi %add3A, %mul3A_5 : vector<1024x128xi32>
    %iota3A_7 = tpu.iota {dimensions = array<i32: 1>} : vector<1024x128xi32>
    %add3A_8 = arith.addi %add3A_6, %iota3A_7 : vector<1024x128xi32>
    %get3A = arith.constant 0 : index
    %get3A_9 = arith.constant 0 : index
    %get3A_10 = vector.load %arg1[%get3A, %get3A_9] : memref<1024x128xf32, #tpu.memory_space<vmem>>, vector<1024x128xf32>
    %get3A_11 = arith.constant 0 : index
    %get3A_12 = arith.constant 0 : index
    %get3A_13 = vector.load %arg1[%get3A_11, %get3A_12] : memref<1024x128xf32, #tpu.memory_space<vmem>>, vector<1024x128xf32>
    %mul3A_14 = arith.mulf %get3A_10, %get3A_13 : vector<1024x128xf32>
    %get3A_15 = arith.constant 0 : index
    %get3A_16 = arith.constant 0 : index
    %get3A_17 = vector.load %arg2[%get3A_15, %get3A_16] : memref<1024x128xf32, #tpu.memory_space<vmem>>, vector<1024x128xf32>
    %get3A_18 = arith.constant 0 : index
    %get3A_19 = arith.constant 0 : index
    %get3A_20 = vector.load %arg2[%get3A_18, %get3A_19] : memref<1024x128xf32, #tpu.memory_space<vmem>>, vector<1024x128xf32>
    %mul3A_21 = arith.mulf %get3A_17, %get3A_20 : vector<1024x128xf32>
    %add3A_22 = arith.addf %mul3A_14, %mul3A_21 : vector<1024x128xf32>
    %sqrt3A = math.sqrt %add3A_22 : vector<1024x128xf32>
    %div3A = arith.constant 1.500000e+00 : f32
    %div3A_23 = vector.broadcast %div3A : f32 to vector<1024x128xf32>
    %div3A_24 = arith.divf %sqrt3A, %div3A_23 : vector<1024x128xf32>
    %min3A = arith.constant 9.900000e-01 : f32
    %min3A_25 = vector.broadcast %min3A : f32 to vector<1024x128xf32>
    %min3A_26 = arith.minimumf %div3A_24, %min3A_25 : vector<1024x128xf32>
    %mul3A_27 = arith.constant 5.000000e+00 : f32
    %mul3A_28 = vector.broadcast %mul3A_27 : f32 to vector<1024x128xf32>
    %mul3A_29 = arith.mulf %min3A_26, %mul3A_28 : vector<1024x128xf32>
    %floor3A = math.floor %mul3A_29 : vector<1024x128xf32>
    %convert_element_type3A = arith.fptosi %floor3A : vector<1024x128xf32> to vector<1024x128xi32>
    %shift_right_arithmetic3A = arith.constant 16 : i32
    %shift_right_arithmetic3A_30 = vector.broadcast %shift_right_arithmetic3A : i32 to vector<1024x128xi32>
    %shift_right_arithmetic3A_31 = arith.shrsi %add3A_8, %shift_right_arithmetic3A_30 : vector<1024x128xi32>
    %mul3A_32 = arith.constant 8192 : i32
    %mul3A_33 = vector.broadcast %mul3A_32 : i32 to vector<1024x128xi32>
    %mul3A_34 = arith.muli %shift_right_arithmetic3A_31, %mul3A_33 : vector<1024x128xi32>
    %get3A_35 = arith.constant 0 : index
    %get3A_36 = arith.constant 0 : index
    %get3A_37 = vector.load %arg3[%get3A_35, %get3A_36] : memref<1024x128xi32, #tpu.memory_space<vmem>>, vector<1024x128xi32>
    %add3A_38 = arith.addi %mul3A_34, %get3A_37 : vector<1024x128xi32>
    %swap3A = arith.constant 0 : index
    %swap3A_39 = arith.constant 0 : index
    %swap3A_40 = vector.load %arg5[%swap3A, %swap3A_39] : memref<1024x128xi32, #tpu.memory_space<vmem>>, vector<1024x128xi32>
    tpu.vector_store %arg5[%swap3A, %swap3A_39], %add3A_38 {strides = array<i32>} : memref<1024x128xi32, #tpu.memory_space<vmem>>, vector<1024x128xi32>,
    %shift_right_arithmetic3A_41 = arith.constant 5 : i32
    %shift_right_arithmetic3A_42 = vector.broadcast %shift_right_arithmetic3A_41 : i32 to vector<1024x128xi32>
    %shift_right_arithmetic3A_43 = arith.shrsi %add3A_8, %shift_right_arithmetic3A_42 : vector<1024x128xi32>
    %shift_right_arithmetic3A_44 = arith.constant 10 : i32
    %shift_right_arithmetic3A_45 = vector.broadcast %shift_right_arithmetic3A_44 : i32 to vector<1024x128xi32>
    %shift_right_arithmetic3A_46 = arith.shrsi %shift_right_arithmetic3A_43, %shift_right_arithmetic3A_45 : vector<1024x128xi32>
    %shift_right_arithmetic3A_47 = arith.constant 6 : i32
    %shift_right_arithmetic3A_48 = vector.broadcast %shift_right_arithmetic3A_47 : i32 to vector<1024x128xi32>
    %shift_right_arithmetic3A_49 = arith.shrsi %shift_right_arithmetic3A_43, %shift_right_arithmetic3A_48 : vector<1024x128xi32>
    %and3A = arith.constant 1 : i32
    %and3A_50 = vector.broadcast %and3A : i32 to vector<1024x128xi32>
    %and3A_51 = arith.andi %shift_right_arithmetic3A_49, %and3A_50 : vector<1024x128xi32>
    %and3A_52 = arith.constant 63 : i32
    %and3A_53 = vector.broadcast %and3A_52 : i32 to vector<1024x128xi32>
    %and3A_54 = arith.andi %shift_right_arithmetic3A_43, %and3A_53 : vector<1024x128xi32>
    %mul3A_55 = arith.constant 2 : i32
    %mul3A_56 = vector.broadcast %mul3A_55 : i32 to vector<1024x128xi32>
    %mul3A_57 = arith.muli %shift_right_arithmetic3A_46, %mul3A_56 : vector<1024x128xi32>
    %add3A_58 = arith.addi %mul3A_57, %and3A_51 : vector<1024x128xi32>
    %mul3A_59 = arith.constant 384 : i32
    %mul3A_60 = vector.broadcast %mul3A_59 : i32 to vector<1024x128xi32>
    %mul3A_61 = arith.muli %add3A_58, %mul3A_60 : vector<1024x128xi32>
    %shift_right_arithmetic3A_62 = arith.constant 1 : i32
    %shift_right_arithmetic3A_63 = vector.broadcast %shift_right_arithmetic3A_62 : i32 to vector<1024x128xi32>
    %shift_right_arithmetic3A_64 = arith.shrsi %convert_element_type3A, %shift_right_arithmetic3A_63 : vector<1024x128xi32>
    %mul3A_65 = arith.constant 128 : i32
    %mul3A_66 = vector.broadcast %mul3A_65 : i32 to vector<1024x128xi32>
    %mul3A_67 = arith.muli %shift_right_arithmetic3A_64, %mul3A_66 : vector<1024x128xi32>
    %add3A_68 = arith.addi %mul3A_61, %mul3A_67 : vector<1024x128xi32>
    %mul3A_69 = arith.constant 2 : i32
    %mul3A_70 = vector.broadcast %mul3A_69 : i32 to vector<1024x128xi32>
    %mul3A_71 = arith.muli %and3A_54, %mul3A_70 : vector<1024x128xi32>
    %add3A_72 = arith.addi %add3A_68, %mul3A_71 : vector<1024x128xi32>
    %and3A_73 = arith.constant 1 : i32
    %and3A_74 = vector.broadcast %and3A_73 : i32 to vector<1024x128xi32>
    %and3A_75 = arith.andi %convert_element_type3A, %and3A_74 : vector<1024x128xi32>
    %add3A_76 = arith.addi %add3A_72, %and3A_75 : vector<1024x128xi32>
    %swap3A_77 = arith.constant 0 : index
    %swap3A_78 = arith.constant 0 : index
    %swap3A_79 = vector.load %arg6[%swap3A_77, %swap3A_78] : memref<1024x128xi32, #tpu.memory_space<vmem>>, vector<1024x128xi32>
    tpu.vector_store %arg6[%swap3A_77, %swap3A_78], %add3A_76 {strides = array<i32>} : memref<1024x128xi32, #tpu.memory_space<vmem>>, vector<1024x128xi32>,
    %mul3A_80 = arith.constant 32 : i32
    %mul3A_81 = arith.muli %arg0, %mul3A_80 : i32
    %mul3A_82 = arith.constant 128 : i32
    %mul3A_83 = arith.muli %mul3A_81, %mul3A_82 : i32
    %iota3A_84 = tpu.iota {dimensions = array<i32: 0>} : vector<32x128xi32>
    %mul3A_85 = arith.constant 128 : i32
    %mul3A_86 = vector.broadcast %mul3A_85 : i32 to vector<32x128xi32>
    %mul3A_87 = arith.muli %iota3A_84, %mul3A_86 : vector<32x128xi32>
    %add3A_88 = vector.broadcast %mul3A_83 : i32 to vector<32x128xi32>
    %add3A_89 = arith.addi %add3A_88, %mul3A_87 : vector<32x128xi32>
    %iota3A_90 = tpu.iota {dimensions = array<i32: 1>} : vector<32x128xi32>
    %add3A_91 = arith.addi %add3A_89, %iota3A_90 : vector<32x128xi32>
    %shift_right_arithmetic3A_92 = arith.constant 11 : i32
    %shift_right_arithmetic3A_93 = vector.broadcast %shift_right_arithmetic3A_92 : i32 to vector<32x128xi32>
    %shift_right_arithmetic3A_94 = arith.shrsi %add3A_91, %shift_right_arithmetic3A_93 : vector<32x128xi32>
    %mul3A_95 = arith.constant 8192 : i32
    %mul3A_96 = vector.broadcast %mul3A_95 : i32 to vector<32x128xi32>
    %mul3A_97 = arith.muli %shift_right_arithmetic3A_94, %mul3A_96 : vector<32x128xi32>
    %get3A_98 = arith.constant 0 : index
    %get3A_99 = arith.constant 0 : index
    %get3A_100 = vector.load %arg4[%get3A_98, %get3A_99] : memref<32x128xi32, #tpu.memory_space<vmem>>, vector<32x128xi32>
    %add3A_101 = arith.addi %mul3A_97, %get3A_100 : vector<32x128xi32>
    %swap3A_102 = arith.constant 0 : index
    %swap3A_103 = arith.constant 0 : index
    %swap3A_104 = vector.load %arg7[%swap3A_102, %swap3A_103] : memref<32x128xi32, #tpu.memory_space<vmem>>, vector<32x128xi32>
    tpu.vector_store %arg7[%swap3A_102, %swap3A_103], %add3A_101 {strides = array<i32>} : memref<32x128xi32, #tpu.memory_space<vmem>>, vector<32x128xi32>,
    return
  }
  func.func @transform_0(%arg0: i32) -> (i32, i32) {
    %c0_i32 = arith.constant 0 : i32
    %c0_i32_0 = arith.constant 0 : i32
    return %arg0, %c0_i32 : i32, i32
  }
  func.func @transform_1(%arg0: i32) -> (i32, i32) {
    %c0_i32 = arith.constant 0 : i32
    %c0_i32_0 = arith.constant 0 : i32
    return %arg0, %c0_i32 : i32, i32
  }
  func.func @transform_2(%arg0: i32) -> (i32, i32) {
    %c0_i32 = arith.constant 0 : i32
    %c0_i32_0 = arith.constant 0 : i32
    return %arg0, %c0_i32 : i32, i32
  }
  func.func @transform_3(%arg0: i32) -> (i32, i32) {
    %c0_i32 = arith.constant 0 : i32
    %c0_i32_0 = arith.constant 0 : i32
    return %arg0, %c0_i32 : i32, i32
  }
  func.func @transform_4(%arg0: i32) -> (i32, i32) {
    %c0_i32 = arith.constant 0 : i32
    %c0_i32_0 = arith.constant 0 : i32
    return %arg0, %c0_i32 : i32, i32
  }
  func.func @transform_5(%arg0: i32) -> (i32, i32) {
    %c0_i32 = arith.constant 0 : i32
    %c0_i32_0 = arith.constant 0 : i32
    return %arg0, %c0_i32 : i32, i32
  }
  func.func @transform_6(%arg0: i32) -> (i32, i32) {
    %c0_i32 = arith.constant 0 : i32
    %c0_i32_0 = arith.constant 0 : i32
    return %arg0, %c0_i32 : i32, i32
  }
}

module attributes {stable_mosaic.version = 14 : i64} {
  func.func @_head_kernel(%arg0: memref<16384x128xf32, #tpu.memory_space<vmem>>, %arg1: memref<16384x128xf32, #tpu.memory_space<vmem>>, %arg2: memref<16384x128xf32, #tpu.memory_space<vmem>>, %arg3: memref<64x128xf32, #tpu.memory_space<vmem>>, %arg4: memref<64x128xf32, #tpu.memory_space<vmem>>, %arg5: memref<64x128xf32, #tpu.memory_space<vmem>>, %arg6: memref<1x64xf32, #tpu.memory_space<vmem>>, %arg7: memref<1x64xf32, #tpu.memory_space<vmem>>, %arg8: memref<1x64xf32, #tpu.memory_space<vmem>>, %arg9: memref<64x64xf32, #tpu.memory_space<vmem>>, %arg10: memref<1x64xf32, #tpu.memory_space<vmem>>, %arg11: memref<1x64xf32, #tpu.memory_space<vmem>>, %arg12: memref<1x64xf32, #tpu.memory_space<vmem>>, %arg13: memref<16384x64xf32, #tpu.memory_space<vmem>>) attributes {dimension_semantics = [], scalar_prefetch = 0 : i64, scratch_operands = 0 : i64, tpu.core_type = #tpu.core_type<tc>} {
    %get3A = arith.constant 0 : index
    %get3A_0 = arith.constant 0 : index
    %get3A_1 = vector.load %arg0[%get3A, %get3A_0] : memref<16384x128xf32, #tpu.memory_space<vmem>>, vector<16384x128xf32>
    %get3A_2 = arith.constant 0 : index
    %get3A_3 = arith.constant 0 : index
    %get3A_4 = vector.load %arg3[%get3A_2, %get3A_3] : memref<64x128xf32, #tpu.memory_space<vmem>>, vector<64x128xf32>
    %dot_general3A = arith.constant dense<0.000000e+00> : vector<16384x64xf32>
    %dot_general3A_5 = tpu.matmul %get3A_1, %get3A_4, %dot_general3A {dimension_numbers = #tpu.dot_dimension_numbers<[1], [1], [0], [0], [0, 0, 1, 0], [], []>, transpose_lhs_hint = false} : vector<16384x128xf32>, vector<64x128xf32>, vector<16384x64xf32> -> vector<16384x64xf32>
    %get3A_6 = arith.constant 0 : index
    %get3A_7 = arith.constant 0 : index
    %get3A_8 = vector.load %arg1[%get3A_6, %get3A_7] : memref<16384x128xf32, #tpu.memory_space<vmem>>, vector<16384x128xf32>
    %get3A_9 = arith.constant 0 : index
    %get3A_10 = arith.constant 0 : index
    %get3A_11 = vector.load %arg4[%get3A_9, %get3A_10] : memref<64x128xf32, #tpu.memory_space<vmem>>, vector<64x128xf32>
    %dot_general3A_12 = arith.constant dense<0.000000e+00> : vector<16384x64xf32>
    %dot_general3A_13 = tpu.matmul %get3A_8, %get3A_11, %dot_general3A_12 {dimension_numbers = #tpu.dot_dimension_numbers<[1], [1], [0], [0], [0, 0, 1, 0], [], []>, transpose_lhs_hint = false} : vector<16384x128xf32>, vector<64x128xf32>, vector<16384x64xf32> -> vector<16384x64xf32>
    %add3A = arith.addf %dot_general3A_5, %dot_general3A_13 : vector<16384x64xf32>
    %get3A_14 = arith.constant 0 : index
    %get3A_15 = arith.constant 0 : index
    %get3A_16 = vector.load %arg2[%get3A_14, %get3A_15] : memref<16384x128xf32, #tpu.memory_space<vmem>>, vector<16384x128xf32>
    %get3A_17 = arith.constant 0 : index
    %get3A_18 = arith.constant 0 : index
    %get3A_19 = vector.load %arg5[%get3A_17, %get3A_18] : memref<64x128xf32, #tpu.memory_space<vmem>>, vector<64x128xf32>
    %dot_general3A_20 = arith.constant dense<0.000000e+00> : vector<16384x64xf32>
    %dot_general3A_21 = tpu.matmul %get3A_16, %get3A_19, %dot_general3A_20 {dimension_numbers = #tpu.dot_dimension_numbers<[1], [1], [0], [0], [0, 0, 1, 0], [], []>, transpose_lhs_hint = false} : vector<16384x128xf32>, vector<64x128xf32>, vector<16384x64xf32> -> vector<16384x64xf32>
    %add3A_22 = arith.addf %add3A, %dot_general3A_21 : vector<16384x64xf32>
    %get3A_23 = arith.constant 0 : index
    %get3A_24 = arith.constant 0 : index
    %get3A_25 = vector.load %arg6[%get3A_23, %get3A_24] : memref<1x64xf32, #tpu.memory_space<vmem>>, vector<1x64xf32>
    %add3A_26 = vector.broadcast %get3A_25 : vector<1x64xf32> to vector<16384x64xf32>
    %add3A_27 = arith.addf %add3A_22, %add3A_26 : vector<16384x64xf32>
    %reduce_sum3A = arith.constant dense<0.000000e+00> : vector<64xf32>
    %reduce_sum3A_28 = vector.multi_reduction <add>, %add3A_27, %reduce_sum3A [0] : vector<16384x64xf32> to vector<64xf32>
    %broadcast_in_dim3A = vector.shape_cast %reduce_sum3A_28 : vector<64xf32> to vector<1x64xf32>
    %div3A = arith.constant 1.638400e+04 : f32
    %div3A_29 = vector.broadcast %div3A : f32 to vector<1x64xf32>
    %div3A_30 = arith.divf %broadcast_in_dim3A, %div3A_29 : vector<1x64xf32>
    %mul3A = arith.mulf %add3A_27, %add3A_27 : vector<16384x64xf32>
    %reduce_sum3A_31 = arith.constant dense<0.000000e+00> : vector<64xf32>
    %reduce_sum3A_32 = vector.multi_reduction <add>, %mul3A, %reduce_sum3A_31 [0] : vector<16384x64xf32> to vector<64xf32>
    %broadcast_in_dim3A_33 = vector.shape_cast %reduce_sum3A_32 : vector<64xf32> to vector<1x64xf32>
    %div3A_34 = arith.constant 1.638400e+04 : f32
    %div3A_35 = vector.broadcast %div3A_34 : f32 to vector<1x64xf32>
    %div3A_36 = arith.divf %broadcast_in_dim3A_33, %div3A_35 : vector<1x64xf32>
    %mul3A_37 = arith.mulf %div3A_30, %div3A_30 : vector<1x64xf32>
    %sub3A = arith.subf %div3A_36, %mul3A_37 : vector<1x64xf32>
    %sub3A_38 = vector.broadcast %div3A_30 : vector<1x64xf32> to vector<16384x64xf32>
    %sub3A_39 = arith.subf %add3A_27, %sub3A_38 : vector<16384x64xf32>
    %add3A_40 = arith.constant 9.99999974E-6 : f32
    %add3A_41 = vector.broadcast %add3A_40 : f32 to vector<1x64xf32>
    %add3A_42 = arith.addf %sub3A, %add3A_41 : vector<1x64xf32>
    %sqrt3A = math.sqrt %add3A_42 : vector<1x64xf32>
    %div3A_43 = vector.broadcast %sqrt3A : vector<1x64xf32> to vector<16384x64xf32>
    %div3A_44 = arith.divf %sub3A_39, %div3A_43 : vector<16384x64xf32>
    %get3A_45 = arith.constant 0 : index
    %get3A_46 = arith.constant 0 : index
    %get3A_47 = vector.load %arg7[%get3A_45, %get3A_46] : memref<1x64xf32, #tpu.memory_space<vmem>>, vector<1x64xf32>
    %mul3A_48 = vector.broadcast %get3A_47 : vector<1x64xf32> to vector<16384x64xf32>
    %mul3A_49 = arith.mulf %div3A_44, %mul3A_48 : vector<16384x64xf32>
    %get3A_50 = arith.constant 0 : index
    %get3A_51 = arith.constant 0 : index
    %get3A_52 = vector.load %arg8[%get3A_50, %get3A_51] : memref<1x64xf32, #tpu.memory_space<vmem>>, vector<1x64xf32>
    %add3A_53 = vector.broadcast %get3A_52 : vector<1x64xf32> to vector<16384x64xf32>
    %add3A_54 = arith.addf %mul3A_49, %add3A_53 : vector<16384x64xf32>
    %max3A = arith.constant 0.000000e+00 : f32
    %max3A_55 = vector.broadcast %max3A : f32 to vector<16384x64xf32>
    %max3A_56 = arith.maximumf %add3A_54, %max3A_55 : vector<16384x64xf32>
    %get3A_57 = arith.constant 0 : index
    %get3A_58 = arith.constant 0 : index
    %get3A_59 = vector.load %arg9[%get3A_57, %get3A_58] : memref<64x64xf32, #tpu.memory_space<vmem>>, vector<64x64xf32>
    %dot_general3A_60 = arith.constant dense<0.000000e+00> : vector<16384x64xf32>
    %dot_general3A_61 = tpu.matmul %max3A_56, %get3A_59, %dot_general3A_60 {dimension_numbers = #tpu.dot_dimension_numbers<[1], [1], [0], [0], [0, 0, 1, 0], [], []>, transpose_lhs_hint = false} : vector<16384x64xf32>, vector<64x64xf32>, vector<16384x64xf32> -> vector<16384x64xf32>
    %get3A_62 = arith.constant 0 : index
    %get3A_63 = arith.constant 0 : index
    %get3A_64 = vector.load %arg10[%get3A_62, %get3A_63] : memref<1x64xf32, #tpu.memory_space<vmem>>, vector<1x64xf32>
    %add3A_65 = vector.broadcast %get3A_64 : vector<1x64xf32> to vector<16384x64xf32>
    %add3A_66 = arith.addf %dot_general3A_61, %add3A_65 : vector<16384x64xf32>
    %reduce_sum3A_67 = arith.constant dense<0.000000e+00> : vector<64xf32>
    %reduce_sum3A_68 = vector.multi_reduction <add>, %add3A_66, %reduce_sum3A_67 [0] : vector<16384x64xf32> to vector<64xf32>
    %broadcast_in_dim3A_69 = vector.shape_cast %reduce_sum3A_68 : vector<64xf32> to vector<1x64xf32>
    %div3A_70 = arith.constant 1.638400e+04 : f32
    %div3A_71 = vector.broadcast %div3A_70 : f32 to vector<1x64xf32>
    %div3A_72 = arith.divf %broadcast_in_dim3A_69, %div3A_71 : vector<1x64xf32>
    %mul3A_73 = arith.mulf %add3A_66, %add3A_66 : vector<16384x64xf32>
    %reduce_sum3A_74 = arith.constant dense<0.000000e+00> : vector<64xf32>
    %reduce_sum3A_75 = vector.multi_reduction <add>, %mul3A_73, %reduce_sum3A_74 [0] : vector<16384x64xf32> to vector<64xf32>
    %broadcast_in_dim3A_76 = vector.shape_cast %reduce_sum3A_75 : vector<64xf32> to vector<1x64xf32>
    %div3A_77 = arith.constant 1.638400e+04 : f32
    %div3A_78 = vector.broadcast %div3A_77 : f32 to vector<1x64xf32>
    %div3A_79 = arith.divf %broadcast_in_dim3A_76, %div3A_78 : vector<1x64xf32>
    %mul3A_80 = arith.mulf %div3A_72, %div3A_72 : vector<1x64xf32>
    %sub3A_81 = arith.subf %div3A_79, %mul3A_80 : vector<1x64xf32>
    %sub3A_82 = vector.broadcast %div3A_72 : vector<1x64xf32> to vector<16384x64xf32>
    %sub3A_83 = arith.subf %add3A_66, %sub3A_82 : vector<16384x64xf32>
    %add3A_84 = arith.constant 9.99999974E-6 : f32
    %add3A_85 = vector.broadcast %add3A_84 : f32 to vector<1x64xf32>
    %add3A_86 = arith.addf %sub3A_81, %add3A_85 : vector<1x64xf32>
    %sqrt3A_87 = math.sqrt %add3A_86 : vector<1x64xf32>
    %div3A_88 = vector.broadcast %sqrt3A_87 : vector<1x64xf32> to vector<16384x64xf32>
    %div3A_89 = arith.divf %sub3A_83, %div3A_88 : vector<16384x64xf32>
    %get3A_90 = arith.constant 0 : index
    %get3A_91 = arith.constant 0 : index
    %get3A_92 = vector.load %arg11[%get3A_90, %get3A_91] : memref<1x64xf32, #tpu.memory_space<vmem>>, vector<1x64xf32>
    %mul3A_93 = vector.broadcast %get3A_92 : vector<1x64xf32> to vector<16384x64xf32>
    %mul3A_94 = arith.mulf %div3A_89, %mul3A_93 : vector<16384x64xf32>
    %get3A_95 = arith.constant 0 : index
    %get3A_96 = arith.constant 0 : index
    %get3A_97 = vector.load %arg12[%get3A_95, %get3A_96] : memref<1x64xf32, #tpu.memory_space<vmem>>, vector<1x64xf32>
    %add3A_98 = vector.broadcast %get3A_97 : vector<1x64xf32> to vector<16384x64xf32>
    %add3A_99 = arith.addf %mul3A_94, %add3A_98 : vector<16384x64xf32>
    %max3A_100 = arith.constant 0.000000e+00 : f32
    %max3A_101 = vector.broadcast %max3A_100 : f32 to vector<16384x64xf32>
    %max3A_102 = arith.maximumf %add3A_99, %max3A_101 : vector<16384x64xf32>
    %swap3A = arith.constant 0 : index
    %swap3A_103 = arith.constant 0 : index
    %swap3A_104 = vector.load %arg13[%swap3A, %swap3A_103] : memref<16384x64xf32, #tpu.memory_space<vmem>>, vector<16384x64xf32>
    tpu.vector_store %arg13[%swap3A, %swap3A_103], %max3A_102 {strides = array<i32>} : memref<16384x64xf32, #tpu.memory_space<vmem>>, vector<16384x64xf32>,
    return
  }
}

</mosaic_0001>

<sc_bundles>
// kernel: _run.5.cloned.1.call-start
scs
__scs_entry_jumppad:
0x0: {  	(pc) =	sbr.rel $0x88, $3  }
0x1: {  	(tag) =	ssettag $0x0;
	lr =	simm.s32 $0x1  }
0x2: {  	[smem:$0x3F94] =	sst lr;
	_ =	strace $0xD0000000  }
0x3: {  	_ = 	snop  }
0x4: {  	_ = 	snop  }
0x5: {  	_ = 	snop  }
0x6: {  	_ = 	snop  }
0x7: {  	_ = 	snop  }
__scs_overlays_trampoline_lowered:
0x8: {  	[smem:$0x3FA3] =	sst s0  }
0x9: {  	[smem:$0x3FA4] =	sst s1  }
0xa: {  	[smem:$0x3FA5] =	sst s2  }
0xb: {  	[smem:$0x3FA6] =	sst s3  }
0xc: {  	[smem:$0x3FA7] =	sst s4  }
0xd: {  	[smem:$0x3FA8] =	sst s5  }
0xe: {  	[smem:$0x3FA9] =	sst s6  }
0xf: {  	[smem:$0x3FAA] =	sst s7  }
0x10: {  	[smem:$0x3FAB] =	sst s8  }
0x11: {  	[smem:$0x3FAC] =	sst s9;
	s0 =	simm.s32 @!p0 $0x0  }
0x12: {  	s1 =	sld [smem:$0x3F92];
	s0 =	simm.s32 @p0 $0x1  }
0x13: {  	[smem:$0x3FAD] =	sst s0;
	s0 =	simm.s32 @!p1 $0x0  }
0x14: {  	s2 =	sld [smem:$0x3F91];
	s0 =	simm.s32 @p1 $0x1  }
0x15: {  	[smem:$0x3FAE] =	sst s0;
	s0 =	simm.s32 @!p2 $0x0  }
0x16: {  	s3 =	sld [smem:$0x3FDB];
	s0 =	simm.s32 @p2 $0x1  }
0x17: {  	s4 =	simm.s32 $0x1BF5;
	[smem:$0x3FB0] =	sst s0  }
0x18: {  	s0 =	sld [smem:$0x3F93];
	_ =	swait.ge [sflag:s4], $0x0  }
0x19: {  	s7 =	sld [smem:$0x3F94]  }
0x1a: {  	s8 =	sadd.s32 $0xFFFFE003, lr  }
0x1b: {  	s9 =	sadd.s32 $0xFFFFFEF7, lr;
	s5 =	simm.s32 $0xFFFFFFFF;
	p2 =	slt.u32 s8, $0xFFFFF086  }
0x1c: {  	p1 =	slt.u32 s9, $0xF7A;
	s5 =	simm.s32 @!p2 $0x0  }
0x1d: {  	s5 =	simm.s32 @p1 $0x1;
	p0 =	seq.s32 s7, s2  }
0x1e: {  	s7 =	smul.u32 @!p0 $0xF7A, s2;
	p2 =	seq.s32 @!p0 s5, $0x0  }
0x1f: {  	s9 =	smul.u32 $0xF7A, s1;
	s8 =	simm.s32 @!p0 $0x1BF5;
	p2 =	por !p2, p0  }
0x20: {  	[sflag:s8] =	ssyncset.s32 @!p0 $0xFFFFF086;
	s6 =	sadd.s32 @!p0 s3, s7;
	s7 =	simm.s32 @!p0 $0x108  }
0x21: {  	s3 =	sadd.s32 s3, s9;
	s6 =	sadd.s32 @!p0 $0x88, s6;
	s7 =	simm.s32 @p2 $0x1082  }
0x22: {  	[simem:s7], [sflag:s8] =	dma.local @!p0 [hbm:s6], $0xF7A  }
0x23: {  	s9 =	sor.u32 $0xD0000000, s2;
	s6 =	simm.s32 $0x108;
	_ =	swait.ge @!p0 [sflag:s8], $0x0  }
0x24: {  	s3 =	sadd.s32 $0x88, s3;
	s6 =	simm.s32 @!p1 $0x1082;
	[sflag:s4] =	ssyncset.s32 $0xFFFFF086  }
0x25: {  	[simem:s6], [sflag:s4] =	dma.local [hbm:s3], $0xF7A  }
0x26: {  	[smem:$0x3F94] =	sst s1;
	(tag) =	ssettag s2;
	_ =	strace s9  }
0x27: {  	s1 =	sld [smem:$0x3FA4]  }
0x28: {  	s2 =	sld [smem:$0x3FA5]  }
0x29: {  	s4 =	sld [smem:$0x3FA7]  }
0x2a: {  	p0 =	seq.s32 s5, $0x0;
	s5 =	sld [smem:$0x3FA8]  }
0x2b: {  	s6 =	sld [smem:$0x3FA9]  }
0x2c: {  	s7 =	sld [smem:$0x3FAA]  }
0x2d: {  	s3 =	simm.s32 $0x108;
	s8 =	sld [smem:$0x3FAB]  }
0x2e: {  	s3 =	simm.s32 @!p0 $0x1082;
	s9 =	sld [smem:$0x3FAC]  }
0x2f: {  	lr =	sadd.s32 s0, s3;
	s0 =	sld [smem:$0x3FA3]  }
0x30: {  	s3 =	sld [smem:$0x3FA6]  }
0x31: {  	[smem:$0x3FAF] =	sst s10  }
0x32: {  	s10 =	sld [smem:$0x3FAD];
	_ =	sdelay $0x3  }
0x33: {  	p0 =	seq.s32 s10, $0x1;
	s10 =	sld [smem:$0x3FAF];
	_ =	sdelay $0x3  }
0x34: {  	[smem:$0x3FAF] =	sst s10  }
0x35: {  	s10 =	sld [smem:$0x3FAE];
	_ =	sdelay $0x3  }
0x36: {  	p1 =	seq.s32 s10, $0x1;
	s10 =	sld [smem:$0x3FAF];
	_ =	sdelay $0x3  }
0x37: {  	[smem:$0x3FAF] =	sst s10  }
0x38: {  	s10 =	sld [smem:$0x3FB0]  }
0x39: {  	_ = 	snop;
	(pc) =	sbr.ind lr, $3  }
0x3a: {  	_ = 	snop  }
0x3b: {  	_ = 	snop  }
0x3c: {  	p2 =	seq.s32 s10, $0x1;
	s10 =	sld [smem:$0x3FAF]  }
0x3d: {  	_ =	shalt  }
0x3e: {  	_ =	shalt  }
0x3f: {  	_ =	shalt  }
0x40: {  	_ =	shalt  }
0x41: {  	_ =	shalt  }
0x42: {  	_ =	shalt  }
0x43: {  	_ =	shalt  }
0x44: {  	_ =	shalt  }
0x45: {  	_ =	shalt  }
0x46: {  	_ =	shalt  }
0x47: {  	_ =	shalt  }
0x48: {  	_ =	shalt  }
0x49: {  	_ =	shalt  }
0x4a: {  	_ =	shalt  }
0x4b: {  	_ =	shalt  }
0x4c: {  	_ =	shalt  }
0x4d: {  	_ =	shalt  }
0x4e: {  	_ =	shalt  }
0x4f: {  	_ =	shalt  }
0x50: {  	_ =	shalt  }
0x51: {  	_ =	shalt  }
0x52: {  	_ =	shalt  }
0x53: {  	_ =	shalt  }
0x54: {  	_ =	shalt  }
0x55: {  	_ =	shalt  }
0x56: {  	_ =	shalt  }
0x57: {  	_ =	shalt  }
0x58: {  	_ =	shalt  }
0x59: {  	_ =	shalt  }
0x5a: {  	_ =	shalt  }
0x5b: {  	_ =	shalt  }
0x5c: {  	_ =	shalt  }
0x5d: {  	_ =	shalt  }
0x5e: {  	_ =	shalt  }
0x5f: {  	_ =	shalt  }
0x60: {  	_ =	shalt  }
0x61: {  	_ =	shalt  }
0x62: {  	_ =	shalt  }
0x63: {  	_ =	shalt  }
0x64: {  	_ =	shalt  }
0x65: {  	_ =	shalt  }
0x66: {  	_ =	shalt  }
0x67: {  	_ =	shalt  }
0x68: {  	_ =	shalt  }
0x69: {  	_ =	shalt  }
0x6a: {  	_ =	shalt  }
0x6b: {  	_ =	shalt  }
0x6c: {  	_ =	shalt  }
0x6d: {  	_ =	shalt  }
0x6e: {  	_ =	shalt  }
0x6f: {  	_ =	shalt  }
0x70: {  	_ =	shalt  }
0x71: {  	_ =	shalt  }
0x72: {  	_ =	shalt  }
0x73: {  	_ =	shalt  }
0x74: {  	_ =	shalt  }
0x75: {  	_ =	shalt  }
0x76: {  	_ =	shalt  }
0x77: {  	_ =	shalt  }
0x78: {  	_ =	shalt  }
0x79: {  	_ =	shalt  }
0x7a: {  	_ =	shalt  }
0x7b: {  	_ =	shalt  }
0x7c: {  	_ =	shalt  }
0x7d: {  	_ =	shalt  }
0x7e: {  	_ =	shalt  }
0x7f: {  	_ =	shalt  }
0x80: {  	_ =	shalt  }
0x81: {  	_ =	shalt  }
0x82: {  	_ =	shalt  }
0x83: {  	_ =	shalt  }
0x84: {  	_ =	shalt  }
0x85: {  	_ =	shalt  }
0x86: {  	_ =	shalt  }
0x87: {  	_ =	shalt  }
.Lfunc_end0:
.L_simem_size_0:
called_computation_lowered:
.L_overlay_start_0:
0x88: {  	s2 =	sld [smem:$0x3FD9]  }
0x89: {  	s3 =	sld [smem:$0x3FFE];
	_ =	sdelay $0x1  }
0x8a: {  	s1 =	srdreg.scid  }
0x8b: {  	s0 =	sand.u32 $0x1, s1  }
0x8c: {  	s14 =	sshll.u32 s0, $0xA;
	s2 =	sadd.s32 s3, s2  }
0x8d: {  	s2 =	sadd.s32 s2, s14  }
0x8e: {  	[smem:$0x3FBB] =	sst s2  }
0x8f: {  	_ = 	snop  }
0x90: {  	s2 =	sld [smem:$0x3FD0];
	_ =	sdelay $0x2  }
0x91: {  	s15 =	simm.s32 $0xA;
	s4 =	simm.s32 $0x10  }
0x92: {  	[smem:s4], [sflag:s15] =	dma.local [hbm:s2], $0x1  }
0x93: {  	_ =	swait.eq [sflag:s15], $0x1  }
0x94: {  	[sflag:s15] =	ssyncset.done $0x0  }
0x95: {  	s16 =	sld [smem:$0x10];
	[sflag:s15] =	ssyncadd.s32 $0xFFFFFFFF  }
0x96: {  	s17 =	sld [smem:$0x11];
	(tm) =	ssettm $0x1  }
0x97: {  	s18 =	sld [smem:$0x3FFB];
	_ =	sdelay $0x3  }
0x98: {  	_ =	strace s18  }
0x99: {  	s4 =	sld [smem:$0x3FFC];
	_ =	sdelay $0x3  }
0x9a: {  	_ =	strace s4  }
0x9b: {  	s4 =	sld [smem:$0x3FFD];
	_ =	sdelay $0x3  }
0x9c: {  	_ =	strace s4  }
0x9d: {  	_ =	strace $0x8FFFFFFF  }
0x9e: {  	s19 =	sld [smem:$0x3FDB];
	_ =	sdelay $0x1  }
0x9f: {  	s5 =	simm.s32 $_scs_section_size  }
0xa0: {  	s6 =	simm.s32 $_size__tile_overlayer_lowered;
	s7 =	simm.s32 $_tile_overlayer_lowered  }
0xa1: {  	s22 =	simm.s32 $0x1BFF;
	s21 =	sshll.u32 s7, $0x1;
	s4 =	sadd.s32 s5, s19  }
0xa2: {  	s8 =	simm.s32 $0x0;
	s20 =	sshll.u32 s6, $0x1;
	s6 =	sadd.s32 s21, s4  }
0xa3: {  	[timem:s8], [sflag:s22] =	dma.local [hbm:s6], s20  }
0xa4: {  	_ =	swait.ge [sflag:s22], s20  }
0xa5: {  	s5 =	ssub.s32 $0x0, s20;
	[sflag:s22] =	ssyncset.done $0x0  }
0xa6: {  	[sflag:s22] =	ssyncadd.s32 s5;
	_ =	sdelay $0x1  }
0xa7: {  	s23 =	simm.s32 $0x1B8B  }
0xa8: {  	_ =	swait.ge [sflag:s23], $0x1  }
0xa9: {  	[sflag:s23] =	ssyncset.done $0x0  }
0xaa: {  	s25 =	simm.s32 $0x1B8E;
	s24 =	sld [smem:$0x3FFE];
	[sflag:s23] =	ssyncadd.s32 $0xFFFFFFFF  }
0xab: {  	s26 =	simm.s32 $execute0_lowered;
	[smem:$0x3FD2] =	sst s25  }
0xac: {  	s6 =	sshll.u32 s26, $0x1;
	_ =	strace $0x80000046;
	[dreg:$0x1] =	wrdreg $0xFFFFFFFF  }
0xad: {  	s28 =	simm.s32 $_size_execute0_lowered;
	s4 =	sadd.s32 s4, s6;
	[dreg:$0x0] =	wrdreg $0x0  }
0xae: {  	s6 =	sshll.u32 s28, $0x1;
	[dreg:$0x2] =	wrdreg s4  }
0xaf: {  	[dreg:$0x3] =	wrdreg s6  }
0xb0: {  	[dreg:$0x4] =	wrdreg $0xC0  }
0xb1: {  	_ =	task [dreg:s8], $0x5FFFF  }
0xb2: {  	[dreg:$0x1] =	wrdreg $0xFFFFFFFF  }
0xb3: {  	[dreg:$0x0] =	wrdreg $0x60  }
0xb4: {  	[dreg:$0x2] =	wrdreg s24  }
0xb5: {  	[dreg:$0x3] =	wrdreg s17  }
0xb6: {  	[dreg:$0x4] =	wrdreg s16  }
0xb7: {  	[dreg:$0x5] =	wrdreg $0xA6000  }
0xb8: {  	[dreg:$0x6] =	wrdreg $0x9  }
0xb9: {  	_ =	task.clear_ibuf [dreg:s8], $0x7FFFF;
	_ =	strace $0x90000046  }
0xba: {  	s29 =	simm.s32 $0x9;
	_ =	strace $0x80000048  }
0xbb: {  	_ =	swait.ge [sflag:s29], $0x1  }
0xbc: {  	[sflag:s29] =	ssyncadd.s32 $0xFFFFFFFF  }
0xbd: {  	_ =	strace $0x90000048  }
0xbe: {  	_ =	sfence  }
0xbf: {  	s30 =	sld [smem:$0x0];
	_ =	sdelay $0x2  }
0xc0: {  	s31 =	sshll.u32 s1, $0xD;
	s1 =	sshrl.u32 s1, $0x2  }
0xc1: {  	s3 =	sand.u32 $0x4000, s31;
	s1 =	sadd.s32 s1, s30  }
0xc2: {  	s0 =	sor.u32 s3, s0;
	s1 =	sshll.u32 s1, $0x11  }
0xc3: {  	s0 =	sor.u32 s1, s0  }
0xc4: {  	s0 =	sadd.s32 $0x8F2B, s0  }
0xc5: {  	[sflag:s0] =	ssyncadd.remote.s32 $0x1  }
0xc6: {  	_ =	sfence.sel $0xFFFF  }
0xc7: {  	[dreg:$0x0] =	wrdreg $0xFFFFFFFF;
	(pc) =	sbr.abs _section_cstart, $3  }
0xc8: {  	[dreg:$0x1] =	wrdreg $0xFFFFFFFF  }
0xc9: {  	_ =	task.clear_ibuf [dreg:s8], $0x2FFFF;
	_ =	strace $0x9FFFFFFF  }
0xca: {  	(tm) =	ssettm $0x7FFFFFFF  }
0xcb: {  	_ =	shalt  }
tec
execute0_lowered:
.L_overlay_start_1:
0x0: {  	(tag) =	ssettag $0x1  }
0x1: {  	s1 =	srdreg.scid;
	s14 =	stileid.u32  }
0x2: {  	s1 =	sand.u32 $0x1, s1;
	s2 =	sshll.u32 s14, $0x1  }
0x3: {  	s0 =	rddreg [dreg:$0x0];
	s2 =	sor.u32 s1, s2;
	s1 =	ssub.s32 $0x2, s1  }
0x4: {  	s3 =	rddreg [dreg:$0x1];
	s4 =	sadd.s32 $0x9400, s0;
	s5 =	sshrl.u32 s1, $0x1  }
0x5: {  	s6 =	sshll.u32 s2, $0x3;
	s21 =	sshll.u32 s2, $0xB;
	s1 =	ssub.s32 s1, s5  }
0x6: {  	s7 =	sor.u32 $0x1, s6;
	s8 =	sadd.s32 s3, s21;
	s9 =	sor.u32 $0x2, s6  }
0x7: {  	s5 =	sadd.s32 s4, s21;
	[dreg:$0x5] =	wrdreg s8;
	s22 =	sshll.u32 s7, $0x8  }
0x8: {  	s10 =	sor.u32 $0x4, s6;
	[dreg:$0x6] =	wrdreg s5;
	s23 =	sadd.s32 s3, s22  }
0x9: {  	s24 =	sshll.u32 s9, $0x8;
	s8 =	sadd.s32 s4, s22;
	[dreg:$0x7] =	wrdreg s23  }
0xa: {  	s12 =	sor.u32 $0x5, s6;
	s25 =	sadd.s32 s3, s24;
	[dreg:$0x8] =	wrdreg s8  }
0xb: {  	s28 =	sshll.u32 s10, $0x8;
	s5 =	sadd.s32 s4, s24;
	[dreg:$0x9] =	wrdreg s25  }
0xc: {  	s13 =	sshll.u32 s12, $0x8;
	s31 =	sadd.s32 s3, s28;
	[dreg:$0xa] =	wrdreg s5  }
0xd: {  	s15 =	sadd.s32 s3, s13;
	s8 =	sor.u32 $0x3, s6;
	[dreg:$0xd] =	wrdreg s31  }
0xe: {  	s24 =	simm.s32 $0x0;
	[dreg:$0xf] =	wrdreg s15;
	s26 =	sshll.u32 s8, $0x8  }
0xf: {  	s21 =	sshll.u32 s7, $0xA;
	[smem:$0x7FF] =	sst s24;
	s11 =	sadd.s32 s3, s26  }
0x10: {  	s22 =	sshll.u32 s9, $0xA;
	s5 =	sadd.s32 s4, s26;
	[dreg:$0xb] =	wrdreg s11  }
0x11: {  	s6 =	sor.u32 $0x6, s6;
	[dreg:$0xc] =	wrdreg s5;
	s11 =	sadd.s32 s4, s28  }
0x12: {  	s16 =	sshll.u32 s6, $0x8;
	s5 =	sadd.s32 s4, s13;
	[dreg:$0xe] =	wrdreg s11  }
0x13: {  	s13 =	sadd.s32 s3, s16;
	[dreg:$0x10] =	wrdreg s5;
	s11 =	sshllo.u32 s2, $0x3  }
0x14: {  	[dreg:$0x11] =	wrdreg s13;
	s5 =	sadd.s32 s4, s16;
	s13 =	sadd.s32 $0x9AC00, s0  }
0x15: {  	[dreg:$0x12] =	wrdreg s5;
	s17 =	sshll.u32 s11, $0x8;
	s7 =	sadd.s32 s13, s22  }
0x16: {  	s19 =	sshll.u32 s2, $0xD;
	s3 =	sadd.s32 s3, s17;
	[dreg:$0x1d] =	wrdreg s7  }
0x17: {  	s5 =	sadd.s32 $0x5AC00, s0;
	s18 =	sadd.s32 s4, s17;
	[dreg:$0x13] =	wrdreg s3  }
0x18: {  	s20 =	sadd.s32 s5, s19;
	[dreg:$0x14] =	wrdreg s18  }
0x19: {  	s4 =	sadd.s32 s13, s19;
	[dreg:$0x16] =	wrdreg s20  }
0x1a: {  	s25 =	sadd.s32 s5, s21;
	[dreg:$0x17] =	wrdreg s4  }
0x1b: {  	s31 =	sadd.s32 s5, s22;
	[dreg:$0x19] =	wrdreg s25  }
0x1c: {  	s3 =	sadd.s32 $0x1AC00, s0;
	s4 =	sadd.s32 s13, s21;
	[dreg:$0x1c] =	wrdreg s31  }
0x1d: {  	s15 =	sadd.s32 s3, s19;
	[dreg:$0x1a] =	wrdreg s4  }
0x1e: {  	s23 =	sadd.s32 s3, s21;
	[dreg:$0x15] =	wrdreg s15  }
0x1f: {  	s26 =	sshll.u32 s8, $0xA;
	s28 =	sadd.s32 s3, s22;
	[dreg:$0x18] =	wrdreg s23  }
0x20: {  	s9 =	sadd.s32 s3, s26;
	[dreg:$0x1b] =	wrdreg s28  }
0x21: {  	s16 =	sshll.u32 s10, $0xA;
	s4 =	sadd.s32 s13, s26;
	[dreg:$0x1e] =	wrdreg s9  }
0x22: {  	s18 =	sadd.s32 s3, s16;
	[smem:$0x7DF] =	sst s4  }
0x23: {  	s17 =	sshll.u32 s12, $0xA;
	s19 =	sadd.s32 s5, s16;
	[smem:$0x7E0] =	sst s18  }
0x24: {  	s20 =	sadd.s32 s3, s17;
	[smem:$0x7E1] =	sst s19  }
0x25: {  	s21 =	sadd.s32 s5, s17;
	[smem:$0x7E3] =	sst s20  }
0x26: {  	s22 =	sadd.s32 s13, s17;
	[smem:$0x7E4] =	sst s21  }
0x27: {  	[smem:$0x7E5] =	sst s22  }
0x28: {  	s25 =	sshll.u32 s11, $0xA;
	s15 =	sadd.s32 s5, s26;
	s26 =	rddreg [dreg:$0x2]  }
0x29: {  	s10 =	sadd.s32 s13, s25;
	s9 =	rddreg [dreg:$0x3]  }
0x2a: {  	[smem:$0x7EB] =	sst s10  }
0x2b: {  	s4 =	sadd.s32 s13, s16;
	s23 =	sshll.u32 s6, $0xA;
	[dreg:$0x1f] =	wrdreg s15  }
0x2c: {  	[smem:$0x7E2] =	sst s4;
	s28 =	sadd.s32 s3, s23  }
0x2d: {  	s31 =	sadd.s32 s5, s23;
	[smem:$0x7E6] =	sst s28  }
0x2e: {  	s4 =	sadd.s32 s13, s23;
	[smem:$0x7E7] =	sst s31  }
0x2f: {  	s2 =	sshll.u32 s2, $0x6;
	s3 =	sadd.s32 s3, s25;
	[smem:$0x7E8] =	sst s4  }
0x30: {  	s5 =	sadd.s32 s5, s25;
	s11 =	sadd.s32 s26, s2;
	[smem:$0x7E9] =	sst s3  }
0x31: {  	s2 =	sadd.s32 s2, s0;
	s13 =	sadd.s32 $0x103400, s0;
	[smem:$0x7EA] =	sst s5  }
0x32: {  	s0 =	sadd.s32 $0x3400, s0;
	_ =	strace $0x80000047;
	[smem:$0x7EC] =	sst s11  }
0x33: {  	s12 =	sadd.s32 $0x19400, s2;
	[smem:$0x7ED] =	sst s0  }
0x34: {  	s8 =	smul.u32 $0x30000, s14;
	s14 =	sadd.s32 $0x19C00, s2;
	[smem:$0x7EE] =	sst s12  }
0x35: {  	s15 =	sadd.s32 $0x1A400, s2;
	[smem:$0x7EF] =	sst s14  }
0x36: {  	s16 =	smax.u32 s1, $0x1;
	s3 =	sshrl.u32 s8, $0x2;
	[smem:$0x7F0] =	sst s15  }
0x37: {  	s3 =	sadd.s32 s3, s9;
	[smem:$0x7F1] =	sst s16  }
0x38: {  	s17 =	sadd.s32 $0x2000, s3;
	[smem:$0x7FC] =	sst s3  }
0x39: {  	s29 =	simm.s32 $0x3;
	s18 =	sadd.s32 $0x4000, s3;
	[smem:$0x7F2] =	sst s17  }
0x3a: {  	s30 =	simm.s32 $0x4;
	s19 =	sadd.s32 $0x6000, s3;
	[smem:$0x7F3] =	sst s18  }
0x3b: {  	s7 =	simm.s32 $0x1;
	s20 =	sadd.s32 $0x8000, s3;
	[smem:$0x7F4] =	sst s19  }
0x3c: {  	s1 =	simm.s32 $0x9000;
	s21 =	sadd.s32 $0xA000, s3;
	[smem:$0x7F5] =	sst s20  }
0x3d: {  	s6 =	simm.s32 $0x3000;
	s22 =	sadd.s32 $0x1000, s3;
	[smem:$0x7F6] =	sst s21  }
0x3e: {  	s10 =	simm.s32 $0x5000;
	s23 =	sadd.s32 $0x3000, s3;
	[smem:$0x7F7] =	sst s22  }
0x3f: {  	s2 =	simm.s32 $0x5;
	s25 =	sadd.s32 $0x5000, s3;
	[smem:$0x7F8] =	sst s23  }
0x40: {  	s4 =	simm.s32 $0x80;
	s26 =	sadd.s32 $0x7000, s3;
	[smem:$0x7F9] =	sst s25  }
0x41: {  	s5 =	simm.s32 $0x1000;
	s28 =	sadd.s32 $0x9000, s3;
	[smem:$0x7FA] =	sst s26  }
0x42: {  	s12 =	simm.s32 $0x7000;
	s31 =	sadd.s32 $0xB000, s3;
	[smem:$0x7FB] =	sst s28  }
0x43: {  	v0 =	vimm.f32 $0.0e+00;
	s3 =	simm.s32 $0x0;
	[smem:$0x7FD] =	sst s31;
	s18 =	simm.s32 $0x2  }
.LBB2_1:
0x44: {  	[smem:$0x7DE] =	sst s3;
	s8 =	simm.s32 $0x100;
	s0 =	simm.s32 $0x0  }
.LBB2_2:
0x45: {  	p0 =	sne.s32 s8, $0x3F00;
	[tilespmem:s0+$0x9030] =	vst v0;
	s11 =	smov.u32 s8;
	s8 =	sadd.s32 $0x100, s8  }
.Ltmp0:
0x46: {  	[tilespmem:s0+$0x9020] =	vst v0;
	(pc) =	sbr.rel @p0 .LBB2_2-.Ltmp0, $3  }
0x47: {  	[tilespmem:s0+$0x9000] =	vst v0  }
0x48: {  	[tilespmem:s0+$0x9010] =	vst v0;
	_ =	sdelay $0x1  }
0x49: {  	s0 =	sshra.s32 s11, $0x2  }
0x4a: {  	[tilespmem:s0+$0x9030] =	vst v0  }
0x4b: {  	[tilespmem:s0+$0x9020] =	vst v0;
	s23 =	sld [smem:$0x7FC]  }
0x4c: {  	[tilespmem:s0+$0x9000] =	vst v0  }
0x4d: {  	[tilespmem:s0+$0x9010] =	vst v0  }
0x4e: {  	[spmem:s23] =	stream.linear.scatter [tilespmem:s1], [sflag:$0x5], $0x1000, $0x38;
	[tilespmem:$0x16600] =	vst v63  }
0x4f: {  	_ =	swait.ge [sflag:s2], $0x1000  }
0x50: {  	s28 =	sld [smem:$0x7F7]  }
0x51: {  	[sflag:s2] =	ssyncset.done $0x0  }
0x52: {  	[sflag:s2] =	ssyncadd.s32 $0xFFFFF000  }
0x53: {  	[spmem:s28] =	stream.linear.scatter [tilespmem:s1], [sflag:$0x5], $0x1000, $0x38;
	[tilespmem:$0x16600] =	vst v63  }
0x54: {  	_ =	swait.ge [sflag:s2], $0x1000  }
0x55: {  	s22 =	sld [smem:$0x7F2]  }
0x56: {  	[sflag:s2] =	ssyncset.done $0x0  }
0x57: {  	[sflag:s2] =	ssyncadd.s32 $0xFFFFF000  }
0x58: {  	[spmem:s22] =	stream.linear.scatter [tilespmem:s1], [sflag:$0x5], $0x1000, $0x38;
	[tilespmem:$0x16600] =	vst v63  }
0x59: {  	_ =	swait.ge [sflag:s2], $0x1000  }
0x5a: {  	s31 =	sld [smem:$0x7F8]  }
0x5b: {  	[sflag:s2] =	ssyncset.done $0x0  }
0x5c: {  	[sflag:s2] =	ssyncadd.s32 $0xFFFFF000  }
0x5d: {  	[spmem:s31] =	stream.linear.scatter [tilespmem:s1], [sflag:$0x5], $0x1000, $0x38;
	[tilespmem:$0x16600] =	vst v63  }
0x5e: {  	_ =	swait.ge [sflag:s2], $0x1000  }
0x5f: {  	s17 =	sld [smem:$0x7F3]  }
0x60: {  	[sflag:s2] =	ssyncset.done $0x0  }
0x61: {  	[sflag:s2] =	ssyncadd.s32 $0xFFFFF000  }
0x62: {  	[spmem:s17] =	stream.linear.scatter [tilespmem:s1], [sflag:$0x5], $0x1000, $0x38;
	[tilespmem:$0x16600] =	vst v63  }
0x63: {  	_ =	swait.ge [sflag:s2], $0x1000  }
0x64: {  	s3 =	sld [smem:$0x7F9]  }
0x65: {  	[sflag:s2] =	ssyncset.done $0x0  }
0x66: {  	[sflag:s2] =	ssyncadd.s32 $0xFFFFF000  }
0x67: {  	[spmem:s3] =	stream.linear.scatter [tilespmem:s1], [sflag:$0x5], $0x1000, $0x38;
	[tilespmem:$0x16600] =	vst v63  }
0x68: {  	_ =	swait.ge [sflag:s2], $0x1000  }
0x69: {  	s14 =	sld [smem:$0x7F4]  }
0x6a: {  	[sflag:s2] =	ssyncset.done $0x0  }
0x6b: {  	[sflag:s2] =	ssyncadd.s32 $0xFFFFF000  }
0x6c: {  	[spmem:s14] =	stream.linear.scatter [tilespmem:s1], [sflag:$0x5], $0x1000, $0x38;
	[tilespmem:$0x16600] =	vst v63  }
0x6d: {  	_ =	swait.ge [sflag:s2], $0x1000  }
0x6e: {  	s8 =	sld [smem:$0x7FA]  }
0x6f: {  	[sflag:s2] =	ssyncset.done $0x0  }
0x70: {  	[sflag:s2] =	ssyncadd.s32 $0xFFFFF000  }
0x71: {  	[spmem:s8] =	stream.linear.scatter [tilespmem:s1], [sflag:$0x5], $0x1000, $0x38;
	[tilespmem:$0x16600] =	vst v63  }
0x72: {  	_ =	swait.ge [sflag:s2], $0x1000  }
0x73: {  	s15 =	sld [smem:$0x7F5]  }
0x74: {  	[sflag:s2] =	ssyncset.done $0x0  }
0x75: {  	[sflag:s2] =	ssyncadd.s32 $0xFFFFF000  }
0x76: {  	[spmem:s15] =	stream.linear.scatter [tilespmem:s1], [sflag:$0x5], $0x1000, $0x38;
	[tilespmem:$0x16600] =	vst v63  }
0x77: {  	_ =	swait.ge [sflag:s2], $0x1000  }
0x78: {  	s11 =	sld [smem:$0x7FB]  }
0x79: {  	[sflag:s2] =	ssyncset.done $0x0  }
0x7a: {  	[sflag:s2] =	ssyncadd.s32 $0xFFFFF000  }
0x7b: {  	[spmem:s11] =	stream.linear.scatter [tilespmem:s1], [sflag:$0x5], $0x1000, $0x38;
	[tilespmem:$0x16600] =	vst v63  }
0x7c: {  	_ =	swait.ge [sflag:s2], $0x1000  }
0x7d: {  	s20 =	sld [smem:$0x7F6]  }
0x7e: {  	[sflag:s2] =	ssyncset.done $0x0  }
0x7f: {  	[sflag:s2] =	ssyncadd.s32 $0xFFFFF000  }
0x80: {  	[spmem:s20] =	stream.linear.scatter [tilespmem:s1], [sflag:$0x5], $0x1000, $0x38;
	[tilespmem:$0x16600] =	vst v63  }
0x81: {  	_ =	swait.ge [sflag:s2], $0x1000  }
0x82: {  	s16 =	sld [smem:$0x7FD]  }
0x83: {  	[sflag:s2] =	ssyncset.done $0x0  }
0x84: {  	[sflag:s2] =	ssyncadd.s32 $0xFFFFF000  }
0x85: {  	[spmem:s16] =	stream.linear.scatter [tilespmem:s1], [sflag:$0x5], $0x1000, $0x38;
	[tilespmem:$0x16600] =	vst v63  }
0x86: {  	_ =	swait.ge [sflag:s2], $0x1000  }
0x87: {  	[sflag:s2] =	ssyncset.done $0x0  }
0x88: {  	s19 =	rddreg [dreg:$0x5];
	[sflag:s2] =	ssyncadd.s32 $0xFFFFF000  }
0x89: {  	[tilespmem:s24], [sflag:$0x5] =	stream.linear.gather [hbm4b:s19+s24], $0x800, $0x38;
	[tilespmem:$0x16600] =	vst v63  }
0x8a: {  	_ =	swait.ge [sflag:s2], $0x800  }
0x8b: {  	[sflag:s2] =	ssyncset.done $0x0  }
0x8c: {  	s3 =	simm.s32 $0x800;
	s21 =	rddreg [dreg:$0x6];
	[sflag:s2] =	ssyncadd.s32 $0xFFFFF800  }
0x8d: {  	[tilespmem:s3], [sflag:$0x5] =	stream.linear.gather [hbm4b:s21+s24], $0x800, $0x38;
	[tilespmem:$0x16600] =	vst v63  }
0x8e: {  	_ =	swait.ge [sflag:s2], $0x800  }
0x8f: {  	[sflag:s2] =	ssyncset.done $0x0  }
0x90: {  	[sflag:s2] =	ssyncadd.s32 $0xFFFFF800  }
0x91: {  	[tilespmem:s5], [sflag:$0x1] =	stream.indirect.gather [hbm4b:s13+s4], $0x40, s24, s4, $0xb8;
	[tilespmem:$0x16600] =	vst v63  }
0x92: {  	_ = 	snop  }
0x93: {  	[tilespmem:s6], [sflag:$0x1] =	stream.indirect.gather [hbm4b:s13+s4], $0x40, s4, s4, $0xb8;
	[tilespmem:$0x16600] =	vst v63  }
0x94: {  	_ =	swait.ge [sflag:s7], $0x4000  }
0x95: {  	[sflag:s7] =	ssyncset.done $0x0  }
0x96: {  	s26 =	simm.s32 $0x100;
	[sflag:s7] =	ssyncadd.s32 $0xFFFFC000  }
0x97: {  	[tilespmem:s10], [sflag:$0x2] =	stream.indirect.gather [hbm4b:s13+s4], $0x40, s26, s4, $0xb8;
	[tilespmem:$0x16600] =	vst v63  }
0x98: {  	s28 =	simm.s32 $0x180  }
0x99: {  	[tilespmem:s12], [sflag:$0x2] =	stream.indirect.gather [hbm4b:s13+s4], $0x40, s28, s4, $0xb8;
	[tilespmem:$0x16600] =	vst v63  }
0x9a: {  	s25 =	simm.s32 $0x800  }
0x9b: {  	[spmem:s9] =	stream.indirect.scatter.add.f32 [tilespmem:s5], [sflag:$0x5], $0x40, s25, s4, $0xb8;
	[tilespmem:$0x16600] =	vst v63  }
0x9c: {  	_ =	swait.ge [sflag:s2], $0x2000  }
0x9d: {  	[sflag:s2] =	ssyncset.done $0x0  }
0x9e: {  	s31 =	simm.s32 $0x880;
	[sflag:s2] =	ssyncadd.s32 $0xFFFFE000  }
0x9f: {  	[spmem:s9] =	stream.indirect.scatter.add.f32 [tilespmem:s6], [sflag:$0x5], $0x40, s31, s4, $0xb8;
	[tilespmem:$0x16600] =	vst v63  }
0xa0: {  	_ =	swait.ge [sflag:s2], $0x2000  }
0xa1: {  	[sflag:s2] =	ssyncset.done $0x0  }
0xa2: {  	[sflag:s2] =	ssyncadd.s32 $0xFFFFE000  }
0xa3: {  	_ =	swait.ge [sflag:s18], $0x4000  }
0xa4: {  	[sflag:s18] =	ssyncset.done $0x0  }
0xa5: {  	s3 =	simm.s32 $0x200;
	[sflag:s18] =	ssyncadd.s32 $0xFFFFC000  }
0xa6: {  	[tilespmem:s5], [sflag:$0x1] =	stream.indirect.gather [hbm4b:s13+s4], $0x40, s3, s4, $0xb8;
	[tilespmem:$0x16600] =	vst v63  }
0xa7: {  	s8 =	simm.s32 $0x280  }
0xa8: {  	[tilespmem:s6], [sflag:$0x1] =	stream.indirect.gather [hbm4b:s13+s4], $0x40, s8, s4, $0xb8;
	[tilespmem:$0x16600] =	vst v63  }
0xa9: {  	s11 =	simm.s32 $0x900  }
0xaa: {  	[spmem:s9] =	stream.indirect.scatter.add.f32 [tilespmem:s10], [sflag:$0x5], $0x40, s11, s4, $0xb8;
	[tilespmem:$0x16600] =	vst v63  }
0xab: {  	_ =	swait.ge [sflag:s2], $0x2000  }
0xac: {  	[sflag:s2] =	ssyncset.done $0x0  }
0xad: {  	s16 =	simm.s32 $0x980;
	[sflag:s2] =	ssyncadd.s32 $0xFFFFE000  }
0xae: {  	[spmem:s9] =	stream.indirect.scatter.add.f32 [tilespmem:s12], [sflag:$0x5], $0x40, s16, s4, $0xb8;
	[tilespmem:$0x16600] =	vst v63  }
0xaf: {  	_ =	swait.ge [sflag:s2], $0x2000  }
0xb0: {  	[sflag:s2] =	ssyncset.done $0x0  }
0xb1: {  	[sflag:s2] =	ssyncadd.s32 $0xFFFFE000  }
0xb2: {  	_ =	swait.ge [sflag:s7], $0x4000  }
0xb3: {  	[sflag:s7] =	ssyncset.done $0x0  }
0xb4: {  	s19 =	simm.s32 $0x300;
	[sflag:s7] =	ssyncadd.s32 $0xFFFFC000  }
0xb5: {  	[tilespmem:s10], [sflag:$0x2] =	stream.indirect.gather [hbm4b:s13+s4], $0x40, s19, s4, $0xb8;
	[tilespmem:$0x16600] =	vst v63  }
0xb6: {  	s21 =	simm.s32 $0x380  }
0xb7: {  	[tilespmem:s12], [sflag:$0x2] =	stream.indirect.gather [hbm4b:s13+s4], $0x40, s21, s4, $0xb8;
	[tilespmem:$0x16600] =	vst v63  }
0xb8: {  	s25 =	simm.s32 $0xA00  }
0xb9: {  	[spmem:s9] =	stream.indirect.scatter.add.f32 [tilespmem:s5], [sflag:$0x5], $0x40, s25, s4, $0xb8;
	[tilespmem:$0x16600] =	vst v63  }
0xba: {  	_ =	swait.ge [sflag:s2], $0x2000  }
0xbb: {  	[sflag:s2] =	ssyncset.done $0x0  }
0xbc: {  	s26 =	simm.s32 $0xA80;
	[sflag:s2] =	ssyncadd.s32 $0xFFFFE000  }
0xbd: {  	[spmem:s9] =	stream.indirect.scatter.add.f32 [tilespmem:s6], [sflag:$0x5], $0x40, s26, s4, $0xb8;
	[tilespmem:$0x16600] =	vst v63  }
0xbe: {  	_ =	swait.ge [sflag:s2], $0x2000  }
0xbf: {  	[sflag:s2] =	ssyncset.done $0x0  }
0xc0: {  	[sflag:s2] =	ssyncadd.s32 $0xFFFFE000  }
0xc1: {  	_ =	swait.ge [sflag:s18], $0x4000  }
0xc2: {  	[sflag:s18] =	ssyncset.done $0x0  }
0xc3: {  	s28 =	simm.s32 $0x400;
	[sflag:s18] =	ssyncadd.s32 $0xFFFFC000  }
0xc4: {  	[tilespmem:s5], [sflag:$0x1] =	stream.indirect.gather [hbm4b:s13+s4], $0x40, s28, s4, $0xb8;
	[tilespmem:$0x16600] =	vst v63  }
0xc5: {  	s3 =	simm.s32 $0x480  }
0xc6: {  	[tilespmem:s6], [sflag:$0x1] =	stream.indirect.gather [hbm4b:s13+s4], $0x40, s3, s4, $0xb8;
	[tilespmem:$0x16600] =	vst v63  }
0xc7: {  	s8 =	simm.s32 $0xB00  }
0xc8: {  	[spmem:s9] =	stream.indirect.scatter.add.f32 [tilespmem:s10], [sflag:$0x5], $0x40, s8, s4, $0xb8;
	[tilespmem:$0x16600] =	vst v63  }
0xc9: {  	_ =	swait.ge [sflag:s2], $0x2000  }
0xca: {  	[sflag:s2] =	ssyncset.done $0x0  }
0xcb: {  	s11 =	simm.s32 $0xB80;
	[sflag:s2] =	ssyncadd.s32 $0xFFFFE000  }
0xcc: {  	[spmem:s9] =	stream.indirect.scatter.add.f32 [tilespmem:s12], [sflag:$0x5], $0x40, s11, s4, $0xb8;
	[tilespmem:$0x16600] =	vst v63  }
0xcd: {  	_ =	swait.ge [sflag:s2], $0x2000  }
0xce: {  	[sflag:s2] =	ssyncset.done $0x0  }
0xcf: {  	[sflag:s2] =	ssyncadd.s32 $0xFFFFE000  }
0xd0: {  	_ =	swait.ge [sflag:s7], $0x4000  }
0xd1: {  	[sflag:s7] =	ssyncset.done $0x0  }
0xd2: {  	s16 =	simm.s32 $0x500;
	[sflag:s7] =	ssyncadd.s32 $0xFFFFC000  }
0xd3: {  	[tilespmem:s10], [sflag:$0x2] =	stream.indirect.gather [hbm4b:s13+s4], $0x40, s16, s4, $0xb8;
	[tilespmem:$0x16600] =	vst v63  }
0xd4: {  	s19 =	simm.s32 $0x580  }
0xd5: {  	[tilespmem:s12], [sflag:$0x2] =	stream.indirect.gather [hbm4b:s13+s4], $0x40, s19, s4, $0xb8;
	[tilespmem:$0x16600] =	vst v63  }
0xd6: {  	s21 =	simm.s32 $0xC00  }
0xd7: {  	[spmem:s9] =	stream.indirect.scatter.add.f32 [tilespmem:s5], [sflag:$0x5], $0x40, s21, s4, $0xb8;
	[tilespmem:$0x16600] =	vst v63  }
0xd8: {  	_ =	swait.ge [sflag:s2], $0x2000  }
0xd9: {  	[sflag:s2] =	ssyncset.done $0x0  }
0xda: {  	s25 =	simm.s32 $0xC80;
	[sflag:s2] =	ssyncadd.s32 $0xFFFFE000  }
0xdb: {  	[spmem:s9] =	stream.indirect.scatter.add.f32 [tilespmem:s6], [sflag:$0x5], $0x40, s25, s4, $0xb8;
	[tilespmem:$0x16600] =	vst v63  }
0xdc: {  	_ =	swait.ge [sflag:s2], $0x2000  }
0xdd: {  	[sflag:s2] =	ssyncset.done $0x0  }
0xde: {  	[sflag:s2] =	ssyncadd.s32 $0xFFFFE000  }
0xdf: {  	_ =	swait.ge [sflag:s18], $0x4000  }
0xe0: {  	[sflag:s18] =	ssyncset.done $0x0  }
0xe1: {  	s26 =	simm.s32 $0x600;
	[sflag:s18] =	ssyncadd.s32 $0xFFFFC000  }
0xe2: {  	[tilespmem:s5], [sflag:$0x1] =	stream.indirect.gather [hbm4b:s13+s4], $0x40, s26, s4, $0xb8;
	[tilespmem:$0x16600] =	vst v63  }
0xe3: {  	s28 =	simm.s32 $0x680  }
0xe4: {  	[tilespmem:s6], [sflag:$0x1] =	stream.indirect.gather [hbm4b:s13+s4], $0x40, s28, s4, $0xb8;
	[tilespmem:$0x16600] =	vst v63  }
0xe5: {  	s3 =	simm.s32 $0xD00  }
0xe6: {  	[spmem:s9] =	stream.indirect.scatter.add.f32 [tilespmem:s10], [sflag:$0x5], $0x40, s3, s4, $0xb8;
	[tilespmem:$0x16600] =	vst v63  }
0xe7: {  	_ =	swait.ge [sflag:s2], $0x2000  }
0xe8: {  	[sflag:s2] =	ssyncset.done $0x0  }
0xe9: {  	s8 =	simm.s32 $0xD80;
	[sflag:s2] =	ssyncadd.s32 $0xFFFFE000  }
0xea: {  	[spmem:s9] =	stream.indirect.scatter.add.f32 [tilespmem:s12], [sflag:$0x5], $0x40, s8, s4, $0xb8;
	[tilespmem:$0x16600] =	vst v63  }
0xeb: {  	_ =	swait.ge [sflag:s2], $0x2000  }
0xec: {  	[sflag:s2] =	ssyncset.done $0x0  }
0xed: {  	[sflag:s2] =	ssyncadd.s32 $0xFFFFE000  }
0xee: {  	_ =	swait.ge [sflag:s7], $0x4000  }
0xef: {  	[sflag:s7] =	ssyncset.done $0x0  }
0xf0: {  	s11 =	simm.s32 $0x700;
	[sflag:s7] =	ssyncadd.s32 $0xFFFFC000  }
0xf1: {  	[tilespmem:s10], [sflag:$0x2] =	stream.indirect.gather [hbm4b:s13+s4], $0x40, s11, s4, $0xb8;
	[tilespmem:$0x16600] =	vst v63  }
0xf2: {  	s19 =	simm.s32 $0x780  }
0xf3: {  	[tilespmem:s12], [sflag:$0x2] =	stream.indirect.gather [hbm4b:s13+s4], $0x40, s19, s4, $0xb8;
	[tilespmem:$0x16600] =	vst v63  }
0xf4: {  	s25 =	simm.s32 $0xE00  }
0xf5: {  	[spmem:s9] =	stream.indirect.scatter.add.f32 [tilespmem:s5], [sflag:$0x5], $0x40, s25, s4, $0xb8;
	[tilespmem:$0x16600] =	vst v63  }
0xf6: {  	_ =	swait.ge [sflag:s2], $0x2000  }
0xf7: {  	[sflag:s2] =	ssyncset.done $0x0  }
0xf8: {  	s26 =	simm.s32 $0xE80;
	[sflag:s2] =	ssyncadd.s32 $0xFFFFE000  }
0xf9: {  	[spmem:s9] =	stream.indirect.scatter.add.f32 [tilespmem:s6], [sflag:$0x5], $0x40, s26, s4, $0xb8;
	[tilespmem:$0x16600] =	vst v63  }
0xfa: {  	_ =	swait.ge [sflag:s2], $0x2000  }
0xfb: {  	[sflag:s2] =	ssyncset.done $0x0  }
0xfc: {  	[sflag:s2] =	ssyncadd.s32 $0xFFFFE000  }
0xfd: {  	_ =	swait.ge [sflag:s18], $0x4000  }
0xfe: {  	[sflag:s18] =	ssyncset.done $0x0  }
0xff: {  	[sflag:s18] =	ssyncadd.s32 $0xFFFFC000  }
0x100: {  	[tilespmem:s5], [sflag:$0x1] =	stream.indirect.gather [hbm4b:s13+s4], $0x40, s24, s4, $0xb8;
	[tilespmem:$0x16600] =	vst v63  }
0x101: {  	_ = 	snop  }
0x102: {  	[tilespmem:s6], [sflag:$0x1] =	stream.indirect.gather [hbm4b:s13+s4], $0x40, s4, s4, $0xb8;
	[tilespmem:$0x16600] =	vst v63  }
0x103: {  	s28 =	simm.s32 $0xF00  }
0x104: {  	[spmem:s9] =	stream.indirect.scatter.add.f32 [tilespmem:s10], [sflag:$0x5], $0x40, s28, s4, $0xb8;
	[tilespmem:$0x16600] =	vst v63  }
0x105: {  	_ =	swait.ge [sflag:s2], $0x2000  }
0x106: {  	[sflag:s2] =	ssyncset.done $0x0  }
0x107: {  	s3 =	simm.s32 $0xF80;
	[sflag:s2] =	ssyncadd.s32 $0xFFFFE000  }
0x108: {  	[spmem:s9] =	stream.indirect.scatter.add.f32 [tilespmem:s12], [sflag:$0x5], $0x40, s3, s4, $0xb8;
	[tilespmem:$0x16600] =	vst v63  }
0x109: {  	_ =	swait.ge [sflag:s2], $0x2000  }
0x10a: {  	[sflag:s2] =	ssyncset.done $0x0  }
0x10b: {  	s8 =	stileid.u32;
	[sflag:s2] =	ssyncadd.s32 $0xFFFFE000  }
0x10c: {  	s0 =	sshll.u32 s8, $0x6;
	_ =	swait.ge [sflag:s7], $0x4000  }
0x10d: {  	s19 =	sor.u32 $0x1C03, s0;
	[sflag:s7] =	ssyncset.done $0x0  }
0x10e: {  	s28 =	sshrl.u32 s23, $0x3;
	s8 =	rddreg [dreg:$0x15];
	[sflag:s7] =	ssyncadd.s32 $0xFFFFC000  }
0x10f: {  	[hbm:s8], [sflag:s19] =	dma.local [spmem:s28], $0x400  }
0x110: {  	[smem:$0x7DA] =	sst s28  }
0x111: {  	s26 =	sshrl.u32 s22, $0x3;
	s8 =	rddreg [dreg:$0x16]  }
0x112: {  	[hbm:s8], [sflag:s19] =	dma.local [spmem:s26], $0x400  }
0x113: {  	[smem:$0x7DB] =	sst s26  }
0x114: {  	s25 =	sshrl.u32 s17, $0x3;
	s8 =	rddreg [dreg:$0x17]  }
0x115: {  	[hbm:s8], [sflag:s19] =	dma.local [spmem:s25], $0x400  }
0x116: {  	[smem:$0x7DC] =	sst s25  }
0x117: {  	s8 =	rddreg [dreg:$0x7]  }
0x118: {  	[tilespmem:s24], [sflag:$0x5] =	stream.linear.gather [hbm4b:s8+s24], $0x800, $0x38;
	[tilespmem:$0x16600] =	vst v63  }
0x119: {  	_ =	swait.ge [sflag:s2], $0x800  }
0x11a: {  	[sflag:s2] =	ssyncset.done $0x0  }
0x11b: {  	s3 =	simm.s32 $0x800;
	s11 =	rddreg [dreg:$0x8];
	[sflag:s2] =	ssyncadd.s32 $0xFFFFF800  }
0x11c: {  	[tilespmem:s3], [sflag:$0x5] =	stream.linear.gather [hbm4b:s11+s24], $0x800, $0x38;
	[tilespmem:$0x16600] =	vst v63  }
0x11d: {  	_ =	swait.ge [sflag:s2], $0x800  }
0x11e: {  	[sflag:s2] =	ssyncset.done $0x0  }
0x11f: {  	[sflag:s2] =	ssyncadd.s32 $0xFFFFF800  }
0x120: {  	[tilespmem:s5], [sflag:$0x1] =	stream.indirect.gather [hbm4b:s13+s4], $0x40, s24, s4, $0xb8;
	[tilespmem:$0x16600] =	vst v63  }
0x121: {  	_ = 	snop  }
0x122: {  	[tilespmem:s6], [sflag:$0x1] =	stream.indirect.gather [hbm4b:s13+s4], $0x40, s4, s4, $0xb8;
	[tilespmem:$0x16600] =	vst v63  }
0x123: {  	_ =	swait.ge [sflag:s7], $0x4000  }
0x124: {  	[sflag:s7] =	ssyncset.done $0x0  }
0x125: {  	s11 =	simm.s32 $0x100;
	[sflag:s7] =	ssyncadd.s32 $0xFFFFC000  }
0x126: {  	[tilespmem:s10], [sflag:$0x2] =	stream.indirect.gather [hbm4b:s13+s4], $0x40, s11, s4, $0xb8;
	[tilespmem:$0x16600] =	vst v63  }
0x127: {  	s11 =	simm.s32 $0x180  }
0x128: {  	[tilespmem:s12], [sflag:$0x2] =	stream.indirect.gather [hbm4b:s13+s4], $0x40, s11, s4, $0xb8;
	[tilespmem:$0x16600] =	vst v63  }
0x129: {  	_ = 	snop  }
0x12a: {  	[spmem:s9] =	stream.indirect.scatter.add.f32 [tilespmem:s5], [sflag:$0x5], $0x40, s3, s4, $0xb8;
	[tilespmem:$0x16600] =	vst v63  }
0x12b: {  	_ =	swait.ge [sflag:s2], $0x2000  }
0x12c: {  	[sflag:s2] =	ssyncset.done $0x0  }
0x12d: {  	s31 =	simm.s32 $0x880;
	[sflag:s2] =	ssyncadd.s32 $0xFFFFE000  }
0x12e: {  	[spmem:s9] =	stream.indirect.scatter.add.f32 [tilespmem:s6], [sflag:$0x5], $0x40, s31, s4, $0xb8;
	[tilespmem:$0x16600] =	vst v63  }
0x12f: {  	_ =	swait.ge [sflag:s2], $0x2000  }
0x130: {  	[sflag:s2] =	ssyncset.done $0x0  }
0x131: {  	[sflag:s2] =	ssyncadd.s32 $0xFFFFE000  }
0x132: {  	_ =	swait.ge [sflag:s18], $0x4000  }
0x133: {  	[sflag:s18] =	ssyncset.done $0x0  }
0x134: {  	s11 =	simm.s32 $0x200;
	[sflag:s18] =	ssyncadd.s32 $0xFFFFC000  }
0x135: {  	[tilespmem:s5], [sflag:$0x1] =	stream.indirect.gather [hbm4b:s13+s4], $0x40, s11, s4, $0xb8;
	[tilespmem:$0x16600] =	vst v63  }
0x136: {  	s31 =	simm.s32 $0x280  }
0x137: {  	[tilespmem:s6], [sflag:$0x1] =	stream.indirect.gather [hbm4b:s13+s4], $0x40, s31, s4, $0xb8;
	[tilespmem:$0x16600] =	vst v63  }
0x138: {  	s8 =	simm.s32 $0x900  }
0x139: {  	[spmem:s9] =	stream.indirect.scatter.add.f32 [tilespmem:s10], [sflag:$0x5], $0x40, s8, s4, $0xb8;
	[tilespmem:$0x16600] =	vst v63  }
0x13a: {  	_ =	swait.ge [sflag:s2], $0x2000  }
0x13b: {  	[sflag:s2] =	ssyncset.done $0x0  }
0x13c: {  	s11 =	simm.s32 $0x980;
	[sflag:s2] =	ssyncadd.s32 $0xFFFFE000  }
0x13d: {  	[spmem:s9] =	stream.indirect.scatter.add.f32 [tilespmem:s12], [sflag:$0x5], $0x40, s11, s4, $0xb8;
	[tilespmem:$0x16600] =	vst v63  }
0x13e: {  	_ =	swait.ge [sflag:s2], $0x2000  }
0x13f: {  	[sflag:s2] =	ssyncset.done $0x0  }
0x140: {  	[sflag:s2] =	ssyncadd.s32 $0xFFFFE000  }
0x141: {  	_ =	swait.ge [sflag:s7], $0x4000  }
0x142: {  	[sflag:s7] =	ssyncset.done $0x0  }
0x143: {  	s31 =	simm.s32 $0x300;
	[sflag:s7] =	ssyncadd.s32 $0xFFFFC000  }
0x144: {  	[tilespmem:s10], [sflag:$0x2] =	stream.indirect.gather [hbm4b:s13+s4], $0x40, s31, s4, $0xb8;
	[tilespmem:$0x16600] =	vst v63  }
0x145: {  	s8 =	simm.s32 $0x380  }
0x146: {  	[tilespmem:s12], [sflag:$0x2] =	stream.indirect.gather [hbm4b:s13+s4], $0x40, s8, s4, $0xb8;
	[tilespmem:$0x16600] =	vst v63  }
0x147: {  	s11 =	simm.s32 $0xA00  }
0x148: {  	[spmem:s9] =	stream.indirect.scatter.add.f32 [tilespmem:s5], [sflag:$0x5], $0x40, s11, s4, $0xb8;
	[tilespmem:$0x16600] =	vst v63  }
0x149: {  	_ =	swait.ge [sflag:s2], $0x2000  }
0x14a: {  	[sflag:s2] =	ssyncset.done $0x0  }
0x14b: {  	s31 =	simm.s32 $0xA80;
	[sflag:s2] =	ssyncadd.s32 $0xFFFFE000  }
0x14c: {  	[spmem:s9] =	stream.indirect.scatter.add.f32 [tilespmem:s6], [sflag:$0x5], $0x40, s31, s4, $0xb8;
	[tilespmem:$0x16600] =	vst v63  }
0x14d: {  	_ =	swait.ge [sflag:s2], $0x2000  }
0x14e: {  	[sflag:s2] =	ssyncset.done $0x0  }
0x14f: {  	[sflag:s2] =	ssyncadd.s32 $0xFFFFE000  }
0x150: {  	_ =	swait.ge [sflag:s18], $0x4000  }
0x151: {  	[sflag:s18] =	ssyncset.done $0x0  }
0x152: {  	s8 =	simm.s32 $0x400;
	[sflag:s18] =	ssyncadd.s32 $0xFFFFC000  }
0x153: {  	[tilespmem:s5], [sflag:$0x1] =	stream.indirect.gather [hbm4b:s13+s4], $0x40, s8, s4, $0xb8;
	[tilespmem:$0x16600] =	vst v63  }
0x154: {  	s11 =	simm.s32 $0x480  }
0x155: {  	[tilespmem:s6], [sflag:$0x1] =	stream.indirect.gather [hbm4b:s13+s4], $0x40, s11, s4, $0xb8;
	[tilespmem:$0x16600] =	vst v63  }
0x156: {  	s31 =	simm.s32 $0xB00  }
0x157: {  	[spmem:s9] =	stream.indirect.scatter.add.f32 [tilespmem:s10], [sflag:$0x5], $0x40, s31, s4, $0xb8;
	[tilespmem:$0x16600] =	vst v63  }
0x158: {  	_ =	swait.ge [sflag:s2], $0x2000  }
0x159: {  	[sflag:s2] =	ssyncset.done $0x0  }
0x15a: {  	s8 =	simm.s32 $0xB80;
	[sflag:s2] =	ssyncadd.s32 $0xFFFFE000  }
0x15b: {  	[spmem:s9] =	stream.indirect.scatter.add.f32 [tilespmem:s12], [sflag:$0x5], $0x40, s8, s4, $0xb8;
	[tilespmem:$0x16600] =	vst v63  }
0x15c: {  	_ =	swait.ge [sflag:s2], $0x2000  }
0x15d: {  	[sflag:s2] =	ssyncset.done $0x0  }
0x15e: {  	[sflag:s2] =	ssyncadd.s32 $0xFFFFE000  }
0x15f: {  	_ =	swait.ge [sflag:s7], $0x4000  }
0x160: {  	[sflag:s7] =	ssyncset.done $0x0  }
0x161: {  	s11 =	simm.s32 $0x500;
	[sflag:s7] =	ssyncadd.s32 $0xFFFFC000  }
0x162: {  	[tilespmem:s10], [sflag:$0x2] =	stream.indirect.gather [hbm4b:s13+s4], $0x40, s11, s4, $0xb8;
	[tilespmem:$0x16600] =	vst v63  }
0x163: {  	s31 =	simm.s32 $0x580  }
0x164: {  	[tilespmem:s12], [sflag:$0x2] =	stream.indirect.gather [hbm4b:s13+s4], $0x40, s31, s4, $0xb8;
	[tilespmem:$0x16600] =	vst v63  }
0x165: {  	s8 =	simm.s32 $0xC00  }
0x166: {  	[spmem:s9] =	stream.indirect.scatter.add.f32 [tilespmem:s5], [sflag:$0x5], $0x40, s8, s4, $0xb8;
	[tilespmem:$0x16600] =	vst v63  }
0x167: {  	_ =	swait.ge [sflag:s2], $0x2000  }
0x168: {  	[sflag:s2] =	ssyncset.done $0x0  }
0x169: {  	s16 =	simm.s32 $0xC80;
	[sflag:s2] =	ssyncadd.s32 $0xFFFFE000  }
0x16a: {  	[spmem:s9] =	stream.indirect.scatter.add.f32 [tilespmem:s6], [sflag:$0x5], $0x40, s16, s4, $0xb8;
	[tilespmem:$0x16600] =	vst v63  }
0x16b: {  	_ =	swait.ge [sflag:s2], $0x2000  }
0x16c: {  	[sflag:s2] =	ssyncset.done $0x0  }
0x16d: {  	[sflag:s2] =	ssyncadd.s32 $0xFFFFE000  }
0x16e: {  	_ =	swait.ge [sflag:s18], $0x4000  }
0x16f: {  	[sflag:s18] =	ssyncset.done $0x0  }
0x170: {  	s11 =	simm.s32 $0x600;
	[sflag:s18] =	ssyncadd.s32 $0xFFFFC000  }
0x171: {  	[tilespmem:s5], [sflag:$0x1] =	stream.indirect.gather [hbm4b:s13+s4], $0x40, s11, s4, $0xb8;
	[tilespmem:$0x16600] =	vst v63  }
0x172: {  	s16 =	simm.s32 $0x680  }
0x173: {  	[tilespmem:s6], [sflag:$0x1] =	stream.indirect.gather [hbm4b:s13+s4], $0x40, s16, s4, $0xb8;
	[tilespmem:$0x16600] =	vst v63  }
0x174: {  	s21 =	simm.s32 $0xD00  }
0x175: {  	[spmem:s9] =	stream.indirect.scatter.add.f32 [tilespmem:s10], [sflag:$0x5], $0x40, s21, s4, $0xb8;
	[tilespmem:$0x16600] =	vst v63  }
0x176: {  	_ =	swait.ge [sflag:s2], $0x2000  }
0x177: {  	[sflag:s2] =	ssyncset.done $0x0  }
0x178: {  	s21 =	simm.s32 $0xD80;
	[sflag:s2] =	ssyncadd.s32 $0xFFFFE000  }
0x179: {  	[spmem:s9] =	stream.indirect.scatter.add.f32 [tilespmem:s12], [sflag:$0x5], $0x40, s21, s4, $0xb8;
	[tilespmem:$0x16600] =	vst v63  }
0x17a: {  	_ =	swait.ge [sflag:s2], $0x2000  }
0x17b: {  	[sflag:s2] =	ssyncset.done $0x0  }
0x17c: {  	[sflag:s2] =	ssyncadd.s32 $0xFFFFE000  }
0x17d: {  	_ =	swait.ge [sflag:s7], $0x4000  }
0x17e: {  	[sflag:s7] =	ssyncset.done $0x0  }
0x17f: {  	s31 =	simm.s32 $0x700;
	[sflag:s7] =	ssyncadd.s32 $0xFFFFC000  }
0x180: {  	[tilespmem:s10], [sflag:$0x2] =	stream.indirect.gather [hbm4b:s13+s4], $0x40, s31, s4, $0xb8;
	[tilespmem:$0x16600] =	vst v63  }
0x181: {  	s8 =	simm.s32 $0x780  }
0x182: {  	[tilespmem:s12], [sflag:$0x2] =	stream.indirect.gather [hbm4b:s13+s4], $0x40, s8, s4, $0xb8;
	[tilespmem:$0x16600] =	vst v63  }
0x183: {  	s11 =	simm.s32 $0xE00  }
0x184: {  	[spmem:s9] =	stream.indirect.scatter.add.f32 [tilespmem:s5], [sflag:$0x5], $0x40, s11, s4, $0xb8;
	[tilespmem:$0x16600] =	vst v63  }
0x185: {  	_ =	swait.ge [sflag:s2], $0x2000  }
0x186: {  	[sflag:s2] =	ssyncset.done $0x0  }
0x187: {  	s16 =	simm.s32 $0xE80;
	[sflag:s2] =	ssyncadd.s32 $0xFFFFE000  }
0x188: {  	[spmem:s9] =	stream.indirect.scatter.add.f32 [tilespmem:s6], [sflag:$0x5], $0x40, s16, s4, $0xb8;
	[tilespmem:$0x16600] =	vst v63  }
0x189: {  	_ =	swait.ge [sflag:s2], $0x2000  }
0x18a: {  	[sflag:s2] =	ssyncset.done $0x0  }
0x18b: {  	[sflag:s2] =	ssyncadd.s32 $0xFFFFE000  }
0x18c: {  	_ =	swait.ge [sflag:s18], $0x4000  }
0x18d: {  	[sflag:s18] =	ssyncset.done $0x0  }
0x18e: {  	[sflag:s18] =	ssyncadd.s32 $0xFFFFC000  }
0x18f: {  	[tilespmem:s5], [sflag:$0x1] =	stream.indirect.gather [hbm4b:s13+s4], $0x40, s24, s4, $0xb8;
	[tilespmem:$0x16600] =	vst v63  }
0x190: {  	_ = 	snop  }
0x191: {  	[tilespmem:s6], [sflag:$0x1] =	stream.indirect.gather [hbm4b:s13+s4], $0x40, s4, s4, $0xb8;
	[tilespmem:$0x16600] =	vst v63  }
0x192: {  	s21 =	simm.s32 $0xF00  }
0x193: {  	[spmem:s9] =	stream.indirect.scatter.add.f32 [tilespmem:s10], [sflag:$0x5], $0x40, s21, s4, $0xb8;
	[tilespmem:$0x16600] =	vst v63  }
0x194: {  	_ =	swait.ge [sflag:s2], $0x2000  }
0x195: {  	[sflag:s2] =	ssyncset.done $0x0  }
0x196: {  	s31 =	simm.s32 $0xF80;
	[sflag:s2] =	ssyncadd.s32 $0xFFFFE000  }
0x197: {  	[spmem:s9] =	stream.indirect.scatter.add.f32 [tilespmem:s12], [sflag:$0x5], $0x40, s31, s4, $0xb8;
	[tilespmem:$0x16600] =	vst v63  }
0x198: {  	_ =	swait.ge [sflag:s2], $0x2000  }
0x199: {  	[sflag:s2] =	ssyncset.done $0x0  }
0x19a: {  	[sflag:s2] =	ssyncadd.s32 $0xFFFFE000  }
0x19b: {  	s8 =	sshrl.u32 s14, $0x3;
	_ =	swait.ge [sflag:s7], $0x4000  }
0x19c: {  	s0 =	sor.u32 $0x1C04, s0;
	[sflag:s7] =	ssyncset.done $0x0;
	[smem:$0x7D8] =	sst s8  }
0x19d: {  	s16 =	sshrl.u32 s15, $0x3;
	s11 =	rddreg [dreg:$0x18];
	[sflag:s7] =	ssyncadd.s32 $0xFFFFC000  }
0x19e: {  	[hbm:s11], [sflag:s0] =	dma.local [spmem:s8], $0x400  }
0x19f: {  	[smem:$0x7D9] =	sst s16  }
0x1a0: {  	s31 =	sshrl.u32 s20, $0x3;
	s21 =	rddreg [dreg:$0x19]  }
0x1a1: {  	[hbm:s21], [sflag:s0] =	dma.local [spmem:s16], $0x400  }
0x1a2: {  	[smem:$0x7DD] =	sst s31  }
0x1a3: {  	s8 =	rddreg [dreg:$0x1a]  }
0x1a4: {  	[hbm:s8], [sflag:s0] =	dma.local [spmem:s31], $0x400  }
0x1a5: {  	s21 =	rddreg [dreg:$0x9]  }
0x1a6: {  	[tilespmem:s24], [sflag:$0x5] =	stream.linear.gather [hbm4b:s21+s24], $0x800, $0x38;
	[tilespmem:$0x16600] =	vst v63  }
0x1a7: {  	_ =	swait.ge [sflag:s2], $0x800  }
0x1a8: {  	[sflag:s2] =	ssyncset.done $0x0  }
0x1a9: {  	s16 =	simm.s32 $0x800;
	s11 =	rddreg [dreg:$0xa];
	[sflag:s2] =	ssyncadd.s32 $0xFFFFF800  }
0x1aa: {  	[tilespmem:s16], [sflag:$0x5] =	stream.linear.gather [hbm4b:s11+s24], $0x800, $0x38;
	[tilespmem:$0x16600] =	vst v63  }
0x1ab: {  	_ =	swait.ge [sflag:s2], $0x800  }
0x1ac: {  	[sflag:s2] =	ssyncset.done $0x0  }
0x1ad: {  	[sflag:s2] =	ssyncadd.s32 $0xFFFFF800  }
0x1ae: {  	_ =	swait.ge [sflag:s29], $0x400  }
0x1af: {  	[sflag:s29] =	ssyncset.done $0x0  }
0x1b0: {  	[sflag:s29] =	ssyncadd.s32 $0xFFFFFC00  }
0x1b1: {  	_ =	swait.ge [sflag:s29], $0x400  }
0x1b2: {  	[sflag:s29] =	ssyncset.done $0x0  }
0x1b3: {  	[sflag:s29] =	ssyncadd.s32 $0xFFFFFC00  }
0x1b4: {  	_ =	swait.ge [sflag:s29], $0x400  }
0x1b5: {  	[sflag:s29] =	ssyncset.done $0x0  }
0x1b6: {  	[sflag:s29] =	ssyncadd.s32 $0xFFFFFC00  }
0x1b7: {  	[spmem:s23] =	stream.linear.scatter [tilespmem:s1], [sflag:$0x5], $0x1000, $0x38;
	[tilespmem:$0x16600] =	vst v63  }
0x1b8: {  	_ =	swait.ge [sflag:s2], $0x1000  }
0x1b9: {  	s3 =	sld [smem:$0x7F7]  }
0x1ba: {  	[sflag:s2] =	ssyncset.done $0x0  }
0x1bb: {  	[sflag:s2] =	ssyncadd.s32 $0xFFFFF000  }
0x1bc: {  	[spmem:s3] =	stream.linear.scatter [tilespmem:s1], [sflag:$0x5], $0x1000, $0x38;
	[tilespmem:$0x16600] =	vst v63  }
0x1bd: {  	_ =	swait.ge [sflag:s2], $0x1000  }
0x1be: {  	[sflag:s2] =	ssyncset.done $0x0  }
0x1bf: {  	[sflag:s2] =	ssyncadd.s32 $0xFFFFF000  }
0x1c0: {  	[spmem:s22] =	stream.linear.scatter [tilespmem:s1], [sflag:$0x5], $0x1000, $0x38;
	[tilespmem:$0x16600] =	vst v63  }
0x1c1: {  	_ =	swait.ge [sflag:s2], $0x1000  }
0x1c2: {  	s8 =	sld [smem:$0x7F8]  }
0x1c3: {  	[sflag:s2] =	ssyncset.done $0x0  }
0x1c4: {  	[sflag:s2] =	ssyncadd.s32 $0xFFFFF000  }
0x1c5: {  	[spmem:s8] =	stream.linear.scatter [tilespmem:s1], [sflag:$0x5], $0x1000, $0x38;
	[tilespmem:$0x16600] =	vst v63  }
0x1c6: {  	_ =	swait.ge [sflag:s2], $0x1000  }
0x1c7: {  	[sflag:s2] =	ssyncset.done $0x0  }
0x1c8: {  	[sflag:s2] =	ssyncadd.s32 $0xFFFFF000  }
0x1c9: {  	[spmem:s17] =	stream.linear.scatter [tilespmem:s1], [sflag:$0x5], $0x1000, $0x38;
	[tilespmem:$0x16600] =	vst v63  }
0x1ca: {  	_ =	swait.ge [sflag:s2], $0x1000  }
0x1cb: {  	s11 =	sld [smem:$0x7F9]  }
0x1cc: {  	[sflag:s2] =	ssyncset.done $0x0  }
0x1cd: {  	[sflag:s2] =	ssyncadd.s32 $0xFFFFF000  }
0x1ce: {  	[spmem:s11] =	stream.linear.scatter [tilespmem:s1], [sflag:$0x5], $0x1000, $0x38;
	[tilespmem:$0x16600] =	vst v63  }
0x1cf: {  	_ =	swait.ge [sflag:s2], $0x1000  }
0x1d0: {  	[sflag:s2] =	ssyncset.done $0x0  }
0x1d1: {  	[sflag:s2] =	ssyncadd.s32 $0xFFFFF000  }
0x1d2: {  	[tilespmem:s5], [sflag:$0x1] =	stream.indirect.gather [hbm4b:s13+s4], $0x40, s24, s4, $0xb8;
	[tilespmem:$0x16600] =	vst v63  }
0x1d3: {  	_ = 	snop  }
0x1d4: {  	[tilespmem:s6], [sflag:$0x1] =	stream.indirect.gather [hbm4b:s13+s4], $0x40, s4, s4, $0xb8;
	[tilespmem:$0x16600] =	vst v63  }
0x1d5: {  	_ =	swait.ge [sflag:s7], $0x4000  }
0x1d6: {  	[sflag:s7] =	ssyncset.done $0x0  }
0x1d7: {  	s21 =	simm.s32 $0x100;
	[sflag:s7] =	ssyncadd.s32 $0xFFFFC000  }
0x1d8: {  	[tilespmem:s10], [sflag:$0x2] =	stream.indirect.gather [hbm4b:s13+s4], $0x40, s21, s4, $0xb8;
	[tilespmem:$0x16600] =	vst v63  }
0x1d9: {  	s21 =	simm.s32 $0x180  }
0x1da: {  	[tilespmem:s12], [sflag:$0x2] =	stream.indirect.gather [hbm4b:s13+s4], $0x40, s21, s4, $0xb8;
	[tilespmem:$0x16600] =	vst v63  }
0x1db: {  	_ = 	snop  }
0x1dc: {  	[spmem:s9] =	stream.indirect.scatter.add.f32 [tilespmem:s5], [sflag:$0x5], $0x40, s16, s4, $0xb8;
	[tilespmem:$0x16600] =	vst v63  }
0x1dd: {  	_ =	swait.ge [sflag:s2], $0x2000  }
0x1de: {  	[sflag:s2] =	ssyncset.done $0x0  }
0x1df: {  	s21 =	simm.s32 $0x880;
	[sflag:s2] =	ssyncadd.s32 $0xFFFFE000  }
0x1e0: {  	[spmem:s9] =	stream.indirect.scatter.add.f32 [tilespmem:s6], [sflag:$0x5], $0x40, s21, s4, $0xb8;
	[tilespmem:$0x16600] =	vst v63  }
0x1e1: {  	_ =	swait.ge [sflag:s2], $0x2000  }
0x1e2: {  	[sflag:s2] =	ssyncset.done $0x0  }
0x1e3: {  	[sflag:s2] =	ssyncadd.s32 $0xFFFFE000  }
0x1e4: {  	_ =	swait.ge [sflag:s18], $0x4000  }
0x1e5: {  	[sflag:s18] =	ssyncset.done $0x0  }
0x1e6: {  	s21 =	simm.s32 $0x200;
	[sflag:s18] =	ssyncadd.s32 $0xFFFFC000  }
0x1e7: {  	[tilespmem:s5], [sflag:$0x1] =	stream.indirect.gather [hbm4b:s13+s4], $0x40, s21, s4, $0xb8;
	[tilespmem:$0x16600] =	vst v63  }
0x1e8: {  	s21 =	simm.s32 $0x280  }
0x1e9: {  	[tilespmem:s6], [sflag:$0x1] =	stream.indirect.gather [hbm4b:s13+s4], $0x40, s21, s4, $0xb8;
	[tilespmem:$0x16600] =	vst v63  }
0x1ea: {  	s21 =	simm.s32 $0x900  }
0x1eb: {  	[spmem:s9] =	stream.indirect.scatter.add.f32 [tilespmem:s10], [sflag:$0x5], $0x40, s21, s4, $0xb8;
	[tilespmem:$0x16600] =	vst v63  }
0x1ec: {  	_ =	swait.ge [sflag:s2], $0x2000  }
0x1ed: {  	[sflag:s2] =	ssyncset.done $0x0  }
0x1ee: {  	s21 =	simm.s32 $0x980;
	[sflag:s2] =	ssyncadd.s32 $0xFFFFE000  }
0x1ef: {  	[spmem:s9] =	stream.indirect.scatter.add.f32 [tilespmem:s12], [sflag:$0x5], $0x40, s21, s4, $0xb8;
	[tilespmem:$0x16600] =	vst v63  }
0x1f0: {  	_ =	swait.ge [sflag:s2], $0x2000  }
0x1f1: {  	[sflag:s2] =	ssyncset.done $0x0  }
0x1f2: {  	[sflag:s2] =	ssyncadd.s32 $0xFFFFE000  }
0x1f3: {  	_ =	swait.ge [sflag:s7], $0x4000  }
0x1f4: {  	[sflag:s7] =	ssyncset.done $0x0  }
0x1f5: {  	s21 =	simm.s32 $0x300;
	[sflag:s7] =	ssyncadd.s32 $0xFFFFC000  }
0x1f6: {  	[tilespmem:s10], [sflag:$0x2] =	stream.indirect.gather [hbm4b:s13+s4], $0x40, s21, s4, $0xb8;
	[tilespmem:$0x16600] =	vst v63  }
0x1f7: {  	s21 =	simm.s32 $0x380  }
0x1f8: {  	[tilespmem:s12], [sflag:$0x2] =	stream.indirect.gather [hbm4b:s13+s4], $0x40, s21, s4, $0xb8;
	[tilespmem:$0x16600] =	vst v63  }
0x1f9: {  	s21 =	simm.s32 $0xA00  }
0x1fa: {  	[spmem:s9] =	stream.indirect.scatter.add.f32 [tilespmem:s5], [sflag:$0x5], $0x40, s21, s4, $0xb8;
	[tilespmem:$0x16600] =	vst v63  }
0x1fb: {  	_ =	swait.ge [sflag:s2], $0x2000  }
0x1fc: {  	[sflag:s2] =	ssyncset.done $0x0  }
0x1fd: {  	s21 =	simm.s32 $0xA80;
	[sflag:s2] =	ssyncadd.s32 $0xFFFFE000  }
0x1fe: {  	[spmem:s9] =	stream.indirect.scatter.add.f32 [tilespmem:s6], [sflag:$0x5], $0x40, s21, s4, $0xb8;
	[tilespmem:$0x16600] =	vst v63  }
0x1ff: {  	_ =	swait.ge [sflag:s2], $0x2000  }
0x200: {  	[sflag:s2] =	ssyncset.done $0x0  }
0x201: {  	[sflag:s2] =	ssyncadd.s32 $0xFFFFE000  }
0x202: {  	_ =	swait.ge [sflag:s18], $0x4000  }
0x203: {  	[sflag:s18] =	ssyncset.done $0x0  }
0x204: {  	s21 =	simm.s32 $0x400;
	[sflag:s18] =	ssyncadd.s32 $0xFFFFC000  }
0x205: {  	[tilespmem:s5], [sflag:$0x1] =	stream.indirect.gather [hbm4b:s13+s4], $0x40, s21, s4, $0xb8;
	[tilespmem:$0x16600] =	vst v63  }
0x206: {  	s21 =	simm.s32 $0x480  }
0x207: {  	[tilespmem:s6], [sflag:$0x1] =	stream.indirect.gather [hbm4b:s13+s4], $0x40, s21, s4, $0xb8;
	[tilespmem:$0x16600] =	vst v63  }
0x208: {  	s21 =	simm.s32 $0xB00  }
0x209: {  	[spmem:s9] =	stream.indirect.scatter.add.f32 [tilespmem:s10], [sflag:$0x5], $0x40, s21, s4, $0xb8;
	[tilespmem:$0x16600] =	vst v63  }
0x20a: {  	_ =	swait.ge [sflag:s2], $0x2000  }
0x20b: {  	[sflag:s2] =	ssyncset.done $0x0  }
0x20c: {  	s21 =	simm.s32 $0xB80;
	[sflag:s2] =	ssyncadd.s32 $0xFFFFE000  }
0x20d: {  	[spmem:s9] =	stream.indirect.scatter.add.f32 [tilespmem:s12], [sflag:$0x5], $0x40, s21, s4, $0xb8;
	[tilespmem:$0x16600] =	vst v63  }
0x20e: {  	_ =	swait.ge [sflag:s2], $0x2000  }
0x20f: {  	[sflag:s2] =	ssyncset.done $0x0  }
0x210: {  	[sflag:s2] =	ssyncadd.s32 $0xFFFFE000  }
0x211: {  	_ =	swait.ge [sflag:s7], $0x4000  }
0x212: {  	[sflag:s7] =	ssyncset.done $0x0  }
0x213: {  	s21 =	simm.s32 $0x500;
	[sflag:s7] =	ssyncadd.s32 $0xFFFFC000  }
0x214: {  	[tilespmem:s10], [sflag:$0x2] =	stream.indirect.gather [hbm4b:s13+s4], $0x40, s21, s4, $0xb8;
	[tilespmem:$0x16600] =	vst v63  }
0x215: {  	s21 =	simm.s32 $0x580  }
0x216: {  	[tilespmem:s12], [sflag:$0x2] =	stream.indirect.gather [hbm4b:s13+s4], $0x40, s21, s4, $0xb8;
	[tilespmem:$0x16600] =	vst v63  }
0x217: {  	s21 =	simm.s32 $0xC00  }
0x218: {  	[spmem:s9] =	stream.indirect.scatter.add.f32 [tilespmem:s5], [sflag:$0x5], $0x40, s21, s4, $0xb8;
	[tilespmem:$0x16600] =	vst v63  }
0x219: {  	_ =	swait.ge [sflag:s2], $0x2000  }
0x21a: {  	[sflag:s2] =	ssyncset.done $0x0  }
0x21b: {  	s21 =	simm.s32 $0xC80;
	[sflag:s2] =	ssyncadd.s32 $0xFFFFE000  }
0x21c: {  	[spmem:s9] =	stream.indirect.scatter.add.f32 [tilespmem:s6], [sflag:$0x5], $0x40, s21, s4, $0xb8;
	[tilespmem:$0x16600] =	vst v63  }
0x21d: {  	_ =	swait.ge [sflag:s2], $0x2000  }
0x21e: {  	[sflag:s2] =	ssyncset.done $0x0  }
0x21f: {  	[sflag:s2] =	ssyncadd.s32 $0xFFFFE000  }
0x220: {  	_ =	swait.ge [sflag:s18], $0x4000  }
0x221: {  	[sflag:s18] =	ssyncset.done $0x0  }
0x222: {  	s21 =	simm.s32 $0x600;
	[sflag:s18] =	ssyncadd.s32 $0xFFFFC000  }
0x223: {  	[tilespmem:s5], [sflag:$0x1] =	stream.indirect.gather [hbm4b:s13+s4], $0x40, s21, s4, $0xb8;
	[tilespmem:$0x16600] =	vst v63  }
0x224: {  	s21 =	simm.s32 $0x680  }
0x225: {  	[tilespmem:s6], [sflag:$0x1] =	stream.indirect.gather [hbm4b:s13+s4], $0x40, s21, s4, $0xb8;
	[tilespmem:$0x16600] =	vst v63  }
0x226: {  	s21 =	simm.s32 $0xD00  }
0x227: {  	[spmem:s9] =	stream.indirect.scatter.add.f32 [tilespmem:s10], [sflag:$0x5], $0x40, s21, s4, $0xb8;
	[tilespmem:$0x16600] =	vst v63  }
0x228: {  	_ =	swait.ge [sflag:s2], $0x2000  }
0x229: {  	[sflag:s2] =	ssyncset.done $0x0  }
0x22a: {  	s21 =	simm.s32 $0xD80;
	[sflag:s2] =	ssyncadd.s32 $0xFFFFE000  }
0x22b: {  	[spmem:s9] =	stream.indirect.scatter.add.f32 [tilespmem:s12], [sflag:$0x5], $0x40, s21, s4, $0xb8;
	[tilespmem:$0x16600] =	vst v63  }
0x22c: {  	_ =	swait.ge [sflag:s2], $0x2000  }
0x22d: {  	[sflag:s2] =	ssyncset.done $0x0  }
0x22e: {  	[sflag:s2] =	ssyncadd.s32 $0xFFFFE000  }
0x22f: {  	_ =	swait.ge [sflag:s7], $0x4000  }
0x230: {  	[sflag:s7] =	ssyncset.done $0x0  }
0x231: {  	s21 =	simm.s32 $0x700;
	[sflag:s7] =	ssyncadd.s32 $0xFFFFC000  }
0x232: {  	[tilespmem:s10], [sflag:$0x2] =	stream.indirect.gather [hbm4b:s13+s4], $0x40, s21, s4, $0xb8;
	[tilespmem:$0x16600] =	vst v63  }
0x233: {  	s21 =	simm.s32 $0x780  }
0x234: {  	[tilespmem:s12], [sflag:$0x2] =	stream.indirect.gather [hbm4b:s13+s4], $0x40, s21, s4, $0xb8;
	[tilespmem:$0x16600] =	vst v63  }
0x235: {  	s21 =	simm.s32 $0xE00  }
0x236: {  	[spmem:s9] =	stream.indirect.scatter.add.f32 [tilespmem:s5], [sflag:$0x5], $0x40, s21, s4, $0xb8;
	[tilespmem:$0x16600] =	vst v63  }
0x237: {  	_ =	swait.ge [sflag:s2], $0x2000  }
0x238: {  	[sflag:s2] =	ssyncset.done $0x0  }
0x239: {  	s21 =	simm.s32 $0xE80;
	[sflag:s2] =	ssyncadd.s32 $0xFFFFE000  }
0x23a: {  	[spmem:s9] =	stream.indirect.scatter.add.f32 [tilespmem:s6], [sflag:$0x5], $0x40, s21, s4, $0xb8;
	[tilespmem:$0x16600] =	vst v63  }
0x23b: {  	_ =	swait.ge [sflag:s2], $0x2000  }
0x23c: {  	[sflag:s2] =	ssyncset.done $0x0  }
0x23d: {  	[sflag:s2] =	ssyncadd.s32 $0xFFFFE000  }
0x23e: {  	_ =	swait.ge [sflag:s18], $0x4000  }
0x23f: {  	[sflag:s18] =	ssyncset.done $0x0  }
0x240: {  	[sflag:s18] =	ssyncadd.s32 $0xFFFFC000  }
0x241: {  	[tilespmem:s5], [sflag:$0x1] =	stream.indirect.gather [hbm4b:s13+s4], $0x40, s24, s4, $0xb8;
	[tilespmem:$0x16600] =	vst v63  }
0x242: {  	_ = 	snop  }
0x243: {  	[tilespmem:s6], [sflag:$0x1] =	stream.indirect.gather [hbm4b:s13+s4], $0x40, s4, s4, $0xb8;
	[tilespmem:$0x16600] =	vst v63  }
0x244: {  	s21 =	simm.s32 $0xF00  }
0x245: {  	[spmem:s9] =	stream.indirect.scatter.add.f32 [tilespmem:s10], [sflag:$0x5], $0x40, s21, s4, $0xb8;
	[tilespmem:$0x16600] =	vst v63  }
0x246: {  	_ =	swait.ge [sflag:s2], $0x2000  }
0x247: {  	[sflag:s2] =	ssyncset.done $0x0  }
0x248: {  	s21 =	simm.s32 $0xF80;
	[sflag:s2] =	ssyncadd.s32 $0xFFFFE000  }
0x249: {  	[spmem:s9] =	stream.indirect.scatter.add.f32 [tilespmem:s12], [sflag:$0x5], $0x40, s21, s4, $0xb8;
	[tilespmem:$0x16600] =	vst v63  }
0x24a: {  	_ =	swait.ge [sflag:s2], $0x2000  }
0x24b: {  	[sflag:s2] =	ssyncset.done $0x0  }
0x24c: {  	[sflag:s2] =	ssyncadd.s32 $0xFFFFE000  }
0x24d: {  	_ =	swait.ge [sflag:s7], $0x4000  }
0x24e: {  	s31 =	smov.u32 s23;
	s23 =	smov.u32 s22;
	[sflag:s7] =	ssyncset.done $0x0  }
0x24f: {  	s22 =	smov.u32 s17;
	s17 =	rddreg [dreg:$0x1b];
	[sflag:s7] =	ssyncadd.s32 $0xFFFFC000  }
0x250: {  	[hbm:s17], [sflag:s19] =	dma.local [spmem:s28], $0x400  }
0x251: {  	s21 =	rddreg [dreg:$0x1c]  }
0x252: {  	[hbm:s21], [sflag:s19] =	dma.local [spmem:s26], $0x400  }
0x253: {  	s21 =	rddreg [dreg:$0x1d]  }
0x254: {  	[hbm:s21], [sflag:s19] =	dma.local [spmem:s25], $0x400  }
0x255: {  	s21 =	rddreg [dreg:$0xb]  }
0x256: {  	[tilespmem:s24], [sflag:$0x5] =	stream.linear.gather [hbm4b:s21+s24], $0x800, $0x38;
	[tilespmem:$0x16600] =	vst v63  }
0x257: {  	_ =	swait.ge [sflag:s2], $0x800  }
0x258: {  	[sflag:s2] =	ssyncset.done $0x0  }
0x259: {  	s16 =	simm.s32 $0x800;
	s17 =	rddreg [dreg:$0xc];
	[sflag:s2] =	ssyncadd.s32 $0xFFFFF800  }
0x25a: {  	[tilespmem:s16], [sflag:$0x5] =	stream.linear.gather [hbm4b:s17+s24], $0x800, $0x38;
	[tilespmem:$0x16600] =	vst v63  }
0x25b: {  	_ =	swait.ge [sflag:s2], $0x800  }
0x25c: {  	[sflag:s2] =	ssyncset.done $0x0  }
0x25d: {  	[sflag:s2] =	ssyncadd.s32 $0xFFFFF800  }
0x25e: {  	_ =	swait.ge [sflag:s30], $0x400  }
0x25f: {  	[sflag:s30] =	ssyncset.done $0x0  }
0x260: {  	[sflag:s30] =	ssyncadd.s32 $0xFFFFFC00  }
0x261: {  	_ =	swait.ge [sflag:s30], $0x400  }
0x262: {  	[sflag:s30] =	ssyncset.done $0x0  }
0x263: {  	[sflag:s30] =	ssyncadd.s32 $0xFFFFFC00  }
0x264: {  	_ =	swait.ge [sflag:s30], $0x400  }
0x265: {  	[sflag:s30] =	ssyncset.done $0x0  }
0x266: {  	[sflag:s30] =	ssyncadd.s32 $0xFFFFFC00  }
0x267: {  	[spmem:s14] =	stream.linear.scatter [tilespmem:s1], [sflag:$0x5], $0x1000, $0x38;
	[tilespmem:$0x16600] =	vst v63  }
0x268: {  	_ =	swait.ge [sflag:s2], $0x1000  }
0x269: {  	s17 =	smov.u32 s14;
	s14 =	sld [smem:$0x7FA]  }
0x26a: {  	[sflag:s2] =	ssyncset.done $0x0  }
0x26b: {  	[sflag:s2] =	ssyncadd.s32 $0xFFFFF000  }
0x26c: {  	[spmem:s14] =	stream.linear.scatter [tilespmem:s1], [sflag:$0x5], $0x1000, $0x38;
	[tilespmem:$0x16600] =	vst v63  }
0x26d: {  	_ =	swait.ge [sflag:s2], $0x1000  }
0x26e: {  	[sflag:s2] =	ssyncset.done $0x0  }
0x26f: {  	[sflag:s2] =	ssyncadd.s32 $0xFFFFF000  }
0x270: {  	[spmem:s15] =	stream.linear.scatter [tilespmem:s1], [sflag:$0x5], $0x1000, $0x38;
	[tilespmem:$0x16600] =	vst v63  }
0x271: {  	_ =	swait.ge [sflag:s2], $0x1000  }
0x272: {  	s26 =	sld [smem:$0x7FB]  }
0x273: {  	[sflag:s2] =	ssyncset.done $0x0  }
0x274: {  	[sflag:s2] =	ssyncadd.s32 $0xFFFFF000  }
0x275: {  	[spmem:s26] =	stream.linear.scatter [tilespmem:s1], [sflag:$0x5], $0x1000, $0x38;
	[tilespmem:$0x16600] =	vst v63  }
0x276: {  	_ =	swait.ge [sflag:s2], $0x1000  }
0x277: {  	[sflag:s2] =	ssyncset.done $0x0  }
0x278: {  	[sflag:s2] =	ssyncadd.s32 $0xFFFFF000  }
0x279: {  	[spmem:s20] =	stream.linear.scatter [tilespmem:s1], [sflag:$0x5], $0x1000, $0x38;
	[tilespmem:$0x16600] =	vst v63  }
0x27a: {  	_ =	swait.ge [sflag:s2], $0x1000  }
0x27b: {  	s28 =	sld [smem:$0x7FD]  }
0x27c: {  	[sflag:s2] =	ssyncset.done $0x0  }
0x27d: {  	[sflag:s2] =	ssyncadd.s32 $0xFFFFF000  }
0x27e: {  	[spmem:s28] =	stream.linear.scatter [tilespmem:s1], [sflag:$0x5], $0x1000, $0x38;
	[tilespmem:$0x16600] =	vst v63  }
0x27f: {  	_ =	swait.ge [sflag:s2], $0x1000  }
0x280: {  	[sflag:s2] =	ssyncset.done $0x0  }
0x281: {  	[sflag:s2] =	ssyncadd.s32 $0xFFFFF000  }
0x282: {  	[tilespmem:s5], [sflag:$0x1] =	stream.indirect.gather [hbm4b:s13+s4], $0x40, s24, s4, $0xb8;
	[tilespmem:$0x16600] =	vst v63  }
0x283: {  	_ = 	snop  }
0x284: {  	[tilespmem:s6], [sflag:$0x1] =	stream.indirect.gather [hbm4b:s13+s4], $0x40, s4, s4, $0xb8;
	[tilespmem:$0x16600] =	vst v63  }
0x285: {  	_ =	swait.ge [sflag:s7], $0x4000  }
0x286: {  	[sflag:s7] =	ssyncset.done $0x0  }
0x287: {  	s21 =	simm.s32 $0x100;
	[sflag:s7] =	ssyncadd.s32 $0xFFFFC000  }
0x288: {  	[tilespmem:s10], [sflag:$0x2] =	stream.indirect.gather [hbm4b:s13+s4], $0x40, s21, s4, $0xb8;
	[tilespmem:$0x16600] =	vst v63  }
0x289: {  	s25 =	simm.s32 $0x180  }
0x28a: {  	[tilespmem:s12], [sflag:$0x2] =	stream.indirect.gather [hbm4b:s13+s4], $0x40, s25, s4, $0xb8;
	[tilespmem:$0x16600] =	vst v63  }
0x28b: {  	_ = 	snop  }
0x28c: {  	[spmem:s9] =	stream.indirect.scatter.add.f32 [tilespmem:s5], [sflag:$0x5], $0x40, s16, s4, $0xb8;
	[tilespmem:$0x16600] =	vst v63  }
0x28d: {  	_ =	swait.ge [sflag:s2], $0x2000  }
0x28e: {  	[sflag:s2] =	ssyncset.done $0x0  }
0x28f: {  	s16 =	simm.s32 $0x880;
	[sflag:s2] =	ssyncadd.s32 $0xFFFFE000  }
0x290: {  	[spmem:s9] =	stream.indirect.scatter.add.f32 [tilespmem:s6], [sflag:$0x5], $0x40, s16, s4, $0xb8;
	[tilespmem:$0x16600] =	vst v63  }
0x291: {  	_ =	swait.ge [sflag:s2], $0x2000  }
0x292: {  	[sflag:s2] =	ssyncset.done $0x0  }
0x293: {  	[sflag:s2] =	ssyncadd.s32 $0xFFFFE000  }
0x294: {  	_ =	swait.ge [sflag:s18], $0x4000  }
0x295: {  	[sflag:s18] =	ssyncset.done $0x0  }
0x296: {  	s20 =	simm.s32 $0x200;
	[sflag:s18] =	ssyncadd.s32 $0xFFFFC000  }
0x297: {  	[tilespmem:s5], [sflag:$0x1] =	stream.indirect.gather [hbm4b:s13+s4], $0x40, s20, s4, $0xb8;
	[tilespmem:$0x16600] =	vst v63  }
0x298: {  	s21 =	simm.s32 $0x280  }
0x299: {  	[tilespmem:s6], [sflag:$0x1] =	stream.indirect.gather [hbm4b:s13+s4], $0x40, s21, s4, $0xb8;
	[tilespmem:$0x16600] =	vst v63  }
0x29a: {  	s25 =	simm.s32 $0x900  }
0x29b: {  	[spmem:s9] =	stream.indirect.scatter.add.f32 [tilespmem:s10], [sflag:$0x5], $0x40, s25, s4, $0xb8;
	[tilespmem:$0x16600] =	vst v63  }
0x29c: {  	_ =	swait.ge [sflag:s2], $0x2000  }
0x29d: {  	[sflag:s2] =	ssyncset.done $0x0  }
0x29e: {  	s16 =	simm.s32 $0x980;
	[sflag:s2] =	ssyncadd.s32 $0xFFFFE000  }
0x29f: {  	[spmem:s9] =	stream.indirect.scatter.add.f32 [tilespmem:s12], [sflag:$0x5], $0x40, s16, s4, $0xb8;
	[tilespmem:$0x16600] =	vst v63  }
0x2a0: {  	_ =	swait.ge [sflag:s2], $0x2000  }
0x2a1: {  	[sflag:s2] =	ssyncset.done $0x0  }
0x2a2: {  	[sflag:s2] =	ssyncadd.s32 $0xFFFFE000  }
0x2a3: {  	_ =	swait.ge [sflag:s7], $0x4000  }
0x2a4: {  	[sflag:s7] =	ssyncset.done $0x0  }
0x2a5: {  	s20 =	simm.s32 $0x300;
	[sflag:s7] =	ssyncadd.s32 $0xFFFFC000  }
0x2a6: {  	[tilespmem:s10], [sflag:$0x2] =	stream.indirect.gather [hbm4b:s13+s4], $0x40, s20, s4, $0xb8;
	[tilespmem:$0x16600] =	vst v63  }
0x2a7: {  	s21 =	simm.s32 $0x380  }
0x2a8: {  	[tilespmem:s12], [sflag:$0x2] =	stream.indirect.gather [hbm4b:s13+s4], $0x40, s21, s4, $0xb8;
	[tilespmem:$0x16600] =	vst v63  }
0x2a9: {  	s25 =	simm.s32 $0xA00  }
0x2aa: {  	[spmem:s9] =	stream.indirect.scatter.add.f32 [tilespmem:s5], [sflag:$0x5], $0x40, s25, s4, $0xb8;
	[tilespmem:$0x16600] =	vst v63  }
0x2ab: {  	_ =	swait.ge [sflag:s2], $0x2000  }
0x2ac: {  	[sflag:s2] =	ssyncset.done $0x0  }
0x2ad: {  	s16 =	simm.s32 $0xA80;
	[sflag:s2] =	ssyncadd.s32 $0xFFFFE000  }
0x2ae: {  	[spmem:s9] =	stream.indirect.scatter.add.f32 [tilespmem:s6], [sflag:$0x5], $0x40, s16, s4, $0xb8;
	[tilespmem:$0x16600] =	vst v63  }
0x2af: {  	_ =	swait.ge [sflag:s2], $0x2000  }
0x2b0: {  	[sflag:s2] =	ssyncset.done $0x0  }
0x2b1: {  	[sflag:s2] =	ssyncadd.s32 $0xFFFFE000  }
0x2b2: {  	_ =	swait.ge [sflag:s18], $0x4000  }
0x2b3: {  	[sflag:s18] =	ssyncset.done $0x0  }
0x2b4: {  	s20 =	simm.s32 $0x400;
	[sflag:s18] =	ssyncadd.s32 $0xFFFFC000  }
0x2b5: {  	[tilespmem:s5], [sflag:$0x1] =	stream.indirect.gather [hbm4b:s13+s4], $0x40, s20, s4, $0xb8;
	[tilespmem:$0x16600] =	vst v63  }
0x2b6: {  	s20 =	simm.s32 $0x480  }
0x2b7: {  	[tilespmem:s6], [sflag:$0x1] =	stream.indirect.gather [hbm4b:s13+s4], $0x40, s20, s4, $0xb8;
	[tilespmem:$0x16600] =	vst v63  }
0x2b8: {  	s21 =	simm.s32 $0xB00  }
0x2b9: {  	[spmem:s9] =	stream.indirect.scatter.add.f32 [tilespmem:s10], [sflag:$0x5], $0x40, s21, s4, $0xb8;
	[tilespmem:$0x16600] =	vst v63  }
0x2ba: {  	_ =	swait.ge [sflag:s2], $0x2000  }
0x2bb: {  	[sflag:s2] =	ssyncset.done $0x0  }
0x2bc: {  	s25 =	simm.s32 $0xB80;
	[sflag:s2] =	ssyncadd.s32 $0xFFFFE000  }
0x2bd: {  	[spmem:s9] =	stream.indirect.scatter.add.f32 [tilespmem:s12], [sflag:$0x5], $0x40, s25, s4, $0xb8;
	[tilespmem:$0x16600] =	vst v63  }
0x2be: {  	_ =	swait.ge [sflag:s2], $0x2000  }
0x2bf: {  	[sflag:s2] =	ssyncset.done $0x0  }
0x2c0: {  	[sflag:s2] =	ssyncadd.s32 $0xFFFFE000  }
0x2c1: {  	_ =	swait.ge [sflag:s7], $0x4000  }
0x2c2: {  	[sflag:s7] =	ssyncset.done $0x0  }
0x2c3: {  	s16 =	simm.s32 $0x500;
	[sflag:s7] =	ssyncadd.s32 $0xFFFFC000  }
0x2c4: {  	[tilespmem:s10], [sflag:$0x2] =	stream.indirect.gather [hbm4b:s13+s4], $0x40, s16, s4, $0xb8;
	[tilespmem:$0x16600] =	vst v63  }
0x2c5: {  	s21 =	simm.s32 $0x580  }
0x2c6: {  	[tilespmem:s12], [sflag:$0x2] =	stream.indirect.gather [hbm4b:s13+s4], $0x40, s21, s4, $0xb8;
	[tilespmem:$0x16600] =	vst v63  }
0x2c7: {  	s25 =	simm.s32 $0xC00  }
0x2c8: {  	[spmem:s9] =	stream.indirect.scatter.add.f32 [tilespmem:s5], [sflag:$0x5], $0x40, s25, s4, $0xb8;
	[tilespmem:$0x16600] =	vst v63  }
0x2c9: {  	_ =	swait.ge [sflag:s2], $0x2000  }
0x2ca: {  	[sflag:s2] =	ssyncset.done $0x0  }
0x2cb: {  	s16 =	simm.s32 $0xC80;
	[sflag:s2] =	ssyncadd.s32 $0xFFFFE000  }
0x2cc: {  	[spmem:s9] =	stream.indirect.scatter.add.f32 [tilespmem:s6], [sflag:$0x5], $0x40, s16, s4, $0xb8;
	[tilespmem:$0x16600] =	vst v63  }
0x2cd: {  	_ =	swait.ge [sflag:s2], $0x2000  }
0x2ce: {  	[sflag:s2] =	ssyncset.done $0x0  }
0x2cf: {  	[sflag:s2] =	ssyncadd.s32 $0xFFFFE000  }
0x2d0: {  	_ =	swait.ge [sflag:s18], $0x4000  }
0x2d1: {  	[sflag:s18] =	ssyncset.done $0x0  }
0x2d2: {  	s21 =	simm.s32 $0x600;
	[sflag:s18] =	ssyncadd.s32 $0xFFFFC000  }
0x2d3: {  	[tilespmem:s5], [sflag:$0x1] =	stream.indirect.gather [hbm4b:s13+s4], $0x40, s21, s4, $0xb8;
	[tilespmem:$0x16600] =	vst v63  }
0x2d4: {  	s25 =	simm.s32 $0x680  }
0x2d5: {  	[tilespmem:s6], [sflag:$0x1] =	stream.indirect.gather [hbm4b:s13+s4], $0x40, s25, s4, $0xb8;
	[tilespmem:$0x16600] =	vst v63  }
0x2d6: {  	s16 =	simm.s32 $0xD00  }
0x2d7: {  	[spmem:s9] =	stream.indirect.scatter.add.f32 [tilespmem:s10], [sflag:$0x5], $0x40, s16, s4, $0xb8;
	[tilespmem:$0x16600] =	vst v63  }
0x2d8: {  	_ =	swait.ge [sflag:s2], $0x2000  }
0x2d9: {  	[sflag:s2] =	ssyncset.done $0x0  }
0x2da: {  	s21 =	simm.s32 $0xD80;
	[sflag:s2] =	ssyncadd.s32 $0xFFFFE000  }
0x2db: {  	[spmem:s9] =	stream.indirect.scatter.add.f32 [tilespmem:s12], [sflag:$0x5], $0x40, s21, s4, $0xb8;
	[tilespmem:$0x16600] =	vst v63  }
0x2dc: {  	_ =	swait.ge [sflag:s2], $0x2000  }
0x2dd: {  	[sflag:s2] =	ssyncset.done $0x0  }
0x2de: {  	[sflag:s2] =	ssyncadd.s32 $0xFFFFE000  }
0x2df: {  	_ =	swait.ge [sflag:s7], $0x4000  }
0x2e0: {  	[sflag:s7] =	ssyncset.done $0x0  }
0x2e1: {  	s25 =	simm.s32 $0x700;
	[sflag:s7] =	ssyncadd.s32 $0xFFFFC000  }
0x2e2: {  	[tilespmem:s10], [sflag:$0x2] =	stream.indirect.gather [hbm4b:s13+s4], $0x40, s25, s4, $0xb8;
	[tilespmem:$0x16600] =	vst v63  }
0x2e3: {  	s16 =	simm.s32 $0x780  }
0x2e4: {  	[tilespmem:s12], [sflag:$0x2] =	stream.indirect.gather [hbm4b:s13+s4], $0x40, s16, s4, $0xb8;
	[tilespmem:$0x16600] =	vst v63  }
0x2e5: {  	s21 =	simm.s32 $0xE00  }
0x2e6: {  	[spmem:s9] =	stream.indirect.scatter.add.f32 [tilespmem:s5], [sflag:$0x5], $0x40, s21, s4, $0xb8;
	[tilespmem:$0x16600] =	vst v63  }
0x2e7: {  	_ =	swait.ge [sflag:s2], $0x2000  }
0x2e8: {  	[sflag:s2] =	ssyncset.done $0x0  }
0x2e9: {  	s25 =	simm.s32 $0xE80;
	[sflag:s2] =	ssyncadd.s32 $0xFFFFE000  }
0x2ea: {  	[spmem:s9] =	stream.indirect.scatter.add.f32 [tilespmem:s6], [sflag:$0x5], $0x40, s25, s4, $0xb8;
	[tilespmem:$0x16600] =	vst v63  }
0x2eb: {  	_ =	swait.ge [sflag:s2], $0x2000  }
0x2ec: {  	[sflag:s2] =	ssyncset.done $0x0  }
0x2ed: {  	[sflag:s2] =	ssyncadd.s32 $0xFFFFE000  }
0x2ee: {  	_ =	swait.ge [sflag:s18], $0x4000  }
0x2ef: {  	[sflag:s18] =	ssyncset.done $0x0  }
0x2f0: {  	[sflag:s18] =	ssyncadd.s32 $0xFFFFC000  }
0x2f1: {  	[tilespmem:s5], [sflag:$0x1] =	stream.indirect.gather [hbm4b:s13+s4], $0x40, s24, s4, $0xb8;
	[tilespmem:$0x16600] =	vst v63  }
0x2f2: {  	_ = 	snop  }
0x2f3: {  	[tilespmem:s6], [sflag:$0x1] =	stream.indirect.gather [hbm4b:s13+s4], $0x40, s4, s4, $0xb8;
	[tilespmem:$0x16600] =	vst v63  }
0x2f4: {  	s16 =	simm.s32 $0xF00  }
0x2f5: {  	[spmem:s9] =	stream.indirect.scatter.add.f32 [tilespmem:s10], [sflag:$0x5], $0x40, s16, s4, $0xb8;
	[tilespmem:$0x16600] =	vst v63  }
0x2f6: {  	_ =	swait.ge [sflag:s2], $0x2000  }
0x2f7: {  	[sflag:s2] =	ssyncset.done $0x0  }
0x2f8: {  	s21 =	simm.s32 $0xF80;
	[sflag:s2] =	ssyncadd.s32 $0xFFFFE000  }
0x2f9: {  	[spmem:s9] =	stream.indirect.scatter.add.f32 [tilespmem:s12], [sflag:$0x5], $0x40, s21, s4, $0xb8;
	[tilespmem:$0x16600] =	vst v63  }
0x2fa: {  	_ =	swait.ge [sflag:s2], $0x2000  }
0x2fb: {  	[sflag:s2] =	ssyncset.done $0x0  }
0x2fc: {  	[sflag:s2] =	ssyncadd.s32 $0xFFFFE000  }
0x2fd: {  	_ =	swait.ge [sflag:s7], $0x4000  }
0x2fe: {  	s15 =	sld [smem:$0x7D8]  }
0x2ff: {  	[sflag:s7] =	ssyncset.done $0x0  }
0x300: {  	s25 =	rddreg [dreg:$0x1e];
	[sflag:s7] =	ssyncadd.s32 $0xFFFFC000  }
0x301: {  	[hbm:s25], [sflag:s0] =	dma.local [spmem:s15], $0x400  }
0x302: {  	s16 =	sld [smem:$0x7D9];
	_ =	sdelay $0x1  }
0x303: {  	s21 =	rddreg [dreg:$0x1f]  }
0x304: {  	[hbm:s21], [sflag:s0] =	dma.local [spmem:s16], $0x400  }
0x305: {  	s21 =	sld [smem:$0x7DF]  }
0x306: {  	s25 =	sld [smem:$0x7DD];
	_ =	sdelay $0x2  }
0x307: {  	[hbm:s21], [sflag:s0] =	dma.local [spmem:s25], $0x400  }
0x308: {  	s21 =	rddreg [dreg:$0xd]  }
0x309: {  	[tilespmem:s24], [sflag:$0x5] =	stream.linear.gather [hbm4b:s21+s24], $0x800, $0x38;
	[tilespmem:$0x16600] =	vst v63  }
0x30a: {  	_ =	swait.ge [sflag:s2], $0x800  }
0x30b: {  	[sflag:s2] =	ssyncset.done $0x0  }
0x30c: {  	s25 =	simm.s32 $0x800;
	s21 =	rddreg [dreg:$0xe];
	[sflag:s2] =	ssyncadd.s32 $0xFFFFF800  }
0x30d: {  	[tilespmem:s25], [sflag:$0x5] =	stream.linear.gather [hbm4b:s21+s24], $0x800, $0x38;
	[tilespmem:$0x16600] =	vst v63  }
0x30e: {  	_ =	swait.ge [sflag:s2], $0x800  }
0x30f: {  	[sflag:s2] =	ssyncset.done $0x0  }
0x310: {  	[sflag:s2] =	ssyncadd.s32 $0xFFFFF800  }
0x311: {  	_ =	swait.ge [sflag:s29], $0x400  }
0x312: {  	[sflag:s29] =	ssyncset.done $0x0  }
0x313: {  	[sflag:s29] =	ssyncadd.s32 $0xFFFFFC00  }
0x314: {  	_ =	swait.ge [sflag:s29], $0x400  }
0x315: {  	[sflag:s29] =	ssyncset.done $0x0  }
0x316: {  	[sflag:s29] =	ssyncadd.s32 $0xFFFFFC00  }
0x317: {  	_ =	swait.ge [sflag:s29], $0x400  }
0x318: {  	[sflag:s29] =	ssyncset.done $0x0  }
0x319: {  	[sflag:s29] =	ssyncadd.s32 $0xFFFFFC00  }
0x31a: {  	[spmem:s31] =	stream.linear.scatter [tilespmem:s1], [sflag:$0x5], $0x1000, $0x38;
	[tilespmem:$0x16600] =	vst v63  }
0x31b: {  	_ =	swait.ge [sflag:s2], $0x1000  }
0x31c: {  	[sflag:s2] =	ssyncset.done $0x0  }
0x31d: {  	[sflag:s2] =	ssyncadd.s32 $0xFFFFF000  }
0x31e: {  	[spmem:s3] =	stream.linear.scatter [tilespmem:s1], [sflag:$0x5], $0x1000, $0x38;
	[tilespmem:$0x16600] =	vst v63  }
0x31f: {  	_ =	swait.ge [sflag:s2], $0x1000  }
0x320: {  	[sflag:s2] =	ssyncset.done $0x0  }
0x321: {  	[sflag:s2] =	ssyncadd.s32 $0xFFFFF000  }
0x322: {  	[spmem:s23] =	stream.linear.scatter [tilespmem:s1], [sflag:$0x5], $0x1000, $0x38;
	[tilespmem:$0x16600] =	vst v63  }
0x323: {  	_ =	swait.ge [sflag:s2], $0x1000  }
0x324: {  	[sflag:s2] =	ssyncset.done $0x0  }
0x325: {  	[sflag:s2] =	ssyncadd.s32 $0xFFFFF000  }
0x326: {  	[spmem:s8] =	stream.linear.scatter [tilespmem:s1], [sflag:$0x5], $0x1000, $0x38;
	[tilespmem:$0x16600] =	vst v63  }
0x327: {  	_ =	swait.ge [sflag:s2], $0x1000  }
0x328: {  	[sflag:s2] =	ssyncset.done $0x0  }
0x329: {  	[sflag:s2] =	ssyncadd.s32 $0xFFFFF000  }
0x32a: {  	[spmem:s22] =	stream.linear.scatter [tilespmem:s1], [sflag:$0x5], $0x1000, $0x38;
	[tilespmem:$0x16600] =	vst v63  }
0x32b: {  	_ =	swait.ge [sflag:s2], $0x1000  }
0x32c: {  	[sflag:s2] =	ssyncset.done $0x0  }
0x32d: {  	[sflag:s2] =	ssyncadd.s32 $0xFFFFF000  }
0x32e: {  	[spmem:s11] =	stream.linear.scatter [tilespmem:s1], [sflag:$0x5], $0x1000, $0x38;
	[tilespmem:$0x16600] =	vst v63  }
0x32f: {  	_ =	swait.ge [sflag:s2], $0x1000  }
0x330: {  	[sflag:s2] =	ssyncset.done $0x0  }
0x331: {  	[sflag:s2] =	ssyncadd.s32 $0xFFFFF000  }
0x332: {  	[tilespmem:s5], [sflag:$0x1] =	stream.indirect.gather [hbm4b:s13+s4], $0x40, s24, s4, $0xb8;
	[tilespmem:$0x16600] =	vst v63  }
0x333: {  	_ = 	snop  }
0x334: {  	[tilespmem:s6], [sflag:$0x1] =	stream.indirect.gather [hbm4b:s13+s4], $0x40, s4, s4, $0xb8;
	[tilespmem:$0x16600] =	vst v63  }
0x335: {  	_ =	swait.ge [sflag:s7], $0x4000  }
0x336: {  	[sflag:s7] =	ssyncset.done $0x0  }
0x337: {  	s8 =	simm.s32 $0x100;
	[sflag:s7] =	ssyncadd.s32 $0xFFFFC000  }
0x338: {  	[tilespmem:s10], [sflag:$0x2] =	stream.indirect.gather [hbm4b:s13+s4], $0x40, s8, s4, $0xb8;
	[tilespmem:$0x16600] =	vst v63  }
0x339: {  	s11 =	simm.s32 $0x180  }
0x33a: {  	[tilespmem:s12], [sflag:$0x2] =	stream.indirect.gather [hbm4b:s13+s4], $0x40, s11, s4, $0xb8;
	[tilespmem:$0x16600] =	vst v63  }
0x33b: {  	_ = 	snop  }
0x33c: {  	[spmem:s9] =	stream.indirect.scatter.add.f32 [tilespmem:s5], [sflag:$0x5], $0x40, s25, s4, $0xb8;
	[tilespmem:$0x16600] =	vst v63  }
0x33d: {  	_ =	swait.ge [sflag:s2], $0x2000  }
0x33e: {  	[sflag:s2] =	ssyncset.done $0x0  }
0x33f: {  	s21 =	simm.s32 $0x880;
	[sflag:s2] =	ssyncadd.s32 $0xFFFFE000  }
0x340: {  	[spmem:s9] =	stream.indirect.scatter.add.f32 [tilespmem:s6], [sflag:$0x5], $0x40, s21, s4, $0xb8;
	[tilespmem:$0x16600] =	vst v63  }
0x341: {  	_ =	swait.ge [sflag:s2], $0x2000  }
0x342: {  	[sflag:s2] =	ssyncset.done $0x0  }
0x343: {  	[sflag:s2] =	ssyncadd.s32 $0xFFFFE000  }
0x344: {  	_ =	swait.ge [sflag:s18], $0x4000  }
0x345: {  	[sflag:s18] =	ssyncset.done $0x0  }
0x346: {  	s22 =	simm.s32 $0x200;
	[sflag:s18] =	ssyncadd.s32 $0xFFFFC000  }
0x347: {  	[tilespmem:s5], [sflag:$0x1] =	stream.indirect.gather [hbm4b:s13+s4], $0x40, s22, s4, $0xb8;
	[tilespmem:$0x16600] =	vst v63  }
0x348: {  	s23 =	simm.s32 $0x280  }
0x349: {  	[tilespmem:s6], [sflag:$0x1] =	stream.indirect.gather [hbm4b:s13+s4], $0x40, s23, s4, $0xb8;
	[tilespmem:$0x16600] =	vst v63  }
0x34a: {  	s25 =	simm.s32 $0x900  }
0x34b: {  	[spmem:s9] =	stream.indirect.scatter.add.f32 [tilespmem:s10], [sflag:$0x5], $0x40, s25, s4, $0xb8;
	[tilespmem:$0x16600] =	vst v63  }
0x34c: {  	_ =	swait.ge [sflag:s2], $0x2000  }
0x34d: {  	[sflag:s2] =	ssyncset.done $0x0  }
0x34e: {  	s31 =	simm.s32 $0x980;
	[sflag:s2] =	ssyncadd.s32 $0xFFFFE000  }
0x34f: {  	[spmem:s9] =	stream.indirect.scatter.add.f32 [tilespmem:s12], [sflag:$0x5], $0x40, s31, s4, $0xb8;
	[tilespmem:$0x16600] =	vst v63  }
0x350: {  	_ =	swait.ge [sflag:s2], $0x2000  }
0x351: {  	[sflag:s2] =	ssyncset.done $0x0  }
0x352: {  	[sflag:s2] =	ssyncadd.s32 $0xFFFFE000  }
0x353: {  	_ =	swait.ge [sflag:s7], $0x4000  }
0x354: {  	[sflag:s7] =	ssyncset.done $0x0  }
0x355: {  	s8 =	simm.s32 $0x300;
	[sflag:s7] =	ssyncadd.s32 $0xFFFFC000  }
0x356: {  	[tilespmem:s10], [sflag:$0x2] =	stream.indirect.gather [hbm4b:s13+s4], $0x40, s8, s4, $0xb8;
	[tilespmem:$0x16600] =	vst v63  }
0x357: {  	s11 =	simm.s32 $0x380  }
0x358: {  	[tilespmem:s12], [sflag:$0x2] =	stream.indirect.gather [hbm4b:s13+s4], $0x40, s11, s4, $0xb8;
	[tilespmem:$0x16600] =	vst v63  }
0x359: {  	s21 =	simm.s32 $0xA00  }
0x35a: {  	[spmem:s9] =	stream.indirect.scatter.add.f32 [tilespmem:s5], [sflag:$0x5], $0x40, s21, s4, $0xb8;
	[tilespmem:$0x16600] =	vst v63  }
0x35b: {  	_ =	swait.ge [sflag:s2], $0x2000  }
0x35c: {  	[sflag:s2] =	ssyncset.done $0x0  }
0x35d: {  	s22 =	simm.s32 $0xA80;
	[sflag:s2] =	ssyncadd.s32 $0xFFFFE000  }
0x35e: {  	[spmem:s9] =	stream.indirect.scatter.add.f32 [tilespmem:s6], [sflag:$0x5], $0x40, s22, s4, $0xb8;
	[tilespmem:$0x16600] =	vst v63  }
0x35f: {  	_ =	swait.ge [sflag:s2], $0x2000  }
0x360: {  	[sflag:s2] =	ssyncset.done $0x0  }
0x361: {  	[sflag:s2] =	ssyncadd.s32 $0xFFFFE000  }
0x362: {  	_ =	swait.ge [sflag:s18], $0x4000  }
0x363: {  	[sflag:s18] =	ssyncset.done $0x0  }
0x364: {  	s31 =	simm.s32 $0x400;
	[sflag:s18] =	ssyncadd.s32 $0xFFFFC000  }
0x365: {  	[tilespmem:s5], [sflag:$0x1] =	stream.indirect.gather [hbm4b:s13+s4], $0x40, s31, s4, $0xb8;
	[tilespmem:$0x16600] =	vst v63  }
0x366: {  	_ = 	snop  }
0x367: {  	[tilespmem:s6], [sflag:$0x1] =	stream.indirect.gather [hbm4b:s13+s4], $0x40, s20, s4, $0xb8;
	[tilespmem:$0x16600] =	vst v63  }
0x368: {  	s23 =	simm.s32 $0xB00  }
0x369: {  	[spmem:s9] =	stream.indirect.scatter.add.f32 [tilespmem:s10], [sflag:$0x5], $0x40, s23, s4, $0xb8;
	[tilespmem:$0x16600] =	vst v63  }
0x36a: {  	_ =	swait.ge [sflag:s2], $0x2000  }
0x36b: {  	[sflag:s2] =	ssyncset.done $0x0  }
0x36c: {  	s25 =	simm.s32 $0xB80;
	[sflag:s2] =	ssyncadd.s32 $0xFFFFE000  }
0x36d: {  	[spmem:s9] =	stream.indirect.scatter.add.f32 [tilespmem:s12], [sflag:$0x5], $0x40, s25, s4, $0xb8;
	[tilespmem:$0x16600] =	vst v63  }
0x36e: {  	_ =	swait.ge [sflag:s2], $0x2000  }
0x36f: {  	[sflag:s2] =	ssyncset.done $0x0  }
0x370: {  	[sflag:s2] =	ssyncadd.s32 $0xFFFFE000  }
0x371: {  	_ =	swait.ge [sflag:s7], $0x4000  }
0x372: {  	[sflag:s7] =	ssyncset.done $0x0  }
0x373: {  	s8 =	simm.s32 $0x500;
	[sflag:s7] =	ssyncadd.s32 $0xFFFFC000  }
0x374: {  	[tilespmem:s10], [sflag:$0x2] =	stream.indirect.gather [hbm4b:s13+s4], $0x40, s8, s4, $0xb8;
	[tilespmem:$0x16600] =	vst v63  }
0x375: {  	s11 =	simm.s32 $0x580  }
0x376: {  	[tilespmem:s12], [sflag:$0x2] =	stream.indirect.gather [hbm4b:s13+s4], $0x40, s11, s4, $0xb8;
	[tilespmem:$0x16600] =	vst v63  }
0x377: {  	s11 =	simm.s32 $0xC00  }
0x378: {  	[spmem:s9] =	stream.indirect.scatter.add.f32 [tilespmem:s5], [sflag:$0x5], $0x40, s11, s4, $0xb8;
	[tilespmem:$0x16600] =	vst v63  }
0x379: {  	_ =	swait.ge [sflag:s2], $0x2000  }
0x37a: {  	[sflag:s2] =	ssyncset.done $0x0  }
0x37b: {  	s20 =	simm.s32 $0xC80;
	[sflag:s2] =	ssyncadd.s32 $0xFFFFE000  }
0x37c: {  	[spmem:s9] =	stream.indirect.scatter.add.f32 [tilespmem:s6], [sflag:$0x5], $0x40, s20, s4, $0xb8;
	[tilespmem:$0x16600] =	vst v63  }
0x37d: {  	_ =	swait.ge [sflag:s2], $0x2000  }
0x37e: {  	[sflag:s2] =	ssyncset.done $0x0  }
0x37f: {  	[sflag:s2] =	ssyncadd.s32 $0xFFFFE000  }
0x380: {  	_ =	swait.ge [sflag:s18], $0x4000  }
0x381: {  	[sflag:s18] =	ssyncset.done $0x0  }
0x382: {  	s21 =	simm.s32 $0x600;
	[sflag:s18] =	ssyncadd.s32 $0xFFFFC000  }
0x383: {  	[tilespmem:s5], [sflag:$0x1] =	stream.indirect.gather [hbm4b:s13+s4], $0x40, s21, s4, $0xb8;
	[tilespmem:$0x16600] =	vst v63  }
0x384: {  	s22 =	simm.s32 $0x680  }
0x385: {  	[tilespmem:s6], [sflag:$0x1] =	stream.indirect.gather [hbm4b:s13+s4], $0x40, s22, s4, $0xb8;
	[tilespmem:$0x16600] =	vst v63  }
0x386: {  	s3 =	simm.s32 $0xD00  }
0x387: {  	[spmem:s9] =	stream.indirect.scatter.add.f32 [tilespmem:s10], [sflag:$0x5], $0x40, s3, s4, $0xb8;
	[tilespmem:$0x16600] =	vst v63  }
0x388: {  	_ =	swait.ge [sflag:s2], $0x2000  }
0x389: {  	[sflag:s2] =	ssyncset.done $0x0  }
0x38a: {  	s23 =	simm.s32 $0xD80;
	[sflag:s2] =	ssyncadd.s32 $0xFFFFE000  }
0x38b: {  	[spmem:s9] =	stream.indirect.scatter.add.f32 [tilespmem:s12], [sflag:$0x5], $0x40, s23, s4, $0xb8;
	[tilespmem:$0x16600] =	vst v63  }
0x38c: {  	_ =	swait.ge [sflag:s2], $0x2000  }
0x38d: {  	[sflag:s2] =	ssyncset.done $0x0  }
0x38e: {  	[sflag:s2] =	ssyncadd.s32 $0xFFFFE000  }
0x38f: {  	_ =	swait.ge [sflag:s7], $0x4000  }
0x390: {  	[sflag:s7] =	ssyncset.done $0x0  }
0x391: {  	s25 =	simm.s32 $0x700;
	[sflag:s7] =	ssyncadd.s32 $0xFFFFC000  }
0x392: {  	[tilespmem:s10], [sflag:$0x2] =	stream.indirect.gather [hbm4b:s13+s4], $0x40, s25, s4, $0xb8;
	[tilespmem:$0x16600] =	vst v63  }
0x393: {  	s20 =	simm.s32 $0x780  }
0x394: {  	[tilespmem:s12], [sflag:$0x2] =	stream.indirect.gather [hbm4b:s13+s4], $0x40, s20, s4, $0xb8;
	[tilespmem:$0x16600] =	vst v63  }
0x395: {  	s21 =	simm.s32 $0xE00  }
0x396: {  	[spmem:s9] =	stream.indirect.scatter.add.f32 [tilespmem:s5], [sflag:$0x5], $0x40, s21, s4, $0xb8;
	[tilespmem:$0x16600] =	vst v63  }
0x397: {  	_ =	swait.ge [sflag:s2], $0x2000  }
0x398: {  	[sflag:s2] =	ssyncset.done $0x0  }
0x399: {  	s22 =	simm.s32 $0xE80;
	[sflag:s2] =	ssyncadd.s32 $0xFFFFE000  }
0x39a: {  	[spmem:s9] =	stream.indirect.scatter.add.f32 [tilespmem:s6], [sflag:$0x5], $0x40, s22, s4, $0xb8;
	[tilespmem:$0x16600] =	vst v63  }
0x39b: {  	_ =	swait.ge [sflag:s2], $0x2000  }
0x39c: {  	[sflag:s2] =	ssyncset.done $0x0  }
0x39d: {  	[sflag:s2] =	ssyncadd.s32 $0xFFFFE000  }
0x39e: {  	_ =	swait.ge [sflag:s18], $0x4000  }
0x39f: {  	[sflag:s18] =	ssyncset.done $0x0  }
0x3a0: {  	[sflag:s18] =	ssyncadd.s32 $0xFFFFC000  }
0x3a1: {  	[tilespmem:s5], [sflag:$0x1] =	stream.indirect.gather [hbm4b:s13+s4], $0x40, s24, s4, $0xb8;
	[tilespmem:$0x16600] =	vst v63  }
0x3a2: {  	_ = 	snop  }
0x3a3: {  	[tilespmem:s6], [sflag:$0x1] =	stream.indirect.gather [hbm4b:s13+s4], $0x40, s4, s4, $0xb8;
	[tilespmem:$0x16600] =	vst v63  }
0x3a4: {  	s23 =	simm.s32 $0xF00  }
0x3a5: {  	[spmem:s9] =	stream.indirect.scatter.add.f32 [tilespmem:s10], [sflag:$0x5], $0x40, s23, s4, $0xb8;
	[tilespmem:$0x16600] =	vst v63  }
0x3a6: {  	_ =	swait.ge [sflag:s2], $0x2000  }
0x3a7: {  	[sflag:s2] =	ssyncset.done $0x0  }
0x3a8: {  	s25 =	simm.s32 $0xF80;
	[sflag:s2] =	ssyncadd.s32 $0xFFFFE000  }
0x3a9: {  	[spmem:s9] =	stream.indirect.scatter.add.f32 [tilespmem:s12], [sflag:$0x5], $0x40, s25, s4, $0xb8;
	[tilespmem:$0x16600] =	vst v63  }
0x3aa: {  	_ =	swait.ge [sflag:s2], $0x2000  }
0x3ab: {  	[sflag:s2] =	ssyncset.done $0x0  }
0x3ac: {  	[sflag:s2] =	ssyncadd.s32 $0xFFFFE000  }
0x3ad: {  	_ =	swait.ge [sflag:s7], $0x4000  }
0x3ae: {  	s8 =	sld [smem:$0x7E0]  }
0x3af: {  	s20 =	sld [smem:$0x7DA]  }
0x3b0: {  	[sflag:s7] =	ssyncset.done $0x0  }
0x3b1: {  	[sflag:s7] =	ssyncadd.s32 $0xFFFFC000  }
0x3b2: {  	[hbm:s8], [sflag:s19] =	dma.local [spmem:s20], $0x400  }
0x3b3: {  	s21 =	sld [smem:$0x7E1]  }
0x3b4: {  	s8 =	sld [smem:$0x7DB];
	_ =	sdelay $0x2  }
0x3b5: {  	[hbm:s21], [sflag:s19] =	dma.local [spmem:s8], $0x400  }
0x3b6: {  	s21 =	sld [smem:$0x7E2]  }
0x3b7: {  	s23 =	sld [smem:$0x7DC];
	_ =	sdelay $0x2  }
0x3b8: {  	[hbm:s21], [sflag:s19] =	dma.local [spmem:s23], $0x400  }
0x3b9: {  	s21 =	rddreg [dreg:$0xf]  }
0x3ba: {  	[tilespmem:s24], [sflag:$0x5] =	stream.linear.gather [hbm4b:s21+s24], $0x800, $0x38;
	[tilespmem:$0x16600] =	vst v63  }
0x3bb: {  	_ =	swait.ge [sflag:s2], $0x800  }
0x3bc: {  	[sflag:s2] =	ssyncset.done $0x0  }
0x3bd: {  	s25 =	simm.s32 $0x800;
	s22 =	rddreg [dreg:$0x10];
	[sflag:s2] =	ssyncadd.s32 $0xFFFFF800  }
0x3be: {  	[tilespmem:s25], [sflag:$0x5] =	stream.linear.gather [hbm4b:s22+s24], $0x800, $0x38;
	[tilespmem:$0x16600] =	vst v63  }
0x3bf: {  	_ =	swait.ge [sflag:s2], $0x800  }
0x3c0: {  	[sflag:s2] =	ssyncset.done $0x0  }
0x3c1: {  	[sflag:s2] =	ssyncadd.s32 $0xFFFFF800  }
0x3c2: {  	_ =	swait.ge [sflag:s30], $0x400  }
0x3c3: {  	[sflag:s30] =	ssyncset.done $0x0  }
0x3c4: {  	[sflag:s30] =	ssyncadd.s32 $0xFFFFFC00  }
0x3c5: {  	_ =	swait.ge [sflag:s30], $0x400  }
0x3c6: {  	[sflag:s30] =	ssyncset.done $0x0  }
0x3c7: {  	[sflag:s30] =	ssyncadd.s32 $0xFFFFFC00  }
0x3c8: {  	_ =	swait.ge [sflag:s30], $0x400  }
0x3c9: {  	[sflag:s30] =	ssyncset.done $0x0  }
0x3ca: {  	[sflag:s30] =	ssyncadd.s32 $0xFFFFFC00  }
0x3cb: {  	[spmem:s17] =	stream.linear.scatter [tilespmem:s1], [sflag:$0x5], $0x1000, $0x38;
	[tilespmem:$0x16600] =	vst v63  }
0x3cc: {  	_ =	swait.ge [sflag:s2], $0x1000  }
0x3cd: {  	[sflag:s2] =	ssyncset.done $0x0  }
0x3ce: {  	[sflag:s2] =	ssyncadd.s32 $0xFFFFF000  }
0x3cf: {  	[spmem:s14] =	stream.linear.scatter [tilespmem:s1], [sflag:$0x5], $0x1000, $0x38;
	[tilespmem:$0x16600] =	vst v63  }
0x3d0: {  	_ =	swait.ge [sflag:s2], $0x1000  }
0x3d1: {  	s17 =	sld [smem:$0x7F5]  }
0x3d2: {  	[sflag:s2] =	ssyncset.done $0x0  }
0x3d3: {  	[sflag:s2] =	ssyncadd.s32 $0xFFFFF000  }
0x3d4: {  	[spmem:s17] =	stream.linear.scatter [tilespmem:s1], [sflag:$0x5], $0x1000, $0x38;
	[tilespmem:$0x16600] =	vst v63  }
0x3d5: {  	_ =	swait.ge [sflag:s2], $0x1000  }
0x3d6: {  	[sflag:s2] =	ssyncset.done $0x0  }
0x3d7: {  	[sflag:s2] =	ssyncadd.s32 $0xFFFFF000  }
0x3d8: {  	[spmem:s26] =	stream.linear.scatter [tilespmem:s1], [sflag:$0x5], $0x1000, $0x38;
	[tilespmem:$0x16600] =	vst v63  }
0x3d9: {  	_ =	swait.ge [sflag:s2], $0x1000  }
0x3da: {  	s22 =	sld [smem:$0x7F6]  }
0x3db: {  	[sflag:s2] =	ssyncset.done $0x0  }
0x3dc: {  	[sflag:s2] =	ssyncadd.s32 $0xFFFFF000  }
0x3dd: {  	[spmem:s22] =	stream.linear.scatter [tilespmem:s1], [sflag:$0x5], $0x1000, $0x38;
	[tilespmem:$0x16600] =	vst v63  }
0x3de: {  	_ =	swait.ge [sflag:s2], $0x1000  }
0x3df: {  	[sflag:s2] =	ssyncset.done $0x0  }
0x3e0: {  	[sflag:s2] =	ssyncadd.s32 $0xFFFFF000  }
0x3e1: {  	[spmem:s28] =	stream.linear.scatter [tilespmem:s1], [sflag:$0x5], $0x1000, $0x38;
	[tilespmem:$0x16600] =	vst v63  }
0x3e2: {  	_ =	swait.ge [sflag:s2], $0x1000  }
0x3e3: {  	[sflag:s2] =	ssyncset.done $0x0  }
0x3e4: {  	[sflag:s2] =	ssyncadd.s32 $0xFFFFF000  }
0x3e5: {  	[tilespmem:s5], [sflag:$0x1] =	stream.indirect.gather [hbm4b:s13+s4], $0x40, s24, s4, $0xb8;
	[tilespmem:$0x16600] =	vst v63  }
0x3e6: {  	_ = 	snop  }
0x3e7: {  	[tilespmem:s6], [sflag:$0x1] =	stream.indirect.gather [hbm4b:s13+s4], $0x40, s4, s4, $0xb8;
	[tilespmem:$0x16600] =	vst v63  }
0x3e8: {  	_ =	swait.ge [sflag:s7], $0x4000  }
0x3e9: {  	[sflag:s7] =	ssyncset.done $0x0  }
0x3ea: {  	s26 =	simm.s32 $0x100;
	[sflag:s7] =	ssyncadd.s32 $0xFFFFC000  }
0x3eb: {  	[tilespmem:s10], [sflag:$0x2] =	stream.indirect.gather [hbm4b:s13+s4], $0x40, s26, s4, $0xb8;
	[tilespmem:$0x16600] =	vst v63  }
0x3ec: {  	s28 =	simm.s32 $0x180  }
0x3ed: {  	[tilespmem:s12], [sflag:$0x2] =	stream.indirect.gather [hbm4b:s13+s4], $0x40, s28, s4, $0xb8;
	[tilespmem:$0x16600] =	vst v63  }
0x3ee: {  	_ = 	snop  }
0x3ef: {  	[spmem:s9] =	stream.indirect.scatter.add.f32 [tilespmem:s5], [sflag:$0x5], $0x40, s25, s4, $0xb8;
	[tilespmem:$0x16600] =	vst v63  }
0x3f0: {  	_ =	swait.ge [sflag:s2], $0x2000  }
0x3f1: {  	[sflag:s2] =	ssyncset.done $0x0  }
0x3f2: {  	s21 =	simm.s32 $0x880;
	[sflag:s2] =	ssyncadd.s32 $0xFFFFE000  }
0x3f3: {  	[spmem:s9] =	stream.indirect.scatter.add.f32 [tilespmem:s6], [sflag:$0x5], $0x40, s21, s4, $0xb8;
	[tilespmem:$0x16600] =	vst v63  }
0x3f4: {  	_ =	swait.ge [sflag:s2], $0x2000  }
0x3f5: {  	[sflag:s2] =	ssyncset.done $0x0  }
0x3f6: {  	[sflag:s2] =	ssyncadd.s32 $0xFFFFE000  }
0x3f7: {  	_ =	swait.ge [sflag:s18], $0x4000  }
0x3f8: {  	[sflag:s18] =	ssyncset.done $0x0  }
0x3f9: {  	s26 =	simm.s32 $0x200;
	[sflag:s18] =	ssyncadd.s32 $0xFFFFC000  }
0x3fa: {  	[tilespmem:s5], [sflag:$0x1] =	stream.indirect.gather [hbm4b:s13+s4], $0x40, s26, s4, $0xb8;
	[tilespmem:$0x16600] =	vst v63  }
0x3fb: {  	s28 =	simm.s32 $0x280  }
0x3fc: {  	[tilespmem:s6], [sflag:$0x1] =	stream.indirect.gather [hbm4b:s13+s4], $0x40, s28, s4, $0xb8;
	[tilespmem:$0x16600] =	vst v63  }
0x3fd: {  	s21 =	simm.s32 $0x900  }
0x3fe: {  	[spmem:s9] =	stream.indirect.scatter.add.f32 [tilespmem:s10], [sflag:$0x5], $0x40, s21, s4, $0xb8;
	[tilespmem:$0x16600] =	vst v63  }
0x3ff: {  	_ =	swait.ge [sflag:s2], $0x2000  }
0x400: {  	[sflag:s2] =	ssyncset.done $0x0  }
0x401: {  	s26 =	simm.s32 $0x980;
	[sflag:s2] =	ssyncadd.s32 $0xFFFFE000  }
0x402: {  	[spmem:s9] =	stream.indirect.scatter.add.f32 [tilespmem:s12], [sflag:$0x5], $0x40, s26, s4, $0xb8;
	[tilespmem:$0x16600] =	vst v63  }
0x403: {  	_ =	swait.ge [sflag:s2], $0x2000  }
0x404: {  	[sflag:s2] =	ssyncset.done $0x0  }
0x405: {  	[sflag:s2] =	ssyncadd.s32 $0xFFFFE000  }
0x406: {  	_ =	swait.ge [sflag:s7], $0x4000  }
0x407: {  	[sflag:s7] =	ssyncset.done $0x0  }
0x408: {  	s28 =	simm.s32 $0x300;
	[sflag:s7] =	ssyncadd.s32 $0xFFFFC000  }
0x409: {  	[tilespmem:s10], [sflag:$0x2] =	stream.indirect.gather [hbm4b:s13+s4], $0x40, s28, s4, $0xb8;
	[tilespmem:$0x16600] =	vst v63  }
0x40a: {  	s21 =	simm.s32 $0x380  }
0x40b: {  	[tilespmem:s12], [sflag:$0x2] =	stream.indirect.gather [hbm4b:s13+s4], $0x40, s21, s4, $0xb8;
	[tilespmem:$0x16600] =	vst v63  }
0x40c: {  	s26 =	simm.s32 $0xA00  }
0x40d: {  	[spmem:s9] =	stream.indirect.scatter.add.f32 [tilespmem:s5], [sflag:$0x5], $0x40, s26, s4, $0xb8;
	[tilespmem:$0x16600] =	vst v63  }
0x40e: {  	_ =	swait.ge [sflag:s2], $0x2000  }
0x40f: {  	[sflag:s2] =	ssyncset.done $0x0  }
0x410: {  	s28 =	simm.s32 $0xA80;
	[sflag:s2] =	ssyncadd.s32 $0xFFFFE000  }
0x411: {  	[spmem:s9] =	stream.indirect.scatter.add.f32 [tilespmem:s6], [sflag:$0x5], $0x40, s28, s4, $0xb8;
	[tilespmem:$0x16600] =	vst v63  }
0x412: {  	_ =	swait.ge [sflag:s2], $0x2000  }
0x413: {  	[sflag:s2] =	ssyncset.done $0x0  }
0x414: {  	[sflag:s2] =	ssyncadd.s32 $0xFFFFE000  }
0x415: {  	_ =	swait.ge [sflag:s18], $0x4000  }
0x416: {  	[sflag:s18] =	ssyncset.done $0x0  }
0x417: {  	[sflag:s18] =	ssyncadd.s32 $0xFFFFC000  }
0x418: {  	[tilespmem:s5], [sflag:$0x1] =	stream.indirect.gather [hbm4b:s13+s4], $0x40, s31, s4, $0xb8;
	[tilespmem:$0x16600] =	vst v63  }
0x419: {  	s26 =	simm.s32 $0x480  }
0x41a: {  	[tilespmem:s6], [sflag:$0x1] =	stream.indirect.gather [hbm4b:s13+s4], $0x40, s26, s4, $0xb8;
	[tilespmem:$0x16600] =	vst v63  }
0x41b: {  	s21 =	simm.s32 $0xB00  }
0x41c: {  	[spmem:s9] =	stream.indirect.scatter.add.f32 [tilespmem:s10], [sflag:$0x5], $0x40, s21, s4, $0xb8;
	[tilespmem:$0x16600] =	vst v63  }
0x41d: {  	_ =	swait.ge [sflag:s2], $0x2000  }
0x41e: {  	[sflag:s2] =	ssyncset.done $0x0  }
0x41f: {  	s28 =	simm.s32 $0xB80;
	[sflag:s2] =	ssyncadd.s32 $0xFFFFE000  }
0x420: {  	[spmem:s9] =	stream.indirect.scatter.add.f32 [tilespmem:s12], [sflag:$0x5], $0x40, s28, s4, $0xb8;
	[tilespmem:$0x16600] =	vst v63  }
0x421: {  	_ =	swait.ge [sflag:s2], $0x2000  }
0x422: {  	[sflag:s2] =	ssyncset.done $0x0  }
0x423: {  	[sflag:s2] =	ssyncadd.s32 $0xFFFFE000  }
0x424: {  	_ =	swait.ge [sflag:s7], $0x4000  }
0x425: {  	[sflag:s7] =	ssyncset.done $0x0  }
0x426: {  	s28 =	simm.s32 $0x500;
	[sflag:s7] =	ssyncadd.s32 $0xFFFFC000  }
0x427: {  	[tilespmem:s10], [sflag:$0x2] =	stream.indirect.gather [hbm4b:s13+s4], $0x40, s28, s4, $0xb8;
	[tilespmem:$0x16600] =	vst v63  }
0x428: {  	s31 =	simm.s32 $0x580  }
0x429: {  	[tilespmem:s12], [sflag:$0x2] =	stream.indirect.gather [hbm4b:s13+s4], $0x40, s31, s4, $0xb8;
	[tilespmem:$0x16600] =	vst v63  }
0x42a: {  	_ = 	snop  }
0x42b: {  	[spmem:s9] =	stream.indirect.scatter.add.f32 [tilespmem:s5], [sflag:$0x5], $0x40, s11, s4, $0xb8;
	[tilespmem:$0x16600] =	vst v63  }
0x42c: {  	_ =	swait.ge [sflag:s2], $0x2000  }
0x42d: {  	[sflag:s2] =	ssyncset.done $0x0  }
0x42e: {  	s14 =	simm.s32 $0xC80;
	[sflag:s2] =	ssyncadd.s32 $0xFFFFE000  }
0x42f: {  	[spmem:s9] =	stream.indirect.scatter.add.f32 [tilespmem:s6], [sflag:$0x5], $0x40, s14, s4, $0xb8;
	[tilespmem:$0x16600] =	vst v63  }
0x430: {  	_ =	swait.ge [sflag:s2], $0x2000  }
0x431: {  	[sflag:s2] =	ssyncset.done $0x0  }
0x432: {  	[sflag:s2] =	ssyncadd.s32 $0xFFFFE000  }
0x433: {  	_ =	swait.ge [sflag:s18], $0x4000  }
0x434: {  	[sflag:s18] =	ssyncset.done $0x0  }
0x435: {  	s31 =	simm.s32 $0x600;
	[sflag:s18] =	ssyncadd.s32 $0xFFFFC000  }
0x436: {  	[tilespmem:s5], [sflag:$0x1] =	stream.indirect.gather [hbm4b:s13+s4], $0x40, s31, s4, $0xb8;
	[tilespmem:$0x16600] =	vst v63  }
0x437: {  	s21 =	simm.s32 $0x680  }
0x438: {  	[tilespmem:s6], [sflag:$0x1] =	stream.indirect.gather [hbm4b:s13+s4], $0x40, s21, s4, $0xb8;
	[tilespmem:$0x16600] =	vst v63  }
0x439: {  	_ = 	snop  }
0x43a: {  	[spmem:s9] =	stream.indirect.scatter.add.f32 [tilespmem:s10], [sflag:$0x5], $0x40, s3, s4, $0xb8;
	[tilespmem:$0x16600] =	vst v63  }
0x43b: {  	_ =	swait.ge [sflag:s2], $0x2000  }
0x43c: {  	[sflag:s2] =	ssyncset.done $0x0  }
0x43d: {  	s11 =	simm.s32 $0xD80;
	[sflag:s2] =	ssyncadd.s32 $0xFFFFE000  }
0x43e: {  	[spmem:s9] =	stream.indirect.scatter.add.f32 [tilespmem:s12], [sflag:$0x5], $0x40, s11, s4, $0xb8;
	[tilespmem:$0x16600] =	vst v63  }
0x43f: {  	_ =	swait.ge [sflag:s2], $0x2000  }
0x440: {  	[sflag:s2] =	ssyncset.done $0x0  }
0x441: {  	[sflag:s2] =	ssyncadd.s32 $0xFFFFE000  }
0x442: {  	_ =	swait.ge [sflag:s7], $0x4000  }
0x443: {  	[sflag:s7] =	ssyncset.done $0x0  }
0x444: {  	s14 =	simm.s32 $0x700;
	[sflag:s7] =	ssyncadd.s32 $0xFFFFC000  }
0x445: {  	[tilespmem:s10], [sflag:$0x2] =	stream.indirect.gather [hbm4b:s13+s4], $0x40, s14, s4, $0xb8;
	[tilespmem:$0x16600] =	vst v63  }
0x446: {  	s21 =	simm.s32 $0x780  }
0x447: {  	[tilespmem:s12], [sflag:$0x2] =	stream.indirect.gather [hbm4b:s13+s4], $0x40, s21, s4, $0xb8;
	[tilespmem:$0x16600] =	vst v63  }
0x448: {  	s11 =	simm.s32 $0xE00  }
0x449: {  	[spmem:s9] =	stream.indirect.scatter.add.f32 [tilespmem:s5], [sflag:$0x5], $0x40, s11, s4, $0xb8;
	[tilespmem:$0x16600] =	vst v63  }
0x44a: {  	_ =	swait.ge [sflag:s2], $0x2000  }
0x44b: {  	[sflag:s2] =	ssyncset.done $0x0  }
0x44c: {  	s14 =	simm.s32 $0xE80;
	[sflag:s2] =	ssyncadd.s32 $0xFFFFE000  }
0x44d: {  	[spmem:s9] =	stream.indirect.scatter.add.f32 [tilespmem:s6], [sflag:$0x5], $0x40, s14, s4, $0xb8;
	[tilespmem:$0x16600] =	vst v63  }
0x44e: {  	_ =	swait.ge [sflag:s2], $0x2000  }
0x44f: {  	[sflag:s2] =	ssyncset.done $0x0  }
0x450: {  	[sflag:s2] =	ssyncadd.s32 $0xFFFFE000  }
0x451: {  	_ =	swait.ge [sflag:s18], $0x4000  }
0x452: {  	[sflag:s18] =	ssyncset.done $0x0  }
0x453: {  	[sflag:s18] =	ssyncadd.s32 $0xFFFFC000  }
0x454: {  	[tilespmem:s5], [sflag:$0x1] =	stream.indirect.gather [hbm4b:s13+s4], $0x40, s24, s4, $0xb8;
	[tilespmem:$0x16600] =	vst v63  }
0x455: {  	_ = 	snop  }
0x456: {  	[tilespmem:s6], [sflag:$0x1] =	stream.indirect.gather [hbm4b:s13+s4], $0x40, s4, s4, $0xb8;
	[tilespmem:$0x16600] =	vst v63  }
0x457: {  	s21 =	simm.s32 $0xF00  }
0x458: {  	[spmem:s9] =	stream.indirect.scatter.add.f32 [tilespmem:s10], [sflag:$0x5], $0x40, s21, s4, $0xb8;
	[tilespmem:$0x16600] =	vst v63  }
0x459: {  	_ =	swait.ge [sflag:s2], $0x2000  }
0x45a: {  	[sflag:s2] =	ssyncset.done $0x0  }
0x45b: {  	s11 =	simm.s32 $0xF80;
	[sflag:s2] =	ssyncadd.s32 $0xFFFFE000  }
0x45c: {  	[spmem:s9] =	stream.indirect.scatter.add.f32 [tilespmem:s12], [sflag:$0x5], $0x40, s11, s4, $0xb8;
	[tilespmem:$0x16600] =	vst v63  }
0x45d: {  	_ =	swait.ge [sflag:s2], $0x2000  }
0x45e: {  	[sflag:s2] =	ssyncset.done $0x0  }
0x45f: {  	[sflag:s2] =	ssyncadd.s32 $0xFFFFE000  }
0x460: {  	_ =	swait.ge [sflag:s7], $0x4000  }
0x461: {  	s14 =	sld [smem:$0x7E3]  }
0x462: {  	[sflag:s7] =	ssyncset.done $0x0  }
0x463: {  	[sflag:s7] =	ssyncadd.s32 $0xFFFFC000  }
0x464: {  	[hbm:s14], [sflag:s0] =	dma.local [spmem:s15], $0x400  }
0x465: {  	s21 =	sld [smem:$0x7E4];
	_ =	sdelay $0x2  }
0x466: {  	[hbm:s21], [sflag:s0] =	dma.local [spmem:s16], $0x400  }
0x467: {  	s21 =	sld [smem:$0x7E5]  }
0x468: {  	s14 =	sld [smem:$0x7DD];
	_ =	sdelay $0x2  }
0x469: {  	[hbm:s21], [sflag:s0] =	dma.local [spmem:s14], $0x400  }
0x46a: {  	s21 =	rddreg [dreg:$0x11]  }
0x46b: {  	[tilespmem:s24], [sflag:$0x5] =	stream.linear.gather [hbm4b:s21+s24], $0x800, $0x38;
	[tilespmem:$0x16600] =	vst v63  }
0x46c: {  	_ =	swait.ge [sflag:s2], $0x800  }
0x46d: {  	s25 =	simm.s32 $0x800;
	[sflag:s2] =	ssyncset.done $0x0  }
0x46e: {  	s3 =	smov.u32 s15;
	s15 =	rddreg [dreg:$0x12];
	[sflag:s2] =	ssyncadd.s32 $0xFFFFF800  }
0x46f: {  	[tilespmem:s25], [sflag:$0x5] =	stream.linear.gather [hbm4b:s15+s24], $0x800, $0x38;
	[tilespmem:$0x16600] =	vst v63  }
0x470: {  	_ =	swait.ge [sflag:s2], $0x800  }
0x471: {  	[sflag:s2] =	ssyncset.done $0x0  }
0x472: {  	[sflag:s2] =	ssyncadd.s32 $0xFFFFF800  }
0x473: {  	_ =	swait.ge [sflag:s29], $0x400  }
0x474: {  	[sflag:s29] =	ssyncset.done $0x0  }
0x475: {  	[sflag:s29] =	ssyncadd.s32 $0xFFFFFC00  }
0x476: {  	_ =	swait.ge [sflag:s29], $0x400  }
0x477: {  	[sflag:s29] =	ssyncset.done $0x0  }
0x478: {  	[sflag:s29] =	ssyncadd.s32 $0xFFFFFC00  }
0x479: {  	_ =	swait.ge [sflag:s29], $0x400  }
0x47a: {  	s11 =	smov.u32 s16;
	s16 =	sld [smem:$0x7FC]  }
0x47b: {  	[sflag:s29] =	ssyncset.done $0x0  }
0x47c: {  	[sflag:s29] =	ssyncadd.s32 $0xFFFFFC00  }
0x47d: {  	[spmem:s16] =	stream.linear.scatter [tilespmem:s1], [sflag:$0x5], $0x1000, $0x38;
	[tilespmem:$0x16600] =	vst v63  }
0x47e: {  	_ =	swait.ge [sflag:s2], $0x1000  }
0x47f: {  	s21 =	sld [smem:$0x7F7]  }
0x480: {  	[sflag:s2] =	ssyncset.done $0x0  }
0x481: {  	[sflag:s2] =	ssyncadd.s32 $0xFFFFF000  }
0x482: {  	[spmem:s21] =	stream.linear.scatter [tilespmem:s1], [sflag:$0x5], $0x1000, $0x38;
	[tilespmem:$0x16600] =	vst v63  }
0x483: {  	_ =	swait.ge [sflag:s2], $0x1000  }
0x484: {  	s16 =	sld [smem:$0x7F2]  }
0x485: {  	[sflag:s2] =	ssyncset.done $0x0  }
0x486: {  	[sflag:s2] =	ssyncadd.s32 $0xFFFFF000  }
0x487: {  	[spmem:s16] =	stream.linear.scatter [tilespmem:s1], [sflag:$0x5], $0x1000, $0x38;
	[tilespmem:$0x16600] =	vst v63  }
0x488: {  	_ =	swait.ge [sflag:s2], $0x1000  }
0x489: {  	s21 =	sld [smem:$0x7F8]  }
0x48a: {  	[sflag:s2] =	ssyncset.done $0x0  }
0x48b: {  	[sflag:s2] =	ssyncadd.s32 $0xFFFFF000  }
0x48c: {  	[spmem:s21] =	stream.linear.scatter [tilespmem:s1], [sflag:$0x5], $0x1000, $0x38;
	[tilespmem:$0x16600] =	vst v63  }
0x48d: {  	_ =	swait.ge [sflag:s2], $0x1000  }
0x48e: {  	s16 =	sld [smem:$0x7F3]  }
0x48f: {  	[sflag:s2] =	ssyncset.done $0x0  }
0x490: {  	[sflag:s2] =	ssyncadd.s32 $0xFFFFF000  }
0x491: {  	[spmem:s16] =	stream.linear.scatter [tilespmem:s1], [sflag:$0x5], $0x1000, $0x38;
	[tilespmem:$0x16600] =	vst v63  }
0x492: {  	_ =	swait.ge [sflag:s2], $0x1000  }
0x493: {  	s21 =	sld [smem:$0x7F9]  }
0x494: {  	[sflag:s2] =	ssyncset.done $0x0  }
0x495: {  	[sflag:s2] =	ssyncadd.s32 $0xFFFFF000  }
0x496: {  	[spmem:s21] =	stream.linear.scatter [tilespmem:s1], [sflag:$0x5], $0x1000, $0x38;
	[tilespmem:$0x16600] =	vst v63  }
0x497: {  	_ =	swait.ge [sflag:s2], $0x1000  }
0x498: {  	[sflag:s2] =	ssyncset.done $0x0  }
0x499: {  	[sflag:s2] =	ssyncadd.s32 $0xFFFFF000  }
0x49a: {  	[tilespmem:s5], [sflag:$0x1] =	stream.indirect.gather [hbm4b:s13+s4], $0x40, s24, s4, $0xb8;
	[tilespmem:$0x16600] =	vst v63  }
0x49b: {  	_ = 	snop  }
0x49c: {  	[tilespmem:s6], [sflag:$0x1] =	stream.indirect.gather [hbm4b:s13+s4], $0x40, s4, s4, $0xb8;
	[tilespmem:$0x16600] =	vst v63  }
0x49d: {  	_ =	swait.ge [sflag:s7], $0x4000  }
0x49e: {  	[sflag:s7] =	ssyncset.done $0x0  }
0x49f: {  	s16 =	simm.s32 $0x100;
	[sflag:s7] =	ssyncadd.s32 $0xFFFFC000  }
0x4a0: {  	[tilespmem:s10], [sflag:$0x2] =	stream.indirect.gather [hbm4b:s13+s4], $0x40, s16, s4, $0xb8;
	[tilespmem:$0x16600] =	vst v63  }
0x4a1: {  	s21 =	simm.s32 $0x180  }
0x4a2: {  	[tilespmem:s12], [sflag:$0x2] =	stream.indirect.gather [hbm4b:s13+s4], $0x40, s21, s4, $0xb8;
	[tilespmem:$0x16600] =	vst v63  }
0x4a3: {  	_ = 	snop  }
0x4a4: {  	[spmem:s9] =	stream.indirect.scatter.add.f32 [tilespmem:s5], [sflag:$0x5], $0x40, s25, s4, $0xb8;
	[tilespmem:$0x16600] =	vst v63  }
0x4a5: {  	_ =	swait.ge [sflag:s2], $0x2000  }
0x4a6: {  	[sflag:s2] =	ssyncset.done $0x0  }
0x4a7: {  	s16 =	simm.s32 $0x880;
	[sflag:s2] =	ssyncadd.s32 $0xFFFFE000  }
0x4a8: {  	[spmem:s9] =	stream.indirect.scatter.add.f32 [tilespmem:s6], [sflag:$0x5], $0x40, s16, s4, $0xb8;
	[tilespmem:$0x16600] =	vst v63  }
0x4a9: {  	_ =	swait.ge [sflag:s2], $0x2000  }
0x4aa: {  	[sflag:s2] =	ssyncset.done $0x0  }
0x4ab: {  	[sflag:s2] =	ssyncadd.s32 $0xFFFFE000  }
0x4ac: {  	_ =	swait.ge [sflag:s18], $0x4000  }
0x4ad: {  	[sflag:s18] =	ssyncset.done $0x0  }
0x4ae: {  	s21 =	simm.s32 $0x200;
	[sflag:s18] =	ssyncadd.s32 $0xFFFFC000  }
0x4af: {  	[tilespmem:s5], [sflag:$0x1] =	stream.indirect.gather [hbm4b:s13+s4], $0x40, s21, s4, $0xb8;
	[tilespmem:$0x16600] =	vst v63  }
0x4b0: {  	s25 =	simm.s32 $0x280  }
0x4b1: {  	[tilespmem:s6], [sflag:$0x1] =	stream.indirect.gather [hbm4b:s13+s4], $0x40, s25, s4, $0xb8;
	[tilespmem:$0x16600] =	vst v63  }
0x4b2: {  	s16 =	simm.s32 $0x900  }
0x4b3: {  	[spmem:s9] =	stream.indirect.scatter.add.f32 [tilespmem:s10], [sflag:$0x5], $0x40, s16, s4, $0xb8;
	[tilespmem:$0x16600] =	vst v63  }
0x4b4: {  	_ =	swait.ge [sflag:s2], $0x2000  }
0x4b5: {  	[sflag:s2] =	ssyncset.done $0x0  }
0x4b6: {  	s21 =	simm.s32 $0x980;
	[sflag:s2] =	ssyncadd.s32 $0xFFFFE000  }
0x4b7: {  	[spmem:s9] =	stream.indirect.scatter.add.f32 [tilespmem:s12], [sflag:$0x5], $0x40, s21, s4, $0xb8;
	[tilespmem:$0x16600] =	vst v63  }
0x4b8: {  	_ =	swait.ge [sflag:s2], $0x2000  }
0x4b9: {  	[sflag:s2] =	ssyncset.done $0x0  }
0x4ba: {  	[sflag:s2] =	ssyncadd.s32 $0xFFFFE000  }
0x4bb: {  	_ =	swait.ge [sflag:s7], $0x4000  }
0x4bc: {  	[sflag:s7] =	ssyncset.done $0x0  }
0x4bd: {  	s25 =	simm.s32 $0x300;
	[sflag:s7] =	ssyncadd.s32 $0xFFFFC000  }
0x4be: {  	[tilespmem:s10], [sflag:$0x2] =	stream.indirect.gather [hbm4b:s13+s4], $0x40, s25, s4, $0xb8;
	[tilespmem:$0x16600] =	vst v63  }
0x4bf: {  	s16 =	simm.s32 $0x380  }
0x4c0: {  	[tilespmem:s12], [sflag:$0x2] =	stream.indirect.gather [hbm4b:s13+s4], $0x40, s16, s4, $0xb8;
	[tilespmem:$0x16600] =	vst v63  }
0x4c1: {  	s21 =	simm.s32 $0xA00  }
0x4c2: {  	[spmem:s9] =	stream.indirect.scatter.add.f32 [tilespmem:s5], [sflag:$0x5], $0x40, s21, s4, $0xb8;
	[tilespmem:$0x16600] =	vst v63  }
0x4c3: {  	_ =	swait.ge [sflag:s2], $0x2000  }
0x4c4: {  	[sflag:s2] =	ssyncset.done $0x0  }
0x4c5: {  	s25 =	simm.s32 $0xA80;
	[sflag:s2] =	ssyncadd.s32 $0xFFFFE000  }
0x4c6: {  	[spmem:s9] =	stream.indirect.scatter.add.f32 [tilespmem:s6], [sflag:$0x5], $0x40, s25, s4, $0xb8;
	[tilespmem:$0x16600] =	vst v63  }
0x4c7: {  	_ =	swait.ge [sflag:s2], $0x2000  }
0x4c8: {  	[sflag:s2] =	ssyncset.done $0x0  }
0x4c9: {  	[sflag:s2] =	ssyncadd.s32 $0xFFFFE000  }
0x4ca: {  	_ =	swait.ge [sflag:s18], $0x4000  }
0x4cb: {  	[sflag:s18] =	ssyncset.done $0x0  }
0x4cc: {  	s25 =	simm.s32 $0x400;
	[sflag:s18] =	ssyncadd.s32 $0xFFFFC000  }
0x4cd: {  	[tilespmem:s5], [sflag:$0x1] =	stream.indirect.gather [hbm4b:s13+s4], $0x40, s25, s4, $0xb8;
	[tilespmem:$0x16600] =	vst v63  }
0x4ce: {  	_ = 	snop  }
0x4cf: {  	[tilespmem:s6], [sflag:$0x1] =	stream.indirect.gather [hbm4b:s13+s4], $0x40, s26, s4, $0xb8;
	[tilespmem:$0x16600] =	vst v63  }
0x4d0: {  	s26 =	simm.s32 $0xB00  }
0x4d1: {  	[spmem:s9] =	stream.indirect.scatter.add.f32 [tilespmem:s10], [sflag:$0x5], $0x40, s26, s4, $0xb8;
	[tilespmem:$0x16600] =	vst v63  }
0x4d2: {  	_ =	swait.ge [sflag:s2], $0x2000  }
0x4d3: {  	[sflag:s2] =	ssyncset.done $0x0  }
0x4d4: {  	s15 =	simm.s32 $0xB80;
	[sflag:s2] =	ssyncadd.s32 $0xFFFFE000  }
0x4d5: {  	[spmem:s9] =	stream.indirect.scatter.add.f32 [tilespmem:s12], [sflag:$0x5], $0x40, s15, s4, $0xb8;
	[tilespmem:$0x16600] =	vst v63  }
0x4d6: {  	_ =	swait.ge [sflag:s2], $0x2000  }
0x4d7: {  	[sflag:s2] =	ssyncset.done $0x0  }
0x4d8: {  	[sflag:s2] =	ssyncadd.s32 $0xFFFFE000  }
0x4d9: {  	_ =	swait.ge [sflag:s7], $0x4000  }
0x4da: {  	[sflag:s7] =	ssyncset.done $0x0  }
0x4db: {  	[sflag:s7] =	ssyncadd.s32 $0xFFFFC000  }
0x4dc: {  	[tilespmem:s10], [sflag:$0x2] =	stream.indirect.gather [hbm4b:s13+s4], $0x40, s28, s4, $0xb8;
	[tilespmem:$0x16600] =	vst v63  }
0x4dd: {  	s16 =	simm.s32 $0x580  }
0x4de: {  	[tilespmem:s12], [sflag:$0x2] =	stream.indirect.gather [hbm4b:s13+s4], $0x40, s16, s4, $0xb8;
	[tilespmem:$0x16600] =	vst v63  }
0x4df: {  	s15 =	simm.s32 $0xC00  }
0x4e0: {  	[spmem:s9] =	stream.indirect.scatter.add.f32 [tilespmem:s5], [sflag:$0x5], $0x40, s15, s4, $0xb8;
	[tilespmem:$0x16600] =	vst v63  }
0x4e1: {  	_ =	swait.ge [sflag:s2], $0x2000  }
0x4e2: {  	[sflag:s2] =	ssyncset.done $0x0  }
0x4e3: {  	s16 =	simm.s32 $0xC80;
	[sflag:s2] =	ssyncadd.s32 $0xFFFFE000  }
0x4e4: {  	[spmem:s9] =	stream.indirect.scatter.add.f32 [tilespmem:s6], [sflag:$0x5], $0x40, s16, s4, $0xb8;
	[tilespmem:$0x16600] =	vst v63  }
0x4e5: {  	_ =	swait.ge [sflag:s2], $0x2000  }
0x4e6: {  	[sflag:s2] =	ssyncset.done $0x0  }
0x4e7: {  	[sflag:s2] =	ssyncadd.s32 $0xFFFFE000  }
0x4e8: {  	_ =	swait.ge [sflag:s18], $0x4000  }
0x4e9: {  	[sflag:s18] =	ssyncset.done $0x0  }
0x4ea: {  	[sflag:s18] =	ssyncadd.s32 $0xFFFFC000  }
0x4eb: {  	[tilespmem:s5], [sflag:$0x1] =	stream.indirect.gather [hbm4b:s13+s4], $0x40, s31, s4, $0xb8;
	[tilespmem:$0x16600] =	vst v63  }
0x4ec: {  	s26 =	simm.s32 $0x680  }
0x4ed: {  	[tilespmem:s6], [sflag:$0x1] =	stream.indirect.gather [hbm4b:s13+s4], $0x40, s26, s4, $0xb8;
	[tilespmem:$0x16600] =	vst v63  }
0x4ee: {  	s28 =	simm.s32 $0xD00  }
0x4ef: {  	[spmem:s9] =	stream.indirect.scatter.add.f32 [tilespmem:s10], [sflag:$0x5], $0x40, s28, s4, $0xb8;
	[tilespmem:$0x16600] =	vst v63  }
0x4f0: {  	_ =	swait.ge [sflag:s2], $0x2000  }
0x4f1: {  	[sflag:s2] =	ssyncset.done $0x0  }
0x4f2: {  	s31 =	simm.s32 $0xD80;
	[sflag:s2] =	ssyncadd.s32 $0xFFFFE000  }
0x4f3: {  	[spmem:s9] =	stream.indirect.scatter.add.f32 [tilespmem:s12], [sflag:$0x5], $0x40, s31, s4, $0xb8;
	[tilespmem:$0x16600] =	vst v63  }
0x4f4: {  	_ =	swait.ge [sflag:s2], $0x2000  }
0x4f5: {  	[sflag:s2] =	ssyncset.done $0x0  }
0x4f6: {  	[sflag:s2] =	ssyncadd.s32 $0xFFFFE000  }
0x4f7: {  	_ =	swait.ge [sflag:s7], $0x4000  }
0x4f8: {  	[sflag:s7] =	ssyncset.done $0x0  }
0x4f9: {  	s26 =	simm.s32 $0x700;
	[sflag:s7] =	ssyncadd.s32 $0xFFFFC000  }
0x4fa: {  	[tilespmem:s10], [sflag:$0x2] =	stream.indirect.gather [hbm4b:s13+s4], $0x40, s26, s4, $0xb8;
	[tilespmem:$0x16600] =	vst v63  }
0x4fb: {  	s31 =	simm.s32 $0x780  }
0x4fc: {  	[tilespmem:s12], [sflag:$0x2] =	stream.indirect.gather [hbm4b:s13+s4], $0x40, s31, s4, $0xb8;
	[tilespmem:$0x16600] =	vst v63  }
0x4fd: {  	s31 =	simm.s32 $0xE00  }
0x4fe: {  	[spmem:s9] =	stream.indirect.scatter.add.f32 [tilespmem:s5], [sflag:$0x5], $0x40, s31, s4, $0xb8;
	[tilespmem:$0x16600] =	vst v63  }
0x4ff: {  	_ =	swait.ge [sflag:s2], $0x2000  }
0x500: {  	[sflag:s2] =	ssyncset.done $0x0  }
0x501: {  	s21 =	simm.s32 $0xE80;
	[sflag:s2] =	ssyncadd.s32 $0xFFFFE000  }
0x502: {  	[spmem:s9] =	stream.indirect.scatter.add.f32 [tilespmem:s6], [sflag:$0x5], $0x40, s21, s4, $0xb8;
	[tilespmem:$0x16600] =	vst v63  }
0x503: {  	_ =	swait.ge [sflag:s2], $0x2000  }
0x504: {  	[sflag:s2] =	ssyncset.done $0x0  }
0x505: {  	[sflag:s2] =	ssyncadd.s32 $0xFFFFE000  }
0x506: {  	_ =	swait.ge [sflag:s18], $0x4000  }
0x507: {  	[sflag:s18] =	ssyncset.done $0x0  }
0x508: {  	[sflag:s18] =	ssyncadd.s32 $0xFFFFC000  }
0x509: {  	[tilespmem:s5], [sflag:$0x1] =	stream.indirect.gather [hbm4b:s13+s4], $0x40, s24, s4, $0xb8;
	[tilespmem:$0x16600] =	vst v63  }
0x50a: {  	_ = 	snop  }
0x50b: {  	[tilespmem:s6], [sflag:$0x1] =	stream.indirect.gather [hbm4b:s13+s4], $0x40, s4, s4, $0xb8;
	[tilespmem:$0x16600] =	vst v63  }
0x50c: {  	s21 =	simm.s32 $0xF00  }
0x50d: {  	[spmem:s9] =	stream.indirect.scatter.add.f32 [tilespmem:s10], [sflag:$0x5], $0x40, s21, s4, $0xb8;
	[tilespmem:$0x16600] =	vst v63  }
0x50e: {  	_ =	swait.ge [sflag:s2], $0x2000  }
0x50f: {  	[sflag:s2] =	ssyncset.done $0x0  }
0x510: {  	s21 =	simm.s32 $0xF80;
	[sflag:s2] =	ssyncadd.s32 $0xFFFFE000  }
0x511: {  	[spmem:s9] =	stream.indirect.scatter.add.f32 [tilespmem:s12], [sflag:$0x5], $0x40, s21, s4, $0xb8;
	[tilespmem:$0x16600] =	vst v63  }
0x512: {  	_ =	swait.ge [sflag:s2], $0x2000  }
0x513: {  	[sflag:s2] =	ssyncset.done $0x0  }
0x514: {  	[sflag:s2] =	ssyncadd.s32 $0xFFFFE000  }
0x515: {  	_ =	swait.ge [sflag:s7], $0x4000  }
0x516: {  	s21 =	sld [smem:$0x7E6]  }
0x517: {  	[sflag:s7] =	ssyncset.done $0x0  }
0x518: {  	[sflag:s7] =	ssyncadd.s32 $0xFFFFC000  }
0x519: {  	[hbm:s21], [sflag:s19] =	dma.local [spmem:s20], $0x400  }
0x51a: {  	s20 =	sld [smem:$0x7E7];
	_ =	sdelay $0x2  }
0x51b: {  	[hbm:s20], [sflag:s19] =	dma.local [spmem:s8], $0x400  }
0x51c: {  	s20 =	sld [smem:$0x7E8];
	_ =	sdelay $0x2  }
0x51d: {  	[hbm:s20], [sflag:s19] =	dma.local [spmem:s23], $0x400  }
0x51e: {  	s19 =	rddreg [dreg:$0x13]  }
0x51f: {  	[tilespmem:s24], [sflag:$0x5] =	stream.linear.gather [hbm4b:s19+s24], $0x800, $0x38;
	[tilespmem:$0x16600] =	vst v63  }
0x520: {  	_ =	swait.ge [sflag:s2], $0x800  }
0x521: {  	[sflag:s2] =	ssyncset.done $0x0  }
0x522: {  	s8 =	simm.s32 $0x800;
	s21 =	rddreg [dreg:$0x14];
	[sflag:s2] =	ssyncadd.s32 $0xFFFFF800  }
0x523: {  	[tilespmem:s8], [sflag:$0x5] =	stream.linear.gather [hbm4b:s21+s24], $0x800, $0x38;
	[tilespmem:$0x16600] =	vst v63  }
0x524: {  	_ =	swait.ge [sflag:s2], $0x800  }
0x525: {  	[sflag:s2] =	ssyncset.done $0x0  }
0x526: {  	[sflag:s2] =	ssyncadd.s32 $0xFFFFF800  }
0x527: {  	_ =	swait.ge [sflag:s30], $0x400  }
0x528: {  	[sflag:s30] =	ssyncset.done $0x0  }
0x529: {  	[sflag:s30] =	ssyncadd.s32 $0xFFFFFC00  }
0x52a: {  	_ =	swait.ge [sflag:s30], $0x400  }
0x52b: {  	[sflag:s30] =	ssyncset.done $0x0  }
0x52c: {  	[sflag:s30] =	ssyncadd.s32 $0xFFFFFC00  }
0x52d: {  	_ =	swait.ge [sflag:s30], $0x400  }
0x52e: {  	s23 =	sld [smem:$0x7F4]  }
0x52f: {  	[sflag:s30] =	ssyncset.done $0x0  }
0x530: {  	[sflag:s30] =	ssyncadd.s32 $0xFFFFFC00  }
0x531: {  	[spmem:s23] =	stream.linear.scatter [tilespmem:s1], [sflag:$0x5], $0x1000, $0x38;
	[tilespmem:$0x16600] =	vst v63  }
0x532: {  	_ =	swait.ge [sflag:s2], $0x1000  }
0x533: {  	s20 =	sld [smem:$0x7FA]  }
0x534: {  	[sflag:s2] =	ssyncset.done $0x0  }
0x535: {  	[sflag:s2] =	ssyncadd.s32 $0xFFFFF000  }
0x536: {  	[spmem:s20] =	stream.linear.scatter [tilespmem:s1], [sflag:$0x5], $0x1000, $0x38;
	[tilespmem:$0x16600] =	vst v63  }
0x537: {  	_ =	swait.ge [sflag:s2], $0x1000  }
0x538: {  	[sflag:s2] =	ssyncset.done $0x0  }
0x539: {  	[sflag:s2] =	ssyncadd.s32 $0xFFFFF000  }
0x53a: {  	[spmem:s17] =	stream.linear.scatter [tilespmem:s1], [sflag:$0x5], $0x1000, $0x38;
	[tilespmem:$0x16600] =	vst v63  }
0x53b: {  	_ =	swait.ge [sflag:s2], $0x1000  }
0x53c: {  	s21 =	sld [smem:$0x7FB]  }
0x53d: {  	[sflag:s2] =	ssyncset.done $0x0  }
0x53e: {  	[sflag:s2] =	ssyncadd.s32 $0xFFFFF000  }
0x53f: {  	[spmem:s21] =	stream.linear.scatter [tilespmem:s1], [sflag:$0x5], $0x1000, $0x38;
	[tilespmem:$0x16600] =	vst v63  }
0x540: {  	_ =	swait.ge [sflag:s2], $0x1000  }
0x541: {  	[sflag:s2] =	ssyncset.done $0x0  }
0x542: {  	[sflag:s2] =	ssyncadd.s32 $0xFFFFF000  }
0x543: {  	[spmem:s22] =	stream.linear.scatter [tilespmem:s1], [sflag:$0x5], $0x1000, $0x38;
	[tilespmem:$0x16600] =	vst v63  }
0x544: {  	_ =	swait.ge [sflag:s2], $0x1000  }
0x545: {  	s23 =	sld [smem:$0x7FD]  }
0x546: {  	[sflag:s2] =	ssyncset.done $0x0  }
0x547: {  	[sflag:s2] =	ssyncadd.s32 $0xFFFFF000  }
0x548: {  	[spmem:s23] =	stream.linear.scatter [tilespmem:s1], [sflag:$0x5], $0x1000, $0x38;
	[tilespmem:$0x16600] =	vst v63  }
0x549: {  	_ =	swait.ge [sflag:s2], $0x1000  }
0x54a: {  	[sflag:s2] =	ssyncset.done $0x0  }
0x54b: {  	[sflag:s2] =	ssyncadd.s32 $0xFFFFF000  }
0x54c: {  	[tilespmem:s5], [sflag:$0x1] =	stream.indirect.gather [hbm4b:s13+s4], $0x40, s24, s4, $0xb8;
	[tilespmem:$0x16600] =	vst v63  }
0x54d: {  	_ = 	snop  }
0x54e: {  	[tilespmem:s6], [sflag:$0x1] =	stream.indirect.gather [hbm4b:s13+s4], $0x40, s4, s4, $0xb8;
	[tilespmem:$0x16600] =	vst v63  }
0x54f: {  	_ =	swait.ge [sflag:s7], $0x4000  }
0x550: {  	[sflag:s7] =	ssyncset.done $0x0  }
0x551: {  	s19 =	simm.s32 $0x100;
	[sflag:s7] =	ssyncadd.s32 $0xFFFFC000  }
0x552: {  	[tilespmem:s10], [sflag:$0x2] =	stream.indirect.gather [hbm4b:s13+s4], $0x40, s19, s4, $0xb8;
	[tilespmem:$0x16600] =	vst v63  }
0x553: {  	s20 =	simm.s32 $0x180  }
0x554: {  	[tilespmem:s12], [sflag:$0x2] =	stream.indirect.gather [hbm4b:s13+s4], $0x40, s20, s4, $0xb8;
	[tilespmem:$0x16600] =	vst v63  }
0x555: {  	_ = 	snop  }
0x556: {  	[spmem:s9] =	stream.indirect.scatter.add.f32 [tilespmem:s5], [sflag:$0x5], $0x40, s8, s4, $0xb8;
	[tilespmem:$0x16600] =	vst v63  }
0x557: {  	_ =	swait.ge [sflag:s2], $0x2000  }
0x558: {  	[sflag:s2] =	ssyncset.done $0x0  }
0x559: {  	s21 =	simm.s32 $0x880;
	[sflag:s2] =	ssyncadd.s32 $0xFFFFE000  }
0x55a: {  	[spmem:s9] =	stream.indirect.scatter.add.f32 [tilespmem:s6], [sflag:$0x5], $0x40, s21, s4, $0xb8;
	[tilespmem:$0x16600] =	vst v63  }
0x55b: {  	_ =	swait.ge [sflag:s2], $0x2000  }
0x55c: {  	[sflag:s2] =	ssyncset.done $0x0  }
0x55d: {  	[sflag:s2] =	ssyncadd.s32 $0xFFFFE000  }
0x55e: {  	_ =	swait.ge [sflag:s18], $0x4000  }
0x55f: {  	[sflag:s18] =	ssyncset.done $0x0  }
0x560: {  	s22 =	simm.s32 $0x200;
	[sflag:s18] =	ssyncadd.s32 $0xFFFFC000  }
0x561: {  	[tilespmem:s5], [sflag:$0x1] =	stream.indirect.gather [hbm4b:s13+s4], $0x40, s22, s4, $0xb8;
	[tilespmem:$0x16600] =	vst v63  }
0x562: {  	s23 =	simm.s32 $0x280  }
0x563: {  	[tilespmem:s6], [sflag:$0x1] =	stream.indirect.gather [hbm4b:s13+s4], $0x40, s23, s4, $0xb8;
	[tilespmem:$0x16600] =	vst v63  }
0x564: {  	s17 =	simm.s32 $0x900  }
0x565: {  	[spmem:s9] =	stream.indirect.scatter.add.f32 [tilespmem:s10], [sflag:$0x5], $0x40, s17, s4, $0xb8;
	[tilespmem:$0x16600] =	vst v63  }
0x566: {  	_ =	swait.ge [sflag:s2], $0x2000  }
0x567: {  	[sflag:s2] =	ssyncset.done $0x0  }
0x568: {  	s19 =	simm.s32 $0x980;
	[sflag:s2] =	ssyncadd.s32 $0xFFFFE000  }
0x569: {  	[spmem:s9] =	stream.indirect.scatter.add.f32 [tilespmem:s12], [sflag:$0x5], $0x40, s19, s4, $0xb8;
	[tilespmem:$0x16600] =	vst v63  }
0x56a: {  	_ =	swait.ge [sflag:s2], $0x2000  }
0x56b: {  	[sflag:s2] =	ssyncset.done $0x0  }
0x56c: {  	[sflag:s2] =	ssyncadd.s32 $0xFFFFE000  }
0x56d: {  	_ =	swait.ge [sflag:s7], $0x4000  }
0x56e: {  	[sflag:s7] =	ssyncset.done $0x0  }
0x56f: {  	s20 =	simm.s32 $0x300;
	[sflag:s7] =	ssyncadd.s32 $0xFFFFC000  }
0x570: {  	[tilespmem:s10], [sflag:$0x2] =	stream.indirect.gather [hbm4b:s13+s4], $0x40, s20, s4, $0xb8;
	[tilespmem:$0x16600] =	vst v63  }
0x571: {  	s21 =	simm.s32 $0x380  }
0x572: {  	[tilespmem:s12], [sflag:$0x2] =	stream.indirect.gather [hbm4b:s13+s4], $0x40, s21, s4, $0xb8;
	[tilespmem:$0x16600] =	vst v63  }
0x573: {  	s22 =	simm.s32 $0xA00  }
0x574: {  	[spmem:s9] =	stream.indirect.scatter.add.f32 [tilespmem:s5], [sflag:$0x5], $0x40, s22, s4, $0xb8;
	[tilespmem:$0x16600] =	vst v63  }
0x575: {  	_ =	swait.ge [sflag:s2], $0x2000  }
0x576: {  	[sflag:s2] =	ssyncset.done $0x0  }
0x577: {  	s23 =	simm.s32 $0xA80;
	[sflag:s2] =	ssyncadd.s32 $0xFFFFE000  }
0x578: {  	[spmem:s9] =	stream.indirect.scatter.add.f32 [tilespmem:s6], [sflag:$0x5], $0x40, s23, s4, $0xb8;
	[tilespmem:$0x16600] =	vst v63  }
0x579: {  	_ =	swait.ge [sflag:s2], $0x2000  }
0x57a: {  	[sflag:s2] =	ssyncset.done $0x0  }
0x57b: {  	[sflag:s2] =	ssyncadd.s32 $0xFFFFE000  }
0x57c: {  	_ =	swait.ge [sflag:s18], $0x4000  }
0x57d: {  	[sflag:s18] =	ssyncset.done $0x0  }
0x57e: {  	[sflag:s18] =	ssyncadd.s32 $0xFFFFC000  }
0x57f: {  	[tilespmem:s5], [sflag:$0x1] =	stream.indirect.gather [hbm4b:s13+s4], $0x40, s25, s4, $0xb8;
	[tilespmem:$0x16600] =	vst v63  }
0x580: {  	s17 =	simm.s32 $0x480  }
0x581: {  	[tilespmem:s6], [sflag:$0x1] =	stream.indirect.gather [hbm4b:s13+s4], $0x40, s17, s4, $0xb8;
	[tilespmem:$0x16600] =	vst v63  }
0x582: {  	s19 =	simm.s32 $0xB00  }
0x583: {  	[spmem:s9] =	stream.indirect.scatter.add.f32 [tilespmem:s10], [sflag:$0x5], $0x40, s19, s4, $0xb8;
	[tilespmem:$0x16600] =	vst v63  }
0x584: {  	_ =	swait.ge [sflag:s2], $0x2000  }
0x585: {  	[sflag:s2] =	ssyncset.done $0x0  }
0x586: {  	s20 =	simm.s32 $0xB80;
	[sflag:s2] =	ssyncadd.s32 $0xFFFFE000  }
0x587: {  	[spmem:s9] =	stream.indirect.scatter.add.f32 [tilespmem:s12], [sflag:$0x5], $0x40, s20, s4, $0xb8;
	[tilespmem:$0x16600] =	vst v63  }
0x588: {  	_ =	swait.ge [sflag:s2], $0x2000  }
0x589: {  	[sflag:s2] =	ssyncset.done $0x0  }
0x58a: {  	[sflag:s2] =	ssyncadd.s32 $0xFFFFE000  }
0x58b: {  	_ =	swait.ge [sflag:s7], $0x4000  }
0x58c: {  	[sflag:s7] =	ssyncset.done $0x0  }
0x58d: {  	s21 =	simm.s32 $0x500;
	[sflag:s7] =	ssyncadd.s32 $0xFFFFC000  }
0x58e: {  	[tilespmem:s10], [sflag:$0x2] =	stream.indirect.gather [hbm4b:s13+s4], $0x40, s21, s4, $0xb8;
	[tilespmem:$0x16600] =	vst v63  }
0x58f: {  	s22 =	simm.s32 $0x580  }
0x590: {  	[tilespmem:s12], [sflag:$0x2] =	stream.indirect.gather [hbm4b:s13+s4], $0x40, s22, s4, $0xb8;
	[tilespmem:$0x16600] =	vst v63  }
0x591: {  	_ = 	snop  }
0x592: {  	[spmem:s9] =	stream.indirect.scatter.add.f32 [tilespmem:s5], [sflag:$0x5], $0x40, s15, s4, $0xb8;
	[tilespmem:$0x16600] =	vst v63  }
0x593: {  	_ =	swait.ge [sflag:s2], $0x2000  }
0x594: {  	[sflag:s2] =	ssyncset.done $0x0  }
0x595: {  	[sflag:s2] =	ssyncadd.s32 $0xFFFFE000  }
0x596: {  	[spmem:s9] =	stream.indirect.scatter.add.f32 [tilespmem:s6], [sflag:$0x5], $0x40, s16, s4, $0xb8;
	[tilespmem:$0x16600] =	vst v63  }
0x597: {  	_ =	swait.ge [sflag:s2], $0x2000  }
0x598: {  	[sflag:s2] =	ssyncset.done $0x0  }
0x599: {  	[sflag:s2] =	ssyncadd.s32 $0xFFFFE000  }
0x59a: {  	_ =	swait.ge [sflag:s18], $0x4000  }
0x59b: {  	[sflag:s18] =	ssyncset.done $0x0  }
0x59c: {  	s23 =	simm.s32 $0x600;
	[sflag:s18] =	ssyncadd.s32 $0xFFFFC000  }
0x59d: {  	[tilespmem:s5], [sflag:$0x1] =	stream.indirect.gather [hbm4b:s13+s4], $0x40, s23, s4, $0xb8;
	[tilespmem:$0x16600] =	vst v63  }
0x59e: {  	s25 =	simm.s32 $0x680  }
0x59f: {  	[tilespmem:s6], [sflag:$0x1] =	stream.indirect.gather [hbm4b:s13+s4], $0x40, s25, s4, $0xb8;
	[tilespmem:$0x16600] =	vst v63  }
0x5a0: {  	s15 =	simm.s32 $0xD00  }
0x5a1: {  	[spmem:s9] =	stream.indirect.scatter.add.f32 [tilespmem:s10], [sflag:$0x5], $0x40, s15, s4, $0xb8;
	[tilespmem:$0x16600] =	vst v63  }
0x5a2: {  	_ =	swait.ge [sflag:s2], $0x2000  }
0x5a3: {  	[sflag:s2] =	ssyncset.done $0x0  }
0x5a4: {  	s28 =	simm.s32 $0xD80;
	[sflag:s2] =	ssyncadd.s32 $0xFFFFE000  }
0x5a5: {  	[spmem:s9] =	stream.indirect.scatter.add.f32 [tilespmem:s12], [sflag:$0x5], $0x40, s28, s4, $0xb8;
	[tilespmem:$0x16600] =	vst v63  }
0x5a6: {  	_ =	swait.ge [sflag:s2], $0x2000  }
0x5a7: {  	[sflag:s2] =	ssyncset.done $0x0  }
0x5a8: {  	[sflag:s2] =	ssyncadd.s32 $0xFFFFE000  }
0x5a9: {  	_ =	swait.ge [sflag:s7], $0x4000  }
0x5aa: {  	[sflag:s7] =	ssyncset.done $0x0  }
0x5ab: {  	s26 =	simm.s32 $0x700;
	[sflag:s7] =	ssyncadd.s32 $0xFFFFC000  }
0x5ac: {  	[tilespmem:s10], [sflag:$0x2] =	stream.indirect.gather [hbm4b:s13+s4], $0x40, s26, s4, $0xb8;
	[tilespmem:$0x16600] =	vst v63  }
0x5ad: {  	s16 =	simm.s32 $0x780  }
0x5ae: {  	[tilespmem:s12], [sflag:$0x2] =	stream.indirect.gather [hbm4b:s13+s4], $0x40, s16, s4, $0xb8;
	[tilespmem:$0x16600] =	vst v63  }
0x5af: {  	s31 =	simm.s32 $0xE00  }
0x5b0: {  	[spmem:s9] =	stream.indirect.scatter.add.f32 [tilespmem:s5], [sflag:$0x5], $0x40, s31, s4, $0xb8;
	[tilespmem:$0x16600] =	vst v63  }
0x5b1: {  	_ =	swait.ge [sflag:s2], $0x2000  }
0x5b2: {  	[sflag:s2] =	ssyncset.done $0x0  }
0x5b3: {  	s17 =	simm.s32 $0xE80;
	[sflag:s2] =	ssyncadd.s32 $0xFFFFE000  }
0x5b4: {  	[spmem:s9] =	stream.indirect.scatter.add.f32 [tilespmem:s6], [sflag:$0x5], $0x40, s17, s4, $0xb8;
	[tilespmem:$0x16600] =	vst v63  }
0x5b5: {  	_ =	swait.ge [sflag:s2], $0x2000  }
0x5b6: {  	[sflag:s2] =	ssyncset.done $0x0  }
0x5b7: {  	[sflag:s2] =	ssyncadd.s32 $0xFFFFE000  }
0x5b8: {  	_ =	swait.ge [sflag:s18], $0x4000  }
0x5b9: {  	[sflag:s18] =	ssyncset.done $0x0  }
0x5ba: {  	[sflag:s18] =	ssyncadd.s32 $0xFFFFC000  }
0x5bb: {  	[tilespmem:s5], [sflag:$0x1] =	stream.indirect.gather [hbm4b:s13+s4], $0x40, s24, s4, $0xb8;
	[tilespmem:$0x16600] =	vst v63  }
0x5bc: {  	_ = 	snop  }
0x5bd: {  	[tilespmem:s6], [sflag:$0x1] =	stream.indirect.gather [hbm4b:s13+s4], $0x40, s4, s4, $0xb8;
	[tilespmem:$0x16600] =	vst v63  }
0x5be: {  	s19 =	simm.s32 $0xF00  }
0x5bf: {  	[spmem:s9] =	stream.indirect.scatter.add.f32 [tilespmem:s10], [sflag:$0x5], $0x40, s19, s4, $0xb8;
	[tilespmem:$0x16600] =	vst v63  }
0x5c0: {  	_ =	swait.ge [sflag:s2], $0x2000  }
0x5c1: {  	[sflag:s2] =	ssyncset.done $0x0  }
0x5c2: {  	s20 =	simm.s32 $0xF80;
	[sflag:s2] =	ssyncadd.s32 $0xFFFFE000  }
0x5c3: {  	[spmem:s9] =	stream.indirect.scatter.add.f32 [tilespmem:s12], [sflag:$0x5], $0x40, s20, s4, $0xb8;
	[tilespmem:$0x16600] =	vst v63  }
0x5c4: {  	_ =	swait.ge [sflag:s2], $0x2000  }
0x5c5: {  	[sflag:s2] =	ssyncset.done $0x0  }
0x5c6: {  	[sflag:s2] =	ssyncadd.s32 $0xFFFFE000  }
0x5c7: {  	_ =	swait.ge [sflag:s7], $0x4000  }
0x5c8: {  	s21 =	sld [smem:$0x7E9]  }
0x5c9: {  	[sflag:s7] =	ssyncset.done $0x0  }
0x5ca: {  	[sflag:s7] =	ssyncadd.s32 $0xFFFFC000  }
0x5cb: {  	[hbm:s21], [sflag:s0] =	dma.local [spmem:s3], $0x400  }
0x5cc: {  	s22 =	sld [smem:$0x7EA];
	_ =	sdelay $0x2  }
0x5cd: {  	[hbm:s22], [sflag:s0] =	dma.local [spmem:s11], $0x400  }
0x5ce: {  	s8 =	sld [smem:$0x7EB];
	_ =	sdelay $0x2  }
0x5cf: {  	[hbm:s8], [sflag:s0] =	dma.local [spmem:s14], $0x400  }
0x5d0: {  	_ =	swait.ge [sflag:s29], $0x400  }
0x5d1: {  	[sflag:s29] =	ssyncset.done $0x0  }
0x5d2: {  	[sflag:s29] =	ssyncadd.s32 $0xFFFFFC00  }
0x5d3: {  	_ =	swait.ge [sflag:s29], $0x400  }
0x5d4: {  	[sflag:s29] =	ssyncset.done $0x0  }
0x5d5: {  	[sflag:s29] =	ssyncadd.s32 $0xFFFFFC00  }
0x5d6: {  	_ =	swait.ge [sflag:s29], $0x400  }
0x5d7: {  	[sflag:s29] =	ssyncset.done $0x0  }
0x5d8: {  	[sflag:s29] =	ssyncadd.s32 $0xFFFFFC00  }
0x5d9: {  	_ =	swait.ge [sflag:s30], $0x400  }
0x5da: {  	[sflag:s30] =	ssyncset.done $0x0  }
0x5db: {  	[sflag:s30] =	ssyncadd.s32 $0xFFFFFC00  }
0x5dc: {  	_ =	swait.ge [sflag:s30], $0x400  }
0x5dd: {  	[sflag:s30] =	ssyncset.done $0x0  }
0x5de: {  	[sflag:s30] =	ssyncadd.s32 $0xFFFFFC00  }
0x5df: {  	_ =	swait.ge [sflag:s30], $0x400  }
0x5e0: {  	s23 =	sld [smem:$0x7EC]  }
0x5e1: {  	[sflag:s30] =	ssyncset.done $0x0  }
0x5e2: {  	s25 =	simm.s32 $0xA000;
	[sflag:s30] =	ssyncadd.s32 $0xFFFFFC00  }
0x5e3: {  	[tilespmem:s25], [sflag:$0x5] =	stream.linear.gather [hbm4b:s23+s24], $0x200, $0x38;
	[tilespmem:$0x16600] =	vst v63  }
0x5e4: {  	_ =	swait.ge [sflag:s2], $0x200  }
0x5e5: {  	[sflag:s2] =	ssyncset.done $0x0  }
0x5e6: {  	[sflag:s2] =	ssyncadd.s32 $0xFFFFFE00  }
0x5e7: {  	v1 =	vld [tilespmem:$0xA000]  }
0x5e8: {  	v2 =	vld [tilespmem:$0xA010]  }
0x5e9: {  	v3 =	vld [tilespmem:$0xA020]  }
0x5ea: {  	v4 =	vld [tilespmem:$0xA030]  }
0x5eb: {  	v5 =	vld [tilespmem:$0xA040]  }
0x5ec: {  	[tilespmem:$0xA200] =	vst v1;
	v1 =	vld [tilespmem:$0xA050]  }
0x5ed: {  	[tilespmem:$0xA210] =	vst v2;
	v2 =	vld [tilespmem:$0xA060]  }
0x5ee: {  	v19 =	vld [tilespmem:$0xA080];
	[tilespmem:$0xA220] =	vst v3  }
0x5ef: {  	v20 =	vld [tilespmem:$0xA090];
	[tilespmem:$0xA230] =	vst v4  }
0x5f0: {  	v3 =	vld [tilespmem:$0xA070];
	[tilespmem:$0xA240] =	vst v5  }
0x5f1: {  	[tilespmem:$0xA250] =	vst v1;
	v1 =	vld [tilespmem:$0xA0A0]  }
0x5f2: {  	[tilespmem:$0xA260] =	vst v2;
	v2 =	vld [tilespmem:$0xA0B0]  }
0x5f3: {  	v21 =	vld [tilespmem:$0xA0D0];
	[tilespmem:$0xA280] =	vst v19  }
0x5f4: {  	v22 =	vld [tilespmem:$0xA0E0];
	[tilespmem:$0xA290] =	vst v20  }
0x5f5: {  	[tilespmem:$0xA270] =	vst v3;
	v3 =	vld [tilespmem:$0xA0C0]  }
0x5f6: {  	[tilespmem:$0xA2A0] =	vst v1;
	v1 =	vld [tilespmem:$0xA0F0]  }
0x5f7: {  	[tilespmem:$0xA2B0] =	vst v2;
	v2 =	vld [tilespmem:$0xA100]  }
0x5f8: {  	v23 =	vld [tilespmem:$0xA120];
	[tilespmem:$0xA2D0] =	vst v21  }
0x5f9: {  	v24 =	vld [tilespmem:$0xA130];
	[tilespmem:$0xA2E0] =	vst v22  }
0x5fa: {  	[tilespmem:$0xA2C0] =	vst v3;
	v3 =	vld [tilespmem:$0xA110]  }
0x5fb: {  	[tilespmem:$0xA2F0] =	vst v1;
	v1 =	vld [tilespmem:$0xA140]  }
0x5fc: {  	[tilespmem:$0xA300] =	vst v2;
	v2 =	vld [tilespmem:$0xA150]  }
0x5fd: {  	v25 =	vld [tilespmem:$0xA170];
	[tilespmem:$0xA320] =	vst v23  }
0x5fe: {  	v26 =	vld [tilespmem:$0xA180];
	[tilespmem:$0xA330] =	vst v24  }
0x5ff: {  	[tilespmem:$0xA310] =	vst v3;
	v3 =	vld [tilespmem:$0xA160]  }
0x600: {  	[tilespmem:$0xA340] =	vst v1;
	v1 =	vld [tilespmem:$0xA190]  }
0x601: {  	[tilespmem:$0xA350] =	vst v2;
	v2 =	vld [tilespmem:$0xA1A0]  }
0x602: {  	v27 =	vld [tilespmem:$0xA1C0];
	[tilespmem:$0xA370] =	vst v25  }
0x603: {  	v28 =	vld [tilespmem:$0xA1D0];
	[tilespmem:$0xA380] =	vst v26  }
0x604: {  	[tilespmem:$0xA360] =	vst v3;
	v3 =	vld [tilespmem:$0xA1B0]  }
0x605: {  	[tilespmem:$0xA390] =	vst v1;
	v1 =	vld [tilespmem:$0xA1E0]  }
0x606: {  	[tilespmem:$0xA3A0] =	vst v2;
	v2 =	vld [tilespmem:$0xA1F0]  }
0x607: {  	[tilespmem:$0xA3C0] =	vst v27  }
0x608: {  	[tilespmem:$0xA3D0] =	vst v28  }
0x609: {  	s31 =	sld [smem:$0x7ED];
	[tilespmem:$0xA3B0] =	vst v3  }
0x60a: {  	[tilespmem:$0xA3E0] =	vst v1  }
0x60b: {  	s28 =	simm.s32 $0xA400;
	s26 =	simm.s32 $0xA200;
	[tilespmem:$0xA3F0] =	vst v2  }
0x60c: {  	[tilespmem:s28], [sflag:$0x1] =	stream.indirect.gather [hbm4b:s31+s4], $0x1, s26, s4, $0xb8;
	[tilespmem:$0x16600] =	vst v63  }
0x60d: {  	_ =	swait.ge [sflag:s7], $0x80  }
0x60e: {  	[sflag:s7] =	ssyncset.done $0x0  }
0x60f: {  	s16 =	simm.s32 $0xA280;
	s17 =	simm.s32 $0xA480;
	[sflag:s7] =	ssyncadd.s32 $0xFFFFFF80  }
0x610: {  	[tilespmem:s17], [sflag:$0x1] =	stream.indirect.gather [hbm4b:s31+s4], $0x1, s16, s4, $0xb8;
	[tilespmem:$0x16600] =	vst v63  }
0x611: {  	_ =	swait.ge [sflag:s7], $0x80  }
0x612: {  	[sflag:s7] =	ssyncset.done $0x0  }
0x613: {  	s19 =	simm.s32 $0xA300;
	s20 =	simm.s32 $0xA500;
	[sflag:s7] =	ssyncadd.s32 $0xFFFFFF80  }
0x614: {  	[tilespmem:s20], [sflag:$0x1] =	stream.indirect.gather [hbm4b:s31+s4], $0x1, s19, s4, $0xb8;
	[tilespmem:$0x16600] =	vst v63  }
0x615: {  	_ =	swait.ge [sflag:s7], $0x80  }
0x616: {  	[sflag:s7] =	ssyncset.done $0x0  }
0x617: {  	s21 =	simm.s32 $0xA380;
	s22 =	simm.s32 $0xA580;
	[sflag:s7] =	ssyncadd.s32 $0xFFFFFF80  }
0x618: {  	[tilespmem:s22], [sflag:$0x1] =	stream.indirect.gather [hbm4b:s31+s4], $0x1, s21, s4, $0xb8;
	[tilespmem:$0x16600] =	vst v63  }
0x619: {  	_ =	swait.ge [sflag:s7], $0x80  }
0x61a: {  	s23 =	sld [smem:$0x7EE]  }
0x61b: {  	[sflag:s7] =	ssyncset.done $0x0  }
0x61c: {  	[sflag:s7] =	ssyncadd.s32 $0xFFFFFF80  }
0x61d: {  	[hbm4b:s23+s24] =	stream.linear.scatter [tilespmem:s28], [sflag:$0x5], $0x200, $0x38;
	[tilespmem:$0x16600] =	vst v63  }
0x61e: {  	_ =	swait.ge [sflag:s2], $0x200  }
0x61f: {  	[sflag:s2] =	ssyncset.done $0x0  }
0x620: {  	[sflag:s2] =	ssyncadd.s32 $0xFFFFFE00  }
0x621: {  	v1 =	vld [tilespmem:$0xA000]  }
0x622: {  	v2 =	vld [tilespmem:$0xA010]  }
0x623: {  	v3 =	vld [tilespmem:$0xA020]  }
0x624: {  	v29 =	vld [tilespmem:$0xA030]  }
0x625: {  	v30 =	vld [tilespmem:$0xA040]  }
0x626: {  	v6 =	vld [tilespmem:$0xA050];
	v1 =	vadd.s32 $0x10000, v1  }
0x627: {  	[tilespmem:$0xA200] =	vst v1;
	v1 =	vadd.s32 $0x10000, v2;
	v2 =	vld [tilespmem:$0xA060]  }
0x628: {  	[tilespmem:$0xA210] =	vst v1;
	v1 =	vadd.s32 $0x10000, v3;
	v3 =	vld [tilespmem:$0xA070]  }
0x629: {  	v31 =	vld [tilespmem:$0xA080];
	[tilespmem:$0xA220] =	vst v1;
	v1 =	vadd.s32 $0x10000, v29  }
0x62a: {  	v32 =	vld [tilespmem:$0xA090];
	[tilespmem:$0xA230] =	vst v1;
	v1 =	vadd.s32 $0x10000, v30  }
0x62b: {  	v33 =	vld [tilespmem:$0xA0A0];
	[tilespmem:$0xA240] =	vst v1;
	v1 =	vadd.s32 $0x10000, v6  }
0x62c: {  	[tilespmem:$0xA250] =	vst v1;
	v1 =	vadd.s32 $0x10000, v2;
	v2 =	vld [tilespmem:$0xA0B0]  }
0x62d: {  	[tilespmem:$0xA260] =	vst v1;
	v1 =	vadd.s32 $0x10000, v3;
	v3 =	vld [tilespmem:$0xA0C0]  }
0x62e: {  	v34 =	vld [tilespmem:$0xA0D0];
	[tilespmem:$0xA270] =	vst v1;
	v1 =	vadd.s32 $0x10000, v31  }
0x62f: {  	v35 =	vld [tilespmem:$0xA0E0];
	[tilespmem:$0xA280] =	vst v1;
	v1 =	vadd.s32 $0x10000, v32  }
0x630: {  	v36 =	vld [tilespmem:$0xA0F0];
	[tilespmem:$0xA290] =	vst v1;
	v1 =	vadd.s32 $0x10000, v33  }
0x631: {  	[tilespmem:$0xA2A0] =	vst v1;
	v1 =	vadd.s32 $0x10000, v2;
	v2 =	vld [tilespmem:$0xA100]  }
0x632: {  	[tilespmem:$0xA2B0] =	vst v1;
	v1 =	vadd.s32 $0x10000, v3;
	v3 =	vld [tilespmem:$0xA110]  }
0x633: {  	v37 =	vld [tilespmem:$0xA120];
	[tilespmem:$0xA2C0] =	vst v1;
	v1 =	vadd.s32 $0x10000, v34  }
0x634: {  	v38 =	vld [tilespmem:$0xA130];
	[tilespmem:$0xA2D0] =	vst v1;
	v1 =	vadd.s32 $0x10000, v35  }
0x635: {  	v39 =	vld [tilespmem:$0xA140];
	[tilespmem:$0xA2E0] =	vst v1;
	v1 =	vadd.s32 $0x10000, v36  }
0x636: {  	[tilespmem:$0xA2F0] =	vst v1;
	v1 =	vadd.s32 $0x10000, v2;
	v2 =	vld [tilespmem:$0xA150]  }
0x637: {  	[tilespmem:$0xA300] =	vst v1;
	v1 =	vadd.s32 $0x10000, v3;
	v3 =	vld [tilespmem:$0xA160]  }
0x638: {  	v40 =	vld [tilespmem:$0xA170];
	[tilespmem:$0xA310] =	vst v1;
	v1 =	vadd.s32 $0x10000, v37  }
0x639: {  	v41 =	vld [tilespmem:$0xA180];
	[tilespmem:$0xA320] =	vst v1;
	v1 =	vadd.s32 $0x10000, v38  }
0x63a: {  	v42 =	vld [tilespmem:$0xA190];
	[tilespmem:$0xA330] =	vst v1;
	v1 =	vadd.s32 $0x10000, v39  }
0x63b: {  	[tilespmem:$0xA340] =	vst v1;
	v1 =	vadd.s32 $0x10000, v2;
	v2 =	vld [tilespmem:$0xA1A0]  }
0x63c: {  	[tilespmem:$0xA350] =	vst v1;
	v1 =	vadd.s32 $0x10000, v3;
	v3 =	vld [tilespmem:$0xA1B0]  }
0x63d: {  	v43 =	vld [tilespmem:$0xA1C0];
	[tilespmem:$0xA360] =	vst v1;
	v1 =	vadd.s32 $0x10000, v40  }
0x63e: {  	v44 =	vld [tilespmem:$0xA1D0];
	[tilespmem:$0xA370] =	vst v1;
	v1 =	vadd.s32 $0x10000, v41  }
0x63f: {  	v45 =	vld [tilespmem:$0xA1E0];
	[tilespmem:$0xA380] =	vst v1;
	v1 =	vadd.s32 $0x10000, v42  }
0x640: {  	[tilespmem:$0xA390] =	vst v1;
	v1 =	vadd.s32 $0x10000, v2;
	v2 =	vld [tilespmem:$0xA1F0]  }
0x641: {  	[tilespmem:$0xA3A0] =	vst v1;
	v1 =	vadd.s32 $0x10000, v3  }
0x642: {  	[tilespmem:$0xA3B0] =	vst v1;
	v1 =	vadd.s32 $0x10000, v43  }
0x643: {  	[tilespmem:$0xA3C0] =	vst v1;
	v1 =	vadd.s32 $0x10000, v44  }
0x644: {  	[tilespmem:$0xA3D0] =	vst v1;
	v1 =	vadd.s32 $0x10000, v45  }
0x645: {  	[tilespmem:$0xA3E0] =	vst v1;
	v1 =	vadd.s32 $0x10000, v2  }
0x646: {  	[tilespmem:$0xA3F0] =	vst v1  }
0x647: {  	[tilespmem:s28], [sflag:$0x1] =	stream.indirect.gather [hbm4b:s31+s4], $0x1, s26, s4, $0xb8;
	[tilespmem:$0x16600] =	vst v63  }
0x648: {  	_ =	swait.ge [sflag:s7], $0x80  }
0x649: {  	[sflag:s7] =	ssyncset.done $0x0  }
0x64a: {  	[sflag:s7] =	ssyncadd.s32 $0xFFFFFF80  }
0x64b: {  	[tilespmem:s17], [sflag:$0x1] =	stream.indirect.gather [hbm4b:s31+s4], $0x1, s16, s4, $0xb8;
	[tilespmem:$0x16600] =	vst v63  }
0x64c: {  	_ =	swait.ge [sflag:s7], $0x80  }
0x64d: {  	[sflag:s7] =	ssyncset.done $0x0  }
0x64e: {  	[sflag:s7] =	ssyncadd.s32 $0xFFFFFF80  }
0x64f: {  	[tilespmem:s20], [sflag:$0x1] =	stream.indirect.gather [hbm4b:s31+s4], $0x1, s19, s4, $0xb8;
	[tilespmem:$0x16600] =	vst v63  }
0x650: {  	_ =	swait.ge [sflag:s7], $0x80  }
0x651: {  	[sflag:s7] =	ssyncset.done $0x0  }
0x652: {  	[sflag:s7] =	ssyncadd.s32 $0xFFFFFF80  }
0x653: {  	[tilespmem:s22], [sflag:$0x1] =	stream.indirect.gather [hbm4b:s31+s4], $0x1, s21, s4, $0xb8;
	[tilespmem:$0x16600] =	vst v63  }
0x654: {  	_ =	swait.ge [sflag:s7], $0x80  }
0x655: {  	s25 =	sld [smem:$0x7EF]  }
0x656: {  	[sflag:s7] =	ssyncset.done $0x0  }
0x657: {  	[sflag:s7] =	ssyncadd.s32 $0xFFFFFF80  }
0x658: {  	[hbm4b:s25+s24] =	stream.linear.scatter [tilespmem:s28], [sflag:$0x5], $0x200, $0x38;
	[tilespmem:$0x16600] =	vst v63  }
0x659: {  	_ =	swait.ge [sflag:s2], $0x200  }
0x65a: {  	[sflag:s2] =	ssyncset.done $0x0  }
0x65b: {  	[sflag:s2] =	ssyncadd.s32 $0xFFFFFE00  }
0x65c: {  	v1 =	vld [tilespmem:$0xA000]  }
0x65d: {  	v2 =	vld [tilespmem:$0xA010]  }
0x65e: {  	v3 =	vld [tilespmem:$0xA020]  }
0x65f: {  	v46 =	vld [tilespmem:$0xA030]  }
0x660: {  	v47 =	vld [tilespmem:$0xA040]  }
0x661: {  	v48 =	vld [tilespmem:$0xA050];
	v1 =	vadd.s32 $0x20000, v1  }
0x662: {  	[tilespmem:$0xA200] =	vst v1;
	v1 =	vadd.s32 $0x20000, v2;
	v2 =	vld [tilespmem:$0xA060]  }
0x663: {  	[tilespmem:$0xA210] =	vst v1;
	v1 =	vadd.s32 $0x20000, v3;
	v3 =	vld [tilespmem:$0xA070]  }
0x664: {  	v49 =	vld [tilespmem:$0xA080];
	[tilespmem:$0xA220] =	vst v1;
	v1 =	vadd.s32 $0x20000, v46  }
0x665: {  	v50 =	vld [tilespmem:$0xA090];
	[tilespmem:$0xA230] =	vst v1;
	v1 =	vadd.s32 $0x20000, v47  }
0x666: {  	v51 =	vld [tilespmem:$0xA0A0];
	[tilespmem:$0xA240] =	vst v1;
	v1 =	vadd.s32 $0x20000, v48  }
0x667: {  	[tilespmem:$0xA250] =	vst v1;
	v1 =	vadd.s32 $0x20000, v2;
	v2 =	vld [tilespmem:$0xA0B0]  }
0x668: {  	[tilespmem:$0xA260] =	vst v1;
	v1 =	vadd.s32 $0x20000, v3;
	v3 =	vld [tilespmem:$0xA0C0]  }
0x669: {  	v52 =	vld [tilespmem:$0xA0D0];
	[tilespmem:$0xA270] =	vst v1;
	v1 =	vadd.s32 $0x20000, v49  }
0x66a: {  	v53 =	vld [tilespmem:$0xA0E0];
	[tilespmem:$0xA280] =	vst v1;
	v1 =	vadd.s32 $0x20000, v50  }
0x66b: {  	v54 =	vld [tilespmem:$0xA0F0];
	[tilespmem:$0xA290] =	vst v1;
	v1 =	vadd.s32 $0x20000, v51  }
0x66c: {  	[tilespmem:$0xA2A0] =	vst v1;
	v1 =	vadd.s32 $0x20000, v2;
	v2 =	vld [tilespmem:$0xA100]  }
0x66d: {  	[tilespmem:$0xA2B0] =	vst v1;
	v1 =	vadd.s32 $0x20000, v3;
	v3 =	vld [tilespmem:$0xA110]  }
0x66e: {  	v55 =	vld [tilespmem:$0xA120];
	[tilespmem:$0xA2C0] =	vst v1;
	v1 =	vadd.s32 $0x20000, v52  }
0x66f: {  	v56 =	vld [tilespmem:$0xA130];
	[tilespmem:$0xA2D0] =	vst v1;
	v1 =	vadd.s32 $0x20000, v53  }
0x670: {  	v57 =	vld [tilespmem:$0xA140];
	[tilespmem:$0xA2E0] =	vst v1;
	v1 =	vadd.s32 $0x20000, v54  }
0x671: {  	[tilespmem:$0xA2F0] =	vst v1;
	v1 =	vadd.s32 $0x20000, v2;
	v2 =	vld [tilespmem:$0xA150]  }
0x672: {  	[tilespmem:$0xA300] =	vst v1;
	v1 =	vadd.s32 $0x20000, v3;
	v3 =	vld [tilespmem:$0xA160]  }
0x673: {  	v58 =	vld [tilespmem:$0xA170];
	[tilespmem:$0xA310] =	vst v1;
	v1 =	vadd.s32 $0x20000, v55  }
0x674: {  	v59 =	vld [tilespmem:$0xA180];
	[tilespmem:$0xA320] =	vst v1;
	v1 =	vadd.s32 $0x20000, v56  }
0x675: {  	v60 =	vld [tilespmem:$0xA190];
	[tilespmem:$0xA330] =	vst v1;
	v1 =	vadd.s32 $0x20000, v57  }
0x676: {  	[tilespmem:$0xA340] =	vst v1;
	v1 =	vadd.s32 $0x20000, v2;
	v2 =	vld [tilespmem:$0xA1A0]  }
0x677: {  	[tilespmem:$0xA350] =	vst v1;
	v1 =	vadd.s32 $0x20000, v3;
	v3 =	vld [tilespmem:$0xA1B0]  }
0x678: {  	v61 =	vld [tilespmem:$0xA1C0];
	[tilespmem:$0xA360] =	vst v1;
	v1 =	vadd.s32 $0x20000, v58  }
0x679: {  	v62 =	vld [tilespmem:$0xA1D0];
	[tilespmem:$0xA370] =	vst v1;
	v1 =	vadd.s32 $0x20000, v59  }
0x67a: {  	v63 =	vld [tilespmem:$0xA1E0];
	[tilespmem:$0xA380] =	vst v1;
	v1 =	vadd.s32 $0x20000, v60  }
0x67b: {  	[tilespmem:$0xA390] =	vst v1;
	v1 =	vadd.s32 $0x20000, v2;
	v2 =	vld [tilespmem:$0xA1F0]  }
0x67c: {  	[tilespmem:$0xA3A0] =	vst v1;
	v1 =	vadd.s32 $0x20000, v3  }
0x67d: {  	[tilespmem:$0xA3B0] =	vst v1;
	v1 =	vadd.s32 $0x20000, v61  }
0x67e: {  	[tilespmem:$0xA3C0] =	vst v1;
	v1 =	vadd.s32 $0x20000, v62  }
0x67f: {  	[tilespmem:$0xA3D0] =	vst v1;
	v1 =	vadd.s32 $0x20000, v63  }
0x680: {  	[tilespmem:$0xA3E0] =	vst v1;
	v1 =	vadd.s32 $0x20000, v2  }
0x681: {  	[tilespmem:$0xA3F0] =	vst v1  }
0x682: {  	[tilespmem:s28], [sflag:$0x1] =	stream.indirect.gather [hbm4b:s31+s4], $0x1, s26, s4, $0xb8;
	[tilespmem:$0x16600] =	vst v63  }
0x683: {  	_ =	swait.ge [sflag:s7], $0x80  }
0x684: {  	[sflag:s7] =	ssyncset.done $0x0  }
0x685: {  	[sflag:s7] =	ssyncadd.s32 $0xFFFFFF80  }
0x686: {  	[tilespmem:s17], [sflag:$0x1] =	stream.indirect.gather [hbm4b:s31+s4], $0x1, s16, s4, $0xb8;
	[tilespmem:$0x16600] =	vst v63  }
0x687: {  	_ =	swait.ge [sflag:s7], $0x80  }
0x688: {  	[sflag:s7] =	ssyncset.done $0x0  }
0x689: {  	[sflag:s7] =	ssyncadd.s32 $0xFFFFFF80  }
0x68a: {  	[tilespmem:s20], [sflag:$0x1] =	stream.indirect.gather [hbm4b:s31+s4], $0x1, s19, s4, $0xb8;
	[tilespmem:$0x16600] =	vst v63  }
0x68b: {  	_ =	swait.ge [sflag:s7], $0x80  }
0x68c: {  	[sflag:s7] =	ssyncset.done $0x0  }
0x68d: {  	[sflag:s7] =	ssyncadd.s32 $0xFFFFFF80  }
0x68e: {  	[tilespmem:s22], [sflag:$0x1] =	stream.indirect.gather [hbm4b:s31+s4], $0x1, s21, s4, $0xb8;
	[tilespmem:$0x16600] =	vst v63  }
0x68f: {  	_ =	swait.ge [sflag:s7], $0x80  }
0x690: {  	s26 =	sld [smem:$0x7F0]  }
0x691: {  	[sflag:s7] =	ssyncset.done $0x0  }
0x692: {  	[sflag:s7] =	ssyncadd.s32 $0xFFFFFF80  }
0x693: {  	[hbm4b:s26+s24] =	stream.linear.scatter [tilespmem:s28], [sflag:$0x5], $0x200, $0x38;
	[tilespmem:$0x16600] =	vst v63  }
0x694: {  	_ =	swait.ge [sflag:s2], $0x200  }
0x695: {  	s28 =	sld [smem:$0x7DE]  }
0x696: {  	s31 =	sld [smem:$0x7F1];
	_ =	sdelay $0x1  }
0x697: {  	s3 =	sadd.s32 $0x1, s28  }
0x698: {  	p0 =	sne.s32 s3, s31  }
.Ltmp1:
0x699: {  	_ = 	snop;
	(pc) =	sbr.rel @p0 .LBB2_1-.Ltmp1, $3  }
0x69a: {  	_ =	sdelay $0x1  }
0x69b: {  	[sflag:s2] =	ssyncset.done $0x0  }
0x69c: {  	[sflag:s2] =	ssyncadd.s32 $0xFFFFFE00  }
0x69d: {  	_ =	sfence.sel $0x180000  }
0x69e: {  	[bflag:$0x0] =	sbarrier.arrive $0xFFFF  }
0x69f: {  	_ =	strace $0x90000047  }
0x6a0: {  	s0 =	stileid.u32;
	[bflag:$0x2] =	sbarrier.arrive $0xFFFF  }
0x6a1: {  	p0 =	sne.s32 s0, $0x0;
	s0 =	rddreg [dreg:$0x4]  }
0x6a2: {  	s0 =	sadd.s32 @!p0 $0x100000, s0  }
0x6a3: {  	[sflag:s0] =	ssyncadd.tile.s32 @!p0 $0x1;
	_ =	shalt  }
.Lfunc_end2:
_tile_overlayer_lowered:
.L_overlay_start_2:
0x6a4: {  	(tag) =	ssettag $0x2  }
0x6a5: {  	s0 =	rddreg [dreg:$0x0];
	s2 =	stileid.u32  }
0x6a6: {  	s1 =	rddreg [dreg:$0x1];
	p0 =	sne.s32 s2, $0x0  }
0x6a7: {  	s3 =	rddreg [dreg:$0x2];
	[bflag:$0x3] =	sbarrier.arrive $0xFFFF;
	s2 =	simm.s32 @!p0 $0x1C05  }
0x6a8: {  	[timem:s3], [sflag:s2] =	dma.local @!p0 [hbm:s0], s1  }
0x6a9: {  	s0 =	simm.s32 @!p0 $0x5  }
0x6aa: {  	_ =	swait.ge @!p0 [sflag:s0], s1  }
0x6ab: {  	s1 =	ssub.s32 @!p0 $0x0, s1;
	[sflag:s0] =	ssyncset.done @!p0 $0x0  }
0x6ac: {  	[sflag:s0] =	ssyncadd.s32 @!p0 s1  }
0x6ad: {  	[bflag:$0x3] =	sbarrier.arrive $0xFFFF  }
0x6ae: {  	_ =	shalt  }

</sc_bundles>
